<compile_context>
chip_gen: v7x
topology: tpu7x:2x2x1
jax: 0.10.2.dev20260603
libtpu: 0.0.44.dev20260713+nightly
codegen_flags: <defaults>
</compile_context>

<pallas_src>
import functools

import jax
import jax.numpy as jnp
from jax import lax
from jax.experimental import pallas as pl
from jax.experimental.pallas import tpu as pltpu
from jax.experimental.pallas import tpu_sc as plsc

NUM_EMB = 10
EMB_DIM = 4
NUM_CLS = 5
LANES = 16
TAB_PAD = 64


def kernel(x, y, emb_table, fc_w, fc_b):
    B, L = x.shape
    N = B * L

    info = plsc.get_sparse_core_info()
    NC, NS = info.num_cores, info.num_subcores
    NW = NC * NS
    assert N % NW == 0
    per_w = N // NW
    CHUNK = 12800
    assert per_w % CHUNK == 0
    n_chunks = per_w // CHUNK
    NBUF = 2
    UNROLL = 8
    NACC = 4

    def table_body(emb_ref, fcw_ref, fcb_ref, w_ref):
        logits = lax.dot_general(
            emb_ref[...], fcw_ref[...], (((1,), (1,)), ((), ())),
            preferred_element_type=jnp.float32,
        )
        logits = logits + fcb_ref[...].reshape(1, NUM_CLS)
        m = jnp.max(logits, axis=1, keepdims=True)
        ex = jnp.exp(logits - m)
        prop = ex / jnp.sum(ex, axis=1, keepdims=True)
        m2 = jnp.max(prop, axis=1, keepdims=True)
        lse = jnp.log(jnp.sum(jnp.exp(prop - m2), axis=1, keepdims=True)) + m2
        w_ref[...] = lse - prop

    w_tab = pl.pallas_call(
        table_body,
        out_shape=jax.ShapeDtypeStruct((NUM_EMB, NUM_CLS), jnp.float32),
    )(emb_table, fc_w, fc_b)

    w_flat = jnp.pad(w_tab.reshape(-1), (0, TAB_PAD - NUM_EMB * NUM_CLS))

    mesh = plsc.VectorSubcoreMesh(core_axis_name="c", subcore_axis_name="s")

    rows_per_w = B // NW
    CROWS = CHUNK // L
    assert CROWS * L == CHUNK and rows_per_w % CROWS == 0

    def lookup_sum(x_hbm, y_hbm, w_hbm, out_hbm,
                   wbuf, xbuf0, xbuf1, ybuf0, ybuf1, accbuf, xsems, ysems):
        wid = lax.axis_index("s") * NC + lax.axis_index("c")
        pltpu.sync_copy(w_hbm, wbuf)
        xbufs, ybufs = [xbuf0, xbuf1], [ybuf0, ybuf1]
        row0 = wid * rows_per_w
        tok0 = wid * per_w

        def start(ci):
            b = ci % NBUF
            return (
                pltpu.async_copy(
                    x_hbm.at[pl.ds(row0 + ci * CROWS, CROWS)],
                    xbufs[b], xsems.at[b]),
                pltpu.async_copy(
                    y_hbm.at[pl.ds(tok0 + ci * CHUNK, CHUNK)],
                    ybufs[b], ysems.at[b]),
            )

        lane = lax.iota(jnp.int32, LANES)
        str_row = (lane >= 8).astype(jnp.int32)
        str_col = jnp.where(lane < 8, lane + (L - 8), lane - 8)

        VPB = 2 * L // LANES
        n_steps = CHUNK // (2 * L)

        inflight = {0: start(0)}
        accs = [jnp.zeros((LANES,), jnp.float32) for _ in range(NACC)]
        for ci in range(n_chunks):
            if ci + 1 < n_chunks:
                inflight[ci + 1] = start(ci + 1)
            for h in inflight.pop(ci):
                h.wait()
            b = ci % NBUF
            xb, yb = xbufs[b], ybufs[b]

            def body(i, a):
                a = list(a)
                rbase = 2 * i
                for u in range(VPB):
                    t0 = u * LANES
                    col0, roff = t0 % L, t0 // L
                    if col0 + LANES <= L:
                        row_vec = jnp.full((LANES,), rbase + roff, jnp.int32)
                        col_vec = lane + col0
                    else:
                        row_vec = str_row + (rbase + roff)
                        col_vec = str_col
                    xv = plsc.load_gather(xb, [row_vec, col_vec])
                    yv = yb[pl.ds(i * (2 * L) + t0, LANES)]
                    k = xv * NUM_CLS + yv
                    a[u % NACC] = a[u % NACC] + plsc.load_gather(wbuf, [k])
                return tuple(a)

            accs = lax.fori_loop(0, n_steps, body, tuple(accs))
        acc = accs[0]
        for a in accs[1:]:
            acc = acc + a
        accbuf[...] = acc
        pltpu.sync_copy(accbuf, out_hbm.at[pl.ds(wid * LANES, LANES)])

    lookup_sum = functools.partial(
        pl.kernel,
        mesh=mesh,
        out_type=jax.ShapeDtypeStruct((NW * LANES,), jnp.float32),
        scratch_types=[
            pltpu.VMEM((TAB_PAD,), jnp.float32),
            pltpu.VMEM((CROWS, L), jnp.int32),
            pltpu.VMEM((CROWS, L), jnp.int32),
            pltpu.VMEM((CHUNK,), jnp.int32),
            pltpu.VMEM((CHUNK,), jnp.int32),
            pltpu.VMEM((LANES,), jnp.float32),
            pltpu.SemaphoreType.DMA((NBUF,)),
            pltpu.SemaphoreType.DMA((NBUF,)),
        ],
        compiler_params=pltpu.CompilerParams(needs_layout_passes=False),
    )(lookup_sum)

    partials = lookup_sum(x, y, w_flat)

    def combine_body(p_ref, out_ref):
        out_ref[...] = jnp.full(
            (1, 1), jnp.sum(p_ref[...]) / jnp.float32(N), jnp.float32)

    out = pl.pallas_call(
        combine_body,
        out_shape=jax.ShapeDtypeStruct((1, 1), jnp.float32),
    )(partials)
    return out[0, 0]

# --- scband reference (transcript-rebuilt; emitter-appended) ---
"""Pipeline reference for scband-demo-embedding-71897752535391 (READ-ONLY COPY).

The authoritative reference and input builder live on the scoring server;
editing this copy changes nothing except your own understanding.
"""

import jax, jax.numpy as jnp
import numpy as np

NUM_EMB = 10
EMB_DIM = 4
NUM_CLS = 5
B, L = 16384, 200


def setup_inputs(seed: int = 0) -> dict:
    key = jax.random.key(seed)
    k1, k2, k3, k4, k5 = jax.random.split(key, 5)
    x = jax.random.randint(k1, (B, L), 0, NUM_EMB, dtype=jnp.int64 if jax.config.jax_enable_x64 else jnp.int32).astype(jnp.int32)
    y = jax.random.randint(k2, (B * L,), 0, NUM_CLS).astype(jnp.int32)
    emb_table = jax.random.normal(k3, (NUM_EMB, EMB_DIM), dtype=jnp.float32)
    # torch Linear default init: U(-1/sqrt(in), 1/sqrt(in))
    bound = 1.0 / np.sqrt(EMB_DIM)
    fc_w = jax.random.uniform(k4, (NUM_CLS, EMB_DIM), minval=-bound, maxval=bound, dtype=jnp.float32)
    fc_b = jax.random.uniform(k5, (NUM_CLS,), minval=-bound, maxval=bound, dtype=jnp.float32)
    return {"x": x, "y": y, "emb_table": emb_table, "fc_w": fc_w, "fc_b": fc_b}


def reference(x, y, emb_table, fc_w, fc_b):
    # embedding lookup (gather)
    embed = jnp.take(emb_table, x, axis=0)              # [B, L, EMB_DIM]
    logits = embed @ fc_w.T + fc_b                       # [B, L, NUM_CLS]
    prop = jax.nn.softmax(logits, axis=-1).reshape(-1, NUM_CLS)  # [B*L, NUM_CLS]
    # torch CrossEntropyLoss treats its input as logits, so apply log_softmax to prop
    logp = jax.nn.log_softmax(prop, axis=-1)
    nll = -jnp.take_along_axis(logp, y[:, None], axis=1)[:, 0]
    loss = jnp.mean(nll)
    return loss

if __name__ == "__main__":
    import jax
    _d = setup_inputs()
    print(jax.jit(kernel)(*tuple(_d.values())))

</pallas_src>

<mosaic_0001>
#map = affine_map<(d0, d1) -> (0, 0)>
#map1 = affine_map<(d0, d1) -> (0)>
module attributes {stable_mosaic.version = 14 : i64} {
  func.func @lookup_sum(%arg0: i32, %arg1: i32, %arg2: memref<16384x200xi32, #tpu.memory_space<hbm>>, %arg3: memref<3276800xi32, #tpu.memory_space<hbm>>, %arg4: memref<64xf32, #tpu.memory_space<hbm>>, %arg5: memref<512xf32, #tpu.memory_space<hbm>>, %arg6: memref<64xf32, #tpu.memory_space<vmem>>, %arg7: memref<64x200xi32, #tpu.memory_space<vmem>>, %arg8: memref<64x200xi32, #tpu.memory_space<vmem>>, %arg9: memref<12800xi32, #tpu.memory_space<vmem>>, %arg10: memref<12800xi32, #tpu.memory_space<vmem>>, %arg11: memref<16xf32, #tpu.memory_space<vmem>>, %arg12: memref<2x!tpu.dma_semaphore, #tpu.memory_space<semaphore_mem>>, %arg13: memref<2x!tpu.dma_semaphore, #tpu.memory_space<semaphore_mem>>) attributes {dimension_semantics = [#tpu.dimension_semantics<core_parallel>, #tpu.dimension_semantics<subcore_parallel>], iteration_bounds = array<i64: 2, 16>, scalar_prefetch = 0 : i64, scratch_operands = 8 : i64, tpu.core_type = #tpu.core_type<sc_vector_subcore>, window_params = [{transform_indices = #map}, {transform_indices = #map1}, {transform_indices = #map1}, {transform_indices = #map1}]} {
    %mul3A = arith.constant 2 : i32
    %mul3A_0 = arith.muli %arg1, %mul3A : i32
    %add3A = arith.addi %mul3A_0, %arg0 : i32
    "tpu.region"() ({
      %run_scoped3A = tpu.sem_alloc : memref<!tpu.dma_semaphore, #tpu.memory_space<semaphore_mem>>
      tpu.enqueue_dma source(%arg4 : memref<64xf32, #tpu.memory_space<hbm>>) target(%arg6 : memref<64xf32, #tpu.memory_space<vmem>>) target_semaphore(%run_scoped3A : memref<!tpu.dma_semaphore, #tpu.memory_space<semaphore_mem>>)
      tpu.wait_dma2 semaphore(%run_scoped3A : memref<!tpu.dma_semaphore, #tpu.memory_space<semaphore_mem>>) src(%arg4 : memref<64xf32, #tpu.memory_space<hbm>>) dst(%arg6 : memref<64xf32, #tpu.memory_space<vmem>>)
      tpu.yield
    }) : () -> ()
    %mul3A_1 = arith.constant 512 : i32
    %mul3A_2 = arith.muli %add3A, %mul3A_1 : i32
    %mul3A_3 = arith.constant 102400 : i32
    %mul3A_4 = arith.muli %add3A, %mul3A_3 : i32
    %iota3A = tpu.iota {dimensions = array<i32: 0>} : vector<16xi32>
    %ge3A = arith.constant 8 : i32
    %ge3A_5 = vector.broadcast %ge3A : i32 to vector<16xi32>
    %ge3A_6 = arith.cmpi sge, %iota3A, %ge3A_5 : vector<16xi32>
    %convert_element_type3A = arith.extui %ge3A_6 : vector<16xi1> to vector<16xi32>
    %lt3A = arith.constant 8 : i32
    %lt3A_7 = vector.broadcast %lt3A : i32 to vector<16xi32>
    %lt3A_8 = arith.cmpi slt, %iota3A, %lt3A_7 : vector<16xi32>
    %add3A_9 = arith.constant 192 : i32
    %add3A_10 = vector.broadcast %add3A_9 : i32 to vector<16xi32>
    %add3A_11 = arith.addi %iota3A, %add3A_10 : vector<16xi32>
    %sub3A = arith.constant 8 : i32
    %sub3A_12 = vector.broadcast %sub3A : i32 to vector<16xi32>
    %sub3A_13 = arith.subi %iota3A, %sub3A_12 : vector<16xi32>
    %select_n3A = arith.select %lt3A_8, %add3A_11, %sub3A_13 : vector<16xi1>, vector<16xi32>
    %add3A_14 = arith.constant 0 : i32
    %add3A_15 = arith.addi %mul3A_2, %add3A_14 : i32
    %dma_start3A = arith.constant 0 : i32
    %dma_start3A_16 = arith.constant 0 : i32
    %dma_start3A_17 = tpu.memref_slice %arg2[%add3A_15, %dma_start3A_16] : memref<16384x200xi32, #tpu.memory_space<hbm>> -> memref<64x200xi32, #tpu.memory_space<hbm>>
    %dma_start3A_18 = tpu.memref_slice %arg12[%dma_start3A] : memref<2x!tpu.dma_semaphore, #tpu.memory_space<semaphore_mem>> -> memref<1x!tpu.dma_semaphore, #tpu.memory_space<semaphore_mem>>
    %dma_start3A_19 = tpu.memref_squeeze %dma_start3A_18 : memref<1x!tpu.dma_semaphore, #tpu.memory_space<semaphore_mem>> -> memref<!tpu.dma_semaphore, #tpu.memory_space<semaphore_mem>>
    %dma_start3A_20 = arith.constant 0 : i32
    %dma_start3A_21 = tpu.memref_slice %arg2[%add3A_15, %dma_start3A_20] : memref<16384x200xi32, #tpu.memory_space<hbm>> -> memref<64x200xi32, #tpu.memory_space<hbm>>
    tpu.enqueue_dma source(%dma_start3A_21 : memref<64x200xi32, #tpu.memory_space<hbm>>) target(%arg7 : memref<64x200xi32, #tpu.memory_space<vmem>>) target_semaphore(%dma_start3A_19 : memref<!tpu.dma_semaphore, #tpu.memory_space<semaphore_mem>>)
    %add3A_22 = arith.constant 0 : i32
    %add3A_23 = arith.addi %mul3A_4, %add3A_22 : i32
    %dma_start3A_24 = arith.constant 0 : i32
    %dma_start3A_25 = tpu.memref_slice %arg3[%add3A_23] : memref<3276800xi32, #tpu.memory_space<hbm>> -> memref<12800xi32, #tpu.memory_space<hbm>>
    %dma_start3A_26 = tpu.memref_slice %arg13[%dma_start3A_24] : memref<2x!tpu.dma_semaphore, #tpu.memory_space<semaphore_mem>> -> memref<1x!tpu.dma_semaphore, #tpu.memory_space<semaphore_mem>>
    %dma_start3A_27 = tpu.memref_squeeze %dma_start3A_26 : memref<1x!tpu.dma_semaphore, #tpu.memory_space<semaphore_mem>> -> memref<!tpu.dma_semaphore, #tpu.memory_space<semaphore_mem>>
    %dma_start3A_28 = tpu.memref_slice %arg3[%add3A_23] : memref<3276800xi32, #tpu.memory_space<hbm>> -> memref<12800xi32, #tpu.memory_space<hbm>>
    tpu.enqueue_dma source(%dma_start3A_28 : memref<12800xi32, #tpu.memory_space<hbm>>) target(%arg9 : memref<12800xi32, #tpu.memory_space<vmem>>) target_semaphore(%dma_start3A_27 : memref<!tpu.dma_semaphore, #tpu.memory_space<semaphore_mem>>)
    %broadcast_in_dim3A = arith.constant 0.000000e+00 : f32
    %broadcast_in_dim3A_29 = vector.broadcast %broadcast_in_dim3A : f32 to vector<16xf32>
    %broadcast_in_dim3A_30 = arith.constant 0.000000e+00 : f32
    %broadcast_in_dim3A_31 = vector.broadcast %broadcast_in_dim3A_30 : f32 to vector<16xf32>
    %broadcast_in_dim3A_32 = arith.constant 0.000000e+00 : f32
    %broadcast_in_dim3A_33 = vector.broadcast %broadcast_in_dim3A_32 : f32 to vector<16xf32>
    %broadcast_in_dim3A_34 = arith.constant 0.000000e+00 : f32
    %broadcast_in_dim3A_35 = vector.broadcast %broadcast_in_dim3A_34 : f32 to vector<16xf32>
    %add3A_36 = arith.constant 64 : i32
    %add3A_37 = arith.addi %mul3A_2, %add3A_36 : i32
    %dma_start3A_38 = arith.constant 1 : i32
    %dma_start3A_39 = arith.constant 0 : i32
    %dma_start3A_40 = tpu.memref_slice %arg2[%add3A_37, %dma_start3A_39] : memref<16384x200xi32, #tpu.memory_space<hbm>> -> memref<64x200xi32, #tpu.memory_space<hbm>>
    %dma_start3A_41 = tpu.memref_slice %arg12[%dma_start3A_38] : memref<2x!tpu.dma_semaphore, #tpu.memory_space<semaphore_mem>> -> memref<1x!tpu.dma_semaphore, #tpu.memory_space<semaphore_mem>>
    %dma_start3A_42 = tpu.memref_squeeze %dma_start3A_41 : memref<1x!tpu.dma_semaphore, #tpu.memory_space<semaphore_mem>> -> memref<!tpu.dma_semaphore, #tpu.memory_space<semaphore_mem>>
    %dma_start3A_43 = arith.constant 0 : i32
    %dma_start3A_44 = tpu.memref_slice %arg2[%add3A_37, %dma_start3A_43] : memref<16384x200xi32, #tpu.memory_space<hbm>> -> memref<64x200xi32, #tpu.memory_space<hbm>>
    tpu.enqueue_dma source(%dma_start3A_44 : memref<64x200xi32, #tpu.memory_space<hbm>>) target(%arg8 : memref<64x200xi32, #tpu.memory_space<vmem>>) target_semaphore(%dma_start3A_42 : memref<!tpu.dma_semaphore, #tpu.memory_space<semaphore_mem>>)
    %add3A_45 = arith.constant 12800 : i32
    %add3A_46 = arith.addi %mul3A_4, %add3A_45 : i32
    %dma_start3A_47 = arith.constant 1 : i32
    %dma_start3A_48 = tpu.memref_slice %arg3[%add3A_46] : memref<3276800xi32, #tpu.memory_space<hbm>> -> memref<12800xi32, #tpu.memory_space<hbm>>
    %dma_start3A_49 = tpu.memref_slice %arg13[%dma_start3A_47] : memref<2x!tpu.dma_semaphore, #tpu.memory_space<semaphore_mem>> -> memref<1x!tpu.dma_semaphore, #tpu.memory_space<semaphore_mem>>
    %dma_start3A_50 = tpu.memref_squeeze %dma_start3A_49 : memref<1x!tpu.dma_semaphore, #tpu.memory_space<semaphore_mem>> -> memref<!tpu.dma_semaphore, #tpu.memory_space<semaphore_mem>>
    %dma_start3A_51 = tpu.memref_slice %arg3[%add3A_46] : memref<3276800xi32, #tpu.memory_space<hbm>> -> memref<12800xi32, #tpu.memory_space<hbm>>
    tpu.enqueue_dma source(%dma_start3A_51 : memref<12800xi32, #tpu.memory_space<hbm>>) target(%arg10 : memref<12800xi32, #tpu.memory_space<vmem>>) target_semaphore(%dma_start3A_50 : memref<!tpu.dma_semaphore, #tpu.memory_space<semaphore_mem>>)
    %dma_wait3A = arith.constant 0 : i32
    %dma_wait3A_52 = arith.constant 0 : i32
    %dma_wait3A_53 = tpu.memref_slice %arg2[%add3A_15, %dma_wait3A_52] : memref<16384x200xi32, #tpu.memory_space<hbm>> -> memref<64x200xi32, #tpu.memory_space<hbm>>
    %dma_wait3A_54 = tpu.memref_slice %arg12[%dma_wait3A] : memref<2x!tpu.dma_semaphore, #tpu.memory_space<semaphore_mem>> -> memref<1x!tpu.dma_semaphore, #tpu.memory_space<semaphore_mem>>
    %dma_wait3A_55 = tpu.memref_squeeze %dma_wait3A_54 : memref<1x!tpu.dma_semaphore, #tpu.memory_space<semaphore_mem>> -> memref<!tpu.dma_semaphore, #tpu.memory_space<semaphore_mem>>
    %dma_wait3A_56 = arith.constant 0 : i32
    %dma_wait3A_57 = tpu.memref_slice %arg2[%add3A_15, %dma_wait3A_56] : memref<16384x200xi32, #tpu.memory_space<hbm>> -> memref<64x200xi32, #tpu.memory_space<hbm>>
    tpu.wait_dma2 semaphore(%dma_wait3A_55 : memref<!tpu.dma_semaphore, #tpu.memory_space<semaphore_mem>>) src(%dma_wait3A_57 : memref<64x200xi32, #tpu.memory_space<hbm>>) dst(%arg7 : memref<64x200xi32, #tpu.memory_space<vmem>>)
    %dma_wait3A_58 = arith.constant 0 : i32
    %dma_wait3A_59 = tpu.memref_slice %arg3[%add3A_23] : memref<3276800xi32, #tpu.memory_space<hbm>> -> memref<12800xi32, #tpu.memory_space<hbm>>
    %dma_wait3A_60 = tpu.memref_slice %arg13[%dma_wait3A_58] : memref<2x!tpu.dma_semaphore, #tpu.memory_space<semaphore_mem>> -> memref<1x!tpu.dma_semaphore, #tpu.memory_space<semaphore_mem>>
    %dma_wait3A_61 = tpu.memref_squeeze %dma_wait3A_60 : memref<1x!tpu.dma_semaphore, #tpu.memory_space<semaphore_mem>> -> memref<!tpu.dma_semaphore, #tpu.memory_space<semaphore_mem>>
    %dma_wait3A_62 = tpu.memref_slice %arg3[%add3A_23] : memref<3276800xi32, #tpu.memory_space<hbm>> -> memref<12800xi32, #tpu.memory_space<hbm>>
    tpu.wait_dma2 semaphore(%dma_wait3A_61 : memref<!tpu.dma_semaphore, #tpu.memory_space<semaphore_mem>>) src(%dma_wait3A_62 : memref<12800xi32, #tpu.memory_space<hbm>>) dst(%arg9 : memref<12800xi32, #tpu.memory_space<vmem>>)
    %scan3A = arith.constant 0 : i32
    %scan3A_63 = arith.constant 32 : i32
    %scan3A_64 = arith.addi %scan3A, %scan3A_63 : i32
    %scan3A_65 = arith.constant 1 : i32
    %scan3A_66:4 = scf.for %scan3A_296 = %scan3A to %scan3A_64 step %scan3A_65 iter_args(%scan3A_297 = %broadcast_in_dim3A_29, %scan3A_298 = %broadcast_in_dim3A_31, %scan3A_299 = %broadcast_in_dim3A_33, %scan3A_300 = %broadcast_in_dim3A_35) -> (vector<16xf32>, vector<16xf32>, vector<16xf32>, vector<16xf32>)  : i32 {
      %mul3A_301 = arith.constant 2 : i32
      %mul3A_302 = arith.muli %mul3A_301, %scan3A_296 : i32
      %add3A_303 = arith.constant 0 : i32
      %add3A_304 = arith.addi %mul3A_302, %add3A_303 : i32
      %broadcast_in_dim3A_305 = vector.broadcast %add3A_304 : i32 to vector<16xi32>
      %add3A_306 = arith.constant 0 : i32
      %add3A_307 = vector.broadcast %add3A_306 : i32 to vector<16xi32>
      %add3A_308 = arith.addi %iota3A, %add3A_307 : vector<16xi32>
      %gather3A = tpu.vector_load_idx %arg7[%broadcast_in_dim3A_305, %add3A_308] : memref<64x200xi32, #tpu.memory_space<vmem>>[vector<16xi32>, vector<16xi32>], vector<16xi32>,
      %mul3A_309 = arith.constant 400 : i32
      %mul3A_310 = arith.muli %scan3A_296, %mul3A_309 : i32
      %add3A_311 = arith.constant 0 : i32
      %add3A_312 = arith.addi %mul3A_310, %add3A_311 : i32
      %get3A = arith.index_cast %add3A_312 : i32 to index
      %get3A_313 = tpu.vector_load %arg9[%get3A] {strides = array<i32>} : memref<12800xi32, #tpu.memory_space<vmem>>, vector<16xi32>,
      %mul3A_314 = arith.constant 5 : i32
      %mul3A_315 = vector.broadcast %mul3A_314 : i32 to vector<16xi32>
      %mul3A_316 = arith.muli %gather3A, %mul3A_315 : vector<16xi32>
      %add3A_317 = arith.addi %mul3A_316, %get3A_313 : vector<16xi32>
      %gather3A_318 = tpu.vector_load_idx %arg6[%add3A_317] : memref<64xf32, #tpu.memory_space<vmem>>[vector<16xi32>], vector<16xf32>,
      %add3A_319 = arith.addf %scan3A_297, %gather3A_318 : vector<16xf32>
      %add3A_320 = arith.constant 0 : i32
      %add3A_321 = arith.addi %mul3A_302, %add3A_320 : i32
      %broadcast_in_dim3A_322 = vector.broadcast %add3A_321 : i32 to vector<16xi32>
      %add3A_323 = arith.constant 16 : i32
      %add3A_324 = vector.broadcast %add3A_323 : i32 to vector<16xi32>
      %add3A_325 = arith.addi %iota3A, %add3A_324 : vector<16xi32>
      %gather3A_326 = tpu.vector_load_idx %arg7[%broadcast_in_dim3A_322, %add3A_325] : memref<64x200xi32, #tpu.memory_space<vmem>>[vector<16xi32>, vector<16xi32>], vector<16xi32>,
      %mul3A_327 = arith.constant 400 : i32
      %mul3A_328 = arith.muli %scan3A_296, %mul3A_327 : i32
      %add3A_329 = arith.constant 16 : i32
      %add3A_330 = arith.addi %mul3A_328, %add3A_329 : i32
      %get3A_331 = arith.index_cast %add3A_330 : i32 to index
      %get3A_332 = tpu.vector_load %arg9[%get3A_331] {strides = array<i32>} : memref<12800xi32, #tpu.memory_space<vmem>>, vector<16xi32>,
      %mul3A_333 = arith.constant 5 : i32
      %mul3A_334 = vector.broadcast %mul3A_333 : i32 to vector<16xi32>
      %mul3A_335 = arith.muli %gather3A_326, %mul3A_334 : vector<16xi32>
      %add3A_336 = arith.addi %mul3A_335, %get3A_332 : vector<16xi32>
      %gather3A_337 = tpu.vector_load_idx %arg6[%add3A_336] : memref<64xf32, #tpu.memory_space<vmem>>[vector<16xi32>], vector<16xf32>,
      %add3A_338 = arith.addf %scan3A_298, %gather3A_337 : vector<16xf32>
      %add3A_339 = arith.constant 0 : i32
      %add3A_340 = arith.addi %mul3A_302, %add3A_339 : i32
      %broadcast_in_dim3A_341 = vector.broadcast %add3A_340 : i32 to vector<16xi32>
      %add3A_342 = arith.constant 32 : i32
      %add3A_343 = vector.broadcast %add3A_342 : i32 to vector<16xi32>
      %add3A_344 = arith.addi %iota3A, %add3A_343 : vector<16xi32>
      %gather3A_345 = tpu.vector_load_idx %arg7[%broadcast_in_dim3A_341, %add3A_344] : memref<64x200xi32, #tpu.memory_space<vmem>>[vector<16xi32>, vector<16xi32>], vector<16xi32>,
      %mul3A_346 = arith.constant 400 : i32
      %mul3A_347 = arith.muli %scan3A_296, %mul3A_346 : i32
      %add3A_348 = arith.constant 32 : i32
      %add3A_349 = arith.addi %mul3A_347, %add3A_348 : i32
      %get3A_350 = arith.index_cast %add3A_349 : i32 to index
      %get3A_351 = tpu.vector_load %arg9[%get3A_350] {strides = array<i32>} : memref<12800xi32, #tpu.memory_space<vmem>>, vector<16xi32>,
      %mul3A_352 = arith.constant 5 : i32
      %mul3A_353 = vector.broadcast %mul3A_352 : i32 to vector<16xi32>
      %mul3A_354 = arith.muli %gather3A_345, %mul3A_353 : vector<16xi32>
      %add3A_355 = arith.addi %mul3A_354, %get3A_351 : vector<16xi32>
      %gather3A_356 = tpu.vector_load_idx %arg6[%add3A_355] : memref<64xf32, #tpu.memory_space<vmem>>[vector<16xi32>], vector<16xf32>,
      %add3A_357 = arith.addf %scan3A_299, %gather3A_356 : vector<16xf32>
      %add3A_358 = arith.constant 0 : i32
      %add3A_359 = arith.addi %mul3A_302, %add3A_358 : i32
      %broadcast_in_dim3A_360 = vector.broadcast %add3A_359 : i32 to vector<16xi32>
      %add3A_361 = arith.constant 48 : i32
      %add3A_362 = vector.broadcast %add3A_361 : i32 to vector<16xi32>
      %add3A_363 = arith.addi %iota3A, %add3A_362 : vector<16xi32>
      %gather3A_364 = tpu.vector_load_idx %arg7[%broadcast_in_dim3A_360, %add3A_363] : memref<64x200xi32, #tpu.memory_space<vmem>>[vector<16xi32>, vector<16xi32>], vector<16xi32>,
      %mul3A_365 = arith.constant 400 : i32
      %mul3A_366 = arith.muli %scan3A_296, %mul3A_365 : i32
      %add3A_367 = arith.constant 48 : i32
      %add3A_368 = arith.addi %mul3A_366, %add3A_367 : i32
      %get3A_369 = arith.index_cast %add3A_368 : i32 to index
      %get3A_370 = tpu.vector_load %arg9[%get3A_369] {strides = array<i32>} : memref<12800xi32, #tpu.memory_space<vmem>>, vector<16xi32>,
      %mul3A_371 = arith.constant 5 : i32
      %mul3A_372 = vector.broadcast %mul3A_371 : i32 to vector<16xi32>
      %mul3A_373 = arith.muli %gather3A_364, %mul3A_372 : vector<16xi32>
      %add3A_374 = arith.addi %mul3A_373, %get3A_370 : vector<16xi32>
      %gather3A_375 = tpu.vector_load_idx %arg6[%add3A_374] : memref<64xf32, #tpu.memory_space<vmem>>[vector<16xi32>], vector<16xf32>,
      %add3A_376 = arith.addf %scan3A_300, %gather3A_375 : vector<16xf32>
      %add3A_377 = arith.constant 0 : i32
      %add3A_378 = arith.addi %mul3A_302, %add3A_377 : i32
      %broadcast_in_dim3A_379 = vector.broadcast %add3A_378 : i32 to vector<16xi32>
      %add3A_380 = arith.constant 64 : i32
      %add3A_381 = vector.broadcast %add3A_380 : i32 to vector<16xi32>
      %add3A_382 = arith.addi %iota3A, %add3A_381 : vector<16xi32>
      %gather3A_383 = tpu.vector_load_idx %arg7[%broadcast_in_dim3A_379, %add3A_382] : memref<64x200xi32, #tpu.memory_space<vmem>>[vector<16xi32>, vector<16xi32>], vector<16xi32>,
      %mul3A_384 = arith.constant 400 : i32
      %mul3A_385 = arith.muli %scan3A_296, %mul3A_384 : i32
      %add3A_386 = arith.constant 64 : i32
      %add3A_387 = arith.addi %mul3A_385, %add3A_386 : i32
      %get3A_388 = arith.index_cast %add3A_387 : i32 to index
      %get3A_389 = tpu.vector_load %arg9[%get3A_388] {strides = array<i32>} : memref<12800xi32, #tpu.memory_space<vmem>>, vector<16xi32>,
      %mul3A_390 = arith.constant 5 : i32
      %mul3A_391 = vector.broadcast %mul3A_390 : i32 to vector<16xi32>
      %mul3A_392 = arith.muli %gather3A_383, %mul3A_391 : vector<16xi32>
      %add3A_393 = arith.addi %mul3A_392, %get3A_389 : vector<16xi32>
      %gather3A_394 = tpu.vector_load_idx %arg6[%add3A_393] : memref<64xf32, #tpu.memory_space<vmem>>[vector<16xi32>], vector<16xf32>,
      %add3A_395 = arith.addf %add3A_319, %gather3A_394 : vector<16xf32>
      %add3A_396 = arith.constant 0 : i32
      %add3A_397 = arith.addi %mul3A_302, %add3A_396 : i32
      %broadcast_in_dim3A_398 = vector.broadcast %add3A_397 : i32 to vector<16xi32>
      %add3A_399 = arith.constant 80 : i32
      %add3A_400 = vector.broadcast %add3A_399 : i32 to vector<16xi32>
      %add3A_401 = arith.addi %iota3A, %add3A_400 : vector<16xi32>
      %gather3A_402 = tpu.vector_load_idx %arg7[%broadcast_in_dim3A_398, %add3A_401] : memref<64x200xi32, #tpu.memory_space<vmem>>[vector<16xi32>, vector<16xi32>], vector<16xi32>,
      %mul3A_403 = arith.constant 400 : i32
      %mul3A_404 = arith.muli %scan3A_296, %mul3A_403 : i32
      %add3A_405 = arith.constant 80 : i32
      %add3A_406 = arith.addi %mul3A_404, %add3A_405 : i32
      %get3A_407 = arith.index_cast %add3A_406 : i32 to index
      %get3A_408 = tpu.vector_load %arg9[%get3A_407] {strides = array<i32>} : memref<12800xi32, #tpu.memory_space<vmem>>, vector<16xi32>,
      %mul3A_409 = arith.constant 5 : i32
      %mul3A_410 = vector.broadcast %mul3A_409 : i32 to vector<16xi32>
      %mul3A_411 = arith.muli %gather3A_402, %mul3A_410 : vector<16xi32>
      %add3A_412 = arith.addi %mul3A_411, %get3A_408 : vector<16xi32>
      %gather3A_413 = tpu.vector_load_idx %arg6[%add3A_412] : memref<64xf32, #tpu.memory_space<vmem>>[vector<16xi32>], vector<16xf32>,
      %add3A_414 = arith.addf %add3A_338, %gather3A_413 : vector<16xf32>
      %add3A_415 = arith.constant 0 : i32
      %add3A_416 = arith.addi %mul3A_302, %add3A_415 : i32
      %broadcast_in_dim3A_417 = vector.broadcast %add3A_416 : i32 to vector<16xi32>
      %add3A_418 = arith.constant 96 : i32
      %add3A_419 = vector.broadcast %add3A_418 : i32 to vector<16xi32>
      %add3A_420 = arith.addi %iota3A, %add3A_419 : vector<16xi32>
      %gather3A_421 = tpu.vector_load_idx %arg7[%broadcast_in_dim3A_417, %add3A_420] : memref<64x200xi32, #tpu.memory_space<vmem>>[vector<16xi32>, vector<16xi32>], vector<16xi32>,
      %mul3A_422 = arith.constant 400 : i32
      %mul3A_423 = arith.muli %scan3A_296, %mul3A_422 : i32
      %add3A_424 = arith.constant 96 : i32
      %add3A_425 = arith.addi %mul3A_423, %add3A_424 : i32
      %get3A_426 = arith.index_cast %add3A_425 : i32 to index
      %get3A_427 = tpu.vector_load %arg9[%get3A_426] {strides = array<i32>} : memref<12800xi32, #tpu.memory_space<vmem>>, vector<16xi32>,
      %mul3A_428 = arith.constant 5 : i32
      %mul3A_429 = vector.broadcast %mul3A_428 : i32 to vector<16xi32>
      %mul3A_430 = arith.muli %gather3A_421, %mul3A_429 : vector<16xi32>
      %add3A_431 = arith.addi %mul3A_430, %get3A_427 : vector<16xi32>
      %gather3A_432 = tpu.vector_load_idx %arg6[%add3A_431] : memref<64xf32, #tpu.memory_space<vmem>>[vector<16xi32>], vector<16xf32>,
      %add3A_433 = arith.addf %add3A_357, %gather3A_432 : vector<16xf32>
      %add3A_434 = arith.constant 0 : i32
      %add3A_435 = arith.addi %mul3A_302, %add3A_434 : i32
      %broadcast_in_dim3A_436 = vector.broadcast %add3A_435 : i32 to vector<16xi32>
      %add3A_437 = arith.constant 112 : i32
      %add3A_438 = vector.broadcast %add3A_437 : i32 to vector<16xi32>
      %add3A_439 = arith.addi %iota3A, %add3A_438 : vector<16xi32>
      %gather3A_440 = tpu.vector_load_idx %arg7[%broadcast_in_dim3A_436, %add3A_439] : memref<64x200xi32, #tpu.memory_space<vmem>>[vector<16xi32>, vector<16xi32>], vector<16xi32>,
      %mul3A_441 = arith.constant 400 : i32
      %mul3A_442 = arith.muli %scan3A_296, %mul3A_441 : i32
      %add3A_443 = arith.constant 112 : i32
      %add3A_444 = arith.addi %mul3A_442, %add3A_443 : i32
      %get3A_445 = arith.index_cast %add3A_444 : i32 to index
      %get3A_446 = tpu.vector_load %arg9[%get3A_445] {strides = array<i32>} : memref<12800xi32, #tpu.memory_space<vmem>>, vector<16xi32>,
      %mul3A_447 = arith.constant 5 : i32
      %mul3A_448 = vector.broadcast %mul3A_447 : i32 to vector<16xi32>
      %mul3A_449 = arith.muli %gather3A_440, %mul3A_448 : vector<16xi32>
      %add3A_450 = arith.addi %mul3A_449, %get3A_446 : vector<16xi32>
      %gather3A_451 = tpu.vector_load_idx %arg6[%add3A_450] : memref<64xf32, #tpu.memory_space<vmem>>[vector<16xi32>], vector<16xf32>,
      %add3A_452 = arith.addf %add3A_376, %gather3A_451 : vector<16xf32>
      %add3A_453 = arith.constant 0 : i32
      %add3A_454 = arith.addi %mul3A_302, %add3A_453 : i32
      %broadcast_in_dim3A_455 = vector.broadcast %add3A_454 : i32 to vector<16xi32>
      %add3A_456 = arith.constant 128 : i32
      %add3A_457 = vector.broadcast %add3A_456 : i32 to vector<16xi32>
      %add3A_458 = arith.addi %iota3A, %add3A_457 : vector<16xi32>
      %gather3A_459 = tpu.vector_load_idx %arg7[%broadcast_in_dim3A_455, %add3A_458] : memref<64x200xi32, #tpu.memory_space<vmem>>[vector<16xi32>, vector<16xi32>], vector<16xi32>,
      %mul3A_460 = arith.constant 400 : i32
      %mul3A_461 = arith.muli %scan3A_296, %mul3A_460 : i32
      %add3A_462 = arith.constant 128 : i32
      %add3A_463 = arith.addi %mul3A_461, %add3A_462 : i32
      %get3A_464 = arith.index_cast %add3A_463 : i32 to index
      %get3A_465 = tpu.vector_load %arg9[%get3A_464] {strides = array<i32>} : memref<12800xi32, #tpu.memory_space<vmem>>, vector<16xi32>,
      %mul3A_466 = arith.constant 5 : i32
      %mul3A_467 = vector.broadcast %mul3A_466 : i32 to vector<16xi32>
      %mul3A_468 = arith.muli %gather3A_459, %mul3A_467 : vector<16xi32>
      %add3A_469 = arith.addi %mul3A_468, %get3A_465 : vector<16xi32>
      %gather3A_470 = tpu.vector_load_idx %arg6[%add3A_469] : memref<64xf32, #tpu.memory_space<vmem>>[vector<16xi32>], vector<16xf32>,
      %add3A_471 = arith.addf %add3A_395, %gather3A_470 : vector<16xf32>
      %add3A_472 = arith.constant 0 : i32
      %add3A_473 = arith.addi %mul3A_302, %add3A_472 : i32
      %broadcast_in_dim3A_474 = vector.broadcast %add3A_473 : i32 to vector<16xi32>
      %add3A_475 = arith.constant 144 : i32
      %add3A_476 = vector.broadcast %add3A_475 : i32 to vector<16xi32>
      %add3A_477 = arith.addi %iota3A, %add3A_476 : vector<16xi32>
      %gather3A_478 = tpu.vector_load_idx %arg7[%broadcast_in_dim3A_474, %add3A_477] : memref<64x200xi32, #tpu.memory_space<vmem>>[vector<16xi32>, vector<16xi32>], vector<16xi32>,
      %mul3A_479 = arith.constant 400 : i32
      %mul3A_480 = arith.muli %scan3A_296, %mul3A_479 : i32
      %add3A_481 = arith.constant 144 : i32
      %add3A_482 = arith.addi %mul3A_480, %add3A_481 : i32
      %get3A_483 = arith.index_cast %add3A_482 : i32 to index
      %get3A_484 = tpu.vector_load %arg9[%get3A_483] {strides = array<i32>} : memref<12800xi32, #tpu.memory_space<vmem>>, vector<16xi32>,
      %mul3A_485 = arith.constant 5 : i32
      %mul3A_486 = vector.broadcast %mul3A_485 : i32 to vector<16xi32>
      %mul3A_487 = arith.muli %gather3A_478, %mul3A_486 : vector<16xi32>
      %add3A_488 = arith.addi %mul3A_487, %get3A_484 : vector<16xi32>
      %gather3A_489 = tpu.vector_load_idx %arg6[%add3A_488] : memref<64xf32, #tpu.memory_space<vmem>>[vector<16xi32>], vector<16xf32>,
      %add3A_490 = arith.addf %add3A_414, %gather3A_489 : vector<16xf32>
      %add3A_491 = arith.constant 0 : i32
      %add3A_492 = arith.addi %mul3A_302, %add3A_491 : i32
      %broadcast_in_dim3A_493 = vector.broadcast %add3A_492 : i32 to vector<16xi32>
      %add3A_494 = arith.constant 160 : i32
      %add3A_495 = vector.broadcast %add3A_494 : i32 to vector<16xi32>
      %add3A_496 = arith.addi %iota3A, %add3A_495 : vector<16xi32>
      %gather3A_497 = tpu.vector_load_idx %arg7[%broadcast_in_dim3A_493, %add3A_496] : memref<64x200xi32, #tpu.memory_space<vmem>>[vector<16xi32>, vector<16xi32>], vector<16xi32>,
      %mul3A_498 = arith.constant 400 : i32
      %mul3A_499 = arith.muli %scan3A_296, %mul3A_498 : i32
      %add3A_500 = arith.constant 160 : i32
      %add3A_501 = arith.addi %mul3A_499, %add3A_500 : i32
      %get3A_502 = arith.index_cast %add3A_501 : i32 to index
      %get3A_503 = tpu.vector_load %arg9[%get3A_502] {strides = array<i32>} : memref<12800xi32, #tpu.memory_space<vmem>>, vector<16xi32>,
      %mul3A_504 = arith.constant 5 : i32
      %mul3A_505 = vector.broadcast %mul3A_504 : i32 to vector<16xi32>
      %mul3A_506 = arith.muli %gather3A_497, %mul3A_505 : vector<16xi32>
      %add3A_507 = arith.addi %mul3A_506, %get3A_503 : vector<16xi32>
      %gather3A_508 = tpu.vector_load_idx %arg6[%add3A_507] : memref<64xf32, #tpu.memory_space<vmem>>[vector<16xi32>], vector<16xf32>,
      %add3A_509 = arith.addf %add3A_433, %gather3A_508 : vector<16xf32>
      %add3A_510 = arith.constant 0 : i32
      %add3A_511 = arith.addi %mul3A_302, %add3A_510 : i32
      %broadcast_in_dim3A_512 = vector.broadcast %add3A_511 : i32 to vector<16xi32>
      %add3A_513 = arith.constant 176 : i32
      %add3A_514 = vector.broadcast %add3A_513 : i32 to vector<16xi32>
      %add3A_515 = arith.addi %iota3A, %add3A_514 : vector<16xi32>
      %gather3A_516 = tpu.vector_load_idx %arg7[%broadcast_in_dim3A_512, %add3A_515] : memref<64x200xi32, #tpu.memory_space<vmem>>[vector<16xi32>, vector<16xi32>], vector<16xi32>,
      %mul3A_517 = arith.constant 400 : i32
      %mul3A_518 = arith.muli %scan3A_296, %mul3A_517 : i32
      %add3A_519 = arith.constant 176 : i32
      %add3A_520 = arith.addi %mul3A_518, %add3A_519 : i32
      %get3A_521 = arith.index_cast %add3A_520 : i32 to index
      %get3A_522 = tpu.vector_load %arg9[%get3A_521] {strides = array<i32>} : memref<12800xi32, #tpu.memory_space<vmem>>, vector<16xi32>,
      %mul3A_523 = arith.constant 5 : i32
      %mul3A_524 = vector.broadcast %mul3A_523 : i32 to vector<16xi32>
      %mul3A_525 = arith.muli %gather3A_516, %mul3A_524 : vector<16xi32>
      %add3A_526 = arith.addi %mul3A_525, %get3A_522 : vector<16xi32>
      %gather3A_527 = tpu.vector_load_idx %arg6[%add3A_526] : memref<64xf32, #tpu.memory_space<vmem>>[vector<16xi32>], vector<16xf32>,
      %add3A_528 = arith.addf %add3A_452, %gather3A_527 : vector<16xf32>
      %add3A_529 = arith.constant 0 : i32
      %add3A_530 = arith.addi %mul3A_302, %add3A_529 : i32
      %add3A_531 = vector.broadcast %add3A_530 : i32 to vector<16xi32>
      %add3A_532 = arith.addi %convert_element_type3A, %add3A_531 : vector<16xi32>
      %gather3A_533 = tpu.vector_load_idx %arg7[%add3A_532, %select_n3A] : memref<64x200xi32, #tpu.memory_space<vmem>>[vector<16xi32>, vector<16xi32>], vector<16xi32>,
      %mul3A_534 = arith.constant 400 : i32
      %mul3A_535 = arith.muli %scan3A_296, %mul3A_534 : i32
      %add3A_536 = arith.constant 192 : i32
      %add3A_537 = arith.addi %mul3A_535, %add3A_536 : i32
      %get3A_538 = arith.index_cast %add3A_537 : i32 to index
      %get3A_539 = tpu.vector_load %arg9[%get3A_538] {strides = array<i32>} : memref<12800xi32, #tpu.memory_space<vmem>>, vector<16xi32>,
      %mul3A_540 = arith.constant 5 : i32
      %mul3A_541 = vector.broadcast %mul3A_540 : i32 to vector<16xi32>
      %mul3A_542 = arith.muli %gather3A_533, %mul3A_541 : vector<16xi32>
      %add3A_543 = arith.addi %mul3A_542, %get3A_539 : vector<16xi32>
      %gather3A_544 = tpu.vector_load_idx %arg6[%add3A_543] : memref<64xf32, #tpu.memory_space<vmem>>[vector<16xi32>], vector<16xf32>,
      %add3A_545 = arith.addf %add3A_471, %gather3A_544 : vector<16xf32>
      %add3A_546 = arith.constant 1 : i32
      %add3A_547 = arith.addi %mul3A_302, %add3A_546 : i32
      %broadcast_in_dim3A_548 = vector.broadcast %add3A_547 : i32 to vector<16xi32>
      %add3A_549 = arith.constant 8 : i32
      %add3A_550 = vector.broadcast %add3A_549 : i32 to vector<16xi32>
      %add3A_551 = arith.addi %iota3A, %add3A_550 : vector<16xi32>
      %gather3A_552 = tpu.vector_load_idx %arg7[%broadcast_in_dim3A_548, %add3A_551] : memref<64x200xi32, #tpu.memory_space<vmem>>[vector<16xi32>, vector<16xi32>], vector<16xi32>,
      %mul3A_553 = arith.constant 400 : i32
      %mul3A_554 = arith.muli %scan3A_296, %mul3A_553 : i32
      %add3A_555 = arith.constant 208 : i32
      %add3A_556 = arith.addi %mul3A_554, %add3A_555 : i32
      %get3A_557 = arith.index_cast %add3A_556 : i32 to index
      %get3A_558 = tpu.vector_load %arg9[%get3A_557] {strides = array<i32>} : memref<12800xi32, #tpu.memory_space<vmem>>, vector<16xi32>,
      %mul3A_559 = arith.constant 5 : i32
      %mul3A_560 = vector.broadcast %mul3A_559 : i32 to vector<16xi32>
      %mul3A_561 = arith.muli %gather3A_552, %mul3A_560 : vector<16xi32>
      %add3A_562 = arith.addi %mul3A_561, %get3A_558 : vector<16xi32>
      %gather3A_563 = tpu.vector_load_idx %arg6[%add3A_562] : memref<64xf32, #tpu.memory_space<vmem>>[vector<16xi32>], vector<16xf32>,
      %add3A_564 = arith.addf %add3A_490, %gather3A_563 : vector<16xf32>
      %add3A_565 = arith.constant 1 : i32
      %add3A_566 = arith.addi %mul3A_302, %add3A_565 : i32
      %broadcast_in_dim3A_567 = vector.broadcast %add3A_566 : i32 to vector<16xi32>
      %add3A_568 = arith.constant 24 : i32
      %add3A_569 = vector.broadcast %add3A_568 : i32 to vector<16xi32>
      %add3A_570 = arith.addi %iota3A, %add3A_569 : vector<16xi32>
      %gather3A_571 = tpu.vector_load_idx %arg7[%broadcast_in_dim3A_567, %add3A_570] : memref<64x200xi32, #tpu.memory_space<vmem>>[vector<16xi32>, vector<16xi32>], vector<16xi32>,
      %mul3A_572 = arith.constant 400 : i32
      %mul3A_573 = arith.muli %scan3A_296, %mul3A_572 : i32
      %add3A_574 = arith.constant 224 : i32
      %add3A_575 = arith.addi %mul3A_573, %add3A_574 : i32
      %get3A_576 = arith.index_cast %add3A_575 : i32 to index
      %get3A_577 = tpu.vector_load %arg9[%get3A_576] {strides = array<i32>} : memref<12800xi32, #tpu.memory_space<vmem>>, vector<16xi32>,
      %mul3A_578 = arith.constant 5 : i32
      %mul3A_579 = vector.broadcast %mul3A_578 : i32 to vector<16xi32>
      %mul3A_580 = arith.muli %gather3A_571, %mul3A_579 : vector<16xi32>
      %add3A_581 = arith.addi %mul3A_580, %get3A_577 : vector<16xi32>
      %gather3A_582 = tpu.vector_load_idx %arg6[%add3A_581] : memref<64xf32, #tpu.memory_space<vmem>>[vector<16xi32>], vector<16xf32>,
      %add3A_583 = arith.addf %add3A_509, %gather3A_582 : vector<16xf32>
      %add3A_584 = arith.constant 1 : i32
      %add3A_585 = arith.addi %mul3A_302, %add3A_584 : i32
      %broadcast_in_dim3A_586 = vector.broadcast %add3A_585 : i32 to vector<16xi32>
      %add3A_587 = arith.constant 40 : i32
      %add3A_588 = vector.broadcast %add3A_587 : i32 to vector<16xi32>
      %add3A_589 = arith.addi %iota3A, %add3A_588 : vector<16xi32>
      %gather3A_590 = tpu.vector_load_idx %arg7[%broadcast_in_dim3A_586, %add3A_589] : memref<64x200xi32, #tpu.memory_space<vmem>>[vector<16xi32>, vector<16xi32>], vector<16xi32>,
      %mul3A_591 = arith.constant 400 : i32
      %mul3A_592 = arith.muli %scan3A_296, %mul3A_591 : i32
      %add3A_593 = arith.constant 240 : i32
      %add3A_594 = arith.addi %mul3A_592, %add3A_593 : i32
      %get3A_595 = arith.index_cast %add3A_594 : i32 to index
      %get3A_596 = tpu.vector_load %arg9[%get3A_595] {strides = array<i32>} : memref<12800xi32, #tpu.memory_space<vmem>>, vector<16xi32>,
      %mul3A_597 = arith.constant 5 : i32
      %mul3A_598 = vector.broadcast %mul3A_597 : i32 to vector<16xi32>
      %mul3A_599 = arith.muli %gather3A_590, %mul3A_598 : vector<16xi32>
      %add3A_600 = arith.addi %mul3A_599, %get3A_596 : vector<16xi32>
      %gather3A_601 = tpu.vector_load_idx %arg6[%add3A_600] : memref<64xf32, #tpu.memory_space<vmem>>[vector<16xi32>], vector<16xf32>,
      %add3A_602 = arith.addf %add3A_528, %gather3A_601 : vector<16xf32>
      %add3A_603 = arith.constant 1 : i32
      %add3A_604 = arith.addi %mul3A_302, %add3A_603 : i32
      %broadcast_in_dim3A_605 = vector.broadcast %add3A_604 : i32 to vector<16xi32>
      %add3A_606 = arith.constant 56 : i32
      %add3A_607 = vector.broadcast %add3A_606 : i32 to vector<16xi32>
      %add3A_608 = arith.addi %iota3A, %add3A_607 : vector<16xi32>
      %gather3A_609 = tpu.vector_load_idx %arg7[%broadcast_in_dim3A_605, %add3A_608] : memref<64x200xi32, #tpu.memory_space<vmem>>[vector<16xi32>, vector<16xi32>], vector<16xi32>,
      %mul3A_610 = arith.constant 400 : i32
      %mul3A_611 = arith.muli %scan3A_296, %mul3A_610 : i32
      %add3A_612 = arith.constant 256 : i32
      %add3A_613 = arith.addi %mul3A_611, %add3A_612 : i32
      %get3A_614 = arith.index_cast %add3A_613 : i32 to index
      %get3A_615 = tpu.vector_load %arg9[%get3A_614] {strides = array<i32>} : memref<12800xi32, #tpu.memory_space<vmem>>, vector<16xi32>,
      %mul3A_616 = arith.constant 5 : i32
      %mul3A_617 = vector.broadcast %mul3A_616 : i32 to vector<16xi32>
      %mul3A_618 = arith.muli %gather3A_609, %mul3A_617 : vector<16xi32>
      %add3A_619 = arith.addi %mul3A_618, %get3A_615 : vector<16xi32>
      %gather3A_620 = tpu.vector_load_idx %arg6[%add3A_619] : memref<64xf32, #tpu.memory_space<vmem>>[vector<16xi32>], vector<16xf32>,
      %add3A_621 = arith.addf %add3A_545, %gather3A_620 : vector<16xf32>
      %add3A_622 = arith.constant 1 : i32
      %add3A_623 = arith.addi %mul3A_302, %add3A_622 : i32
      %broadcast_in_dim3A_624 = vector.broadcast %add3A_623 : i32 to vector<16xi32>
      %add3A_625 = arith.constant 72 : i32
      %add3A_626 = vector.broadcast %add3A_625 : i32 to vector<16xi32>
      %add3A_627 = arith.addi %iota3A, %add3A_626 : vector<16xi32>
      %gather3A_628 = tpu.vector_load_idx %arg7[%broadcast_in_dim3A_624, %add3A_627] : memref<64x200xi32, #tpu.memory_space<vmem>>[vector<16xi32>, vector<16xi32>], vector<16xi32>,
      %mul3A_629 = arith.constant 400 : i32
      %mul3A_630 = arith.muli %scan3A_296, %mul3A_629 : i32
      %add3A_631 = arith.constant 272 : i32
      %add3A_632 = arith.addi %mul3A_630, %add3A_631 : i32
      %get3A_633 = arith.index_cast %add3A_632 : i32 to index
      %get3A_634 = tpu.vector_load %arg9[%get3A_633] {strides = array<i32>} : memref<12800xi32, #tpu.memory_space<vmem>>, vector<16xi32>,
      %mul3A_635 = arith.constant 5 : i32
      %mul3A_636 = vector.broadcast %mul3A_635 : i32 to vector<16xi32>
      %mul3A_637 = arith.muli %gather3A_628, %mul3A_636 : vector<16xi32>
      %add3A_638 = arith.addi %mul3A_637, %get3A_634 : vector<16xi32>
      %gather3A_639 = tpu.vector_load_idx %arg6[%add3A_638] : memref<64xf32, #tpu.memory_space<vmem>>[vector<16xi32>], vector<16xf32>,
      %add3A_640 = arith.addf %add3A_564, %gather3A_639 : vector<16xf32>
      %add3A_641 = arith.constant 1 : i32
      %add3A_642 = arith.addi %mul3A_302, %add3A_641 : i32
      %broadcast_in_dim3A_643 = vector.broadcast %add3A_642 : i32 to vector<16xi32>
      %add3A_644 = arith.constant 88 : i32
      %add3A_645 = vector.broadcast %add3A_644 : i32 to vector<16xi32>
      %add3A_646 = arith.addi %iota3A, %add3A_645 : vector<16xi32>
      %gather3A_647 = tpu.vector_load_idx %arg7[%broadcast_in_dim3A_643, %add3A_646] : memref<64x200xi32, #tpu.memory_space<vmem>>[vector<16xi32>, vector<16xi32>], vector<16xi32>,
      %mul3A_648 = arith.constant 400 : i32
      %mul3A_649 = arith.muli %scan3A_296, %mul3A_648 : i32
      %add3A_650 = arith.constant 288 : i32
      %add3A_651 = arith.addi %mul3A_649, %add3A_650 : i32
      %get3A_652 = arith.index_cast %add3A_651 : i32 to index
      %get3A_653 = tpu.vector_load %arg9[%get3A_652] {strides = array<i32>} : memref<12800xi32, #tpu.memory_space<vmem>>, vector<16xi32>,
      %mul3A_654 = arith.constant 5 : i32
      %mul3A_655 = vector.broadcast %mul3A_654 : i32 to vector<16xi32>
      %mul3A_656 = arith.muli %gather3A_647, %mul3A_655 : vector<16xi32>
      %add3A_657 = arith.addi %mul3A_656, %get3A_653 : vector<16xi32>
      %gather3A_658 = tpu.vector_load_idx %arg6[%add3A_657] : memref<64xf32, #tpu.memory_space<vmem>>[vector<16xi32>], vector<16xf32>,
      %add3A_659 = arith.addf %add3A_583, %gather3A_658 : vector<16xf32>
      %add3A_660 = arith.constant 1 : i32
      %add3A_661 = arith.addi %mul3A_302, %add3A_660 : i32
      %broadcast_in_dim3A_662 = vector.broadcast %add3A_661 : i32 to vector<16xi32>
      %add3A_663 = arith.constant 104 : i32
      %add3A_664 = vector.broadcast %add3A_663 : i32 to vector<16xi32>
      %add3A_665 = arith.addi %iota3A, %add3A_664 : vector<16xi32>
      %gather3A_666 = tpu.vector_load_idx %arg7[%broadcast_in_dim3A_662, %add3A_665] : memref<64x200xi32, #tpu.memory_space<vmem>>[vector<16xi32>, vector<16xi32>], vector<16xi32>,
      %mul3A_667 = arith.constant 400 : i32
      %mul3A_668 = arith.muli %scan3A_296, %mul3A_667 : i32
      %add3A_669 = arith.constant 304 : i32
      %add3A_670 = arith.addi %mul3A_668, %add3A_669 : i32
      %get3A_671 = arith.index_cast %add3A_670 : i32 to index
      %get3A_672 = tpu.vector_load %arg9[%get3A_671] {strides = array<i32>} : memref<12800xi32, #tpu.memory_space<vmem>>, vector<16xi32>,
      %mul3A_673 = arith.constant 5 : i32
      %mul3A_674 = vector.broadcast %mul3A_673 : i32 to vector<16xi32>
      %mul3A_675 = arith.muli %gather3A_666, %mul3A_674 : vector<16xi32>
      %add3A_676 = arith.addi %mul3A_675, %get3A_672 : vector<16xi32>
      %gather3A_677 = tpu.vector_load_idx %arg6[%add3A_676] : memref<64xf32, #tpu.memory_space<vmem>>[vector<16xi32>], vector<16xf32>,
      %add3A_678 = arith.addf %add3A_602, %gather3A_677 : vector<16xf32>
      %add3A_679 = arith.constant 1 : i32
      %add3A_680 = arith.addi %mul3A_302, %add3A_679 : i32
      %broadcast_in_dim3A_681 = vector.broadcast %add3A_680 : i32 to vector<16xi32>
      %add3A_682 = arith.constant 120 : i32
      %add3A_683 = vector.broadcast %add3A_682 : i32 to vector<16xi32>
      %add3A_684 = arith.addi %iota3A, %add3A_683 : vector<16xi32>
      %gather3A_685 = tpu.vector_load_idx %arg7[%broadcast_in_dim3A_681, %add3A_684] : memref<64x200xi32, #tpu.memory_space<vmem>>[vector<16xi32>, vector<16xi32>], vector<16xi32>,
      %mul3A_686 = arith.constant 400 : i32
      %mul3A_687 = arith.muli %scan3A_296, %mul3A_686 : i32
      %add3A_688 = arith.constant 320 : i32
      %add3A_689 = arith.addi %mul3A_687, %add3A_688 : i32
      %get3A_690 = arith.index_cast %add3A_689 : i32 to index
      %get3A_691 = tpu.vector_load %arg9[%get3A_690] {strides = array<i32>} : memref<12800xi32, #tpu.memory_space<vmem>>, vector<16xi32>,
      %mul3A_692 = arith.constant 5 : i32
      %mul3A_693 = vector.broadcast %mul3A_692 : i32 to vector<16xi32>
      %mul3A_694 = arith.muli %gather3A_685, %mul3A_693 : vector<16xi32>
      %add3A_695 = arith.addi %mul3A_694, %get3A_691 : vector<16xi32>
      %gather3A_696 = tpu.vector_load_idx %arg6[%add3A_695] : memref<64xf32, #tpu.memory_space<vmem>>[vector<16xi32>], vector<16xf32>,
      %add3A_697 = arith.addf %add3A_621, %gather3A_696 : vector<16xf32>
      %add3A_698 = arith.constant 1 : i32
      %add3A_699 = arith.addi %mul3A_302, %add3A_698 : i32
      %broadcast_in_dim3A_700 = vector.broadcast %add3A_699 : i32 to vector<16xi32>
      %add3A_701 = arith.constant 136 : i32
      %add3A_702 = vector.broadcast %add3A_701 : i32 to vector<16xi32>
      %add3A_703 = arith.addi %iota3A, %add3A_702 : vector<16xi32>
      %gather3A_704 = tpu.vector_load_idx %arg7[%broadcast_in_dim3A_700, %add3A_703] : memref<64x200xi32, #tpu.memory_space<vmem>>[vector<16xi32>, vector<16xi32>], vector<16xi32>,
      %mul3A_705 = arith.constant 400 : i32
      %mul3A_706 = arith.muli %scan3A_296, %mul3A_705 : i32
      %add3A_707 = arith.constant 336 : i32
      %add3A_708 = arith.addi %mul3A_706, %add3A_707 : i32
      %get3A_709 = arith.index_cast %add3A_708 : i32 to index
      %get3A_710 = tpu.vector_load %arg9[%get3A_709] {strides = array<i32>} : memref<12800xi32, #tpu.memory_space<vmem>>, vector<16xi32>,
      %mul3A_711 = arith.constant 5 : i32
      %mul3A_712 = vector.broadcast %mul3A_711 : i32 to vector<16xi32>
      %mul3A_713 = arith.muli %gather3A_704, %mul3A_712 : vector<16xi32>
      %add3A_714 = arith.addi %mul3A_713, %get3A_710 : vector<16xi32>
      %gather3A_715 = tpu.vector_load_idx %arg6[%add3A_714] : memref<64xf32, #tpu.memory_space<vmem>>[vector<16xi32>], vector<16xf32>,
      %add3A_716 = arith.addf %add3A_640, %gather3A_715 : vector<16xf32>
      %add3A_717 = arith.constant 1 : i32
      %add3A_718 = arith.addi %mul3A_302, %add3A_717 : i32
      %broadcast_in_dim3A_719 = vector.broadcast %add3A_718 : i32 to vector<16xi32>
      %add3A_720 = arith.constant 152 : i32
      %add3A_721 = vector.broadcast %add3A_720 : i32 to vector<16xi32>
      %add3A_722 = arith.addi %iota3A, %add3A_721 : vector<16xi32>
      %gather3A_723 = tpu.vector_load_idx %arg7[%broadcast_in_dim3A_719, %add3A_722] : memref<64x200xi32, #tpu.memory_space<vmem>>[vector<16xi32>, vector<16xi32>], vector<16xi32>,
      %mul3A_724 = arith.constant 400 : i32
      %mul3A_725 = arith.muli %scan3A_296, %mul3A_724 : i32
      %add3A_726 = arith.constant 352 : i32
      %add3A_727 = arith.addi %mul3A_725, %add3A_726 : i32
      %get3A_728 = arith.index_cast %add3A_727 : i32 to index
      %get3A_729 = tpu.vector_load %arg9[%get3A_728] {strides = array<i32>} : memref<12800xi32, #tpu.memory_space<vmem>>, vector<16xi32>,
      %mul3A_730 = arith.constant 5 : i32
      %mul3A_731 = vector.broadcast %mul3A_730 : i32 to vector<16xi32>
      %mul3A_732 = arith.muli %gather3A_723, %mul3A_731 : vector<16xi32>
      %add3A_733 = arith.addi %mul3A_732, %get3A_729 : vector<16xi32>
      %gather3A_734 = tpu.vector_load_idx %arg6[%add3A_733] : memref<64xf32, #tpu.memory_space<vmem>>[vector<16xi32>], vector<16xf32>,
      %add3A_735 = arith.addf %add3A_659, %gather3A_734 : vector<16xf32>
      %add3A_736 = arith.constant 1 : i32
      %add3A_737 = arith.addi %mul3A_302, %add3A_736 : i32
      %broadcast_in_dim3A_738 = vector.broadcast %add3A_737 : i32 to vector<16xi32>
      %add3A_739 = arith.constant 168 : i32
      %add3A_740 = vector.broadcast %add3A_739 : i32 to vector<16xi32>
      %add3A_741 = arith.addi %iota3A, %add3A_740 : vector<16xi32>
      %gather3A_742 = tpu.vector_load_idx %arg7[%broadcast_in_dim3A_738, %add3A_741] : memref<64x200xi32, #tpu.memory_space<vmem>>[vector<16xi32>, vector<16xi32>], vector<16xi32>,
      %mul3A_743 = arith.constant 400 : i32
      %mul3A_744 = arith.muli %scan3A_296, %mul3A_743 : i32
      %add3A_745 = arith.constant 368 : i32
      %add3A_746 = arith.addi %mul3A_744, %add3A_745 : i32
      %get3A_747 = arith.index_cast %add3A_746 : i32 to index
      %get3A_748 = tpu.vector_load %arg9[%get3A_747] {strides = array<i32>} : memref<12800xi32, #tpu.memory_space<vmem>>, vector<16xi32>,
      %mul3A_749 = arith.constant 5 : i32
      %mul3A_750 = vector.broadcast %mul3A_749 : i32 to vector<16xi32>
      %mul3A_751 = arith.muli %gather3A_742, %mul3A_750 : vector<16xi32>
      %add3A_752 = arith.addi %mul3A_751, %get3A_748 : vector<16xi32>
      %gather3A_753 = tpu.vector_load_idx %arg6[%add3A_752] : memref<64xf32, #tpu.memory_space<vmem>>[vector<16xi32>], vector<16xf32>,
      %add3A_754 = arith.addf %add3A_678, %gather3A_753 : vector<16xf32>
      %add3A_755 = arith.constant 1 : i32
      %add3A_756 = arith.addi %mul3A_302, %add3A_755 : i32
      %broadcast_in_dim3A_757 = vector.broadcast %add3A_756 : i32 to vector<16xi32>
      %add3A_758 = arith.constant 184 : i32
      %add3A_759 = vector.broadcast %add3A_758 : i32 to vector<16xi32>
      %add3A_760 = arith.addi %iota3A, %add3A_759 : vector<16xi32>
      %gather3A_761 = tpu.vector_load_idx %arg7[%broadcast_in_dim3A_757, %add3A_760] : memref<64x200xi32, #tpu.memory_space<vmem>>[vector<16xi32>, vector<16xi32>], vector<16xi32>,
      %mul3A_762 = arith.constant 400 : i32
      %mul3A_763 = arith.muli %scan3A_296, %mul3A_762 : i32
      %add3A_764 = arith.constant 384 : i32
      %add3A_765 = arith.addi %mul3A_763, %add3A_764 : i32
      %get3A_766 = arith.index_cast %add3A_765 : i32 to index
      %get3A_767 = tpu.vector_load %arg9[%get3A_766] {strides = array<i32>} : memref<12800xi32, #tpu.memory_space<vmem>>, vector<16xi32>,
      %mul3A_768 = arith.constant 5 : i32
      %mul3A_769 = vector.broadcast %mul3A_768 : i32 to vector<16xi32>
      %mul3A_770 = arith.muli %gather3A_761, %mul3A_769 : vector<16xi32>
      %add3A_771 = arith.addi %mul3A_770, %get3A_767 : vector<16xi32>
      %gather3A_772 = tpu.vector_load_idx %arg6[%add3A_771] : memref<64xf32, #tpu.memory_space<vmem>>[vector<16xi32>], vector<16xf32>,
      %add3A_773 = arith.addf %add3A_697, %gather3A_772 : vector<16xf32>
      scf.yield %add3A_773, %add3A_716, %add3A_735, %add3A_754 : vector<16xf32>, vector<16xf32>, vector<16xf32>, vector<16xf32>
    }
    %scan3A_67 = arith.constant 32 : i32
    %add3A_68 = arith.constant 128 : i32
    %add3A_69 = arith.addi %mul3A_2, %add3A_68 : i32
    %dma_start3A_70 = arith.constant 0 : i32
    %dma_start3A_71 = arith.constant 0 : i32
    %dma_start3A_72 = tpu.memref_slice %arg2[%add3A_69, %dma_start3A_71] : memref<16384x200xi32, #tpu.memory_space<hbm>> -> memref<64x200xi32, #tpu.memory_space<hbm>>
    %dma_start3A_73 = tpu.memref_slice %arg12[%dma_start3A_70] : memref<2x!tpu.dma_semaphore, #tpu.memory_space<semaphore_mem>> -> memref<1x!tpu.dma_semaphore, #tpu.memory_space<semaphore_mem>>
    %dma_start3A_74 = tpu.memref_squeeze %dma_start3A_73 : memref<1x!tpu.dma_semaphore, #tpu.memory_space<semaphore_mem>> -> memref<!tpu.dma_semaphore, #tpu.memory_space<semaphore_mem>>
    %dma_start3A_75 = arith.constant 0 : i32
    %dma_start3A_76 = tpu.memref_slice %arg2[%add3A_69, %dma_start3A_75] : memref<16384x200xi32, #tpu.memory_space<hbm>> -> memref<64x200xi32, #tpu.memory_space<hbm>>
    tpu.enqueue_dma source(%dma_start3A_76 : memref<64x200xi32, #tpu.memory_space<hbm>>) target(%arg7 : memref<64x200xi32, #tpu.memory_space<vmem>>) target_semaphore(%dma_start3A_74 : memref<!tpu.dma_semaphore, #tpu.memory_space<semaphore_mem>>)
    %add3A_77 = arith.constant 25600 : i32
    %add3A_78 = arith.addi %mul3A_4, %add3A_77 : i32
    %dma_start3A_79 = arith.constant 0 : i32
    %dma_start3A_80 = tpu.memref_slice %arg3[%add3A_78] : memref<3276800xi32, #tpu.memory_space<hbm>> -> memref<12800xi32, #tpu.memory_space<hbm>>
    %dma_start3A_81 = tpu.memref_slice %arg13[%dma_start3A_79] : memref<2x!tpu.dma_semaphore, #tpu.memory_space<semaphore_mem>> -> memref<1x!tpu.dma_semaphore, #tpu.memory_space<semaphore_mem>>
    %dma_start3A_82 = tpu.memref_squeeze %dma_start3A_81 : memref<1x!tpu.dma_semaphore, #tpu.memory_space<semaphore_mem>> -> memref<!tpu.dma_semaphore, #tpu.memory_space<semaphore_mem>>
    %dma_start3A_83 = tpu.memref_slice %arg3[%add3A_78] : memref<3276800xi32, #tpu.memory_space<hbm>> -> memref<12800xi32, #tpu.memory_space<hbm>>
    tpu.enqueue_dma source(%dma_start3A_83 : memref<12800xi32, #tpu.memory_space<hbm>>) target(%arg9 : memref<12800xi32, #tpu.memory_space<vmem>>) target_semaphore(%dma_start3A_82 : memref<!tpu.dma_semaphore, #tpu.memory_space<semaphore_mem>>)
    %dma_wait3A_84 = arith.constant 1 : i32
    %dma_wait3A_85 = arith.constant 0 : i32
    %dma_wait3A_86 = tpu.memref_slice %arg2[%add3A_37, %dma_wait3A_85] : memref<16384x200xi32, #tpu.memory_space<hbm>> -> memref<64x200xi32, #tpu.memory_space<hbm>>
    %dma_wait3A_87 = tpu.memref_slice %arg12[%dma_wait3A_84] : memref<2x!tpu.dma_semaphore, #tpu.memory_space<semaphore_mem>> -> memref<1x!tpu.dma_semaphore, #tpu.memory_space<semaphore_mem>>
    %dma_wait3A_88 = tpu.memref_squeeze %dma_wait3A_87 : memref<1x!tpu.dma_semaphore, #tpu.memory_space<semaphore_mem>> -> memref<!tpu.dma_semaphore, #tpu.memory_space<semaphore_mem>>
    %dma_wait3A_89 = arith.constant 0 : i32
    %dma_wait3A_90 = tpu.memref_slice %arg2[%add3A_37, %dma_wait3A_89] : memref<16384x200xi32, #tpu.memory_space<hbm>> -> memref<64x200xi32, #tpu.memory_space<hbm>>
    tpu.wait_dma2 semaphore(%dma_wait3A_88 : memref<!tpu.dma_semaphore, #tpu.memory_space<semaphore_mem>>) src(%dma_wait3A_90 : memref<64x200xi32, #tpu.memory_space<hbm>>) dst(%arg8 : memref<64x200xi32, #tpu.memory_space<vmem>>)
    %dma_wait3A_91 = arith.constant 1 : i32
    %dma_wait3A_92 = tpu.memref_slice %arg3[%add3A_46] : memref<3276800xi32, #tpu.memory_space<hbm>> -> memref<12800xi32, #tpu.memory_space<hbm>>
    %dma_wait3A_93 = tpu.memref_slice %arg13[%dma_wait3A_91] : memref<2x!tpu.dma_semaphore, #tpu.memory_space<semaphore_mem>> -> memref<1x!tpu.dma_semaphore, #tpu.memory_space<semaphore_mem>>
    %dma_wait3A_94 = tpu.memref_squeeze %dma_wait3A_93 : memref<1x!tpu.dma_semaphore, #tpu.memory_space<semaphore_mem>> -> memref<!tpu.dma_semaphore, #tpu.memory_space<semaphore_mem>>
    %dma_wait3A_95 = tpu.memref_slice %arg3[%add3A_46] : memref<3276800xi32, #tpu.memory_space<hbm>> -> memref<12800xi32, #tpu.memory_space<hbm>>
    tpu.wait_dma2 semaphore(%dma_wait3A_94 : memref<!tpu.dma_semaphore, #tpu.memory_space<semaphore_mem>>) src(%dma_wait3A_95 : memref<12800xi32, #tpu.memory_space<hbm>>) dst(%arg10 : memref<12800xi32, #tpu.memory_space<vmem>>)
    %scan3A_96 = arith.constant 0 : i32
    %scan3A_97 = arith.constant 32 : i32
    %scan3A_98 = arith.addi %scan3A_96, %scan3A_97 : i32
    %scan3A_99 = arith.constant 1 : i32
    %scan3A_100:4 = scf.for %scan3A_296 = %scan3A_96 to %scan3A_98 step %scan3A_99 iter_args(%scan3A_297 = %scan3A_66#0, %scan3A_298 = %scan3A_66#1, %scan3A_299 = %scan3A_66#2, %scan3A_300 = %scan3A_66#3) -> (vector<16xf32>, vector<16xf32>, vector<16xf32>, vector<16xf32>)  : i32 {
      %mul3A_301 = arith.constant 2 : i32
      %mul3A_302 = arith.muli %mul3A_301, %scan3A_296 : i32
      %add3A_303 = arith.constant 0 : i32
      %add3A_304 = arith.addi %mul3A_302, %add3A_303 : i32
      %broadcast_in_dim3A_305 = vector.broadcast %add3A_304 : i32 to vector<16xi32>
      %add3A_306 = arith.constant 0 : i32
      %add3A_307 = vector.broadcast %add3A_306 : i32 to vector<16xi32>
      %add3A_308 = arith.addi %iota3A, %add3A_307 : vector<16xi32>
      %gather3A = tpu.vector_load_idx %arg8[%broadcast_in_dim3A_305, %add3A_308] : memref<64x200xi32, #tpu.memory_space<vmem>>[vector<16xi32>, vector<16xi32>], vector<16xi32>,
      %mul3A_309 = arith.constant 400 : i32
      %mul3A_310 = arith.muli %scan3A_296, %mul3A_309 : i32
      %add3A_311 = arith.constant 0 : i32
      %add3A_312 = arith.addi %mul3A_310, %add3A_311 : i32
      %get3A = arith.index_cast %add3A_312 : i32 to index
      %get3A_313 = tpu.vector_load %arg10[%get3A] {strides = array<i32>} : memref<12800xi32, #tpu.memory_space<vmem>>, vector<16xi32>,
      %mul3A_314 = arith.constant 5 : i32
      %mul3A_315 = vector.broadcast %mul3A_314 : i32 to vector<16xi32>
      %mul3A_316 = arith.muli %gather3A, %mul3A_315 : vector<16xi32>
      %add3A_317 = arith.addi %mul3A_316, %get3A_313 : vector<16xi32>
      %gather3A_318 = tpu.vector_load_idx %arg6[%add3A_317] : memref<64xf32, #tpu.memory_space<vmem>>[vector<16xi32>], vector<16xf32>,
      %add3A_319 = arith.addf %scan3A_297, %gather3A_318 : vector<16xf32>
      %add3A_320 = arith.constant 0 : i32
      %add3A_321 = arith.addi %mul3A_302, %add3A_320 : i32
      %broadcast_in_dim3A_322 = vector.broadcast %add3A_321 : i32 to vector<16xi32>
      %add3A_323 = arith.constant 16 : i32
      %add3A_324 = vector.broadcast %add3A_323 : i32 to vector<16xi32>
      %add3A_325 = arith.addi %iota3A, %add3A_324 : vector<16xi32>
      %gather3A_326 = tpu.vector_load_idx %arg8[%broadcast_in_dim3A_322, %add3A_325] : memref<64x200xi32, #tpu.memory_space<vmem>>[vector<16xi32>, vector<16xi32>], vector<16xi32>,
      %mul3A_327 = arith.constant 400 : i32
      %mul3A_328 = arith.muli %scan3A_296, %mul3A_327 : i32
      %add3A_329 = arith.constant 16 : i32
      %add3A_330 = arith.addi %mul3A_328, %add3A_329 : i32
      %get3A_331 = arith.index_cast %add3A_330 : i32 to index
      %get3A_332 = tpu.vector_load %arg10[%get3A_331] {strides = array<i32>} : memref<12800xi32, #tpu.memory_space<vmem>>, vector<16xi32>,
      %mul3A_333 = arith.constant 5 : i32
      %mul3A_334 = vector.broadcast %mul3A_333 : i32 to vector<16xi32>
      %mul3A_335 = arith.muli %gather3A_326, %mul3A_334 : vector<16xi32>
      %add3A_336 = arith.addi %mul3A_335, %get3A_332 : vector<16xi32>
      %gather3A_337 = tpu.vector_load_idx %arg6[%add3A_336] : memref<64xf32, #tpu.memory_space<vmem>>[vector<16xi32>], vector<16xf32>,
      %add3A_338 = arith.addf %scan3A_298, %gather3A_337 : vector<16xf32>
      %add3A_339 = arith.constant 0 : i32
      %add3A_340 = arith.addi %mul3A_302, %add3A_339 : i32
      %broadcast_in_dim3A_341 = vector.broadcast %add3A_340 : i32 to vector<16xi32>
      %add3A_342 = arith.constant 32 : i32
      %add3A_343 = vector.broadcast %add3A_342 : i32 to vector<16xi32>
      %add3A_344 = arith.addi %iota3A, %add3A_343 : vector<16xi32>
      %gather3A_345 = tpu.vector_load_idx %arg8[%broadcast_in_dim3A_341, %add3A_344] : memref<64x200xi32, #tpu.memory_space<vmem>>[vector<16xi32>, vector<16xi32>], vector<16xi32>,
      %mul3A_346 = arith.constant 400 : i32
      %mul3A_347 = arith.muli %scan3A_296, %mul3A_346 : i32
      %add3A_348 = arith.constant 32 : i32
      %add3A_349 = arith.addi %mul3A_347, %add3A_348 : i32
      %get3A_350 = arith.index_cast %add3A_349 : i32 to index
      %get3A_351 = tpu.vector_load %arg10[%get3A_350] {strides = array<i32>} : memref<12800xi32, #tpu.memory_space<vmem>>, vector<16xi32>,
      %mul3A_352 = arith.constant 5 : i32
      %mul3A_353 = vector.broadcast %mul3A_352 : i32 to vector<16xi32>
      %mul3A_354 = arith.muli %gather3A_345, %mul3A_353 : vector<16xi32>
      %add3A_355 = arith.addi %mul3A_354, %get3A_351 : vector<16xi32>
      %gather3A_356 = tpu.vector_load_idx %arg6[%add3A_355] : memref<64xf32, #tpu.memory_space<vmem>>[vector<16xi32>], vector<16xf32>,
      %add3A_357 = arith.addf %scan3A_299, %gather3A_356 : vector<16xf32>
      %add3A_358 = arith.constant 0 : i32
      %add3A_359 = arith.addi %mul3A_302, %add3A_358 : i32
      %broadcast_in_dim3A_360 = vector.broadcast %add3A_359 : i32 to vector<16xi32>
      %add3A_361 = arith.constant 48 : i32
      %add3A_362 = vector.broadcast %add3A_361 : i32 to vector<16xi32>
      %add3A_363 = arith.addi %iota3A, %add3A_362 : vector<16xi32>
      %gather3A_364 = tpu.vector_load_idx %arg8[%broadcast_in_dim3A_360, %add3A_363] : memref<64x200xi32, #tpu.memory_space<vmem>>[vector<16xi32>, vector<16xi32>], vector<16xi32>,
      %mul3A_365 = arith.constant 400 : i32
      %mul3A_366 = arith.muli %scan3A_296, %mul3A_365 : i32
      %add3A_367 = arith.constant 48 : i32
      %add3A_368 = arith.addi %mul3A_366, %add3A_367 : i32
      %get3A_369 = arith.index_cast %add3A_368 : i32 to index
      %get3A_370 = tpu.vector_load %arg10[%get3A_369] {strides = array<i32>} : memref<12800xi32, #tpu.memory_space<vmem>>, vector<16xi32>,
      %mul3A_371 = arith.constant 5 : i32
      %mul3A_372 = vector.broadcast %mul3A_371 : i32 to vector<16xi32>
      %mul3A_373 = arith.muli %gather3A_364, %mul3A_372 : vector<16xi32>
      %add3A_374 = arith.addi %mul3A_373, %get3A_370 : vector<16xi32>
      %gather3A_375 = tpu.vector_load_idx %arg6[%add3A_374] : memref<64xf32, #tpu.memory_space<vmem>>[vector<16xi32>], vector<16xf32>,
      %add3A_376 = arith.addf %scan3A_300, %gather3A_375 : vector<16xf32>
      %add3A_377 = arith.constant 0 : i32
      %add3A_378 = arith.addi %mul3A_302, %add3A_377 : i32
      %broadcast_in_dim3A_379 = vector.broadcast %add3A_378 : i32 to vector<16xi32>
      %add3A_380 = arith.constant 64 : i32
      %add3A_381 = vector.broadcast %add3A_380 : i32 to vector<16xi32>
      %add3A_382 = arith.addi %iota3A, %add3A_381 : vector<16xi32>
      %gather3A_383 = tpu.vector_load_idx %arg8[%broadcast_in_dim3A_379, %add3A_382] : memref<64x200xi32, #tpu.memory_space<vmem>>[vector<16xi32>, vector<16xi32>], vector<16xi32>,
      %mul3A_384 = arith.constant 400 : i32
      %mul3A_385 = arith.muli %scan3A_296, %mul3A_384 : i32
      %add3A_386 = arith.constant 64 : i32
      %add3A_387 = arith.addi %mul3A_385, %add3A_386 : i32
      %get3A_388 = arith.index_cast %add3A_387 : i32 to index
      %get3A_389 = tpu.vector_load %arg10[%get3A_388] {strides = array<i32>} : memref<12800xi32, #tpu.memory_space<vmem>>, vector<16xi32>,
      %mul3A_390 = arith.constant 5 : i32
      %mul3A_391 = vector.broadcast %mul3A_390 : i32 to vector<16xi32>
      %mul3A_392 = arith.muli %gather3A_383, %mul3A_391 : vector<16xi32>
      %add3A_393 = arith.addi %mul3A_392, %get3A_389 : vector<16xi32>
      %gather3A_394 = tpu.vector_load_idx %arg6[%add3A_393] : memref<64xf32, #tpu.memory_space<vmem>>[vector<16xi32>], vector<16xf32>,
      %add3A_395 = arith.addf %add3A_319, %gather3A_394 : vector<16xf32>
      %add3A_396 = arith.constant 0 : i32
      %add3A_397 = arith.addi %mul3A_302, %add3A_396 : i32
      %broadcast_in_dim3A_398 = vector.broadcast %add3A_397 : i32 to vector<16xi32>
      %add3A_399 = arith.constant 80 : i32
      %add3A_400 = vector.broadcast %add3A_399 : i32 to vector<16xi32>
      %add3A_401 = arith.addi %iota3A, %add3A_400 : vector<16xi32>
      %gather3A_402 = tpu.vector_load_idx %arg8[%broadcast_in_dim3A_398, %add3A_401] : memref<64x200xi32, #tpu.memory_space<vmem>>[vector<16xi32>, vector<16xi32>], vector<16xi32>,
      %mul3A_403 = arith.constant 400 : i32
      %mul3A_404 = arith.muli %scan3A_296, %mul3A_403 : i32
      %add3A_405 = arith.constant 80 : i32
      %add3A_406 = arith.addi %mul3A_404, %add3A_405 : i32
      %get3A_407 = arith.index_cast %add3A_406 : i32 to index
      %get3A_408 = tpu.vector_load %arg10[%get3A_407] {strides = array<i32>} : memref<12800xi32, #tpu.memory_space<vmem>>, vector<16xi32>,
      %mul3A_409 = arith.constant 5 : i32
      %mul3A_410 = vector.broadcast %mul3A_409 : i32 to vector<16xi32>
      %mul3A_411 = arith.muli %gather3A_402, %mul3A_410 : vector<16xi32>
      %add3A_412 = arith.addi %mul3A_411, %get3A_408 : vector<16xi32>
      %gather3A_413 = tpu.vector_load_idx %arg6[%add3A_412] : memref<64xf32, #tpu.memory_space<vmem>>[vector<16xi32>], vector<16xf32>,
      %add3A_414 = arith.addf %add3A_338, %gather3A_413 : vector<16xf32>
      %add3A_415 = arith.constant 0 : i32
      %add3A_416 = arith.addi %mul3A_302, %add3A_415 : i32
      %broadcast_in_dim3A_417 = vector.broadcast %add3A_416 : i32 to vector<16xi32>
      %add3A_418 = arith.constant 96 : i32
      %add3A_419 = vector.broadcast %add3A_418 : i32 to vector<16xi32>
      %add3A_420 = arith.addi %iota3A, %add3A_419 : vector<16xi32>
      %gather3A_421 = tpu.vector_load_idx %arg8[%broadcast_in_dim3A_417, %add3A_420] : memref<64x200xi32, #tpu.memory_space<vmem>>[vector<16xi32>, vector<16xi32>], vector<16xi32>,
      %mul3A_422 = arith.constant 400 : i32
      %mul3A_423 = arith.muli %scan3A_296, %mul3A_422 : i32
      %add3A_424 = arith.constant 96 : i32
      %add3A_425 = arith.addi %mul3A_423, %add3A_424 : i32
      %get3A_426 = arith.index_cast %add3A_425 : i32 to index
      %get3A_427 = tpu.vector_load %arg10[%get3A_426] {strides = array<i32>} : memref<12800xi32, #tpu.memory_space<vmem>>, vector<16xi32>,
      %mul3A_428 = arith.constant 5 : i32
      %mul3A_429 = vector.broadcast %mul3A_428 : i32 to vector<16xi32>
      %mul3A_430 = arith.muli %gather3A_421, %mul3A_429 : vector<16xi32>
      %add3A_431 = arith.addi %mul3A_430, %get3A_427 : vector<16xi32>
      %gather3A_432 = tpu.vector_load_idx %arg6[%add3A_431] : memref<64xf32, #tpu.memory_space<vmem>>[vector<16xi32>], vector<16xf32>,
      %add3A_433 = arith.addf %add3A_357, %gather3A_432 : vector<16xf32>
      %add3A_434 = arith.constant 0 : i32
      %add3A_435 = arith.addi %mul3A_302, %add3A_434 : i32
      %broadcast_in_dim3A_436 = vector.broadcast %add3A_435 : i32 to vector<16xi32>
      %add3A_437 = arith.constant 112 : i32
      %add3A_438 = vector.broadcast %add3A_437 : i32 to vector<16xi32>
      %add3A_439 = arith.addi %iota3A, %add3A_438 : vector<16xi32>
      %gather3A_440 = tpu.vector_load_idx %arg8[%broadcast_in_dim3A_436, %add3A_439] : memref<64x200xi32, #tpu.memory_space<vmem>>[vector<16xi32>, vector<16xi32>], vector<16xi32>,
      %mul3A_441 = arith.constant 400 : i32
      %mul3A_442 = arith.muli %scan3A_296, %mul3A_441 : i32
      %add3A_443 = arith.constant 112 : i32
      %add3A_444 = arith.addi %mul3A_442, %add3A_443 : i32
      %get3A_445 = arith.index_cast %add3A_444 : i32 to index
      %get3A_446 = tpu.vector_load %arg10[%get3A_445] {strides = array<i32>} : memref<12800xi32, #tpu.memory_space<vmem>>, vector<16xi32>,
      %mul3A_447 = arith.constant 5 : i32
      %mul3A_448 = vector.broadcast %mul3A_447 : i32 to vector<16xi32>
      %mul3A_449 = arith.muli %gather3A_440, %mul3A_448 : vector<16xi32>
      %add3A_450 = arith.addi %mul3A_449, %get3A_446 : vector<16xi32>
      %gather3A_451 = tpu.vector_load_idx %arg6[%add3A_450] : memref<64xf32, #tpu.memory_space<vmem>>[vector<16xi32>], vector<16xf32>,
      %add3A_452 = arith.addf %add3A_376, %gather3A_451 : vector<16xf32>
      %add3A_453 = arith.constant 0 : i32
      %add3A_454 = arith.addi %mul3A_302, %add3A_453 : i32
      %broadcast_in_dim3A_455 = vector.broadcast %add3A_454 : i32 to vector<16xi32>
      %add3A_456 = arith.constant 128 : i32
      %add3A_457 = vector.broadcast %add3A_456 : i32 to vector<16xi32>
      %add3A_458 = arith.addi %iota3A, %add3A_457 : vector<16xi32>
      %gather3A_459 = tpu.vector_load_idx %arg8[%broadcast_in_dim3A_455, %add3A_458] : memref<64x200xi32, #tpu.memory_space<vmem>>[vector<16xi32>, vector<16xi32>], vector<16xi32>,
      %mul3A_460 = arith.constant 400 : i32
      %mul3A_461 = arith.muli %scan3A_296, %mul3A_460 : i32
      %add3A_462 = arith.constant 128 : i32
      %add3A_463 = arith.addi %mul3A_461, %add3A_462 : i32
      %get3A_464 = arith.index_cast %add3A_463 : i32 to index
      %get3A_465 = tpu.vector_load %arg10[%get3A_464] {strides = array<i32>} : memref<12800xi32, #tpu.memory_space<vmem>>, vector<16xi32>,
      %mul3A_466 = arith.constant 5 : i32
      %mul3A_467 = vector.broadcast %mul3A_466 : i32 to vector<16xi32>
      %mul3A_468 = arith.muli %gather3A_459, %mul3A_467 : vector<16xi32>
      %add3A_469 = arith.addi %mul3A_468, %get3A_465 : vector<16xi32>
      %gather3A_470 = tpu.vector_load_idx %arg6[%add3A_469] : memref<64xf32, #tpu.memory_space<vmem>>[vector<16xi32>], vector<16xf32>,
      %add3A_471 = arith.addf %add3A_395, %gather3A_470 : vector<16xf32>
      %add3A_472 = arith.constant 0 : i32
      %add3A_473 = arith.addi %mul3A_302, %add3A_472 : i32
      %broadcast_in_dim3A_474 = vector.broadcast %add3A_473 : i32 to vector<16xi32>
      %add3A_475 = arith.constant 144 : i32
      %add3A_476 = vector.broadcast %add3A_475 : i32 to vector<16xi32>
      %add3A_477 = arith.addi %iota3A, %add3A_476 : vector<16xi32>
      %gather3A_478 = tpu.vector_load_idx %arg8[%broadcast_in_dim3A_474, %add3A_477] : memref<64x200xi32, #tpu.memory_space<vmem>>[vector<16xi32>, vector<16xi32>], vector<16xi32>,
      %mul3A_479 = arith.constant 400 : i32
      %mul3A_480 = arith.muli %scan3A_296, %mul3A_479 : i32
      %add3A_481 = arith.constant 144 : i32
      %add3A_482 = arith.addi %mul3A_480, %add3A_481 : i32
      %get3A_483 = arith.index_cast %add3A_482 : i32 to index
      %get3A_484 = tpu.vector_load %arg10[%get3A_483] {strides = array<i32>} : memref<12800xi32, #tpu.memory_space<vmem>>, vector<16xi32>,
      %mul3A_485 = arith.constant 5 : i32
      %mul3A_486 = vector.broadcast %mul3A_485 : i32 to vector<16xi32>
      %mul3A_487 = arith.muli %gather3A_478, %mul3A_486 : vector<16xi32>
      %add3A_488 = arith.addi %mul3A_487, %get3A_484 : vector<16xi32>
      %gather3A_489 = tpu.vector_load_idx %arg6[%add3A_488] : memref<64xf32, #tpu.memory_space<vmem>>[vector<16xi32>], vector<16xf32>,
      %add3A_490 = arith.addf %add3A_414, %gather3A_489 : vector<16xf32>
      %add3A_491 = arith.constant 0 : i32
      %add3A_492 = arith.addi %mul3A_302, %add3A_491 : i32
      %broadcast_in_dim3A_493 = vector.broadcast %add3A_492 : i32 to vector<16xi32>
      %add3A_494 = arith.constant 160 : i32
      %add3A_495 = vector.broadcast %add3A_494 : i32 to vector<16xi32>
      %add3A_496 = arith.addi %iota3A, %add3A_495 : vector<16xi32>
      %gather3A_497 = tpu.vector_load_idx %arg8[%broadcast_in_dim3A_493, %add3A_496] : memref<64x200xi32, #tpu.memory_space<vmem>>[vector<16xi32>, vector<16xi32>], vector<16xi32>,
      %mul3A_498 = arith.constant 400 : i32
      %mul3A_499 = arith.muli %scan3A_296, %mul3A_498 : i32
      %add3A_500 = arith.constant 160 : i32
      %add3A_501 = arith.addi %mul3A_499, %add3A_500 : i32
      %get3A_502 = arith.index_cast %add3A_501 : i32 to index
      %get3A_503 = tpu.vector_load %arg10[%get3A_502] {strides = array<i32>} : memref<12800xi32, #tpu.memory_space<vmem>>, vector<16xi32>,
      %mul3A_504 = arith.constant 5 : i32
      %mul3A_505 = vector.broadcast %mul3A_504 : i32 to vector<16xi32>
      %mul3A_506 = arith.muli %gather3A_497, %mul3A_505 : vector<16xi32>
      %add3A_507 = arith.addi %mul3A_506, %get3A_503 : vector<16xi32>
      %gather3A_508 = tpu.vector_load_idx %arg6[%add3A_507] : memref<64xf32, #tpu.memory_space<vmem>>[vector<16xi32>], vector<16xf32>,
      %add3A_509 = arith.addf %add3A_433, %gather3A_508 : vector<16xf32>
      %add3A_510 = arith.constant 0 : i32
      %add3A_511 = arith.addi %mul3A_302, %add3A_510 : i32
      %broadcast_in_dim3A_512 = vector.broadcast %add3A_511 : i32 to vector<16xi32>
      %add3A_513 = arith.constant 176 : i32
      %add3A_514 = vector.broadcast %add3A_513 : i32 to vector<16xi32>
      %add3A_515 = arith.addi %iota3A, %add3A_514 : vector<16xi32>
      %gather3A_516 = tpu.vector_load_idx %arg8[%broadcast_in_dim3A_512, %add3A_515] : memref<64x200xi32, #tpu.memory_space<vmem>>[vector<16xi32>, vector<16xi32>], vector<16xi32>,
      %mul3A_517 = arith.constant 400 : i32
      %mul3A_518 = arith.muli %scan3A_296, %mul3A_517 : i32
      %add3A_519 = arith.constant 176 : i32
      %add3A_520 = arith.addi %mul3A_518, %add3A_519 : i32
      %get3A_521 = arith.index_cast %add3A_520 : i32 to index
      %get3A_522 = tpu.vector_load %arg10[%get3A_521] {strides = array<i32>} : memref<12800xi32, #tpu.memory_space<vmem>>, vector<16xi32>,
      %mul3A_523 = arith.constant 5 : i32
      %mul3A_524 = vector.broadcast %mul3A_523 : i32 to vector<16xi32>
      %mul3A_525 = arith.muli %gather3A_516, %mul3A_524 : vector<16xi32>
      %add3A_526 = arith.addi %mul3A_525, %get3A_522 : vector<16xi32>
      %gather3A_527 = tpu.vector_load_idx %arg6[%add3A_526] : memref<64xf32, #tpu.memory_space<vmem>>[vector<16xi32>], vector<16xf32>,
      %add3A_528 = arith.addf %add3A_452, %gather3A_527 : vector<16xf32>
      %add3A_529 = arith.constant 0 : i32
      %add3A_530 = arith.addi %mul3A_302, %add3A_529 : i32
      %add3A_531 = vector.broadcast %add3A_530 : i32 to vector<16xi32>
      %add3A_532 = arith.addi %convert_element_type3A, %add3A_531 : vector<16xi32>
      %gather3A_533 = tpu.vector_load_idx %arg8[%add3A_532, %select_n3A] : memref<64x200xi32, #tpu.memory_space<vmem>>[vector<16xi32>, vector<16xi32>], vector<16xi32>,
      %mul3A_534 = arith.constant 400 : i32
      %mul3A_535 = arith.muli %scan3A_296, %mul3A_534 : i32
      %add3A_536 = arith.constant 192 : i32
      %add3A_537 = arith.addi %mul3A_535, %add3A_536 : i32
      %get3A_538 = arith.index_cast %add3A_537 : i32 to index
      %get3A_539 = tpu.vector_load %arg10[%get3A_538] {strides = array<i32>} : memref<12800xi32, #tpu.memory_space<vmem>>, vector<16xi32>,
      %mul3A_540 = arith.constant 5 : i32
      %mul3A_541 = vector.broadcast %mul3A_540 : i32 to vector<16xi32>
      %mul3A_542 = arith.muli %gather3A_533, %mul3A_541 : vector<16xi32>
      %add3A_543 = arith.addi %mul3A_542, %get3A_539 : vector<16xi32>
      %gather3A_544 = tpu.vector_load_idx %arg6[%add3A_543] : memref<64xf32, #tpu.memory_space<vmem>>[vector<16xi32>], vector<16xf32>,
      %add3A_545 = arith.addf %add3A_471, %gather3A_544 : vector<16xf32>
      %add3A_546 = arith.constant 1 : i32
      %add3A_547 = arith.addi %mul3A_302, %add3A_546 : i32
      %broadcast_in_dim3A_548 = vector.broadcast %add3A_547 : i32 to vector<16xi32>
      %add3A_549 = arith.constant 8 : i32
      %add3A_550 = vector.broadcast %add3A_549 : i32 to vector<16xi32>
      %add3A_551 = arith.addi %iota3A, %add3A_550 : vector<16xi32>
      %gather3A_552 = tpu.vector_load_idx %arg8[%broadcast_in_dim3A_548, %add3A_551] : memref<64x200xi32, #tpu.memory_space<vmem>>[vector<16xi32>, vector<16xi32>], vector<16xi32>,
      %mul3A_553 = arith.constant 400 : i32
      %mul3A_554 = arith.muli %scan3A_296, %mul3A_553 : i32
      %add3A_555 = arith.constant 208 : i32
      %add3A_556 = arith.addi %mul3A_554, %add3A_555 : i32
      %get3A_557 = arith.index_cast %add3A_556 : i32 to index
      %get3A_558 = tpu.vector_load %arg10[%get3A_557] {strides = array<i32>} : memref<12800xi32, #tpu.memory_space<vmem>>, vector<16xi32>,
      %mul3A_559 = arith.constant 5 : i32
      %mul3A_560 = vector.broadcast %mul3A_559 : i32 to vector<16xi32>
      %mul3A_561 = arith.muli %gather3A_552, %mul3A_560 : vector<16xi32>
      %add3A_562 = arith.addi %mul3A_561, %get3A_558 : vector<16xi32>
      %gather3A_563 = tpu.vector_load_idx %arg6[%add3A_562] : memref<64xf32, #tpu.memory_space<vmem>>[vector<16xi32>], vector<16xf32>,
      %add3A_564 = arith.addf %add3A_490, %gather3A_563 : vector<16xf32>
      %add3A_565 = arith.constant 1 : i32
      %add3A_566 = arith.addi %mul3A_302, %add3A_565 : i32
      %broadcast_in_dim3A_567 = vector.broadcast %add3A_566 : i32 to vector<16xi32>
      %add3A_568 = arith.constant 24 : i32
      %add3A_569 = vector.broadcast %add3A_568 : i32 to vector<16xi32>
      %add3A_570 = arith.addi %iota3A, %add3A_569 : vector<16xi32>
      %gather3A_571 = tpu.vector_load_idx %arg8[%broadcast_in_dim3A_567, %add3A_570] : memref<64x200xi32, #tpu.memory_space<vmem>>[vector<16xi32>, vector<16xi32>], vector<16xi32>,
      %mul3A_572 = arith.constant 400 : i32
      %mul3A_573 = arith.muli %scan3A_296, %mul3A_572 : i32
      %add3A_574 = arith.constant 224 : i32
      %add3A_575 = arith.addi %mul3A_573, %add3A_574 : i32
      %get3A_576 = arith.index_cast %add3A_575 : i32 to index
      %get3A_577 = tpu.vector_load %arg10[%get3A_576] {strides = array<i32>} : memref<12800xi32, #tpu.memory_space<vmem>>, vector<16xi32>,
      %mul3A_578 = arith.constant 5 : i32
      %mul3A_579 = vector.broadcast %mul3A_578 : i32 to vector<16xi32>
      %mul3A_580 = arith.muli %gather3A_571, %mul3A_579 : vector<16xi32>
      %add3A_581 = arith.addi %mul3A_580, %get3A_577 : vector<16xi32>
      %gather3A_582 = tpu.vector_load_idx %arg6[%add3A_581] : memref<64xf32, #tpu.memory_space<vmem>>[vector<16xi32>], vector<16xf32>,
      %add3A_583 = arith.addf %add3A_509, %gather3A_582 : vector<16xf32>
      %add3A_584 = arith.constant 1 : i32
      %add3A_585 = arith.addi %mul3A_302, %add3A_584 : i32
      %broadcast_in_dim3A_586 = vector.broadcast %add3A_585 : i32 to vector<16xi32>
      %add3A_587 = arith.constant 40 : i32
      %add3A_588 = vector.broadcast %add3A_587 : i32 to vector<16xi32>
      %add3A_589 = arith.addi %iota3A, %add3A_588 : vector<16xi32>
      %gather3A_590 = tpu.vector_load_idx %arg8[%broadcast_in_dim3A_586, %add3A_589] : memref<64x200xi32, #tpu.memory_space<vmem>>[vector<16xi32>, vector<16xi32>], vector<16xi32>,
      %mul3A_591 = arith.constant 400 : i32
      %mul3A_592 = arith.muli %scan3A_296, %mul3A_591 : i32
      %add3A_593 = arith.constant 240 : i32
      %add3A_594 = arith.addi %mul3A_592, %add3A_593 : i32
      %get3A_595 = arith.index_cast %add3A_594 : i32 to index
      %get3A_596 = tpu.vector_load %arg10[%get3A_595] {strides = array<i32>} : memref<12800xi32, #tpu.memory_space<vmem>>, vector<16xi32>,
      %mul3A_597 = arith.constant 5 : i32
      %mul3A_598 = vector.broadcast %mul3A_597 : i32 to vector<16xi32>
      %mul3A_599 = arith.muli %gather3A_590, %mul3A_598 : vector<16xi32>
      %add3A_600 = arith.addi %mul3A_599, %get3A_596 : vector<16xi32>
      %gather3A_601 = tpu.vector_load_idx %arg6[%add3A_600] : memref<64xf32, #tpu.memory_space<vmem>>[vector<16xi32>], vector<16xf32>,
      %add3A_602 = arith.addf %add3A_528, %gather3A_601 : vector<16xf32>
      %add3A_603 = arith.constant 1 : i32
      %add3A_604 = arith.addi %mul3A_302, %add3A_603 : i32
      %broadcast_in_dim3A_605 = vector.broadcast %add3A_604 : i32 to vector<16xi32>
      %add3A_606 = arith.constant 56 : i32
      %add3A_607 = vector.broadcast %add3A_606 : i32 to vector<16xi32>
      %add3A_608 = arith.addi %iota3A, %add3A_607 : vector<16xi32>
      %gather3A_609 = tpu.vector_load_idx %arg8[%broadcast_in_dim3A_605, %add3A_608] : memref<64x200xi32, #tpu.memory_space<vmem>>[vector<16xi32>, vector<16xi32>], vector<16xi32>,
      %mul3A_610 = arith.constant 400 : i32
      %mul3A_611 = arith.muli %scan3A_296, %mul3A_610 : i32
      %add3A_612 = arith.constant 256 : i32
      %add3A_613 = arith.addi %mul3A_611, %add3A_612 : i32
      %get3A_614 = arith.index_cast %add3A_613 : i32 to index
      %get3A_615 = tpu.vector_load %arg10[%get3A_614] {strides = array<i32>} : memref<12800xi32, #tpu.memory_space<vmem>>, vector<16xi32>,
      %mul3A_616 = arith.constant 5 : i32
      %mul3A_617 = vector.broadcast %mul3A_616 : i32 to vector<16xi32>
      %mul3A_618 = arith.muli %gather3A_609, %mul3A_617 : vector<16xi32>
      %add3A_619 = arith.addi %mul3A_618, %get3A_615 : vector<16xi32>
      %gather3A_620 = tpu.vector_load_idx %arg6[%add3A_619] : memref<64xf32, #tpu.memory_space<vmem>>[vector<16xi32>], vector<16xf32>,
      %add3A_621 = arith.addf %add3A_545, %gather3A_620 : vector<16xf32>
      %add3A_622 = arith.constant 1 : i32
      %add3A_623 = arith.addi %mul3A_302, %add3A_622 : i32
      %broadcast_in_dim3A_624 = vector.broadcast %add3A_623 : i32 to vector<16xi32>
      %add3A_625 = arith.constant 72 : i32
      %add3A_626 = vector.broadcast %add3A_625 : i32 to vector<16xi32>
      %add3A_627 = arith.addi %iota3A, %add3A_626 : vector<16xi32>
      %gather3A_628 = tpu.vector_load_idx %arg8[%broadcast_in_dim3A_624, %add3A_627] : memref<64x200xi32, #tpu.memory_space<vmem>>[vector<16xi32>, vector<16xi32>], vector<16xi32>,
      %mul3A_629 = arith.constant 400 : i32
      %mul3A_630 = arith.muli %scan3A_296, %mul3A_629 : i32
      %add3A_631 = arith.constant 272 : i32
      %add3A_632 = arith.addi %mul3A_630, %add3A_631 : i32
      %get3A_633 = arith.index_cast %add3A_632 : i32 to index
      %get3A_634 = tpu.vector_load %arg10[%get3A_633] {strides = array<i32>} : memref<12800xi32, #tpu.memory_space<vmem>>, vector<16xi32>,
      %mul3A_635 = arith.constant 5 : i32
      %mul3A_636 = vector.broadcast %mul3A_635 : i32 to vector<16xi32>
      %mul3A_637 = arith.muli %gather3A_628, %mul3A_636 : vector<16xi32>
      %add3A_638 = arith.addi %mul3A_637, %get3A_634 : vector<16xi32>
      %gather3A_639 = tpu.vector_load_idx %arg6[%add3A_638] : memref<64xf32, #tpu.memory_space<vmem>>[vector<16xi32>], vector<16xf32>,
      %add3A_640 = arith.addf %add3A_564, %gather3A_639 : vector<16xf32>
      %add3A_641 = arith.constant 1 : i32
      %add3A_642 = arith.addi %mul3A_302, %add3A_641 : i32
      %broadcast_in_dim3A_643 = vector.broadcast %add3A_642 : i32 to vector<16xi32>
      %add3A_644 = arith.constant 88 : i32
      %add3A_645 = vector.broadcast %add3A_644 : i32 to vector<16xi32>
      %add3A_646 = arith.addi %iota3A, %add3A_645 : vector<16xi32>
      %gather3A_647 = tpu.vector_load_idx %arg8[%broadcast_in_dim3A_643, %add3A_646] : memref<64x200xi32, #tpu.memory_space<vmem>>[vector<16xi32>, vector<16xi32>], vector<16xi32>,
      %mul3A_648 = arith.constant 400 : i32
      %mul3A_649 = arith.muli %scan3A_296, %mul3A_648 : i32
      %add3A_650 = arith.constant 288 : i32
      %add3A_651 = arith.addi %mul3A_649, %add3A_650 : i32
      %get3A_652 = arith.index_cast %add3A_651 : i32 to index
      %get3A_653 = tpu.vector_load %arg10[%get3A_652] {strides = array<i32>} : memref<12800xi32, #tpu.memory_space<vmem>>, vector<16xi32>,
      %mul3A_654 = arith.constant 5 : i32
      %mul3A_655 = vector.broadcast %mul3A_654 : i32 to vector<16xi32>
      %mul3A_656 = arith.muli %gather3A_647, %mul3A_655 : vector<16xi32>
      %add3A_657 = arith.addi %mul3A_656, %get3A_653 : vector<16xi32>
      %gather3A_658 = tpu.vector_load_idx %arg6[%add3A_657] : memref<64xf32, #tpu.memory_space<vmem>>[vector<16xi32>], vector<16xf32>,
      %add3A_659 = arith.addf %add3A_583, %gather3A_658 : vector<16xf32>
      %add3A_660 = arith.constant 1 : i32
      %add3A_661 = arith.addi %mul3A_302, %add3A_660 : i32
      %broadcast_in_dim3A_662 = vector.broadcast %add3A_661 : i32 to vector<16xi32>
      %add3A_663 = arith.constant 104 : i32
      %add3A_664 = vector.broadcast %add3A_663 : i32 to vector<16xi32>
      %add3A_665 = arith.addi %iota3A, %add3A_664 : vector<16xi32>
      %gather3A_666 = tpu.vector_load_idx %arg8[%broadcast_in_dim3A_662, %add3A_665] : memref<64x200xi32, #tpu.memory_space<vmem>>[vector<16xi32>, vector<16xi32>], vector<16xi32>,
      %mul3A_667 = arith.constant 400 : i32
      %mul3A_668 = arith.muli %scan3A_296, %mul3A_667 : i32
      %add3A_669 = arith.constant 304 : i32
      %add3A_670 = arith.addi %mul3A_668, %add3A_669 : i32
      %get3A_671 = arith.index_cast %add3A_670 : i32 to index
      %get3A_672 = tpu.vector_load %arg10[%get3A_671] {strides = array<i32>} : memref<12800xi32, #tpu.memory_space<vmem>>, vector<16xi32>,
      %mul3A_673 = arith.constant 5 : i32
      %mul3A_674 = vector.broadcast %mul3A_673 : i32 to vector<16xi32>
      %mul3A_675 = arith.muli %gather3A_666, %mul3A_674 : vector<16xi32>
      %add3A_676 = arith.addi %mul3A_675, %get3A_672 : vector<16xi32>
      %gather3A_677 = tpu.vector_load_idx %arg6[%add3A_676] : memref<64xf32, #tpu.memory_space<vmem>>[vector<16xi32>], vector<16xf32>,
      %add3A_678 = arith.addf %add3A_602, %gather3A_677 : vector<16xf32>
      %add3A_679 = arith.constant 1 : i32
      %add3A_680 = arith.addi %mul3A_302, %add3A_679 : i32
      %broadcast_in_dim3A_681 = vector.broadcast %add3A_680 : i32 to vector<16xi32>
      %add3A_682 = arith.constant 120 : i32
      %add3A_683 = vector.broadcast %add3A_682 : i32 to vector<16xi32>
      %add3A_684 = arith.addi %iota3A, %add3A_683 : vector<16xi32>
      %gather3A_685 = tpu.vector_load_idx %arg8[%broadcast_in_dim3A_681, %add3A_684] : memref<64x200xi32, #tpu.memory_space<vmem>>[vector<16xi32>, vector<16xi32>], vector<16xi32>,
      %mul3A_686 = arith.constant 400 : i32
      %mul3A_687 = arith.muli %scan3A_296, %mul3A_686 : i32
      %add3A_688 = arith.constant 320 : i32
      %add3A_689 = arith.addi %mul3A_687, %add3A_688 : i32
      %get3A_690 = arith.index_cast %add3A_689 : i32 to index
      %get3A_691 = tpu.vector_load %arg10[%get3A_690] {strides = array<i32>} : memref<12800xi32, #tpu.memory_space<vmem>>, vector<16xi32>,
      %mul3A_692 = arith.constant 5 : i32
      %mul3A_693 = vector.broadcast %mul3A_692 : i32 to vector<16xi32>
      %mul3A_694 = arith.muli %gather3A_685, %mul3A_693 : vector<16xi32>
      %add3A_695 = arith.addi %mul3A_694, %get3A_691 : vector<16xi32>
      %gather3A_696 = tpu.vector_load_idx %arg6[%add3A_695] : memref<64xf32, #tpu.memory_space<vmem>>[vector<16xi32>], vector<16xf32>,
      %add3A_697 = arith.addf %add3A_621, %gather3A_696 : vector<16xf32>
      %add3A_698 = arith.constant 1 : i32
      %add3A_699 = arith.addi %mul3A_302, %add3A_698 : i32
      %broadcast_in_dim3A_700 = vector.broadcast %add3A_699 : i32 to vector<16xi32>
      %add3A_701 = arith.constant 136 : i32
      %add3A_702 = vector.broadcast %add3A_701 : i32 to vector<16xi32>
      %add3A_703 = arith.addi %iota3A, %add3A_702 : vector<16xi32>
      %gather3A_704 = tpu.vector_load_idx %arg8[%broadcast_in_dim3A_700, %add3A_703] : memref<64x200xi32, #tpu.memory_space<vmem>>[vector<16xi32>, vector<16xi32>], vector<16xi32>,
      %mul3A_705 = arith.constant 400 : i32
      %mul3A_706 = arith.muli %scan3A_296, %mul3A_705 : i32
      %add3A_707 = arith.constant 336 : i32
      %add3A_708 = arith.addi %mul3A_706, %add3A_707 : i32
      %get3A_709 = arith.index_cast %add3A_708 : i32 to index
      %get3A_710 = tpu.vector_load %arg10[%get3A_709] {strides = array<i32>} : memref<12800xi32, #tpu.memory_space<vmem>>, vector<16xi32>,
      %mul3A_711 = arith.constant 5 : i32
      %mul3A_712 = vector.broadcast %mul3A_711 : i32 to vector<16xi32>
      %mul3A_713 = arith.muli %gather3A_704, %mul3A_712 : vector<16xi32>
      %add3A_714 = arith.addi %mul3A_713, %get3A_710 : vector<16xi32>
      %gather3A_715 = tpu.vector_load_idx %arg6[%add3A_714] : memref<64xf32, #tpu.memory_space<vmem>>[vector<16xi32>], vector<16xf32>,
      %add3A_716 = arith.addf %add3A_640, %gather3A_715 : vector<16xf32>
      %add3A_717 = arith.constant 1 : i32
      %add3A_718 = arith.addi %mul3A_302, %add3A_717 : i32
      %broadcast_in_dim3A_719 = vector.broadcast %add3A_718 : i32 to vector<16xi32>
      %add3A_720 = arith.constant 152 : i32
      %add3A_721 = vector.broadcast %add3A_720 : i32 to vector<16xi32>
      %add3A_722 = arith.addi %iota3A, %add3A_721 : vector<16xi32>
      %gather3A_723 = tpu.vector_load_idx %arg8[%broadcast_in_dim3A_719, %add3A_722] : memref<64x200xi32, #tpu.memory_space<vmem>>[vector<16xi32>, vector<16xi32>], vector<16xi32>,
      %mul3A_724 = arith.constant 400 : i32
      %mul3A_725 = arith.muli %scan3A_296, %mul3A_724 : i32
      %add3A_726 = arith.constant 352 : i32
      %add3A_727 = arith.addi %mul3A_725, %add3A_726 : i32
      %get3A_728 = arith.index_cast %add3A_727 : i32 to index
      %get3A_729 = tpu.vector_load %arg10[%get3A_728] {strides = array<i32>} : memref<12800xi32, #tpu.memory_space<vmem>>, vector<16xi32>,
      %mul3A_730 = arith.constant 5 : i32
      %mul3A_731 = vector.broadcast %mul3A_730 : i32 to vector<16xi32>
      %mul3A_732 = arith.muli %gather3A_723, %mul3A_731 : vector<16xi32>
      %add3A_733 = arith.addi %mul3A_732, %get3A_729 : vector<16xi32>
      %gather3A_734 = tpu.vector_load_idx %arg6[%add3A_733] : memref<64xf32, #tpu.memory_space<vmem>>[vector<16xi32>], vector<16xf32>,
      %add3A_735 = arith.addf %add3A_659, %gather3A_734 : vector<16xf32>
      %add3A_736 = arith.constant 1 : i32
      %add3A_737 = arith.addi %mul3A_302, %add3A_736 : i32
      %broadcast_in_dim3A_738 = vector.broadcast %add3A_737 : i32 to vector<16xi32>
      %add3A_739 = arith.constant 168 : i32
      %add3A_740 = vector.broadcast %add3A_739 : i32 to vector<16xi32>
      %add3A_741 = arith.addi %iota3A, %add3A_740 : vector<16xi32>
      %gather3A_742 = tpu.vector_load_idx %arg8[%broadcast_in_dim3A_738, %add3A_741] : memref<64x200xi32, #tpu.memory_space<vmem>>[vector<16xi32>, vector<16xi32>], vector<16xi32>,
      %mul3A_743 = arith.constant 400 : i32
      %mul3A_744 = arith.muli %scan3A_296, %mul3A_743 : i32
      %add3A_745 = arith.constant 368 : i32
      %add3A_746 = arith.addi %mul3A_744, %add3A_745 : i32
      %get3A_747 = arith.index_cast %add3A_746 : i32 to index
      %get3A_748 = tpu.vector_load %arg10[%get3A_747] {strides = array<i32>} : memref<12800xi32, #tpu.memory_space<vmem>>, vector<16xi32>,
      %mul3A_749 = arith.constant 5 : i32
      %mul3A_750 = vector.broadcast %mul3A_749 : i32 to vector<16xi32>
      %mul3A_751 = arith.muli %gather3A_742, %mul3A_750 : vector<16xi32>
      %add3A_752 = arith.addi %mul3A_751, %get3A_748 : vector<16xi32>
      %gather3A_753 = tpu.vector_load_idx %arg6[%add3A_752] : memref<64xf32, #tpu.memory_space<vmem>>[vector<16xi32>], vector<16xf32>,
      %add3A_754 = arith.addf %add3A_678, %gather3A_753 : vector<16xf32>
      %add3A_755 = arith.constant 1 : i32
      %add3A_756 = arith.addi %mul3A_302, %add3A_755 : i32
      %broadcast_in_dim3A_757 = vector.broadcast %add3A_756 : i32 to vector<16xi32>
      %add3A_758 = arith.constant 184 : i32
      %add3A_759 = vector.broadcast %add3A_758 : i32 to vector<16xi32>
      %add3A_760 = arith.addi %iota3A, %add3A_759 : vector<16xi32>
      %gather3A_761 = tpu.vector_load_idx %arg8[%broadcast_in_dim3A_757, %add3A_760] : memref<64x200xi32, #tpu.memory_space<vmem>>[vector<16xi32>, vector<16xi32>], vector<16xi32>,
      %mul3A_762 = arith.constant 400 : i32
      %mul3A_763 = arith.muli %scan3A_296, %mul3A_762 : i32
      %add3A_764 = arith.constant 384 : i32
      %add3A_765 = arith.addi %mul3A_763, %add3A_764 : i32
      %get3A_766 = arith.index_cast %add3A_765 : i32 to index
      %get3A_767 = tpu.vector_load %arg10[%get3A_766] {strides = array<i32>} : memref<12800xi32, #tpu.memory_space<vmem>>, vector<16xi32>,
      %mul3A_768 = arith.constant 5 : i32
      %mul3A_769 = vector.broadcast %mul3A_768 : i32 to vector<16xi32>
      %mul3A_770 = arith.muli %gather3A_761, %mul3A_769 : vector<16xi32>
      %add3A_771 = arith.addi %mul3A_770, %get3A_767 : vector<16xi32>
      %gather3A_772 = tpu.vector_load_idx %arg6[%add3A_771] : memref<64xf32, #tpu.memory_space<vmem>>[vector<16xi32>], vector<16xf32>,
      %add3A_773 = arith.addf %add3A_697, %gather3A_772 : vector<16xf32>
      scf.yield %add3A_773, %add3A_716, %add3A_735, %add3A_754 : vector<16xf32>, vector<16xf32>, vector<16xf32>, vector<16xf32>
    }
    %scan3A_101 = arith.constant 32 : i32
    %add3A_102 = arith.constant 192 : i32
    %add3A_103 = arith.addi %mul3A_2, %add3A_102 : i32
    %dma_start3A_104 = arith.constant 1 : i32
    %dma_start3A_105 = arith.constant 0 : i32
    %dma_start3A_106 = tpu.memref_slice %arg2[%add3A_103, %dma_start3A_105] : memref<16384x200xi32, #tpu.memory_space<hbm>> -> memref<64x200xi32, #tpu.memory_space<hbm>>
    %dma_start3A_107 = tpu.memref_slice %arg12[%dma_start3A_104] : memref<2x!tpu.dma_semaphore, #tpu.memory_space<semaphore_mem>> -> memref<1x!tpu.dma_semaphore, #tpu.memory_space<semaphore_mem>>
    %dma_start3A_108 = tpu.memref_squeeze %dma_start3A_107 : memref<1x!tpu.dma_semaphore, #tpu.memory_space<semaphore_mem>> -> memref<!tpu.dma_semaphore, #tpu.memory_space<semaphore_mem>>
    %dma_start3A_109 = arith.constant 0 : i32
    %dma_start3A_110 = tpu.memref_slice %arg2[%add3A_103, %dma_start3A_109] : memref<16384x200xi32, #tpu.memory_space<hbm>> -> memref<64x200xi32, #tpu.memory_space<hbm>>
    tpu.enqueue_dma source(%dma_start3A_110 : memref<64x200xi32, #tpu.memory_space<hbm>>) target(%arg8 : memref<64x200xi32, #tpu.memory_space<vmem>>) target_semaphore(%dma_start3A_108 : memref<!tpu.dma_semaphore, #tpu.memory_space<semaphore_mem>>)
    %add3A_111 = arith.constant 38400 : i32
    %add3A_112 = arith.addi %mul3A_4, %add3A_111 : i32
    %dma_start3A_113 = arith.constant 1 : i32
    %dma_start3A_114 = tpu.memref_slice %arg3[%add3A_112] : memref<3276800xi32, #tpu.memory_space<hbm>> -> memref<12800xi32, #tpu.memory_space<hbm>>
    %dma_start3A_115 = tpu.memref_slice %arg13[%dma_start3A_113] : memref<2x!tpu.dma_semaphore, #tpu.memory_space<semaphore_mem>> -> memref<1x!tpu.dma_semaphore, #tpu.memory_space<semaphore_mem>>
    %dma_start3A_116 = tpu.memref_squeeze %dma_start3A_115 : memref<1x!tpu.dma_semaphore, #tpu.memory_space<semaphore_mem>> -> memref<!tpu.dma_semaphore, #tpu.memory_space<semaphore_mem>>
    %dma_start3A_117 = tpu.memref_slice %arg3[%add3A_112] : memref<3276800xi32, #tpu.memory_space<hbm>> -> memref<12800xi32, #tpu.memory_space<hbm>>
    tpu.enqueue_dma source(%dma_start3A_117 : memref<12800xi32, #tpu.memory_space<hbm>>) target(%arg10 : memref<12800xi32, #tpu.memory_space<vmem>>) target_semaphore(%dma_start3A_116 : memref<!tpu.dma_semaphore, #tpu.memory_space<semaphore_mem>>)
    %dma_wait3A_118 = arith.constant 0 : i32
    %dma_wait3A_119 = arith.constant 0 : i32
    %dma_wait3A_120 = tpu.memref_slice %arg2[%add3A_69, %dma_wait3A_119] : memref<16384x200xi32, #tpu.memory_space<hbm>> -> memref<64x200xi32, #tpu.memory_space<hbm>>
    %dma_wait3A_121 = tpu.memref_slice %arg12[%dma_wait3A_118] : memref<2x!tpu.dma_semaphore, #tpu.memory_space<semaphore_mem>> -> memref<1x!tpu.dma_semaphore, #tpu.memory_space<semaphore_mem>>
    %dma_wait3A_122 = tpu.memref_squeeze %dma_wait3A_121 : memref<1x!tpu.dma_semaphore, #tpu.memory_space<semaphore_mem>> -> memref<!tpu.dma_semaphore, #tpu.memory_space<semaphore_mem>>
    %dma_wait3A_123 = arith.constant 0 : i32
    %dma_wait3A_124 = tpu.memref_slice %arg2[%add3A_69, %dma_wait3A_123] : memref<16384x200xi32, #tpu.memory_space<hbm>> -> memref<64x200xi32, #tpu.memory_space<hbm>>
    tpu.wait_dma2 semaphore(%dma_wait3A_122 : memref<!tpu.dma_semaphore, #tpu.memory_space<semaphore_mem>>) src(%dma_wait3A_124 : memref<64x200xi32, #tpu.memory_space<hbm>>) dst(%arg7 : memref<64x200xi32, #tpu.memory_space<vmem>>)
    %dma_wait3A_125 = arith.constant 0 : i32
    %dma_wait3A_126 = tpu.memref_slice %arg3[%add3A_78] : memref<3276800xi32, #tpu.memory_space<hbm>> -> memref<12800xi32, #tpu.memory_space<hbm>>
    %dma_wait3A_127 = tpu.memref_slice %arg13[%dma_wait3A_125] : memref<2x!tpu.dma_semaphore, #tpu.memory_space<semaphore_mem>> -> memref<1x!tpu.dma_semaphore, #tpu.memory_space<semaphore_mem>>
    %dma_wait3A_128 = tpu.memref_squeeze %dma_wait3A_127 : memref<1x!tpu.dma_semaphore, #tpu.memory_space<semaphore_mem>> -> memref<!tpu.dma_semaphore, #tpu.memory_space<semaphore_mem>>
    %dma_wait3A_129 = tpu.memref_slice %arg3[%add3A_78] : memref<3276800xi32, #tpu.memory_space<hbm>> -> memref<12800xi32, #tpu.memory_space<hbm>>
    tpu.wait_dma2 semaphore(%dma_wait3A_128 : memref<!tpu.dma_semaphore, #tpu.memory_space<semaphore_mem>>) src(%dma_wait3A_129 : memref<12800xi32, #tpu.memory_space<hbm>>) dst(%arg9 : memref<12800xi32, #tpu.memory_space<vmem>>)
    %scan3A_130 = arith.constant 0 : i32
    %scan3A_131 = arith.constant 32 : i32
    %scan3A_132 = arith.addi %scan3A_130, %scan3A_131 : i32
    %scan3A_133 = arith.constant 1 : i32
    %scan3A_134:4 = scf.for %scan3A_296 = %scan3A_130 to %scan3A_132 step %scan3A_133 iter_args(%scan3A_297 = %scan3A_100#0, %scan3A_298 = %scan3A_100#1, %scan3A_299 = %scan3A_100#2, %scan3A_300 = %scan3A_100#3) -> (vector<16xf32>, vector<16xf32>, vector<16xf32>, vector<16xf32>)  : i32 {
      %mul3A_301 = arith.constant 2 : i32
      %mul3A_302 = arith.muli %mul3A_301, %scan3A_296 : i32
      %add3A_303 = arith.constant 0 : i32
      %add3A_304 = arith.addi %mul3A_302, %add3A_303 : i32
      %broadcast_in_dim3A_305 = vector.broadcast %add3A_304 : i32 to vector<16xi32>
      %add3A_306 = arith.constant 0 : i32
      %add3A_307 = vector.broadcast %add3A_306 : i32 to vector<16xi32>
      %add3A_308 = arith.addi %iota3A, %add3A_307 : vector<16xi32>
      %gather3A = tpu.vector_load_idx %arg7[%broadcast_in_dim3A_305, %add3A_308] : memref<64x200xi32, #tpu.memory_space<vmem>>[vector<16xi32>, vector<16xi32>], vector<16xi32>,
      %mul3A_309 = arith.constant 400 : i32
      %mul3A_310 = arith.muli %scan3A_296, %mul3A_309 : i32
      %add3A_311 = arith.constant 0 : i32
      %add3A_312 = arith.addi %mul3A_310, %add3A_311 : i32
      %get3A = arith.index_cast %add3A_312 : i32 to index
      %get3A_313 = tpu.vector_load %arg9[%get3A] {strides = array<i32>} : memref<12800xi32, #tpu.memory_space<vmem>>, vector<16xi32>,
      %mul3A_314 = arith.constant 5 : i32
      %mul3A_315 = vector.broadcast %mul3A_314 : i32 to vector<16xi32>
      %mul3A_316 = arith.muli %gather3A, %mul3A_315 : vector<16xi32>
      %add3A_317 = arith.addi %mul3A_316, %get3A_313 : vector<16xi32>
      %gather3A_318 = tpu.vector_load_idx %arg6[%add3A_317] : memref<64xf32, #tpu.memory_space<vmem>>[vector<16xi32>], vector<16xf32>,
      %add3A_319 = arith.addf %scan3A_297, %gather3A_318 : vector<16xf32>
      %add3A_320 = arith.constant 0 : i32
      %add3A_321 = arith.addi %mul3A_302, %add3A_320 : i32
      %broadcast_in_dim3A_322 = vector.broadcast %add3A_321 : i32 to vector<16xi32>
      %add3A_323 = arith.constant 16 : i32
      %add3A_324 = vector.broadcast %add3A_323 : i32 to vector<16xi32>
      %add3A_325 = arith.addi %iota3A, %add3A_324 : vector<16xi32>
      %gather3A_326 = tpu.vector_load_idx %arg7[%broadcast_in_dim3A_322, %add3A_325] : memref<64x200xi32, #tpu.memory_space<vmem>>[vector<16xi32>, vector<16xi32>], vector<16xi32>,
      %mul3A_327 = arith.constant 400 : i32
      %mul3A_328 = arith.muli %scan3A_296, %mul3A_327 : i32
      %add3A_329 = arith.constant 16 : i32
      %add3A_330 = arith.addi %mul3A_328, %add3A_329 : i32
      %get3A_331 = arith.index_cast %add3A_330 : i32 to index
      %get3A_332 = tpu.vector_load %arg9[%get3A_331] {strides = array<i32>} : memref<12800xi32, #tpu.memory_space<vmem>>, vector<16xi32>,
      %mul3A_333 = arith.constant 5 : i32
      %mul3A_334 = vector.broadcast %mul3A_333 : i32 to vector<16xi32>
      %mul3A_335 = arith.muli %gather3A_326, %mul3A_334 : vector<16xi32>
      %add3A_336 = arith.addi %mul3A_335, %get3A_332 : vector<16xi32>
      %gather3A_337 = tpu.vector_load_idx %arg6[%add3A_336] : memref<64xf32, #tpu.memory_space<vmem>>[vector<16xi32>], vector<16xf32>,
      %add3A_338 = arith.addf %scan3A_298, %gather3A_337 : vector<16xf32>
      %add3A_339 = arith.constant 0 : i32
      %add3A_340 = arith.addi %mul3A_302, %add3A_339 : i32
      %broadcast_in_dim3A_341 = vector.broadcast %add3A_340 : i32 to vector<16xi32>
      %add3A_342 = arith.constant 32 : i32
      %add3A_343 = vector.broadcast %add3A_342 : i32 to vector<16xi32>
      %add3A_344 = arith.addi %iota3A, %add3A_343 : vector<16xi32>
      %gather3A_345 = tpu.vector_load_idx %arg7[%broadcast_in_dim3A_341, %add3A_344] : memref<64x200xi32, #tpu.memory_space<vmem>>[vector<16xi32>, vector<16xi32>], vector<16xi32>,
      %mul3A_346 = arith.constant 400 : i32
      %mul3A_347 = arith.muli %scan3A_296, %mul3A_346 : i32
      %add3A_348 = arith.constant 32 : i32
      %add3A_349 = arith.addi %mul3A_347, %add3A_348 : i32
      %get3A_350 = arith.index_cast %add3A_349 : i32 to index
      %get3A_351 = tpu.vector_load %arg9[%get3A_350] {strides = array<i32>} : memref<12800xi32, #tpu.memory_space<vmem>>, vector<16xi32>,
      %mul3A_352 = arith.constant 5 : i32
      %mul3A_353 = vector.broadcast %mul3A_352 : i32 to vector<16xi32>
      %mul3A_354 = arith.muli %gather3A_345, %mul3A_353 : vector<16xi32>
      %add3A_355 = arith.addi %mul3A_354, %get3A_351 : vector<16xi32>
      %gather3A_356 = tpu.vector_load_idx %arg6[%add3A_355] : memref<64xf32, #tpu.memory_space<vmem>>[vector<16xi32>], vector<16xf32>,
      %add3A_357 = arith.addf %scan3A_299, %gather3A_356 : vector<16xf32>
      %add3A_358 = arith.constant 0 : i32
      %add3A_359 = arith.addi %mul3A_302, %add3A_358 : i32
      %broadcast_in_dim3A_360 = vector.broadcast %add3A_359 : i32 to vector<16xi32>
      %add3A_361 = arith.constant 48 : i32
      %add3A_362 = vector.broadcast %add3A_361 : i32 to vector<16xi32>
      %add3A_363 = arith.addi %iota3A, %add3A_362 : vector<16xi32>
      %gather3A_364 = tpu.vector_load_idx %arg7[%broadcast_in_dim3A_360, %add3A_363] : memref<64x200xi32, #tpu.memory_space<vmem>>[vector<16xi32>, vector<16xi32>], vector<16xi32>,
      %mul3A_365 = arith.constant 400 : i32
      %mul3A_366 = arith.muli %scan3A_296, %mul3A_365 : i32
      %add3A_367 = arith.constant 48 : i32
      %add3A_368 = arith.addi %mul3A_366, %add3A_367 : i32
      %get3A_369 = arith.index_cast %add3A_368 : i32 to index
      %get3A_370 = tpu.vector_load %arg9[%get3A_369] {strides = array<i32>} : memref<12800xi32, #tpu.memory_space<vmem>>, vector<16xi32>,
      %mul3A_371 = arith.constant 5 : i32
      %mul3A_372 = vector.broadcast %mul3A_371 : i32 to vector<16xi32>
      %mul3A_373 = arith.muli %gather3A_364, %mul3A_372 : vector<16xi32>
      %add3A_374 = arith.addi %mul3A_373, %get3A_370 : vector<16xi32>
      %gather3A_375 = tpu.vector_load_idx %arg6[%add3A_374] : memref<64xf32, #tpu.memory_space<vmem>>[vector<16xi32>], vector<16xf32>,
      %add3A_376 = arith.addf %scan3A_300, %gather3A_375 : vector<16xf32>
      %add3A_377 = arith.constant 0 : i32
      %add3A_378 = arith.addi %mul3A_302, %add3A_377 : i32
      %broadcast_in_dim3A_379 = vector.broadcast %add3A_378 : i32 to vector<16xi32>
      %add3A_380 = arith.constant 64 : i32
      %add3A_381 = vector.broadcast %add3A_380 : i32 to vector<16xi32>
      %add3A_382 = arith.addi %iota3A, %add3A_381 : vector<16xi32>
      %gather3A_383 = tpu.vector_load_idx %arg7[%broadcast_in_dim3A_379, %add3A_382] : memref<64x200xi32, #tpu.memory_space<vmem>>[vector<16xi32>, vector<16xi32>], vector<16xi32>,
      %mul3A_384 = arith.constant 400 : i32
      %mul3A_385 = arith.muli %scan3A_296, %mul3A_384 : i32
      %add3A_386 = arith.constant 64 : i32
      %add3A_387 = arith.addi %mul3A_385, %add3A_386 : i32
      %get3A_388 = arith.index_cast %add3A_387 : i32 to index
      %get3A_389 = tpu.vector_load %arg9[%get3A_388] {strides = array<i32>} : memref<12800xi32, #tpu.memory_space<vmem>>, vector<16xi32>,
      %mul3A_390 = arith.constant 5 : i32
      %mul3A_391 = vector.broadcast %mul3A_390 : i32 to vector<16xi32>
      %mul3A_392 = arith.muli %gather3A_383, %mul3A_391 : vector<16xi32>
      %add3A_393 = arith.addi %mul3A_392, %get3A_389 : vector<16xi32>
      %gather3A_394 = tpu.vector_load_idx %arg6[%add3A_393] : memref<64xf32, #tpu.memory_space<vmem>>[vector<16xi32>], vector<16xf32>,
      %add3A_395 = arith.addf %add3A_319, %gather3A_394 : vector<16xf32>
      %add3A_396 = arith.constant 0 : i32
      %add3A_397 = arith.addi %mul3A_302, %add3A_396 : i32
      %broadcast_in_dim3A_398 = vector.broadcast %add3A_397 : i32 to vector<16xi32>
      %add3A_399 = arith.constant 80 : i32
      %add3A_400 = vector.broadcast %add3A_399 : i32 to vector<16xi32>
      %add3A_401 = arith.addi %iota3A, %add3A_400 : vector<16xi32>
      %gather3A_402 = tpu.vector_load_idx %arg7[%broadcast_in_dim3A_398, %add3A_401] : memref<64x200xi32, #tpu.memory_space<vmem>>[vector<16xi32>, vector<16xi32>], vector<16xi32>,
      %mul3A_403 = arith.constant 400 : i32
      %mul3A_404 = arith.muli %scan3A_296, %mul3A_403 : i32
      %add3A_405 = arith.constant 80 : i32
      %add3A_406 = arith.addi %mul3A_404, %add3A_405 : i32
      %get3A_407 = arith.index_cast %add3A_406 : i32 to index
      %get3A_408 = tpu.vector_load %arg9[%get3A_407] {strides = array<i32>} : memref<12800xi32, #tpu.memory_space<vmem>>, vector<16xi32>,
      %mul3A_409 = arith.constant 5 : i32
      %mul3A_410 = vector.broadcast %mul3A_409 : i32 to vector<16xi32>
      %mul3A_411 = arith.muli %gather3A_402, %mul3A_410 : vector<16xi32>
      %add3A_412 = arith.addi %mul3A_411, %get3A_408 : vector<16xi32>
      %gather3A_413 = tpu.vector_load_idx %arg6[%add3A_412] : memref<64xf32, #tpu.memory_space<vmem>>[vector<16xi32>], vector<16xf32>,
      %add3A_414 = arith.addf %add3A_338, %gather3A_413 : vector<16xf32>
      %add3A_415 = arith.constant 0 : i32
      %add3A_416 = arith.addi %mul3A_302, %add3A_415 : i32
      %broadcast_in_dim3A_417 = vector.broadcast %add3A_416 : i32 to vector<16xi32>
      %add3A_418 = arith.constant 96 : i32
      %add3A_419 = vector.broadcast %add3A_418 : i32 to vector<16xi32>
      %add3A_420 = arith.addi %iota3A, %add3A_419 : vector<16xi32>
      %gather3A_421 = tpu.vector_load_idx %arg7[%broadcast_in_dim3A_417, %add3A_420] : memref<64x200xi32, #tpu.memory_space<vmem>>[vector<16xi32>, vector<16xi32>], vector<16xi32>,
      %mul3A_422 = arith.constant 400 : i32
      %mul3A_423 = arith.muli %scan3A_296, %mul3A_422 : i32
      %add3A_424 = arith.constant 96 : i32
      %add3A_425 = arith.addi %mul3A_423, %add3A_424 : i32
      %get3A_426 = arith.index_cast %add3A_425 : i32 to index
      %get3A_427 = tpu.vector_load %arg9[%get3A_426] {strides = array<i32>} : memref<12800xi32, #tpu.memory_space<vmem>>, vector<16xi32>,
      %mul3A_428 = arith.constant 5 : i32
      %mul3A_429 = vector.broadcast %mul3A_428 : i32 to vector<16xi32>
      %mul3A_430 = arith.muli %gather3A_421, %mul3A_429 : vector<16xi32>
      %add3A_431 = arith.addi %mul3A_430, %get3A_427 : vector<16xi32>
      %gather3A_432 = tpu.vector_load_idx %arg6[%add3A_431] : memref<64xf32, #tpu.memory_space<vmem>>[vector<16xi32>], vector<16xf32>,
      %add3A_433 = arith.addf %add3A_357, %gather3A_432 : vector<16xf32>
      %add3A_434 = arith.constant 0 : i32
      %add3A_435 = arith.addi %mul3A_302, %add3A_434 : i32
      %broadcast_in_dim3A_436 = vector.broadcast %add3A_435 : i32 to vector<16xi32>
      %add3A_437 = arith.constant 112 : i32
      %add3A_438 = vector.broadcast %add3A_437 : i32 to vector<16xi32>
      %add3A_439 = arith.addi %iota3A, %add3A_438 : vector<16xi32>
      %gather3A_440 = tpu.vector_load_idx %arg7[%broadcast_in_dim3A_436, %add3A_439] : memref<64x200xi32, #tpu.memory_space<vmem>>[vector<16xi32>, vector<16xi32>], vector<16xi32>,
      %mul3A_441 = arith.constant 400 : i32
      %mul3A_442 = arith.muli %scan3A_296, %mul3A_441 : i32
      %add3A_443 = arith.constant 112 : i32
      %add3A_444 = arith.addi %mul3A_442, %add3A_443 : i32
      %get3A_445 = arith.index_cast %add3A_444 : i32 to index
      %get3A_446 = tpu.vector_load %arg9[%get3A_445] {strides = array<i32>} : memref<12800xi32, #tpu.memory_space<vmem>>, vector<16xi32>,
      %mul3A_447 = arith.constant 5 : i32
      %mul3A_448 = vector.broadcast %mul3A_447 : i32 to vector<16xi32>
      %mul3A_449 = arith.muli %gather3A_440, %mul3A_448 : vector<16xi32>
      %add3A_450 = arith.addi %mul3A_449, %get3A_446 : vector<16xi32>
      %gather3A_451 = tpu.vector_load_idx %arg6[%add3A_450] : memref<64xf32, #tpu.memory_space<vmem>>[vector<16xi32>], vector<16xf32>,
      %add3A_452 = arith.addf %add3A_376, %gather3A_451 : vector<16xf32>
      %add3A_453 = arith.constant 0 : i32
      %add3A_454 = arith.addi %mul3A_302, %add3A_453 : i32
      %broadcast_in_dim3A_455 = vector.broadcast %add3A_454 : i32 to vector<16xi32>
      %add3A_456 = arith.constant 128 : i32
      %add3A_457 = vector.broadcast %add3A_456 : i32 to vector<16xi32>
      %add3A_458 = arith.addi %iota3A, %add3A_457 : vector<16xi32>
      %gather3A_459 = tpu.vector_load_idx %arg7[%broadcast_in_dim3A_455, %add3A_458] : memref<64x200xi32, #tpu.memory_space<vmem>>[vector<16xi32>, vector<16xi32>], vector<16xi32>,
      %mul3A_460 = arith.constant 400 : i32
      %mul3A_461 = arith.muli %scan3A_296, %mul3A_460 : i32
      %add3A_462 = arith.constant 128 : i32
      %add3A_463 = arith.addi %mul3A_461, %add3A_462 : i32
      %get3A_464 = arith.index_cast %add3A_463 : i32 to index
      %get3A_465 = tpu.vector_load %arg9[%get3A_464] {strides = array<i32>} : memref<12800xi32, #tpu.memory_space<vmem>>, vector<16xi32>,
      %mul3A_466 = arith.constant 5 : i32
      %mul3A_467 = vector.broadcast %mul3A_466 : i32 to vector<16xi32>
      %mul3A_468 = arith.muli %gather3A_459, %mul3A_467 : vector<16xi32>
      %add3A_469 = arith.addi %mul3A_468, %get3A_465 : vector<16xi32>
      %gather3A_470 = tpu.vector_load_idx %arg6[%add3A_469] : memref<64xf32, #tpu.memory_space<vmem>>[vector<16xi32>], vector<16xf32>,
      %add3A_471 = arith.addf %add3A_395, %gather3A_470 : vector<16xf32>
      %add3A_472 = arith.constant 0 : i32
      %add3A_473 = arith.addi %mul3A_302, %add3A_472 : i32
      %broadcast_in_dim3A_474 = vector.broadcast %add3A_473 : i32 to vector<16xi32>
      %add3A_475 = arith.constant 144 : i32
      %add3A_476 = vector.broadcast %add3A_475 : i32 to vector<16xi32>
      %add3A_477 = arith.addi %iota3A, %add3A_476 : vector<16xi32>
      %gather3A_478 = tpu.vector_load_idx %arg7[%broadcast_in_dim3A_474, %add3A_477] : memref<64x200xi32, #tpu.memory_space<vmem>>[vector<16xi32>, vector<16xi32>], vector<16xi32>,
      %mul3A_479 = arith.constant 400 : i32
      %mul3A_480 = arith.muli %scan3A_296, %mul3A_479 : i32
      %add3A_481 = arith.constant 144 : i32
      %add3A_482 = arith.addi %mul3A_480, %add3A_481 : i32
      %get3A_483 = arith.index_cast %add3A_482 : i32 to index
      %get3A_484 = tpu.vector_load %arg9[%get3A_483] {strides = array<i32>} : memref<12800xi32, #tpu.memory_space<vmem>>, vector<16xi32>,
      %mul3A_485 = arith.constant 5 : i32
      %mul3A_486 = vector.broadcast %mul3A_485 : i32 to vector<16xi32>
      %mul3A_487 = arith.muli %gather3A_478, %mul3A_486 : vector<16xi32>
      %add3A_488 = arith.addi %mul3A_487, %get3A_484 : vector<16xi32>
      %gather3A_489 = tpu.vector_load_idx %arg6[%add3A_488] : memref<64xf32, #tpu.memory_space<vmem>>[vector<16xi32>], vector<16xf32>,
      %add3A_490 = arith.addf %add3A_414, %gather3A_489 : vector<16xf32>
      %add3A_491 = arith.constant 0 : i32
      %add3A_492 = arith.addi %mul3A_302, %add3A_491 : i32
      %broadcast_in_dim3A_493 = vector.broadcast %add3A_492 : i32 to vector<16xi32>
      %add3A_494 = arith.constant 160 : i32
      %add3A_495 = vector.broadcast %add3A_494 : i32 to vector<16xi32>
      %add3A_496 = arith.addi %iota3A, %add3A_495 : vector<16xi32>
      %gather3A_497 = tpu.vector_load_idx %arg7[%broadcast_in_dim3A_493, %add3A_496] : memref<64x200xi32, #tpu.memory_space<vmem>>[vector<16xi32>, vector<16xi32>], vector<16xi32>,
      %mul3A_498 = arith.constant 400 : i32
      %mul3A_499 = arith.muli %scan3A_296, %mul3A_498 : i32
      %add3A_500 = arith.constant 160 : i32
      %add3A_501 = arith.addi %mul3A_499, %add3A_500 : i32
      %get3A_502 = arith.index_cast %add3A_501 : i32 to index
      %get3A_503 = tpu.vector_load %arg9[%get3A_502] {strides = array<i32>} : memref<12800xi32, #tpu.memory_space<vmem>>, vector<16xi32>,
      %mul3A_504 = arith.constant 5 : i32
      %mul3A_505 = vector.broadcast %mul3A_504 : i32 to vector<16xi32>
      %mul3A_506 = arith.muli %gather3A_497, %mul3A_505 : vector<16xi32>
      %add3A_507 = arith.addi %mul3A_506, %get3A_503 : vector<16xi32>
      %gather3A_508 = tpu.vector_load_idx %arg6[%add3A_507] : memref<64xf32, #tpu.memory_space<vmem>>[vector<16xi32>], vector<16xf32>,
      %add3A_509 = arith.addf %add3A_433, %gather3A_508 : vector<16xf32>
      %add3A_510 = arith.constant 0 : i32
      %add3A_511 = arith.addi %mul3A_302, %add3A_510 : i32
      %broadcast_in_dim3A_512 = vector.broadcast %add3A_511 : i32 to vector<16xi32>
      %add3A_513 = arith.constant 176 : i32
      %add3A_514 = vector.broadcast %add3A_513 : i32 to vector<16xi32>
      %add3A_515 = arith.addi %iota3A, %add3A_514 : vector<16xi32>
      %gather3A_516 = tpu.vector_load_idx %arg7[%broadcast_in_dim3A_512, %add3A_515] : memref<64x200xi32, #tpu.memory_space<vmem>>[vector<16xi32>, vector<16xi32>], vector<16xi32>,
      %mul3A_517 = arith.constant 400 : i32
      %mul3A_518 = arith.muli %scan3A_296, %mul3A_517 : i32
      %add3A_519 = arith.constant 176 : i32
      %add3A_520 = arith.addi %mul3A_518, %add3A_519 : i32
      %get3A_521 = arith.index_cast %add3A_520 : i32 to index
      %get3A_522 = tpu.vector_load %arg9[%get3A_521] {strides = array<i32>} : memref<12800xi32, #tpu.memory_space<vmem>>, vector<16xi32>,
      %mul3A_523 = arith.constant 5 : i32
      %mul3A_524 = vector.broadcast %mul3A_523 : i32 to vector<16xi32>
      %mul3A_525 = arith.muli %gather3A_516, %mul3A_524 : vector<16xi32>
      %add3A_526 = arith.addi %mul3A_525, %get3A_522 : vector<16xi32>
      %gather3A_527 = tpu.vector_load_idx %arg6[%add3A_526] : memref<64xf32, #tpu.memory_space<vmem>>[vector<16xi32>], vector<16xf32>,
      %add3A_528 = arith.addf %add3A_452, %gather3A_527 : vector<16xf32>
      %add3A_529 = arith.constant 0 : i32
      %add3A_530 = arith.addi %mul3A_302, %add3A_529 : i32
      %add3A_531 = vector.broadcast %add3A_530 : i32 to vector<16xi32>
      %add3A_532 = arith.addi %convert_element_type3A, %add3A_531 : vector<16xi32>
      %gather3A_533 = tpu.vector_load_idx %arg7[%add3A_532, %select_n3A] : memref<64x200xi32, #tpu.memory_space<vmem>>[vector<16xi32>, vector<16xi32>], vector<16xi32>,
      %mul3A_534 = arith.constant 400 : i32
      %mul3A_535 = arith.muli %scan3A_296, %mul3A_534 : i32
      %add3A_536 = arith.constant 192 : i32
      %add3A_537 = arith.addi %mul3A_535, %add3A_536 : i32
      %get3A_538 = arith.index_cast %add3A_537 : i32 to index
      %get3A_539 = tpu.vector_load %arg9[%get3A_538] {strides = array<i32>} : memref<12800xi32, #tpu.memory_space<vmem>>, vector<16xi32>,
      %mul3A_540 = arith.constant 5 : i32
      %mul3A_541 = vector.broadcast %mul3A_540 : i32 to vector<16xi32>
      %mul3A_542 = arith.muli %gather3A_533, %mul3A_541 : vector<16xi32>
      %add3A_543 = arith.addi %mul3A_542, %get3A_539 : vector<16xi32>
      %gather3A_544 = tpu.vector_load_idx %arg6[%add3A_543] : memref<64xf32, #tpu.memory_space<vmem>>[vector<16xi32>], vector<16xf32>,
      %add3A_545 = arith.addf %add3A_471, %gather3A_544 : vector<16xf32>
      %add3A_546 = arith.constant 1 : i32
      %add3A_547 = arith.addi %mul3A_302, %add3A_546 : i32
      %broadcast_in_dim3A_548 = vector.broadcast %add3A_547 : i32 to vector<16xi32>
      %add3A_549 = arith.constant 8 : i32
      %add3A_550 = vector.broadcast %add3A_549 : i32 to vector<16xi32>
      %add3A_551 = arith.addi %iota3A, %add3A_550 : vector<16xi32>
      %gather3A_552 = tpu.vector_load_idx %arg7[%broadcast_in_dim3A_548, %add3A_551] : memref<64x200xi32, #tpu.memory_space<vmem>>[vector<16xi32>, vector<16xi32>], vector<16xi32>,
      %mul3A_553 = arith.constant 400 : i32
      %mul3A_554 = arith.muli %scan3A_296, %mul3A_553 : i32
      %add3A_555 = arith.constant 208 : i32
      %add3A_556 = arith.addi %mul3A_554, %add3A_555 : i32
      %get3A_557 = arith.index_cast %add3A_556 : i32 to index
      %get3A_558 = tpu.vector_load %arg9[%get3A_557] {strides = array<i32>} : memref<12800xi32, #tpu.memory_space<vmem>>, vector<16xi32>,
      %mul3A_559 = arith.constant 5 : i32
      %mul3A_560 = vector.broadcast %mul3A_559 : i32 to vector<16xi32>
      %mul3A_561 = arith.muli %gather3A_552, %mul3A_560 : vector<16xi32>
      %add3A_562 = arith.addi %mul3A_561, %get3A_558 : vector<16xi32>
      %gather3A_563 = tpu.vector_load_idx %arg6[%add3A_562] : memref<64xf32, #tpu.memory_space<vmem>>[vector<16xi32>], vector<16xf32>,
      %add3A_564 = arith.addf %add3A_490, %gather3A_563 : vector<16xf32>
      %add3A_565 = arith.constant 1 : i32
      %add3A_566 = arith.addi %mul3A_302, %add3A_565 : i32
      %broadcast_in_dim3A_567 = vector.broadcast %add3A_566 : i32 to vector<16xi32>
      %add3A_568 = arith.constant 24 : i32
      %add3A_569 = vector.broadcast %add3A_568 : i32 to vector<16xi32>
      %add3A_570 = arith.addi %iota3A, %add3A_569 : vector<16xi32>
      %gather3A_571 = tpu.vector_load_idx %arg7[%broadcast_in_dim3A_567, %add3A_570] : memref<64x200xi32, #tpu.memory_space<vmem>>[vector<16xi32>, vector<16xi32>], vector<16xi32>,
      %mul3A_572 = arith.constant 400 : i32
      %mul3A_573 = arith.muli %scan3A_296, %mul3A_572 : i32
      %add3A_574 = arith.constant 224 : i32
      %add3A_575 = arith.addi %mul3A_573, %add3A_574 : i32
      %get3A_576 = arith.index_cast %add3A_575 : i32 to index
      %get3A_577 = tpu.vector_load %arg9[%get3A_576] {strides = array<i32>} : memref<12800xi32, #tpu.memory_space<vmem>>, vector<16xi32>,
      %mul3A_578 = arith.constant 5 : i32
      %mul3A_579 = vector.broadcast %mul3A_578 : i32 to vector<16xi32>
      %mul3A_580 = arith.muli %gather3A_571, %mul3A_579 : vector<16xi32>
      %add3A_581 = arith.addi %mul3A_580, %get3A_577 : vector<16xi32>
      %gather3A_582 = tpu.vector_load_idx %arg6[%add3A_581] : memref<64xf32, #tpu.memory_space<vmem>>[vector<16xi32>], vector<16xf32>,
      %add3A_583 = arith.addf %add3A_509, %gather3A_582 : vector<16xf32>
      %add3A_584 = arith.constant 1 : i32
      %add3A_585 = arith.addi %mul3A_302, %add3A_584 : i32
      %broadcast_in_dim3A_586 = vector.broadcast %add3A_585 : i32 to vector<16xi32>
      %add3A_587 = arith.constant 40 : i32
      %add3A_588 = vector.broadcast %add3A_587 : i32 to vector<16xi32>
      %add3A_589 = arith.addi %iota3A, %add3A_588 : vector<16xi32>
      %gather3A_590 = tpu.vector_load_idx %arg7[%broadcast_in_dim3A_586, %add3A_589] : memref<64x200xi32, #tpu.memory_space<vmem>>[vector<16xi32>, vector<16xi32>], vector<16xi32>,
      %mul3A_591 = arith.constant 400 : i32
      %mul3A_592 = arith.muli %scan3A_296, %mul3A_591 : i32
      %add3A_593 = arith.constant 240 : i32
      %add3A_594 = arith.addi %mul3A_592, %add3A_593 : i32
      %get3A_595 = arith.index_cast %add3A_594 : i32 to index
      %get3A_596 = tpu.vector_load %arg9[%get3A_595] {strides = array<i32>} : memref<12800xi32, #tpu.memory_space<vmem>>, vector<16xi32>,
      %mul3A_597 = arith.constant 5 : i32
      %mul3A_598 = vector.broadcast %mul3A_597 : i32 to vector<16xi32>
      %mul3A_599 = arith.muli %gather3A_590, %mul3A_598 : vector<16xi32>
      %add3A_600 = arith.addi %mul3A_599, %get3A_596 : vector<16xi32>
      %gather3A_601 = tpu.vector_load_idx %arg6[%add3A_600] : memref<64xf32, #tpu.memory_space<vmem>>[vector<16xi32>], vector<16xf32>,
      %add3A_602 = arith.addf %add3A_528, %gather3A_601 : vector<16xf32>
      %add3A_603 = arith.constant 1 : i32
      %add3A_604 = arith.addi %mul3A_302, %add3A_603 : i32
      %broadcast_in_dim3A_605 = vector.broadcast %add3A_604 : i32 to vector<16xi32>
      %add3A_606 = arith.constant 56 : i32
      %add3A_607 = vector.broadcast %add3A_606 : i32 to vector<16xi32>
      %add3A_608 = arith.addi %iota3A, %add3A_607 : vector<16xi32>
      %gather3A_609 = tpu.vector_load_idx %arg7[%broadcast_in_dim3A_605, %add3A_608] : memref<64x200xi32, #tpu.memory_space<vmem>>[vector<16xi32>, vector<16xi32>], vector<16xi32>,
      %mul3A_610 = arith.constant 400 : i32
      %mul3A_611 = arith.muli %scan3A_296, %mul3A_610 : i32
      %add3A_612 = arith.constant 256 : i32
      %add3A_613 = arith.addi %mul3A_611, %add3A_612 : i32
      %get3A_614 = arith.index_cast %add3A_613 : i32 to index
      %get3A_615 = tpu.vector_load %arg9[%get3A_614] {strides = array<i32>} : memref<12800xi32, #tpu.memory_space<vmem>>, vector<16xi32>,
      %mul3A_616 = arith.constant 5 : i32
      %mul3A_617 = vector.broadcast %mul3A_616 : i32 to vector<16xi32>
      %mul3A_618 = arith.muli %gather3A_609, %mul3A_617 : vector<16xi32>
      %add3A_619 = arith.addi %mul3A_618, %get3A_615 : vector<16xi32>
      %gather3A_620 = tpu.vector_load_idx %arg6[%add3A_619] : memref<64xf32, #tpu.memory_space<vmem>>[vector<16xi32>], vector<16xf32>,
      %add3A_621 = arith.addf %add3A_545, %gather3A_620 : vector<16xf32>
      %add3A_622 = arith.constant 1 : i32
      %add3A_623 = arith.addi %mul3A_302, %add3A_622 : i32
      %broadcast_in_dim3A_624 = vector.broadcast %add3A_623 : i32 to vector<16xi32>
      %add3A_625 = arith.constant 72 : i32
      %add3A_626 = vector.broadcast %add3A_625 : i32 to vector<16xi32>
      %add3A_627 = arith.addi %iota3A, %add3A_626 : vector<16xi32>
      %gather3A_628 = tpu.vector_load_idx %arg7[%broadcast_in_dim3A_624, %add3A_627] : memref<64x200xi32, #tpu.memory_space<vmem>>[vector<16xi32>, vector<16xi32>], vector<16xi32>,
      %mul3A_629 = arith.constant 400 : i32
      %mul3A_630 = arith.muli %scan3A_296, %mul3A_629 : i32
      %add3A_631 = arith.constant 272 : i32
      %add3A_632 = arith.addi %mul3A_630, %add3A_631 : i32
      %get3A_633 = arith.index_cast %add3A_632 : i32 to index
      %get3A_634 = tpu.vector_load %arg9[%get3A_633] {strides = array<i32>} : memref<12800xi32, #tpu.memory_space<vmem>>, vector<16xi32>,
      %mul3A_635 = arith.constant 5 : i32
      %mul3A_636 = vector.broadcast %mul3A_635 : i32 to vector<16xi32>
      %mul3A_637 = arith.muli %gather3A_628, %mul3A_636 : vector<16xi32>
      %add3A_638 = arith.addi %mul3A_637, %get3A_634 : vector<16xi32>
      %gather3A_639 = tpu.vector_load_idx %arg6[%add3A_638] : memref<64xf32, #tpu.memory_space<vmem>>[vector<16xi32>], vector<16xf32>,
      %add3A_640 = arith.addf %add3A_564, %gather3A_639 : vector<16xf32>
      %add3A_641 = arith.constant 1 : i32
      %add3A_642 = arith.addi %mul3A_302, %add3A_641 : i32
      %broadcast_in_dim3A_643 = vector.broadcast %add3A_642 : i32 to vector<16xi32>
      %add3A_644 = arith.constant 88 : i32
      %add3A_645 = vector.broadcast %add3A_644 : i32 to vector<16xi32>
      %add3A_646 = arith.addi %iota3A, %add3A_645 : vector<16xi32>
      %gather3A_647 = tpu.vector_load_idx %arg7[%broadcast_in_dim3A_643, %add3A_646] : memref<64x200xi32, #tpu.memory_space<vmem>>[vector<16xi32>, vector<16xi32>], vector<16xi32>,
      %mul3A_648 = arith.constant 400 : i32
      %mul3A_649 = arith.muli %scan3A_296, %mul3A_648 : i32
      %add3A_650 = arith.constant 288 : i32
      %add3A_651 = arith.addi %mul3A_649, %add3A_650 : i32
      %get3A_652 = arith.index_cast %add3A_651 : i32 to index
      %get3A_653 = tpu.vector_load %arg9[%get3A_652] {strides = array<i32>} : memref<12800xi32, #tpu.memory_space<vmem>>, vector<16xi32>,
      %mul3A_654 = arith.constant 5 : i32
      %mul3A_655 = vector.broadcast %mul3A_654 : i32 to vector<16xi32>
      %mul3A_656 = arith.muli %gather3A_647, %mul3A_655 : vector<16xi32>
      %add3A_657 = arith.addi %mul3A_656, %get3A_653 : vector<16xi32>
      %gather3A_658 = tpu.vector_load_idx %arg6[%add3A_657] : memref<64xf32, #tpu.memory_space<vmem>>[vector<16xi32>], vector<16xf32>,
      %add3A_659 = arith.addf %add3A_583, %gather3A_658 : vector<16xf32>
      %add3A_660 = arith.constant 1 : i32
      %add3A_661 = arith.addi %mul3A_302, %add3A_660 : i32
      %broadcast_in_dim3A_662 = vector.broadcast %add3A_661 : i32 to vector<16xi32>
      %add3A_663 = arith.constant 104 : i32
      %add3A_664 = vector.broadcast %add3A_663 : i32 to vector<16xi32>
      %add3A_665 = arith.addi %iota3A, %add3A_664 : vector<16xi32>
      %gather3A_666 = tpu.vector_load_idx %arg7[%broadcast_in_dim3A_662, %add3A_665] : memref<64x200xi32, #tpu.memory_space<vmem>>[vector<16xi32>, vector<16xi32>], vector<16xi32>,
      %mul3A_667 = arith.constant 400 : i32
      %mul3A_668 = arith.muli %scan3A_296, %mul3A_667 : i32
      %add3A_669 = arith.constant 304 : i32
      %add3A_670 = arith.addi %mul3A_668, %add3A_669 : i32
      %get3A_671 = arith.index_cast %add3A_670 : i32 to index
      %get3A_672 = tpu.vector_load %arg9[%get3A_671] {strides = array<i32>} : memref<12800xi32, #tpu.memory_space<vmem>>, vector<16xi32>,
      %mul3A_673 = arith.constant 5 : i32
      %mul3A_674 = vector.broadcast %mul3A_673 : i32 to vector<16xi32>
      %mul3A_675 = arith.muli %gather3A_666, %mul3A_674 : vector<16xi32>
      %add3A_676 = arith.addi %mul3A_675, %get3A_672 : vector<16xi32>
      %gather3A_677 = tpu.vector_load_idx %arg6[%add3A_676] : memref<64xf32, #tpu.memory_space<vmem>>[vector<16xi32>], vector<16xf32>,
      %add3A_678 = arith.addf %add3A_602, %gather3A_677 : vector<16xf32>
      %add3A_679 = arith.constant 1 : i32
      %add3A_680 = arith.addi %mul3A_302, %add3A_679 : i32
      %broadcast_in_dim3A_681 = vector.broadcast %add3A_680 : i32 to vector<16xi32>
      %add3A_682 = arith.constant 120 : i32
      %add3A_683 = vector.broadcast %add3A_682 : i32 to vector<16xi32>
      %add3A_684 = arith.addi %iota3A, %add3A_683 : vector<16xi32>
      %gather3A_685 = tpu.vector_load_idx %arg7[%broadcast_in_dim3A_681, %add3A_684] : memref<64x200xi32, #tpu.memory_space<vmem>>[vector<16xi32>, vector<16xi32>], vector<16xi32>,
      %mul3A_686 = arith.constant 400 : i32
      %mul3A_687 = arith.muli %scan3A_296, %mul3A_686 : i32
      %add3A_688 = arith.constant 320 : i32
      %add3A_689 = arith.addi %mul3A_687, %add3A_688 : i32
      %get3A_690 = arith.index_cast %add3A_689 : i32 to index
      %get3A_691 = tpu.vector_load %arg9[%get3A_690] {strides = array<i32>} : memref<12800xi32, #tpu.memory_space<vmem>>, vector<16xi32>,
      %mul3A_692 = arith.constant 5 : i32
      %mul3A_693 = vector.broadcast %mul3A_692 : i32 to vector<16xi32>
      %mul3A_694 = arith.muli %gather3A_685, %mul3A_693 : vector<16xi32>
      %add3A_695 = arith.addi %mul3A_694, %get3A_691 : vector<16xi32>
      %gather3A_696 = tpu.vector_load_idx %arg6[%add3A_695] : memref<64xf32, #tpu.memory_space<vmem>>[vector<16xi32>], vector<16xf32>,
      %add3A_697 = arith.addf %add3A_621, %gather3A_696 : vector<16xf32>
      %add3A_698 = arith.constant 1 : i32
      %add3A_699 = arith.addi %mul3A_302, %add3A_698 : i32
      %broadcast_in_dim3A_700 = vector.broadcast %add3A_699 : i32 to vector<16xi32>
      %add3A_701 = arith.constant 136 : i32
      %add3A_702 = vector.broadcast %add3A_701 : i32 to vector<16xi32>
      %add3A_703 = arith.addi %iota3A, %add3A_702 : vector<16xi32>
      %gather3A_704 = tpu.vector_load_idx %arg7[%broadcast_in_dim3A_700, %add3A_703] : memref<64x200xi32, #tpu.memory_space<vmem>>[vector<16xi32>, vector<16xi32>], vector<16xi32>,
      %mul3A_705 = arith.constant 400 : i32
      %mul3A_706 = arith.muli %scan3A_296, %mul3A_705 : i32
      %add3A_707 = arith.constant 336 : i32
      %add3A_708 = arith.addi %mul3A_706, %add3A_707 : i32
      %get3A_709 = arith.index_cast %add3A_708 : i32 to index
      %get3A_710 = tpu.vector_load %arg9[%get3A_709] {strides = array<i32>} : memref<12800xi32, #tpu.memory_space<vmem>>, vector<16xi32>,
      %mul3A_711 = arith.constant 5 : i32
      %mul3A_712 = vector.broadcast %mul3A_711 : i32 to vector<16xi32>
      %mul3A_713 = arith.muli %gather3A_704, %mul3A_712 : vector<16xi32>
      %add3A_714 = arith.addi %mul3A_713, %get3A_710 : vector<16xi32>
      %gather3A_715 = tpu.vector_load_idx %arg6[%add3A_714] : memref<64xf32, #tpu.memory_space<vmem>>[vector<16xi32>], vector<16xf32>,
      %add3A_716 = arith.addf %add3A_640, %gather3A_715 : vector<16xf32>
      %add3A_717 = arith.constant 1 : i32
      %add3A_718 = arith.addi %mul3A_302, %add3A_717 : i32
      %broadcast_in_dim3A_719 = vector.broadcast %add3A_718 : i32 to vector<16xi32>
      %add3A_720 = arith.constant 152 : i32
      %add3A_721 = vector.broadcast %add3A_720 : i32 to vector<16xi32>
      %add3A_722 = arith.addi %iota3A, %add3A_721 : vector<16xi32>
      %gather3A_723 = tpu.vector_load_idx %arg7[%broadcast_in_dim3A_719, %add3A_722] : memref<64x200xi32, #tpu.memory_space<vmem>>[vector<16xi32>, vector<16xi32>], vector<16xi32>,
      %mul3A_724 = arith.constant 400 : i32
      %mul3A_725 = arith.muli %scan3A_296, %mul3A_724 : i32
      %add3A_726 = arith.constant 352 : i32
      %add3A_727 = arith.addi %mul3A_725, %add3A_726 : i32
      %get3A_728 = arith.index_cast %add3A_727 : i32 to index
      %get3A_729 = tpu.vector_load %arg9[%get3A_728] {strides = array<i32>} : memref<12800xi32, #tpu.memory_space<vmem>>, vector<16xi32>,
      %mul3A_730 = arith.constant 5 : i32
      %mul3A_731 = vector.broadcast %mul3A_730 : i32 to vector<16xi32>
      %mul3A_732 = arith.muli %gather3A_723, %mul3A_731 : vector<16xi32>
      %add3A_733 = arith.addi %mul3A_732, %get3A_729 : vector<16xi32>
      %gather3A_734 = tpu.vector_load_idx %arg6[%add3A_733] : memref<64xf32, #tpu.memory_space<vmem>>[vector<16xi32>], vector<16xf32>,
      %add3A_735 = arith.addf %add3A_659, %gather3A_734 : vector<16xf32>
      %add3A_736 = arith.constant 1 : i32
      %add3A_737 = arith.addi %mul3A_302, %add3A_736 : i32
      %broadcast_in_dim3A_738 = vector.broadcast %add3A_737 : i32 to vector<16xi32>
      %add3A_739 = arith.constant 168 : i32
      %add3A_740 = vector.broadcast %add3A_739 : i32 to vector<16xi32>
      %add3A_741 = arith.addi %iota3A, %add3A_740 : vector<16xi32>
      %gather3A_742 = tpu.vector_load_idx %arg7[%broadcast_in_dim3A_738, %add3A_741] : memref<64x200xi32, #tpu.memory_space<vmem>>[vector<16xi32>, vector<16xi32>], vector<16xi32>,
      %mul3A_743 = arith.constant 400 : i32
      %mul3A_744 = arith.muli %scan3A_296, %mul3A_743 : i32
      %add3A_745 = arith.constant 368 : i32
      %add3A_746 = arith.addi %mul3A_744, %add3A_745 : i32
      %get3A_747 = arith.index_cast %add3A_746 : i32 to index
      %get3A_748 = tpu.vector_load %arg9[%get3A_747] {strides = array<i32>} : memref<12800xi32, #tpu.memory_space<vmem>>, vector<16xi32>,
      %mul3A_749 = arith.constant 5 : i32
      %mul3A_750 = vector.broadcast %mul3A_749 : i32 to vector<16xi32>
      %mul3A_751 = arith.muli %gather3A_742, %mul3A_750 : vector<16xi32>
      %add3A_752 = arith.addi %mul3A_751, %get3A_748 : vector<16xi32>
      %gather3A_753 = tpu.vector_load_idx %arg6[%add3A_752] : memref<64xf32, #tpu.memory_space<vmem>>[vector<16xi32>], vector<16xf32>,
      %add3A_754 = arith.addf %add3A_678, %gather3A_753 : vector<16xf32>
      %add3A_755 = arith.constant 1 : i32
      %add3A_756 = arith.addi %mul3A_302, %add3A_755 : i32
      %broadcast_in_dim3A_757 = vector.broadcast %add3A_756 : i32 to vector<16xi32>
      %add3A_758 = arith.constant 184 : i32
      %add3A_759 = vector.broadcast %add3A_758 : i32 to vector<16xi32>
      %add3A_760 = arith.addi %iota3A, %add3A_759 : vector<16xi32>
      %gather3A_761 = tpu.vector_load_idx %arg7[%broadcast_in_dim3A_757, %add3A_760] : memref<64x200xi32, #tpu.memory_space<vmem>>[vector<16xi32>, vector<16xi32>], vector<16xi32>,
      %mul3A_762 = arith.constant 400 : i32
      %mul3A_763 = arith.muli %scan3A_296, %mul3A_762 : i32
      %add3A_764 = arith.constant 384 : i32
      %add3A_765 = arith.addi %mul3A_763, %add3A_764 : i32
      %get3A_766 = arith.index_cast %add3A_765 : i32 to index
      %get3A_767 = tpu.vector_load %arg9[%get3A_766] {strides = array<i32>} : memref<12800xi32, #tpu.memory_space<vmem>>, vector<16xi32>,
      %mul3A_768 = arith.constant 5 : i32
      %mul3A_769 = vector.broadcast %mul3A_768 : i32 to vector<16xi32>
      %mul3A_770 = arith.muli %gather3A_761, %mul3A_769 : vector<16xi32>
      %add3A_771 = arith.addi %mul3A_770, %get3A_767 : vector<16xi32>
      %gather3A_772 = tpu.vector_load_idx %arg6[%add3A_771] : memref<64xf32, #tpu.memory_space<vmem>>[vector<16xi32>], vector<16xf32>,
      %add3A_773 = arith.addf %add3A_697, %gather3A_772 : vector<16xf32>
      scf.yield %add3A_773, %add3A_716, %add3A_735, %add3A_754 : vector<16xf32>, vector<16xf32>, vector<16xf32>, vector<16xf32>
    }
    %scan3A_135 = arith.constant 32 : i32
    %add3A_136 = arith.constant 256 : i32
    %add3A_137 = arith.addi %mul3A_2, %add3A_136 : i32
    %dma_start3A_138 = arith.constant 0 : i32
    %dma_start3A_139 = arith.constant 0 : i32
    %dma_start3A_140 = tpu.memref_slice %arg2[%add3A_137, %dma_start3A_139] : memref<16384x200xi32, #tpu.memory_space<hbm>> -> memref<64x200xi32, #tpu.memory_space<hbm>>
    %dma_start3A_141 = tpu.memref_slice %arg12[%dma_start3A_138] : memref<2x!tpu.dma_semaphore, #tpu.memory_space<semaphore_mem>> -> memref<1x!tpu.dma_semaphore, #tpu.memory_space<semaphore_mem>>
    %dma_start3A_142 = tpu.memref_squeeze %dma_start3A_141 : memref<1x!tpu.dma_semaphore, #tpu.memory_space<semaphore_mem>> -> memref<!tpu.dma_semaphore, #tpu.memory_space<semaphore_mem>>
    %dma_start3A_143 = arith.constant 0 : i32
    %dma_start3A_144 = tpu.memref_slice %arg2[%add3A_137, %dma_start3A_143] : memref<16384x200xi32, #tpu.memory_space<hbm>> -> memref<64x200xi32, #tpu.memory_space<hbm>>
    tpu.enqueue_dma source(%dma_start3A_144 : memref<64x200xi32, #tpu.memory_space<hbm>>) target(%arg7 : memref<64x200xi32, #tpu.memory_space<vmem>>) target_semaphore(%dma_start3A_142 : memref<!tpu.dma_semaphore, #tpu.memory_space<semaphore_mem>>)
    %add3A_145 = arith.constant 51200 : i32
    %add3A_146 = arith.addi %mul3A_4, %add3A_145 : i32
    %dma_start3A_147 = arith.constant 0 : i32
    %dma_start3A_148 = tpu.memref_slice %arg3[%add3A_146] : memref<3276800xi32, #tpu.memory_space<hbm>> -> memref<12800xi32, #tpu.memory_space<hbm>>
    %dma_start3A_149 = tpu.memref_slice %arg13[%dma_start3A_147] : memref<2x!tpu.dma_semaphore, #tpu.memory_space<semaphore_mem>> -> memref<1x!tpu.dma_semaphore, #tpu.memory_space<semaphore_mem>>
    %dma_start3A_150 = tpu.memref_squeeze %dma_start3A_149 : memref<1x!tpu.dma_semaphore, #tpu.memory_space<semaphore_mem>> -> memref<!tpu.dma_semaphore, #tpu.memory_space<semaphore_mem>>
    %dma_start3A_151 = tpu.memref_slice %arg3[%add3A_146] : memref<3276800xi32, #tpu.memory_space<hbm>> -> memref<12800xi32, #tpu.memory_space<hbm>>
    tpu.enqueue_dma source(%dma_start3A_151 : memref<12800xi32, #tpu.memory_space<hbm>>) target(%arg9 : memref<12800xi32, #tpu.memory_space<vmem>>) target_semaphore(%dma_start3A_150 : memref<!tpu.dma_semaphore, #tpu.memory_space<semaphore_mem>>)
    %dma_wait3A_152 = arith.constant 1 : i32
    %dma_wait3A_153 = arith.constant 0 : i32
    %dma_wait3A_154 = tpu.memref_slice %arg2[%add3A_103, %dma_wait3A_153] : memref<16384x200xi32, #tpu.memory_space<hbm>> -> memref<64x200xi32, #tpu.memory_space<hbm>>
    %dma_wait3A_155 = tpu.memref_slice %arg12[%dma_wait3A_152] : memref<2x!tpu.dma_semaphore, #tpu.memory_space<semaphore_mem>> -> memref<1x!tpu.dma_semaphore, #tpu.memory_space<semaphore_mem>>
    %dma_wait3A_156 = tpu.memref_squeeze %dma_wait3A_155 : memref<1x!tpu.dma_semaphore, #tpu.memory_space<semaphore_mem>> -> memref<!tpu.dma_semaphore, #tpu.memory_space<semaphore_mem>>
    %dma_wait3A_157 = arith.constant 0 : i32
    %dma_wait3A_158 = tpu.memref_slice %arg2[%add3A_103, %dma_wait3A_157] : memref<16384x200xi32, #tpu.memory_space<hbm>> -> memref<64x200xi32, #tpu.memory_space<hbm>>
    tpu.wait_dma2 semaphore(%dma_wait3A_156 : memref<!tpu.dma_semaphore, #tpu.memory_space<semaphore_mem>>) src(%dma_wait3A_158 : memref<64x200xi32, #tpu.memory_space<hbm>>) dst(%arg8 : memref<64x200xi32, #tpu.memory_space<vmem>>)
    %dma_wait3A_159 = arith.constant 1 : i32
    %dma_wait3A_160 = tpu.memref_slice %arg3[%add3A_112] : memref<3276800xi32, #tpu.memory_space<hbm>> -> memref<12800xi32, #tpu.memory_space<hbm>>
    %dma_wait3A_161 = tpu.memref_slice %arg13[%dma_wait3A_159] : memref<2x!tpu.dma_semaphore, #tpu.memory_space<semaphore_mem>> -> memref<1x!tpu.dma_semaphore, #tpu.memory_space<semaphore_mem>>
    %dma_wait3A_162 = tpu.memref_squeeze %dma_wait3A_161 : memref<1x!tpu.dma_semaphore, #tpu.memory_space<semaphore_mem>> -> memref<!tpu.dma_semaphore, #tpu.memory_space<semaphore_mem>>
    %dma_wait3A_163 = tpu.memref_slice %arg3[%add3A_112] : memref<3276800xi32, #tpu.memory_space<hbm>> -> memref<12800xi32, #tpu.memory_space<hbm>>
    tpu.wait_dma2 semaphore(%dma_wait3A_162 : memref<!tpu.dma_semaphore, #tpu.memory_space<semaphore_mem>>) src(%dma_wait3A_163 : memref<12800xi32, #tpu.memory_space<hbm>>) dst(%arg10 : memref<12800xi32, #tpu.memory_space<vmem>>)
    %scan3A_164 = arith.constant 0 : i32
    %scan3A_165 = arith.constant 32 : i32
    %scan3A_166 = arith.addi %scan3A_164, %scan3A_165 : i32
    %scan3A_167 = arith.constant 1 : i32
    %scan3A_168:4 = scf.for %scan3A_296 = %scan3A_164 to %scan3A_166 step %scan3A_167 iter_args(%scan3A_297 = %scan3A_134#0, %scan3A_298 = %scan3A_134#1, %scan3A_299 = %scan3A_134#2, %scan3A_300 = %scan3A_134#3) -> (vector<16xf32>, vector<16xf32>, vector<16xf32>, vector<16xf32>)  : i32 {
      %mul3A_301 = arith.constant 2 : i32
      %mul3A_302 = arith.muli %mul3A_301, %scan3A_296 : i32
      %add3A_303 = arith.constant 0 : i32
      %add3A_304 = arith.addi %mul3A_302, %add3A_303 : i32
      %broadcast_in_dim3A_305 = vector.broadcast %add3A_304 : i32 to vector<16xi32>
      %add3A_306 = arith.constant 0 : i32
      %add3A_307 = vector.broadcast %add3A_306 : i32 to vector<16xi32>
      %add3A_308 = arith.addi %iota3A, %add3A_307 : vector<16xi32>
      %gather3A = tpu.vector_load_idx %arg8[%broadcast_in_dim3A_305, %add3A_308] : memref<64x200xi32, #tpu.memory_space<vmem>>[vector<16xi32>, vector<16xi32>], vector<16xi32>,
      %mul3A_309 = arith.constant 400 : i32
      %mul3A_310 = arith.muli %scan3A_296, %mul3A_309 : i32
      %add3A_311 = arith.constant 0 : i32
      %add3A_312 = arith.addi %mul3A_310, %add3A_311 : i32
      %get3A = arith.index_cast %add3A_312 : i32 to index
      %get3A_313 = tpu.vector_load %arg10[%get3A] {strides = array<i32>} : memref<12800xi32, #tpu.memory_space<vmem>>, vector<16xi32>,
      %mul3A_314 = arith.constant 5 : i32
      %mul3A_315 = vector.broadcast %mul3A_314 : i32 to vector<16xi32>
      %mul3A_316 = arith.muli %gather3A, %mul3A_315 : vector<16xi32>
      %add3A_317 = arith.addi %mul3A_316, %get3A_313 : vector<16xi32>
      %gather3A_318 = tpu.vector_load_idx %arg6[%add3A_317] : memref<64xf32, #tpu.memory_space<vmem>>[vector<16xi32>], vector<16xf32>,
      %add3A_319 = arith.addf %scan3A_297, %gather3A_318 : vector<16xf32>
      %add3A_320 = arith.constant 0 : i32
      %add3A_321 = arith.addi %mul3A_302, %add3A_320 : i32
      %broadcast_in_dim3A_322 = vector.broadcast %add3A_321 : i32 to vector<16xi32>
      %add3A_323 = arith.constant 16 : i32
      %add3A_324 = vector.broadcast %add3A_323 : i32 to vector<16xi32>
      %add3A_325 = arith.addi %iota3A, %add3A_324 : vector<16xi32>
      %gather3A_326 = tpu.vector_load_idx %arg8[%broadcast_in_dim3A_322, %add3A_325] : memref<64x200xi32, #tpu.memory_space<vmem>>[vector<16xi32>, vector<16xi32>], vector<16xi32>,
      %mul3A_327 = arith.constant 400 : i32
      %mul3A_328 = arith.muli %scan3A_296, %mul3A_327 : i32
      %add3A_329 = arith.constant 16 : i32
      %add3A_330 = arith.addi %mul3A_328, %add3A_329 : i32
      %get3A_331 = arith.index_cast %add3A_330 : i32 to index
      %get3A_332 = tpu.vector_load %arg10[%get3A_331] {strides = array<i32>} : memref<12800xi32, #tpu.memory_space<vmem>>, vector<16xi32>,
      %mul3A_333 = arith.constant 5 : i32
      %mul3A_334 = vector.broadcast %mul3A_333 : i32 to vector<16xi32>
      %mul3A_335 = arith.muli %gather3A_326, %mul3A_334 : vector<16xi32>
      %add3A_336 = arith.addi %mul3A_335, %get3A_332 : vector<16xi32>
      %gather3A_337 = tpu.vector_load_idx %arg6[%add3A_336] : memref<64xf32, #tpu.memory_space<vmem>>[vector<16xi32>], vector<16xf32>,
      %add3A_338 = arith.addf %scan3A_298, %gather3A_337 : vector<16xf32>
      %add3A_339 = arith.constant 0 : i32
      %add3A_340 = arith.addi %mul3A_302, %add3A_339 : i32
      %broadcast_in_dim3A_341 = vector.broadcast %add3A_340 : i32 to vector<16xi32>
      %add3A_342 = arith.constant 32 : i32
      %add3A_343 = vector.broadcast %add3A_342 : i32 to vector<16xi32>
      %add3A_344 = arith.addi %iota3A, %add3A_343 : vector<16xi32>
      %gather3A_345 = tpu.vector_load_idx %arg8[%broadcast_in_dim3A_341, %add3A_344] : memref<64x200xi32, #tpu.memory_space<vmem>>[vector<16xi32>, vector<16xi32>], vector<16xi32>,
      %mul3A_346 = arith.constant 400 : i32
      %mul3A_347 = arith.muli %scan3A_296, %mul3A_346 : i32
      %add3A_348 = arith.constant 32 : i32
      %add3A_349 = arith.addi %mul3A_347, %add3A_348 : i32
      %get3A_350 = arith.index_cast %add3A_349 : i32 to index
      %get3A_351 = tpu.vector_load %arg10[%get3A_350] {strides = array<i32>} : memref<12800xi32, #tpu.memory_space<vmem>>, vector<16xi32>,
      %mul3A_352 = arith.constant 5 : i32
      %mul3A_353 = vector.broadcast %mul3A_352 : i32 to vector<16xi32>
      %mul3A_354 = arith.muli %gather3A_345, %mul3A_353 : vector<16xi32>
      %add3A_355 = arith.addi %mul3A_354, %get3A_351 : vector<16xi32>
      %gather3A_356 = tpu.vector_load_idx %arg6[%add3A_355] : memref<64xf32, #tpu.memory_space<vmem>>[vector<16xi32>], vector<16xf32>,
      %add3A_357 = arith.addf %scan3A_299, %gather3A_356 : vector<16xf32>
      %add3A_358 = arith.constant 0 : i32
      %add3A_359 = arith.addi %mul3A_302, %add3A_358 : i32
      %broadcast_in_dim3A_360 = vector.broadcast %add3A_359 : i32 to vector<16xi32>
      %add3A_361 = arith.constant 48 : i32
      %add3A_362 = vector.broadcast %add3A_361 : i32 to vector<16xi32>
      %add3A_363 = arith.addi %iota3A, %add3A_362 : vector<16xi32>
      %gather3A_364 = tpu.vector_load_idx %arg8[%broadcast_in_dim3A_360, %add3A_363] : memref<64x200xi32, #tpu.memory_space<vmem>>[vector<16xi32>, vector<16xi32>], vector<16xi32>,
      %mul3A_365 = arith.constant 400 : i32
      %mul3A_366 = arith.muli %scan3A_296, %mul3A_365 : i32
      %add3A_367 = arith.constant 48 : i32
      %add3A_368 = arith.addi %mul3A_366, %add3A_367 : i32
      %get3A_369 = arith.index_cast %add3A_368 : i32 to index
      %get3A_370 = tpu.vector_load %arg10[%get3A_369] {strides = array<i32>} : memref<12800xi32, #tpu.memory_space<vmem>>, vector<16xi32>,
      %mul3A_371 = arith.constant 5 : i32
      %mul3A_372 = vector.broadcast %mul3A_371 : i32 to vector<16xi32>
      %mul3A_373 = arith.muli %gather3A_364, %mul3A_372 : vector<16xi32>
      %add3A_374 = arith.addi %mul3A_373, %get3A_370 : vector<16xi32>
      %gather3A_375 = tpu.vector_load_idx %arg6[%add3A_374] : memref<64xf32, #tpu.memory_space<vmem>>[vector<16xi32>], vector<16xf32>,
      %add3A_376 = arith.addf %scan3A_300, %gather3A_375 : vector<16xf32>
      %add3A_377 = arith.constant 0 : i32
      %add3A_378 = arith.addi %mul3A_302, %add3A_377 : i32
      %broadcast_in_dim3A_379 = vector.broadcast %add3A_378 : i32 to vector<16xi32>
      %add3A_380 = arith.constant 64 : i32
      %add3A_381 = vector.broadcast %add3A_380 : i32 to vector<16xi32>
      %add3A_382 = arith.addi %iota3A, %add3A_381 : vector<16xi32>
      %gather3A_383 = tpu.vector_load_idx %arg8[%broadcast_in_dim3A_379, %add3A_382] : memref<64x200xi32, #tpu.memory_space<vmem>>[vector<16xi32>, vector<16xi32>], vector<16xi32>,
      %mul3A_384 = arith.constant 400 : i32
      %mul3A_385 = arith.muli %scan3A_296, %mul3A_384 : i32
      %add3A_386 = arith.constant 64 : i32
      %add3A_387 = arith.addi %mul3A_385, %add3A_386 : i32
      %get3A_388 = arith.index_cast %add3A_387 : i32 to index
      %get3A_389 = tpu.vector_load %arg10[%get3A_388] {strides = array<i32>} : memref<12800xi32, #tpu.memory_space<vmem>>, vector<16xi32>,
      %mul3A_390 = arith.constant 5 : i32
      %mul3A_391 = vector.broadcast %mul3A_390 : i32 to vector<16xi32>
      %mul3A_392 = arith.muli %gather3A_383, %mul3A_391 : vector<16xi32>
      %add3A_393 = arith.addi %mul3A_392, %get3A_389 : vector<16xi32>
      %gather3A_394 = tpu.vector_load_idx %arg6[%add3A_393] : memref<64xf32, #tpu.memory_space<vmem>>[vector<16xi32>], vector<16xf32>,
      %add3A_395 = arith.addf %add3A_319, %gather3A_394 : vector<16xf32>
      %add3A_396 = arith.constant 0 : i32
      %add3A_397 = arith.addi %mul3A_302, %add3A_396 : i32
      %broadcast_in_dim3A_398 = vector.broadcast %add3A_397 : i32 to vector<16xi32>
      %add3A_399 = arith.constant 80 : i32
      %add3A_400 = vector.broadcast %add3A_399 : i32 to vector<16xi32>
      %add3A_401 = arith.addi %iota3A, %add3A_400 : vector<16xi32>
      %gather3A_402 = tpu.vector_load_idx %arg8[%broadcast_in_dim3A_398, %add3A_401] : memref<64x200xi32, #tpu.memory_space<vmem>>[vector<16xi32>, vector<16xi32>], vector<16xi32>,
      %mul3A_403 = arith.constant 400 : i32
      %mul3A_404 = arith.muli %scan3A_296, %mul3A_403 : i32
      %add3A_405 = arith.constant 80 : i32
      %add3A_406 = arith.addi %mul3A_404, %add3A_405 : i32
      %get3A_407 = arith.index_cast %add3A_406 : i32 to index
      %get3A_408 = tpu.vector_load %arg10[%get3A_407] {strides = array<i32>} : memref<12800xi32, #tpu.memory_space<vmem>>, vector<16xi32>,
      %mul3A_409 = arith.constant 5 : i32
      %mul3A_410 = vector.broadcast %mul3A_409 : i32 to vector<16xi32>
      %mul3A_411 = arith.muli %gather3A_402, %mul3A_410 : vector<16xi32>
      %add3A_412 = arith.addi %mul3A_411, %get3A_408 : vector<16xi32>
      %gather3A_413 = tpu.vector_load_idx %arg6[%add3A_412] : memref<64xf32, #tpu.memory_space<vmem>>[vector<16xi32>], vector<16xf32>,
      %add3A_414 = arith.addf %add3A_338, %gather3A_413 : vector<16xf32>
      %add3A_415 = arith.constant 0 : i32
      %add3A_416 = arith.addi %mul3A_302, %add3A_415 : i32
      %broadcast_in_dim3A_417 = vector.broadcast %add3A_416 : i32 to vector<16xi32>
      %add3A_418 = arith.constant 96 : i32
      %add3A_419 = vector.broadcast %add3A_418 : i32 to vector<16xi32>
      %add3A_420 = arith.addi %iota3A, %add3A_419 : vector<16xi32>
      %gather3A_421 = tpu.vector_load_idx %arg8[%broadcast_in_dim3A_417, %add3A_420] : memref<64x200xi32, #tpu.memory_space<vmem>>[vector<16xi32>, vector<16xi32>], vector<16xi32>,
      %mul3A_422 = arith.constant 400 : i32
      %mul3A_423 = arith.muli %scan3A_296, %mul3A_422 : i32
      %add3A_424 = arith.constant 96 : i32
      %add3A_425 = arith.addi %mul3A_423, %add3A_424 : i32
      %get3A_426 = arith.index_cast %add3A_425 : i32 to index
      %get3A_427 = tpu.vector_load %arg10[%get3A_426] {strides = array<i32>} : memref<12800xi32, #tpu.memory_space<vmem>>, vector<16xi32>,
      %mul3A_428 = arith.constant 5 : i32
      %mul3A_429 = vector.broadcast %mul3A_428 : i32 to vector<16xi32>
      %mul3A_430 = arith.muli %gather3A_421, %mul3A_429 : vector<16xi32>
      %add3A_431 = arith.addi %mul3A_430, %get3A_427 : vector<16xi32>
      %gather3A_432 = tpu.vector_load_idx %arg6[%add3A_431] : memref<64xf32, #tpu.memory_space<vmem>>[vector<16xi32>], vector<16xf32>,
      %add3A_433 = arith.addf %add3A_357, %gather3A_432 : vector<16xf32>
      %add3A_434 = arith.constant 0 : i32
      %add3A_435 = arith.addi %mul3A_302, %add3A_434 : i32
      %broadcast_in_dim3A_436 = vector.broadcast %add3A_435 : i32 to vector<16xi32>
      %add3A_437 = arith.constant 112 : i32
      %add3A_438 = vector.broadcast %add3A_437 : i32 to vector<16xi32>
      %add3A_439 = arith.addi %iota3A, %add3A_438 : vector<16xi32>
      %gather3A_440 = tpu.vector_load_idx %arg8[%broadcast_in_dim3A_436, %add3A_439] : memref<64x200xi32, #tpu.memory_space<vmem>>[vector<16xi32>, vector<16xi32>], vector<16xi32>,
      %mul3A_441 = arith.constant 400 : i32
      %mul3A_442 = arith.muli %scan3A_296, %mul3A_441 : i32
      %add3A_443 = arith.constant 112 : i32
      %add3A_444 = arith.addi %mul3A_442, %add3A_443 : i32
      %get3A_445 = arith.index_cast %add3A_444 : i32 to index
      %get3A_446 = tpu.vector_load %arg10[%get3A_445] {strides = array<i32>} : memref<12800xi32, #tpu.memory_space<vmem>>, vector<16xi32>,
      %mul3A_447 = arith.constant 5 : i32
      %mul3A_448 = vector.broadcast %mul3A_447 : i32 to vector<16xi32>
      %mul3A_449 = arith.muli %gather3A_440, %mul3A_448 : vector<16xi32>
      %add3A_450 = arith.addi %mul3A_449, %get3A_446 : vector<16xi32>
      %gather3A_451 = tpu.vector_load_idx %arg6[%add3A_450] : memref<64xf32, #tpu.memory_space<vmem>>[vector<16xi32>], vector<16xf32>,
      %add3A_452 = arith.addf %add3A_376, %gather3A_451 : vector<16xf32>
      %add3A_453 = arith.constant 0 : i32
      %add3A_454 = arith.addi %mul3A_302, %add3A_453 : i32
      %broadcast_in_dim3A_455 = vector.broadcast %add3A_454 : i32 to vector<16xi32>
      %add3A_456 = arith.constant 128 : i32
      %add3A_457 = vector.broadcast %add3A_456 : i32 to vector<16xi32>
      %add3A_458 = arith.addi %iota3A, %add3A_457 : vector<16xi32>
      %gather3A_459 = tpu.vector_load_idx %arg8[%broadcast_in_dim3A_455, %add3A_458] : memref<64x200xi32, #tpu.memory_space<vmem>>[vector<16xi32>, vector<16xi32>], vector<16xi32>,
      %mul3A_460 = arith.constant 400 : i32
      %mul3A_461 = arith.muli %scan3A_296, %mul3A_460 : i32
      %add3A_462 = arith.constant 128 : i32
      %add3A_463 = arith.addi %mul3A_461, %add3A_462 : i32
      %get3A_464 = arith.index_cast %add3A_463 : i32 to index
      %get3A_465 = tpu.vector_load %arg10[%get3A_464] {strides = array<i32>} : memref<12800xi32, #tpu.memory_space<vmem>>, vector<16xi32>,
      %mul3A_466 = arith.constant 5 : i32
      %mul3A_467 = vector.broadcast %mul3A_466 : i32 to vector<16xi32>
      %mul3A_468 = arith.muli %gather3A_459, %mul3A_467 : vector<16xi32>
      %add3A_469 = arith.addi %mul3A_468, %get3A_465 : vector<16xi32>
      %gather3A_470 = tpu.vector_load_idx %arg6[%add3A_469] : memref<64xf32, #tpu.memory_space<vmem>>[vector<16xi32>], vector<16xf32>,
      %add3A_471 = arith.addf %add3A_395, %gather3A_470 : vector<16xf32>
      %add3A_472 = arith.constant 0 : i32
      %add3A_473 = arith.addi %mul3A_302, %add3A_472 : i32
      %broadcast_in_dim3A_474 = vector.broadcast %add3A_473 : i32 to vector<16xi32>
      %add3A_475 = arith.constant 144 : i32
      %add3A_476 = vector.broadcast %add3A_475 : i32 to vector<16xi32>
      %add3A_477 = arith.addi %iota3A, %add3A_476 : vector<16xi32>
      %gather3A_478 = tpu.vector_load_idx %arg8[%broadcast_in_dim3A_474, %add3A_477] : memref<64x200xi32, #tpu.memory_space<vmem>>[vector<16xi32>, vector<16xi32>], vector<16xi32>,
      %mul3A_479 = arith.constant 400 : i32
      %mul3A_480 = arith.muli %scan3A_296, %mul3A_479 : i32
      %add3A_481 = arith.constant 144 : i32
      %add3A_482 = arith.addi %mul3A_480, %add3A_481 : i32
      %get3A_483 = arith.index_cast %add3A_482 : i32 to index
      %get3A_484 = tpu.vector_load %arg10[%get3A_483] {strides = array<i32>} : memref<12800xi32, #tpu.memory_space<vmem>>, vector<16xi32>,
      %mul3A_485 = arith.constant 5 : i32
      %mul3A_486 = vector.broadcast %mul3A_485 : i32 to vector<16xi32>
      %mul3A_487 = arith.muli %gather3A_478, %mul3A_486 : vector<16xi32>
      %add3A_488 = arith.addi %mul3A_487, %get3A_484 : vector<16xi32>
      %gather3A_489 = tpu.vector_load_idx %arg6[%add3A_488] : memref<64xf32, #tpu.memory_space<vmem>>[vector<16xi32>], vector<16xf32>,
      %add3A_490 = arith.addf %add3A_414, %gather3A_489 : vector<16xf32>
      %add3A_491 = arith.constant 0 : i32
      %add3A_492 = arith.addi %mul3A_302, %add3A_491 : i32
      %broadcast_in_dim3A_493 = vector.broadcast %add3A_492 : i32 to vector<16xi32>
      %add3A_494 = arith.constant 160 : i32
      %add3A_495 = vector.broadcast %add3A_494 : i32 to vector<16xi32>
      %add3A_496 = arith.addi %iota3A, %add3A_495 : vector<16xi32>
      %gather3A_497 = tpu.vector_load_idx %arg8[%broadcast_in_dim3A_493, %add3A_496] : memref<64x200xi32, #tpu.memory_space<vmem>>[vector<16xi32>, vector<16xi32>], vector<16xi32>,
      %mul3A_498 = arith.constant 400 : i32
      %mul3A_499 = arith.muli %scan3A_296, %mul3A_498 : i32
      %add3A_500 = arith.constant 160 : i32
      %add3A_501 = arith.addi %mul3A_499, %add3A_500 : i32
      %get3A_502 = arith.index_cast %add3A_501 : i32 to index
      %get3A_503 = tpu.vector_load %arg10[%get3A_502] {strides = array<i32>} : memref<12800xi32, #tpu.memory_space<vmem>>, vector<16xi32>,
      %mul3A_504 = arith.constant 5 : i32
      %mul3A_505 = vector.broadcast %mul3A_504 : i32 to vector<16xi32>
      %mul3A_506 = arith.muli %gather3A_497, %mul3A_505 : vector<16xi32>
      %add3A_507 = arith.addi %mul3A_506, %get3A_503 : vector<16xi32>
      %gather3A_508 = tpu.vector_load_idx %arg6[%add3A_507] : memref<64xf32, #tpu.memory_space<vmem>>[vector<16xi32>], vector<16xf32>,
      %add3A_509 = arith.addf %add3A_433, %gather3A_508 : vector<16xf32>
      %add3A_510 = arith.constant 0 : i32
      %add3A_511 = arith.addi %mul3A_302, %add3A_510 : i32
      %broadcast_in_dim3A_512 = vector.broadcast %add3A_511 : i32 to vector<16xi32>
      %add3A_513 = arith.constant 176 : i32
      %add3A_514 = vector.broadcast %add3A_513 : i32 to vector<16xi32>
      %add3A_515 = arith.addi %iota3A, %add3A_514 : vector<16xi32>
      %gather3A_516 = tpu.vector_load_idx %arg8[%broadcast_in_dim3A_512, %add3A_515] : memref<64x200xi32, #tpu.memory_space<vmem>>[vector<16xi32>, vector<16xi32>], vector<16xi32>,
      %mul3A_517 = arith.constant 400 : i32
      %mul3A_518 = arith.muli %scan3A_296, %mul3A_517 : i32
      %add3A_519 = arith.constant 176 : i32
      %add3A_520 = arith.addi %mul3A_518, %add3A_519 : i32
      %get3A_521 = arith.index_cast %add3A_520 : i32 to index
      %get3A_522 = tpu.vector_load %arg10[%get3A_521] {strides = array<i32>} : memref<12800xi32, #tpu.memory_space<vmem>>, vector<16xi32>,
      %mul3A_523 = arith.constant 5 : i32
      %mul3A_524 = vector.broadcast %mul3A_523 : i32 to vector<16xi32>
      %mul3A_525 = arith.muli %gather3A_516, %mul3A_524 : vector<16xi32>
      %add3A_526 = arith.addi %mul3A_525, %get3A_522 : vector<16xi32>
      %gather3A_527 = tpu.vector_load_idx %arg6[%add3A_526] : memref<64xf32, #tpu.memory_space<vmem>>[vector<16xi32>], vector<16xf32>,
      %add3A_528 = arith.addf %add3A_452, %gather3A_527 : vector<16xf32>
      %add3A_529 = arith.constant 0 : i32
      %add3A_530 = arith.addi %mul3A_302, %add3A_529 : i32
      %add3A_531 = vector.broadcast %add3A_530 : i32 to vector<16xi32>
      %add3A_532 = arith.addi %convert_element_type3A, %add3A_531 : vector<16xi32>
      %gather3A_533 = tpu.vector_load_idx %arg8[%add3A_532, %select_n3A] : memref<64x200xi32, #tpu.memory_space<vmem>>[vector<16xi32>, vector<16xi32>], vector<16xi32>,
      %mul3A_534 = arith.constant 400 : i32
      %mul3A_535 = arith.muli %scan3A_296, %mul3A_534 : i32
      %add3A_536 = arith.constant 192 : i32
      %add3A_537 = arith.addi %mul3A_535, %add3A_536 : i32
      %get3A_538 = arith.index_cast %add3A_537 : i32 to index
      %get3A_539 = tpu.vector_load %arg10[%get3A_538] {strides = array<i32>} : memref<12800xi32, #tpu.memory_space<vmem>>, vector<16xi32>,
      %mul3A_540 = arith.constant 5 : i32
      %mul3A_541 = vector.broadcast %mul3A_540 : i32 to vector<16xi32>
      %mul3A_542 = arith.muli %gather3A_533, %mul3A_541 : vector<16xi32>
      %add3A_543 = arith.addi %mul3A_542, %get3A_539 : vector<16xi32>
      %gather3A_544 = tpu.vector_load_idx %arg6[%add3A_543] : memref<64xf32, #tpu.memory_space<vmem>>[vector<16xi32>], vector<16xf32>,
      %add3A_545 = arith.addf %add3A_471, %gather3A_544 : vector<16xf32>
      %add3A_546 = arith.constant 1 : i32
      %add3A_547 = arith.addi %mul3A_302, %add3A_546 : i32
      %broadcast_in_dim3A_548 = vector.broadcast %add3A_547 : i32 to vector<16xi32>
      %add3A_549 = arith.constant 8 : i32
      %add3A_550 = vector.broadcast %add3A_549 : i32 to vector<16xi32>
      %add3A_551 = arith.addi %iota3A, %add3A_550 : vector<16xi32>
      %gather3A_552 = tpu.vector_load_idx %arg8[%broadcast_in_dim3A_548, %add3A_551] : memref<64x200xi32, #tpu.memory_space<vmem>>[vector<16xi32>, vector<16xi32>], vector<16xi32>,
      %mul3A_553 = arith.constant 400 : i32
      %mul3A_554 = arith.muli %scan3A_296, %mul3A_553 : i32
      %add3A_555 = arith.constant 208 : i32
      %add3A_556 = arith.addi %mul3A_554, %add3A_555 : i32
      %get3A_557 = arith.index_cast %add3A_556 : i32 to index
      %get3A_558 = tpu.vector_load %arg10[%get3A_557] {strides = array<i32>} : memref<12800xi32, #tpu.memory_space<vmem>>, vector<16xi32>,
      %mul3A_559 = arith.constant 5 : i32
      %mul3A_560 = vector.broadcast %mul3A_559 : i32 to vector<16xi32>
      %mul3A_561 = arith.muli %gather3A_552, %mul3A_560 : vector<16xi32>
      %add3A_562 = arith.addi %mul3A_561, %get3A_558 : vector<16xi32>
      %gather3A_563 = tpu.vector_load_idx %arg6[%add3A_562] : memref<64xf32, #tpu.memory_space<vmem>>[vector<16xi32>], vector<16xf32>,
      %add3A_564 = arith.addf %add3A_490, %gather3A_563 : vector<16xf32>
      %add3A_565 = arith.constant 1 : i32
      %add3A_566 = arith.addi %mul3A_302, %add3A_565 : i32
      %broadcast_in_dim3A_567 = vector.broadcast %add3A_566 : i32 to vector<16xi32>
      %add3A_568 = arith.constant 24 : i32
      %add3A_569 = vector.broadcast %add3A_568 : i32 to vector<16xi32>
      %add3A_570 = arith.addi %iota3A, %add3A_569 : vector<16xi32>
      %gather3A_571 = tpu.vector_load_idx %arg8[%broadcast_in_dim3A_567, %add3A_570] : memref<64x200xi32, #tpu.memory_space<vmem>>[vector<16xi32>, vector<16xi32>], vector<16xi32>,
      %mul3A_572 = arith.constant 400 : i32
      %mul3A_573 = arith.muli %scan3A_296, %mul3A_572 : i32
      %add3A_574 = arith.constant 224 : i32
      %add3A_575 = arith.addi %mul3A_573, %add3A_574 : i32
      %get3A_576 = arith.index_cast %add3A_575 : i32 to index
      %get3A_577 = tpu.vector_load %arg10[%get3A_576] {strides = array<i32>} : memref<12800xi32, #tpu.memory_space<vmem>>, vector<16xi32>,
      %mul3A_578 = arith.constant 5 : i32
      %mul3A_579 = vector.broadcast %mul3A_578 : i32 to vector<16xi32>
      %mul3A_580 = arith.muli %gather3A_571, %mul3A_579 : vector<16xi32>
      %add3A_581 = arith.addi %mul3A_580, %get3A_577 : vector<16xi32>
      %gather3A_582 = tpu.vector_load_idx %arg6[%add3A_581] : memref<64xf32, #tpu.memory_space<vmem>>[vector<16xi32>], vector<16xf32>,
      %add3A_583 = arith.addf %add3A_509, %gather3A_582 : vector<16xf32>
      %add3A_584 = arith.constant 1 : i32
      %add3A_585 = arith.addi %mul3A_302, %add3A_584 : i32
      %broadcast_in_dim3A_586 = vector.broadcast %add3A_585 : i32 to vector<16xi32>
      %add3A_587 = arith.constant 40 : i32
      %add3A_588 = vector.broadcast %add3A_587 : i32 to vector<16xi32>
      %add3A_589 = arith.addi %iota3A, %add3A_588 : vector<16xi32>
      %gather3A_590 = tpu.vector_load_idx %arg8[%broadcast_in_dim3A_586, %add3A_589] : memref<64x200xi32, #tpu.memory_space<vmem>>[vector<16xi32>, vector<16xi32>], vector<16xi32>,
      %mul3A_591 = arith.constant 400 : i32
      %mul3A_592 = arith.muli %scan3A_296, %mul3A_591 : i32
      %add3A_593 = arith.constant 240 : i32
      %add3A_594 = arith.addi %mul3A_592, %add3A_593 : i32
      %get3A_595 = arith.index_cast %add3A_594 : i32 to index
      %get3A_596 = tpu.vector_load %arg10[%get3A_595] {strides = array<i32>} : memref<12800xi32, #tpu.memory_space<vmem>>, vector<16xi32>,
      %mul3A_597 = arith.constant 5 : i32
      %mul3A_598 = vector.broadcast %mul3A_597 : i32 to vector<16xi32>
      %mul3A_599 = arith.muli %gather3A_590, %mul3A_598 : vector<16xi32>
      %add3A_600 = arith.addi %mul3A_599, %get3A_596 : vector<16xi32>
      %gather3A_601 = tpu.vector_load_idx %arg6[%add3A_600] : memref<64xf32, #tpu.memory_space<vmem>>[vector<16xi32>], vector<16xf32>,
      %add3A_602 = arith.addf %add3A_528, %gather3A_601 : vector<16xf32>
      %add3A_603 = arith.constant 1 : i32
      %add3A_604 = arith.addi %mul3A_302, %add3A_603 : i32
      %broadcast_in_dim3A_605 = vector.broadcast %add3A_604 : i32 to vector<16xi32>
      %add3A_606 = arith.constant 56 : i32
      %add3A_607 = vector.broadcast %add3A_606 : i32 to vector<16xi32>
      %add3A_608 = arith.addi %iota3A, %add3A_607 : vector<16xi32>
      %gather3A_609 = tpu.vector_load_idx %arg8[%broadcast_in_dim3A_605, %add3A_608] : memref<64x200xi32, #tpu.memory_space<vmem>>[vector<16xi32>, vector<16xi32>], vector<16xi32>,
      %mul3A_610 = arith.constant 400 : i32
      %mul3A_611 = arith.muli %scan3A_296, %mul3A_610 : i32
      %add3A_612 = arith.constant 256 : i32
      %add3A_613 = arith.addi %mul3A_611, %add3A_612 : i32
      %get3A_614 = arith.index_cast %add3A_613 : i32 to index
      %get3A_615 = tpu.vector_load %arg10[%get3A_614] {strides = array<i32>} : memref<12800xi32, #tpu.memory_space<vmem>>, vector<16xi32>,
      %mul3A_616 = arith.constant 5 : i32
      %mul3A_617 = vector.broadcast %mul3A_616 : i32 to vector<16xi32>
      %mul3A_618 = arith.muli %gather3A_609, %mul3A_617 : vector<16xi32>
      %add3A_619 = arith.addi %mul3A_618, %get3A_615 : vector<16xi32>
      %gather3A_620 = tpu.vector_load_idx %arg6[%add3A_619] : memref<64xf32, #tpu.memory_space<vmem>>[vector<16xi32>], vector<16xf32>,
      %add3A_621 = arith.addf %add3A_545, %gather3A_620 : vector<16xf32>
      %add3A_622 = arith.constant 1 : i32
      %add3A_623 = arith.addi %mul3A_302, %add3A_622 : i32
      %broadcast_in_dim3A_624 = vector.broadcast %add3A_623 : i32 to vector<16xi32>
      %add3A_625 = arith.constant 72 : i32
      %add3A_626 = vector.broadcast %add3A_625 : i32 to vector<16xi32>
      %add3A_627 = arith.addi %iota3A, %add3A_626 : vector<16xi32>
      %gather3A_628 = tpu.vector_load_idx %arg8[%broadcast_in_dim3A_624, %add3A_627] : memref<64x200xi32, #tpu.memory_space<vmem>>[vector<16xi32>, vector<16xi32>], vector<16xi32>,
      %mul3A_629 = arith.constant 400 : i32
      %mul3A_630 = arith.muli %scan3A_296, %mul3A_629 : i32
      %add3A_631 = arith.constant 272 : i32
      %add3A_632 = arith.addi %mul3A_630, %add3A_631 : i32
      %get3A_633 = arith.index_cast %add3A_632 : i32 to index
      %get3A_634 = tpu.vector_load %arg10[%get3A_633] {strides = array<i32>} : memref<12800xi32, #tpu.memory_space<vmem>>, vector<16xi32>,
      %mul3A_635 = arith.constant 5 : i32
      %mul3A_636 = vector.broadcast %mul3A_635 : i32 to vector<16xi32>
      %mul3A_637 = arith.muli %gather3A_628, %mul3A_636 : vector<16xi32>
      %add3A_638 = arith.addi %mul3A_637, %get3A_634 : vector<16xi32>
      %gather3A_639 = tpu.vector_load_idx %arg6[%add3A_638] : memref<64xf32, #tpu.memory_space<vmem>>[vector<16xi32>], vector<16xf32>,
      %add3A_640 = arith.addf %add3A_564, %gather3A_639 : vector<16xf32>
      %add3A_641 = arith.constant 1 : i32
      %add3A_642 = arith.addi %mul3A_302, %add3A_641 : i32
      %broadcast_in_dim3A_643 = vector.broadcast %add3A_642 : i32 to vector<16xi32>
      %add3A_644 = arith.constant 88 : i32
      %add3A_645 = vector.broadcast %add3A_644 : i32 to vector<16xi32>
      %add3A_646 = arith.addi %iota3A, %add3A_645 : vector<16xi32>
      %gather3A_647 = tpu.vector_load_idx %arg8[%broadcast_in_dim3A_643, %add3A_646] : memref<64x200xi32, #tpu.memory_space<vmem>>[vector<16xi32>, vector<16xi32>], vector<16xi32>,
      %mul3A_648 = arith.constant 400 : i32
      %mul3A_649 = arith.muli %scan3A_296, %mul3A_648 : i32
      %add3A_650 = arith.constant 288 : i32
      %add3A_651 = arith.addi %mul3A_649, %add3A_650 : i32
      %get3A_652 = arith.index_cast %add3A_651 : i32 to index
      %get3A_653 = tpu.vector_load %arg10[%get3A_652] {strides = array<i32>} : memref<12800xi32, #tpu.memory_space<vmem>>, vector<16xi32>,
      %mul3A_654 = arith.constant 5 : i32
      %mul3A_655 = vector.broadcast %mul3A_654 : i32 to vector<16xi32>
      %mul3A_656 = arith.muli %gather3A_647, %mul3A_655 : vector<16xi32>
      %add3A_657 = arith.addi %mul3A_656, %get3A_653 : vector<16xi32>
      %gather3A_658 = tpu.vector_load_idx %arg6[%add3A_657] : memref<64xf32, #tpu.memory_space<vmem>>[vector<16xi32>], vector<16xf32>,
      %add3A_659 = arith.addf %add3A_583, %gather3A_658 : vector<16xf32>
      %add3A_660 = arith.constant 1 : i32
      %add3A_661 = arith.addi %mul3A_302, %add3A_660 : i32
      %broadcast_in_dim3A_662 = vector.broadcast %add3A_661 : i32 to vector<16xi32>
      %add3A_663 = arith.constant 104 : i32
      %add3A_664 = vector.broadcast %add3A_663 : i32 to vector<16xi32>
      %add3A_665 = arith.addi %iota3A, %add3A_664 : vector<16xi32>
      %gather3A_666 = tpu.vector_load_idx %arg8[%broadcast_in_dim3A_662, %add3A_665] : memref<64x200xi32, #tpu.memory_space<vmem>>[vector<16xi32>, vector<16xi32>], vector<16xi32>,
      %mul3A_667 = arith.constant 400 : i32
      %mul3A_668 = arith.muli %scan3A_296, %mul3A_667 : i32
      %add3A_669 = arith.constant 304 : i32
      %add3A_670 = arith.addi %mul3A_668, %add3A_669 : i32
      %get3A_671 = arith.index_cast %add3A_670 : i32 to index
      %get3A_672 = tpu.vector_load %arg10[%get3A_671] {strides = array<i32>} : memref<12800xi32, #tpu.memory_space<vmem>>, vector<16xi32>,
      %mul3A_673 = arith.constant 5 : i32
      %mul3A_674 = vector.broadcast %mul3A_673 : i32 to vector<16xi32>
      %mul3A_675 = arith.muli %gather3A_666, %mul3A_674 : vector<16xi32>
      %add3A_676 = arith.addi %mul3A_675, %get3A_672 : vector<16xi32>
      %gather3A_677 = tpu.vector_load_idx %arg6[%add3A_676] : memref<64xf32, #tpu.memory_space<vmem>>[vector<16xi32>], vector<16xf32>,
      %add3A_678 = arith.addf %add3A_602, %gather3A_677 : vector<16xf32>
      %add3A_679 = arith.constant 1 : i32
      %add3A_680 = arith.addi %mul3A_302, %add3A_679 : i32
      %broadcast_in_dim3A_681 = vector.broadcast %add3A_680 : i32 to vector<16xi32>
      %add3A_682 = arith.constant 120 : i32
      %add3A_683 = vector.broadcast %add3A_682 : i32 to vector<16xi32>
      %add3A_684 = arith.addi %iota3A, %add3A_683 : vector<16xi32>
      %gather3A_685 = tpu.vector_load_idx %arg8[%broadcast_in_dim3A_681, %add3A_684] : memref<64x200xi32, #tpu.memory_space<vmem>>[vector<16xi32>, vector<16xi32>], vector<16xi32>,
      %mul3A_686 = arith.constant 400 : i32
      %mul3A_687 = arith.muli %scan3A_296, %mul3A_686 : i32
      %add3A_688 = arith.constant 320 : i32
      %add3A_689 = arith.addi %mul3A_687, %add3A_688 : i32
      %get3A_690 = arith.index_cast %add3A_689 : i32 to index
      %get3A_691 = tpu.vector_load %arg10[%get3A_690] {strides = array<i32>} : memref<12800xi32, #tpu.memory_space<vmem>>, vector<16xi32>,
      %mul3A_692 = arith.constant 5 : i32
      %mul3A_693 = vector.broadcast %mul3A_692 : i32 to vector<16xi32>
      %mul3A_694 = arith.muli %gather3A_685, %mul3A_693 : vector<16xi32>
      %add3A_695 = arith.addi %mul3A_694, %get3A_691 : vector<16xi32>
      %gather3A_696 = tpu.vector_load_idx %arg6[%add3A_695] : memref<64xf32, #tpu.memory_space<vmem>>[vector<16xi32>], vector<16xf32>,
      %add3A_697 = arith.addf %add3A_621, %gather3A_696 : vector<16xf32>
      %add3A_698 = arith.constant 1 : i32
      %add3A_699 = arith.addi %mul3A_302, %add3A_698 : i32
      %broadcast_in_dim3A_700 = vector.broadcast %add3A_699 : i32 to vector<16xi32>
      %add3A_701 = arith.constant 136 : i32
      %add3A_702 = vector.broadcast %add3A_701 : i32 to vector<16xi32>
      %add3A_703 = arith.addi %iota3A, %add3A_702 : vector<16xi32>
      %gather3A_704 = tpu.vector_load_idx %arg8[%broadcast_in_dim3A_700, %add3A_703] : memref<64x200xi32, #tpu.memory_space<vmem>>[vector<16xi32>, vector<16xi32>], vector<16xi32>,
      %mul3A_705 = arith.constant 400 : i32
      %mul3A_706 = arith.muli %scan3A_296, %mul3A_705 : i32
      %add3A_707 = arith.constant 336 : i32
      %add3A_708 = arith.addi %mul3A_706, %add3A_707 : i32
      %get3A_709 = arith.index_cast %add3A_708 : i32 to index
      %get3A_710 = tpu.vector_load %arg10[%get3A_709] {strides = array<i32>} : memref<12800xi32, #tpu.memory_space<vmem>>, vector<16xi32>,
      %mul3A_711 = arith.constant 5 : i32
      %mul3A_712 = vector.broadcast %mul3A_711 : i32 to vector<16xi32>
      %mul3A_713 = arith.muli %gather3A_704, %mul3A_712 : vector<16xi32>
      %add3A_714 = arith.addi %mul3A_713, %get3A_710 : vector<16xi32>
      %gather3A_715 = tpu.vector_load_idx %arg6[%add3A_714] : memref<64xf32, #tpu.memory_space<vmem>>[vector<16xi32>], vector<16xf32>,
      %add3A_716 = arith.addf %add3A_640, %gather3A_715 : vector<16xf32>
      %add3A_717 = arith.constant 1 : i32
      %add3A_718 = arith.addi %mul3A_302, %add3A_717 : i32
      %broadcast_in_dim3A_719 = vector.broadcast %add3A_718 : i32 to vector<16xi32>
      %add3A_720 = arith.constant 152 : i32
      %add3A_721 = vector.broadcast %add3A_720 : i32 to vector<16xi32>
      %add3A_722 = arith.addi %iota3A, %add3A_721 : vector<16xi32>
      %gather3A_723 = tpu.vector_load_idx %arg8[%broadcast_in_dim3A_719, %add3A_722] : memref<64x200xi32, #tpu.memory_space<vmem>>[vector<16xi32>, vector<16xi32>], vector<16xi32>,
      %mul3A_724 = arith.constant 400 : i32
      %mul3A_725 = arith.muli %scan3A_296, %mul3A_724 : i32
      %add3A_726 = arith.constant 352 : i32
      %add3A_727 = arith.addi %mul3A_725, %add3A_726 : i32
      %get3A_728 = arith.index_cast %add3A_727 : i32 to index
      %get3A_729 = tpu.vector_load %arg10[%get3A_728] {strides = array<i32>} : memref<12800xi32, #tpu.memory_space<vmem>>, vector<16xi32>,
      %mul3A_730 = arith.constant 5 : i32
      %mul3A_731 = vector.broadcast %mul3A_730 : i32 to vector<16xi32>
      %mul3A_732 = arith.muli %gather3A_723, %mul3A_731 : vector<16xi32>
      %add3A_733 = arith.addi %mul3A_732, %get3A_729 : vector<16xi32>
      %gather3A_734 = tpu.vector_load_idx %arg6[%add3A_733] : memref<64xf32, #tpu.memory_space<vmem>>[vector<16xi32>], vector<16xf32>,
      %add3A_735 = arith.addf %add3A_659, %gather3A_734 : vector<16xf32>
      %add3A_736 = arith.constant 1 : i32
      %add3A_737 = arith.addi %mul3A_302, %add3A_736 : i32
      %broadcast_in_dim3A_738 = vector.broadcast %add3A_737 : i32 to vector<16xi32>
      %add3A_739 = arith.constant 168 : i32
      %add3A_740 = vector.broadcast %add3A_739 : i32 to vector<16xi32>
      %add3A_741 = arith.addi %iota3A, %add3A_740 : vector<16xi32>
      %gather3A_742 = tpu.vector_load_idx %arg8[%broadcast_in_dim3A_738, %add3A_741] : memref<64x200xi32, #tpu.memory_space<vmem>>[vector<16xi32>, vector<16xi32>], vector<16xi32>,
      %mul3A_743 = arith.constant 400 : i32
      %mul3A_744 = arith.muli %scan3A_296, %mul3A_743 : i32
      %add3A_745 = arith.constant 368 : i32
      %add3A_746 = arith.addi %mul3A_744, %add3A_745 : i32
      %get3A_747 = arith.index_cast %add3A_746 : i32 to index
      %get3A_748 = tpu.vector_load %arg10[%get3A_747] {strides = array<i32>} : memref<12800xi32, #tpu.memory_space<vmem>>, vector<16xi32>,
      %mul3A_749 = arith.constant 5 : i32
      %mul3A_750 = vector.broadcast %mul3A_749 : i32 to vector<16xi32>
      %mul3A_751 = arith.muli %gather3A_742, %mul3A_750 : vector<16xi32>
      %add3A_752 = arith.addi %mul3A_751, %get3A_748 : vector<16xi32>
      %gather3A_753 = tpu.vector_load_idx %arg6[%add3A_752] : memref<64xf32, #tpu.memory_space<vmem>>[vector<16xi32>], vector<16xf32>,
      %add3A_754 = arith.addf %add3A_678, %gather3A_753 : vector<16xf32>
      %add3A_755 = arith.constant 1 : i32
      %add3A_756 = arith.addi %mul3A_302, %add3A_755 : i32
      %broadcast_in_dim3A_757 = vector.broadcast %add3A_756 : i32 to vector<16xi32>
      %add3A_758 = arith.constant 184 : i32
      %add3A_759 = vector.broadcast %add3A_758 : i32 to vector<16xi32>
      %add3A_760 = arith.addi %iota3A, %add3A_759 : vector<16xi32>
      %gather3A_761 = tpu.vector_load_idx %arg8[%broadcast_in_dim3A_757, %add3A_760] : memref<64x200xi32, #tpu.memory_space<vmem>>[vector<16xi32>, vector<16xi32>], vector<16xi32>,
      %mul3A_762 = arith.constant 400 : i32
      %mul3A_763 = arith.muli %scan3A_296, %mul3A_762 : i32
      %add3A_764 = arith.constant 384 : i32
      %add3A_765 = arith.addi %mul3A_763, %add3A_764 : i32
      %get3A_766 = arith.index_cast %add3A_765 : i32 to index
      %get3A_767 = tpu.vector_load %arg10[%get3A_766] {strides = array<i32>} : memref<12800xi32, #tpu.memory_space<vmem>>, vector<16xi32>,
      %mul3A_768 = arith.constant 5 : i32
      %mul3A_769 = vector.broadcast %mul3A_768 : i32 to vector<16xi32>
      %mul3A_770 = arith.muli %gather3A_761, %mul3A_769 : vector<16xi32>
      %add3A_771 = arith.addi %mul3A_770, %get3A_767 : vector<16xi32>
      %gather3A_772 = tpu.vector_load_idx %arg6[%add3A_771] : memref<64xf32, #tpu.memory_space<vmem>>[vector<16xi32>], vector<16xf32>,
      %add3A_773 = arith.addf %add3A_697, %gather3A_772 : vector<16xf32>
      scf.yield %add3A_773, %add3A_716, %add3A_735, %add3A_754 : vector<16xf32>, vector<16xf32>, vector<16xf32>, vector<16xf32>
    }
    %scan3A_169 = arith.constant 32 : i32
    %add3A_170 = arith.constant 320 : i32
    %add3A_171 = arith.addi %mul3A_2, %add3A_170 : i32
    %dma_start3A_172 = arith.constant 1 : i32
    %dma_start3A_173 = arith.constant 0 : i32
    %dma_start3A_174 = tpu.memref_slice %arg2[%add3A_171, %dma_start3A_173] : memref<16384x200xi32, #tpu.memory_space<hbm>> -> memref<64x200xi32, #tpu.memory_space<hbm>>
    %dma_start3A_175 = tpu.memref_slice %arg12[%dma_start3A_172] : memref<2x!tpu.dma_semaphore, #tpu.memory_space<semaphore_mem>> -> memref<1x!tpu.dma_semaphore, #tpu.memory_space<semaphore_mem>>
    %dma_start3A_176 = tpu.memref_squeeze %dma_start3A_175 : memref<1x!tpu.dma_semaphore, #tpu.memory_space<semaphore_mem>> -> memref<!tpu.dma_semaphore, #tpu.memory_space<semaphore_mem>>
    %dma_start3A_177 = arith.constant 0 : i32
    %dma_start3A_178 = tpu.memref_slice %arg2[%add3A_171, %dma_start3A_177] : memref<16384x200xi32, #tpu.memory_space<hbm>> -> memref<64x200xi32, #tpu.memory_space<hbm>>
    tpu.enqueue_dma source(%dma_start3A_178 : memref<64x200xi32, #tpu.memory_space<hbm>>) target(%arg8 : memref<64x200xi32, #tpu.memory_space<vmem>>) target_semaphore(%dma_start3A_176 : memref<!tpu.dma_semaphore, #tpu.memory_space<semaphore_mem>>)
    %add3A_179 = arith.constant 64000 : i32
    %add3A_180 = arith.addi %mul3A_4, %add3A_179 : i32
    %dma_start3A_181 = arith.constant 1 : i32
    %dma_start3A_182 = tpu.memref_slice %arg3[%add3A_180] : memref<3276800xi32, #tpu.memory_space<hbm>> -> memref<12800xi32, #tpu.memory_space<hbm>>
    %dma_start3A_183 = tpu.memref_slice %arg13[%dma_start3A_181] : memref<2x!tpu.dma_semaphore, #tpu.memory_space<semaphore_mem>> -> memref<1x!tpu.dma_semaphore, #tpu.memory_space<semaphore_mem>>
    %dma_start3A_184 = tpu.memref_squeeze %dma_start3A_183 : memref<1x!tpu.dma_semaphore, #tpu.memory_space<semaphore_mem>> -> memref<!tpu.dma_semaphore, #tpu.memory_space<semaphore_mem>>
    %dma_start3A_185 = tpu.memref_slice %arg3[%add3A_180] : memref<3276800xi32, #tpu.memory_space<hbm>> -> memref<12800xi32, #tpu.memory_space<hbm>>
    tpu.enqueue_dma source(%dma_start3A_185 : memref<12800xi32, #tpu.memory_space<hbm>>) target(%arg10 : memref<12800xi32, #tpu.memory_space<vmem>>) target_semaphore(%dma_start3A_184 : memref<!tpu.dma_semaphore, #tpu.memory_space<semaphore_mem>>)
    %dma_wait3A_186 = arith.constant 0 : i32
    %dma_wait3A_187 = arith.constant 0 : i32
    %dma_wait3A_188 = tpu.memref_slice %arg2[%add3A_137, %dma_wait3A_187] : memref<16384x200xi32, #tpu.memory_space<hbm>> -> memref<64x200xi32, #tpu.memory_space<hbm>>
    %dma_wait3A_189 = tpu.memref_slice %arg12[%dma_wait3A_186] : memref<2x!tpu.dma_semaphore, #tpu.memory_space<semaphore_mem>> -> memref<1x!tpu.dma_semaphore, #tpu.memory_space<semaphore_mem>>
    %dma_wait3A_190 = tpu.memref_squeeze %dma_wait3A_189 : memref<1x!tpu.dma_semaphore, #tpu.memory_space<semaphore_mem>> -> memref<!tpu.dma_semaphore, #tpu.memory_space<semaphore_mem>>
    %dma_wait3A_191 = arith.constant 0 : i32
    %dma_wait3A_192 = tpu.memref_slice %arg2[%add3A_137, %dma_wait3A_191] : memref<16384x200xi32, #tpu.memory_space<hbm>> -> memref<64x200xi32, #tpu.memory_space<hbm>>
    tpu.wait_dma2 semaphore(%dma_wait3A_190 : memref<!tpu.dma_semaphore, #tpu.memory_space<semaphore_mem>>) src(%dma_wait3A_192 : memref<64x200xi32, #tpu.memory_space<hbm>>) dst(%arg7 : memref<64x200xi32, #tpu.memory_space<vmem>>)
    %dma_wait3A_193 = arith.constant 0 : i32
    %dma_wait3A_194 = tpu.memref_slice %arg3[%add3A_146] : memref<3276800xi32, #tpu.memory_space<hbm>> -> memref<12800xi32, #tpu.memory_space<hbm>>
    %dma_wait3A_195 = tpu.memref_slice %arg13[%dma_wait3A_193] : memref<2x!tpu.dma_semaphore, #tpu.memory_space<semaphore_mem>> -> memref<1x!tpu.dma_semaphore, #tpu.memory_space<semaphore_mem>>
    %dma_wait3A_196 = tpu.memref_squeeze %dma_wait3A_195 : memref<1x!tpu.dma_semaphore, #tpu.memory_space<semaphore_mem>> -> memref<!tpu.dma_semaphore, #tpu.memory_space<semaphore_mem>>
    %dma_wait3A_197 = tpu.memref_slice %arg3[%add3A_146] : memref<3276800xi32, #tpu.memory_space<hbm>> -> memref<12800xi32, #tpu.memory_space<hbm>>
    tpu.wait_dma2 semaphore(%dma_wait3A_196 : memref<!tpu.dma_semaphore, #tpu.memory_space<semaphore_mem>>) src(%dma_wait3A_197 : memref<12800xi32, #tpu.memory_space<hbm>>) dst(%arg9 : memref<12800xi32, #tpu.memory_space<vmem>>)
    %scan3A_198 = arith.constant 0 : i32
    %scan3A_199 = arith.constant 32 : i32
    %scan3A_200 = arith.addi %scan3A_198, %scan3A_199 : i32
    %scan3A_201 = arith.constant 1 : i32
    %scan3A_202:4 = scf.for %scan3A_296 = %scan3A_198 to %scan3A_200 step %scan3A_201 iter_args(%scan3A_297 = %scan3A_168#0, %scan3A_298 = %scan3A_168#1, %scan3A_299 = %scan3A_168#2, %scan3A_300 = %scan3A_168#3) -> (vector<16xf32>, vector<16xf32>, vector<16xf32>, vector<16xf32>)  : i32 {
      %mul3A_301 = arith.constant 2 : i32
      %mul3A_302 = arith.muli %mul3A_301, %scan3A_296 : i32
      %add3A_303 = arith.constant 0 : i32
      %add3A_304 = arith.addi %mul3A_302, %add3A_303 : i32
      %broadcast_in_dim3A_305 = vector.broadcast %add3A_304 : i32 to vector<16xi32>
      %add3A_306 = arith.constant 0 : i32
      %add3A_307 = vector.broadcast %add3A_306 : i32 to vector<16xi32>
      %add3A_308 = arith.addi %iota3A, %add3A_307 : vector<16xi32>
      %gather3A = tpu.vector_load_idx %arg7[%broadcast_in_dim3A_305, %add3A_308] : memref<64x200xi32, #tpu.memory_space<vmem>>[vector<16xi32>, vector<16xi32>], vector<16xi32>,
      %mul3A_309 = arith.constant 400 : i32
      %mul3A_310 = arith.muli %scan3A_296, %mul3A_309 : i32
      %add3A_311 = arith.constant 0 : i32
      %add3A_312 = arith.addi %mul3A_310, %add3A_311 : i32
      %get3A = arith.index_cast %add3A_312 : i32 to index
      %get3A_313 = tpu.vector_load %arg9[%get3A] {strides = array<i32>} : memref<12800xi32, #tpu.memory_space<vmem>>, vector<16xi32>,
      %mul3A_314 = arith.constant 5 : i32
      %mul3A_315 = vector.broadcast %mul3A_314 : i32 to vector<16xi32>
      %mul3A_316 = arith.muli %gather3A, %mul3A_315 : vector<16xi32>
      %add3A_317 = arith.addi %mul3A_316, %get3A_313 : vector<16xi32>
      %gather3A_318 = tpu.vector_load_idx %arg6[%add3A_317] : memref<64xf32, #tpu.memory_space<vmem>>[vector<16xi32>], vector<16xf32>,
      %add3A_319 = arith.addf %scan3A_297, %gather3A_318 : vector<16xf32>
      %add3A_320 = arith.constant 0 : i32
      %add3A_321 = arith.addi %mul3A_302, %add3A_320 : i32
      %broadcast_in_dim3A_322 = vector.broadcast %add3A_321 : i32 to vector<16xi32>
      %add3A_323 = arith.constant 16 : i32
      %add3A_324 = vector.broadcast %add3A_323 : i32 to vector<16xi32>
      %add3A_325 = arith.addi %iota3A, %add3A_324 : vector<16xi32>
      %gather3A_326 = tpu.vector_load_idx %arg7[%broadcast_in_dim3A_322, %add3A_325] : memref<64x200xi32, #tpu.memory_space<vmem>>[vector<16xi32>, vector<16xi32>], vector<16xi32>,
      %mul3A_327 = arith.constant 400 : i32
      %mul3A_328 = arith.muli %scan3A_296, %mul3A_327 : i32
      %add3A_329 = arith.constant 16 : i32
      %add3A_330 = arith.addi %mul3A_328, %add3A_329 : i32
      %get3A_331 = arith.index_cast %add3A_330 : i32 to index
      %get3A_332 = tpu.vector_load %arg9[%get3A_331] {strides = array<i32>} : memref<12800xi32, #tpu.memory_space<vmem>>, vector<16xi32>,
      %mul3A_333 = arith.constant 5 : i32
      %mul3A_334 = vector.broadcast %mul3A_333 : i32 to vector<16xi32>
      %mul3A_335 = arith.muli %gather3A_326, %mul3A_334 : vector<16xi32>
      %add3A_336 = arith.addi %mul3A_335, %get3A_332 : vector<16xi32>
      %gather3A_337 = tpu.vector_load_idx %arg6[%add3A_336] : memref<64xf32, #tpu.memory_space<vmem>>[vector<16xi32>], vector<16xf32>,
      %add3A_338 = arith.addf %scan3A_298, %gather3A_337 : vector<16xf32>
      %add3A_339 = arith.constant 0 : i32
      %add3A_340 = arith.addi %mul3A_302, %add3A_339 : i32
      %broadcast_in_dim3A_341 = vector.broadcast %add3A_340 : i32 to vector<16xi32>
      %add3A_342 = arith.constant 32 : i32
      %add3A_343 = vector.broadcast %add3A_342 : i32 to vector<16xi32>
      %add3A_344 = arith.addi %iota3A, %add3A_343 : vector<16xi32>
      %gather3A_345 = tpu.vector_load_idx %arg7[%broadcast_in_dim3A_341, %add3A_344] : memref<64x200xi32, #tpu.memory_space<vmem>>[vector<16xi32>, vector<16xi32>], vector<16xi32>,
      %mul3A_346 = arith.constant 400 : i32
      %mul3A_347 = arith.muli %scan3A_296, %mul3A_346 : i32
      %add3A_348 = arith.constant 32 : i32
      %add3A_349 = arith.addi %mul3A_347, %add3A_348 : i32
      %get3A_350 = arith.index_cast %add3A_349 : i32 to index
      %get3A_351 = tpu.vector_load %arg9[%get3A_350] {strides = array<i32>} : memref<12800xi32, #tpu.memory_space<vmem>>, vector<16xi32>,
      %mul3A_352 = arith.constant 5 : i32
      %mul3A_353 = vector.broadcast %mul3A_352 : i32 to vector<16xi32>
      %mul3A_354 = arith.muli %gather3A_345, %mul3A_353 : vector<16xi32>
      %add3A_355 = arith.addi %mul3A_354, %get3A_351 : vector<16xi32>
      %gather3A_356 = tpu.vector_load_idx %arg6[%add3A_355] : memref<64xf32, #tpu.memory_space<vmem>>[vector<16xi32>], vector<16xf32>,
      %add3A_357 = arith.addf %scan3A_299, %gather3A_356 : vector<16xf32>
      %add3A_358 = arith.constant 0 : i32
      %add3A_359 = arith.addi %mul3A_302, %add3A_358 : i32
      %broadcast_in_dim3A_360 = vector.broadcast %add3A_359 : i32 to vector<16xi32>
      %add3A_361 = arith.constant 48 : i32
      %add3A_362 = vector.broadcast %add3A_361 : i32 to vector<16xi32>
      %add3A_363 = arith.addi %iota3A, %add3A_362 : vector<16xi32>
      %gather3A_364 = tpu.vector_load_idx %arg7[%broadcast_in_dim3A_360, %add3A_363] : memref<64x200xi32, #tpu.memory_space<vmem>>[vector<16xi32>, vector<16xi32>], vector<16xi32>,
      %mul3A_365 = arith.constant 400 : i32
      %mul3A_366 = arith.muli %scan3A_296, %mul3A_365 : i32
      %add3A_367 = arith.constant 48 : i32
      %add3A_368 = arith.addi %mul3A_366, %add3A_367 : i32
      %get3A_369 = arith.index_cast %add3A_368 : i32 to index
      %get3A_370 = tpu.vector_load %arg9[%get3A_369] {strides = array<i32>} : memref<12800xi32, #tpu.memory_space<vmem>>, vector<16xi32>,
      %mul3A_371 = arith.constant 5 : i32
      %mul3A_372 = vector.broadcast %mul3A_371 : i32 to vector<16xi32>
      %mul3A_373 = arith.muli %gather3A_364, %mul3A_372 : vector<16xi32>
      %add3A_374 = arith.addi %mul3A_373, %get3A_370 : vector<16xi32>
      %gather3A_375 = tpu.vector_load_idx %arg6[%add3A_374] : memref<64xf32, #tpu.memory_space<vmem>>[vector<16xi32>], vector<16xf32>,
      %add3A_376 = arith.addf %scan3A_300, %gather3A_375 : vector<16xf32>
      %add3A_377 = arith.constant 0 : i32
      %add3A_378 = arith.addi %mul3A_302, %add3A_377 : i32
      %broadcast_in_dim3A_379 = vector.broadcast %add3A_378 : i32 to vector<16xi32>
      %add3A_380 = arith.constant 64 : i32
      %add3A_381 = vector.broadcast %add3A_380 : i32 to vector<16xi32>
      %add3A_382 = arith.addi %iota3A, %add3A_381 : vector<16xi32>
      %gather3A_383 = tpu.vector_load_idx %arg7[%broadcast_in_dim3A_379, %add3A_382] : memref<64x200xi32, #tpu.memory_space<vmem>>[vector<16xi32>, vector<16xi32>], vector<16xi32>,
      %mul3A_384 = arith.constant 400 : i32
      %mul3A_385 = arith.muli %scan3A_296, %mul3A_384 : i32
      %add3A_386 = arith.constant 64 : i32
      %add3A_387 = arith.addi %mul3A_385, %add3A_386 : i32
      %get3A_388 = arith.index_cast %add3A_387 : i32 to index
      %get3A_389 = tpu.vector_load %arg9[%get3A_388] {strides = array<i32>} : memref<12800xi32, #tpu.memory_space<vmem>>, vector<16xi32>,
      %mul3A_390 = arith.constant 5 : i32
      %mul3A_391 = vector.broadcast %mul3A_390 : i32 to vector<16xi32>
      %mul3A_392 = arith.muli %gather3A_383, %mul3A_391 : vector<16xi32>
      %add3A_393 = arith.addi %mul3A_392, %get3A_389 : vector<16xi32>
      %gather3A_394 = tpu.vector_load_idx %arg6[%add3A_393] : memref<64xf32, #tpu.memory_space<vmem>>[vector<16xi32>], vector<16xf32>,
      %add3A_395 = arith.addf %add3A_319, %gather3A_394 : vector<16xf32>
      %add3A_396 = arith.constant 0 : i32
      %add3A_397 = arith.addi %mul3A_302, %add3A_396 : i32
      %broadcast_in_dim3A_398 = vector.broadcast %add3A_397 : i32 to vector<16xi32>
      %add3A_399 = arith.constant 80 : i32
      %add3A_400 = vector.broadcast %add3A_399 : i32 to vector<16xi32>
      %add3A_401 = arith.addi %iota3A, %add3A_400 : vector<16xi32>
      %gather3A_402 = tpu.vector_load_idx %arg7[%broadcast_in_dim3A_398, %add3A_401] : memref<64x200xi32, #tpu.memory_space<vmem>>[vector<16xi32>, vector<16xi32>], vector<16xi32>,
      %mul3A_403 = arith.constant 400 : i32
      %mul3A_404 = arith.muli %scan3A_296, %mul3A_403 : i32
      %add3A_405 = arith.constant 80 : i32
      %add3A_406 = arith.addi %mul3A_404, %add3A_405 : i32
      %get3A_407 = arith.index_cast %add3A_406 : i32 to index
      %get3A_408 = tpu.vector_load %arg9[%get3A_407] {strides = array<i32>} : memref<12800xi32, #tpu.memory_space<vmem>>, vector<16xi32>,
      %mul3A_409 = arith.constant 5 : i32
      %mul3A_410 = vector.broadcast %mul3A_409 : i32 to vector<16xi32>
      %mul3A_411 = arith.muli %gather3A_402, %mul3A_410 : vector<16xi32>
      %add3A_412 = arith.addi %mul3A_411, %get3A_408 : vector<16xi32>
      %gather3A_413 = tpu.vector_load_idx %arg6[%add3A_412] : memref<64xf32, #tpu.memory_space<vmem>>[vector<16xi32>], vector<16xf32>,
      %add3A_414 = arith.addf %add3A_338, %gather3A_413 : vector<16xf32>
      %add3A_415 = arith.constant 0 : i32
      %add3A_416 = arith.addi %mul3A_302, %add3A_415 : i32
      %broadcast_in_dim3A_417 = vector.broadcast %add3A_416 : i32 to vector<16xi32>
      %add3A_418 = arith.constant 96 : i32
      %add3A_419 = vector.broadcast %add3A_418 : i32 to vector<16xi32>
      %add3A_420 = arith.addi %iota3A, %add3A_419 : vector<16xi32>
      %gather3A_421 = tpu.vector_load_idx %arg7[%broadcast_in_dim3A_417, %add3A_420] : memref<64x200xi32, #tpu.memory_space<vmem>>[vector<16xi32>, vector<16xi32>], vector<16xi32>,
      %mul3A_422 = arith.constant 400 : i32
      %mul3A_423 = arith.muli %scan3A_296, %mul3A_422 : i32
      %add3A_424 = arith.constant 96 : i32
      %add3A_425 = arith.addi %mul3A_423, %add3A_424 : i32
      %get3A_426 = arith.index_cast %add3A_425 : i32 to index
      %get3A_427 = tpu.vector_load %arg9[%get3A_426] {strides = array<i32>} : memref<12800xi32, #tpu.memory_space<vmem>>, vector<16xi32>,
      %mul3A_428 = arith.constant 5 : i32
      %mul3A_429 = vector.broadcast %mul3A_428 : i32 to vector<16xi32>
      %mul3A_430 = arith.muli %gather3A_421, %mul3A_429 : vector<16xi32>
      %add3A_431 = arith.addi %mul3A_430, %get3A_427 : vector<16xi32>
      %gather3A_432 = tpu.vector_load_idx %arg6[%add3A_431] : memref<64xf32, #tpu.memory_space<vmem>>[vector<16xi32>], vector<16xf32>,
      %add3A_433 = arith.addf %add3A_357, %gather3A_432 : vector<16xf32>
      %add3A_434 = arith.constant 0 : i32
      %add3A_435 = arith.addi %mul3A_302, %add3A_434 : i32
      %broadcast_in_dim3A_436 = vector.broadcast %add3A_435 : i32 to vector<16xi32>
      %add3A_437 = arith.constant 112 : i32
      %add3A_438 = vector.broadcast %add3A_437 : i32 to vector<16xi32>
      %add3A_439 = arith.addi %iota3A, %add3A_438 : vector<16xi32>
      %gather3A_440 = tpu.vector_load_idx %arg7[%broadcast_in_dim3A_436, %add3A_439] : memref<64x200xi32, #tpu.memory_space<vmem>>[vector<16xi32>, vector<16xi32>], vector<16xi32>,
      %mul3A_441 = arith.constant 400 : i32
      %mul3A_442 = arith.muli %scan3A_296, %mul3A_441 : i32
      %add3A_443 = arith.constant 112 : i32
      %add3A_444 = arith.addi %mul3A_442, %add3A_443 : i32
      %get3A_445 = arith.index_cast %add3A_444 : i32 to index
      %get3A_446 = tpu.vector_load %arg9[%get3A_445] {strides = array<i32>} : memref<12800xi32, #tpu.memory_space<vmem>>, vector<16xi32>,
      %mul3A_447 = arith.constant 5 : i32
      %mul3A_448 = vector.broadcast %mul3A_447 : i32 to vector<16xi32>
      %mul3A_449 = arith.muli %gather3A_440, %mul3A_448 : vector<16xi32>
      %add3A_450 = arith.addi %mul3A_449, %get3A_446 : vector<16xi32>
      %gather3A_451 = tpu.vector_load_idx %arg6[%add3A_450] : memref<64xf32, #tpu.memory_space<vmem>>[vector<16xi32>], vector<16xf32>,
      %add3A_452 = arith.addf %add3A_376, %gather3A_451 : vector<16xf32>
      %add3A_453 = arith.constant 0 : i32
      %add3A_454 = arith.addi %mul3A_302, %add3A_453 : i32
      %broadcast_in_dim3A_455 = vector.broadcast %add3A_454 : i32 to vector<16xi32>
      %add3A_456 = arith.constant 128 : i32
      %add3A_457 = vector.broadcast %add3A_456 : i32 to vector<16xi32>
      %add3A_458 = arith.addi %iota3A, %add3A_457 : vector<16xi32>
      %gather3A_459 = tpu.vector_load_idx %arg7[%broadcast_in_dim3A_455, %add3A_458] : memref<64x200xi32, #tpu.memory_space<vmem>>[vector<16xi32>, vector<16xi32>], vector<16xi32>,
      %mul3A_460 = arith.constant 400 : i32
      %mul3A_461 = arith.muli %scan3A_296, %mul3A_460 : i32
      %add3A_462 = arith.constant 128 : i32
      %add3A_463 = arith.addi %mul3A_461, %add3A_462 : i32
      %get3A_464 = arith.index_cast %add3A_463 : i32 to index
      %get3A_465 = tpu.vector_load %arg9[%get3A_464] {strides = array<i32>} : memref<12800xi32, #tpu.memory_space<vmem>>, vector<16xi32>,
      %mul3A_466 = arith.constant 5 : i32
      %mul3A_467 = vector.broadcast %mul3A_466 : i32 to vector<16xi32>
      %mul3A_468 = arith.muli %gather3A_459, %mul3A_467 : vector<16xi32>
      %add3A_469 = arith.addi %mul3A_468, %get3A_465 : vector<16xi32>
      %gather3A_470 = tpu.vector_load_idx %arg6[%add3A_469] : memref<64xf32, #tpu.memory_space<vmem>>[vector<16xi32>], vector<16xf32>,
      %add3A_471 = arith.addf %add3A_395, %gather3A_470 : vector<16xf32>
      %add3A_472 = arith.constant 0 : i32
      %add3A_473 = arith.addi %mul3A_302, %add3A_472 : i32
      %broadcast_in_dim3A_474 = vector.broadcast %add3A_473 : i32 to vector<16xi32>
      %add3A_475 = arith.constant 144 : i32
      %add3A_476 = vector.broadcast %add3A_475 : i32 to vector<16xi32>
      %add3A_477 = arith.addi %iota3A, %add3A_476 : vector<16xi32>
      %gather3A_478 = tpu.vector_load_idx %arg7[%broadcast_in_dim3A_474, %add3A_477] : memref<64x200xi32, #tpu.memory_space<vmem>>[vector<16xi32>, vector<16xi32>], vector<16xi32>,
      %mul3A_479 = arith.constant 400 : i32
      %mul3A_480 = arith.muli %scan3A_296, %mul3A_479 : i32
      %add3A_481 = arith.constant 144 : i32
      %add3A_482 = arith.addi %mul3A_480, %add3A_481 : i32
      %get3A_483 = arith.index_cast %add3A_482 : i32 to index
      %get3A_484 = tpu.vector_load %arg9[%get3A_483] {strides = array<i32>} : memref<12800xi32, #tpu.memory_space<vmem>>, vector<16xi32>,
      %mul3A_485 = arith.constant 5 : i32
      %mul3A_486 = vector.broadcast %mul3A_485 : i32 to vector<16xi32>
      %mul3A_487 = arith.muli %gather3A_478, %mul3A_486 : vector<16xi32>
      %add3A_488 = arith.addi %mul3A_487, %get3A_484 : vector<16xi32>
      %gather3A_489 = tpu.vector_load_idx %arg6[%add3A_488] : memref<64xf32, #tpu.memory_space<vmem>>[vector<16xi32>], vector<16xf32>,
      %add3A_490 = arith.addf %add3A_414, %gather3A_489 : vector<16xf32>
      %add3A_491 = arith.constant 0 : i32
      %add3A_492 = arith.addi %mul3A_302, %add3A_491 : i32
      %broadcast_in_dim3A_493 = vector.broadcast %add3A_492 : i32 to vector<16xi32>
      %add3A_494 = arith.constant 160 : i32
      %add3A_495 = vector.broadcast %add3A_494 : i32 to vector<16xi32>
      %add3A_496 = arith.addi %iota3A, %add3A_495 : vector<16xi32>
      %gather3A_497 = tpu.vector_load_idx %arg7[%broadcast_in_dim3A_493, %add3A_496] : memref<64x200xi32, #tpu.memory_space<vmem>>[vector<16xi32>, vector<16xi32>], vector<16xi32>,
      %mul3A_498 = arith.constant 400 : i32
      %mul3A_499 = arith.muli %scan3A_296, %mul3A_498 : i32
      %add3A_500 = arith.constant 160 : i32
      %add3A_501 = arith.addi %mul3A_499, %add3A_500 : i32
      %get3A_502 = arith.index_cast %add3A_501 : i32 to index
      %get3A_503 = tpu.vector_load %arg9[%get3A_502] {strides = array<i32>} : memref<12800xi32, #tpu.memory_space<vmem>>, vector<16xi32>,
      %mul3A_504 = arith.constant 5 : i32
      %mul3A_505 = vector.broadcast %mul3A_504 : i32 to vector<16xi32>
      %mul3A_506 = arith.muli %gather3A_497, %mul3A_505 : vector<16xi32>
      %add3A_507 = arith.addi %mul3A_506, %get3A_503 : vector<16xi32>
      %gather3A_508 = tpu.vector_load_idx %arg6[%add3A_507] : memref<64xf32, #tpu.memory_space<vmem>>[vector<16xi32>], vector<16xf32>,
      %add3A_509 = arith.addf %add3A_433, %gather3A_508 : vector<16xf32>
      %add3A_510 = arith.constant 0 : i32
      %add3A_511 = arith.addi %mul3A_302, %add3A_510 : i32
      %broadcast_in_dim3A_512 = vector.broadcast %add3A_511 : i32 to vector<16xi32>
      %add3A_513 = arith.constant 176 : i32
      %add3A_514 = vector.broadcast %add3A_513 : i32 to vector<16xi32>
      %add3A_515 = arith.addi %iota3A, %add3A_514 : vector<16xi32>
      %gather3A_516 = tpu.vector_load_idx %arg7[%broadcast_in_dim3A_512, %add3A_515] : memref<64x200xi32, #tpu.memory_space<vmem>>[vector<16xi32>, vector<16xi32>], vector<16xi32>,
      %mul3A_517 = arith.constant 400 : i32
      %mul3A_518 = arith.muli %scan3A_296, %mul3A_517 : i32
      %add3A_519 = arith.constant 176 : i32
      %add3A_520 = arith.addi %mul3A_518, %add3A_519 : i32
      %get3A_521 = arith.index_cast %add3A_520 : i32 to index
      %get3A_522 = tpu.vector_load %arg9[%get3A_521] {strides = array<i32>} : memref<12800xi32, #tpu.memory_space<vmem>>, vector<16xi32>,
      %mul3A_523 = arith.constant 5 : i32
      %mul3A_524 = vector.broadcast %mul3A_523 : i32 to vector<16xi32>
      %mul3A_525 = arith.muli %gather3A_516, %mul3A_524 : vector<16xi32>
      %add3A_526 = arith.addi %mul3A_525, %get3A_522 : vector<16xi32>
      %gather3A_527 = tpu.vector_load_idx %arg6[%add3A_526] : memref<64xf32, #tpu.memory_space<vmem>>[vector<16xi32>], vector<16xf32>,
      %add3A_528 = arith.addf %add3A_452, %gather3A_527 : vector<16xf32>
      %add3A_529 = arith.constant 0 : i32
      %add3A_530 = arith.addi %mul3A_302, %add3A_529 : i32
      %add3A_531 = vector.broadcast %add3A_530 : i32 to vector<16xi32>
      %add3A_532 = arith.addi %convert_element_type3A, %add3A_531 : vector<16xi32>
      %gather3A_533 = tpu.vector_load_idx %arg7[%add3A_532, %select_n3A] : memref<64x200xi32, #tpu.memory_space<vmem>>[vector<16xi32>, vector<16xi32>], vector<16xi32>,
      %mul3A_534 = arith.constant 400 : i32
      %mul3A_535 = arith.muli %scan3A_296, %mul3A_534 : i32
      %add3A_536 = arith.constant 192 : i32
      %add3A_537 = arith.addi %mul3A_535, %add3A_536 : i32
      %get3A_538 = arith.index_cast %add3A_537 : i32 to index
      %get3A_539 = tpu.vector_load %arg9[%get3A_538] {strides = array<i32>} : memref<12800xi32, #tpu.memory_space<vmem>>, vector<16xi32>,
      %mul3A_540 = arith.constant 5 : i32
      %mul3A_541 = vector.broadcast %mul3A_540 : i32 to vector<16xi32>
      %mul3A_542 = arith.muli %gather3A_533, %mul3A_541 : vector<16xi32>
      %add3A_543 = arith.addi %mul3A_542, %get3A_539 : vector<16xi32>
      %gather3A_544 = tpu.vector_load_idx %arg6[%add3A_543] : memref<64xf32, #tpu.memory_space<vmem>>[vector<16xi32>], vector<16xf32>,
      %add3A_545 = arith.addf %add3A_471, %gather3A_544 : vector<16xf32>
      %add3A_546 = arith.constant 1 : i32
      %add3A_547 = arith.addi %mul3A_302, %add3A_546 : i32
      %broadcast_in_dim3A_548 = vector.broadcast %add3A_547 : i32 to vector<16xi32>
      %add3A_549 = arith.constant 8 : i32
      %add3A_550 = vector.broadcast %add3A_549 : i32 to vector<16xi32>
      %add3A_551 = arith.addi %iota3A, %add3A_550 : vector<16xi32>
      %gather3A_552 = tpu.vector_load_idx %arg7[%broadcast_in_dim3A_548, %add3A_551] : memref<64x200xi32, #tpu.memory_space<vmem>>[vector<16xi32>, vector<16xi32>], vector<16xi32>,
      %mul3A_553 = arith.constant 400 : i32
      %mul3A_554 = arith.muli %scan3A_296, %mul3A_553 : i32
      %add3A_555 = arith.constant 208 : i32
      %add3A_556 = arith.addi %mul3A_554, %add3A_555 : i32
      %get3A_557 = arith.index_cast %add3A_556 : i32 to index
      %get3A_558 = tpu.vector_load %arg9[%get3A_557] {strides = array<i32>} : memref<12800xi32, #tpu.memory_space<vmem>>, vector<16xi32>,
      %mul3A_559 = arith.constant 5 : i32
      %mul3A_560 = vector.broadcast %mul3A_559 : i32 to vector<16xi32>
      %mul3A_561 = arith.muli %gather3A_552, %mul3A_560 : vector<16xi32>
      %add3A_562 = arith.addi %mul3A_561, %get3A_558 : vector<16xi32>
      %gather3A_563 = tpu.vector_load_idx %arg6[%add3A_562] : memref<64xf32, #tpu.memory_space<vmem>>[vector<16xi32>], vector<16xf32>,
      %add3A_564 = arith.addf %add3A_490, %gather3A_563 : vector<16xf32>
      %add3A_565 = arith.constant 1 : i32
      %add3A_566 = arith.addi %mul3A_302, %add3A_565 : i32
      %broadcast_in_dim3A_567 = vector.broadcast %add3A_566 : i32 to vector<16xi32>
      %add3A_568 = arith.constant 24 : i32
      %add3A_569 = vector.broadcast %add3A_568 : i32 to vector<16xi32>
      %add3A_570 = arith.addi %iota3A, %add3A_569 : vector<16xi32>
      %gather3A_571 = tpu.vector_load_idx %arg7[%broadcast_in_dim3A_567, %add3A_570] : memref<64x200xi32, #tpu.memory_space<vmem>>[vector<16xi32>, vector<16xi32>], vector<16xi32>,
      %mul3A_572 = arith.constant 400 : i32
      %mul3A_573 = arith.muli %scan3A_296, %mul3A_572 : i32
      %add3A_574 = arith.constant 224 : i32
      %add3A_575 = arith.addi %mul3A_573, %add3A_574 : i32
      %get3A_576 = arith.index_cast %add3A_575 : i32 to index
      %get3A_577 = tpu.vector_load %arg9[%get3A_576] {strides = array<i32>} : memref<12800xi32, #tpu.memory_space<vmem>>, vector<16xi32>,
      %mul3A_578 = arith.constant 5 : i32
      %mul3A_579 = vector.broadcast %mul3A_578 : i32 to vector<16xi32>
      %mul3A_580 = arith.muli %gather3A_571, %mul3A_579 : vector<16xi32>
      %add3A_581 = arith.addi %mul3A_580, %get3A_577 : vector<16xi32>
      %gather3A_582 = tpu.vector_load_idx %arg6[%add3A_581] : memref<64xf32, #tpu.memory_space<vmem>>[vector<16xi32>], vector<16xf32>,
      %add3A_583 = arith.addf %add3A_509, %gather3A_582 : vector<16xf32>
      %add3A_584 = arith.constant 1 : i32
      %add3A_585 = arith.addi %mul3A_302, %add3A_584 : i32
      %broadcast_in_dim3A_586 = vector.broadcast %add3A_585 : i32 to vector<16xi32>
      %add3A_587 = arith.constant 40 : i32
      %add3A_588 = vector.broadcast %add3A_587 : i32 to vector<16xi32>
      %add3A_589 = arith.addi %iota3A, %add3A_588 : vector<16xi32>
      %gather3A_590 = tpu.vector_load_idx %arg7[%broadcast_in_dim3A_586, %add3A_589] : memref<64x200xi32, #tpu.memory_space<vmem>>[vector<16xi32>, vector<16xi32>], vector<16xi32>,
      %mul3A_591 = arith.constant 400 : i32
      %mul3A_592 = arith.muli %scan3A_296, %mul3A_591 : i32
      %add3A_593 = arith.constant 240 : i32
      %add3A_594 = arith.addi %mul3A_592, %add3A_593 : i32
      %get3A_595 = arith.index_cast %add3A_594 : i32 to index
      %get3A_596 = tpu.vector_load %arg9[%get3A_595] {strides = array<i32>} : memref<12800xi32, #tpu.memory_space<vmem>>, vector<16xi32>,
      %mul3A_597 = arith.constant 5 : i32
      %mul3A_598 = vector.broadcast %mul3A_597 : i32 to vector<16xi32>
      %mul3A_599 = arith.muli %gather3A_590, %mul3A_598 : vector<16xi32>
      %add3A_600 = arith.addi %mul3A_599, %get3A_596 : vector<16xi32>
      %gather3A_601 = tpu.vector_load_idx %arg6[%add3A_600] : memref<64xf32, #tpu.memory_space<vmem>>[vector<16xi32>], vector<16xf32>,
      %add3A_602 = arith.addf %add3A_528, %gather3A_601 : vector<16xf32>
      %add3A_603 = arith.constant 1 : i32
      %add3A_604 = arith.addi %mul3A_302, %add3A_603 : i32
      %broadcast_in_dim3A_605 = vector.broadcast %add3A_604 : i32 to vector<16xi32>
      %add3A_606 = arith.constant 56 : i32
      %add3A_607 = vector.broadcast %add3A_606 : i32 to vector<16xi32>
      %add3A_608 = arith.addi %iota3A, %add3A_607 : vector<16xi32>
      %gather3A_609 = tpu.vector_load_idx %arg7[%broadcast_in_dim3A_605, %add3A_608] : memref<64x200xi32, #tpu.memory_space<vmem>>[vector<16xi32>, vector<16xi32>], vector<16xi32>,
      %mul3A_610 = arith.constant 400 : i32
      %mul3A_611 = arith.muli %scan3A_296, %mul3A_610 : i32
      %add3A_612 = arith.constant 256 : i32
      %add3A_613 = arith.addi %mul3A_611, %add3A_612 : i32
      %get3A_614 = arith.index_cast %add3A_613 : i32 to index
      %get3A_615 = tpu.vector_load %arg9[%get3A_614] {strides = array<i32>} : memref<12800xi32, #tpu.memory_space<vmem>>, vector<16xi32>,
      %mul3A_616 = arith.constant 5 : i32
      %mul3A_617 = vector.broadcast %mul3A_616 : i32 to vector<16xi32>
      %mul3A_618 = arith.muli %gather3A_609, %mul3A_617 : vector<16xi32>
      %add3A_619 = arith.addi %mul3A_618, %get3A_615 : vector<16xi32>
      %gather3A_620 = tpu.vector_load_idx %arg6[%add3A_619] : memref<64xf32, #tpu.memory_space<vmem>>[vector<16xi32>], vector<16xf32>,
      %add3A_621 = arith.addf %add3A_545, %gather3A_620 : vector<16xf32>
      %add3A_622 = arith.constant 1 : i32
      %add3A_623 = arith.addi %mul3A_302, %add3A_622 : i32
      %broadcast_in_dim3A_624 = vector.broadcast %add3A_623 : i32 to vector<16xi32>
      %add3A_625 = arith.constant 72 : i32
      %add3A_626 = vector.broadcast %add3A_625 : i32 to vector<16xi32>
      %add3A_627 = arith.addi %iota3A, %add3A_626 : vector<16xi32>
      %gather3A_628 = tpu.vector_load_idx %arg7[%broadcast_in_dim3A_624, %add3A_627] : memref<64x200xi32, #tpu.memory_space<vmem>>[vector<16xi32>, vector<16xi32>], vector<16xi32>,
      %mul3A_629 = arith.constant 400 : i32
      %mul3A_630 = arith.muli %scan3A_296, %mul3A_629 : i32
      %add3A_631 = arith.constant 272 : i32
      %add3A_632 = arith.addi %mul3A_630, %add3A_631 : i32
      %get3A_633 = arith.index_cast %add3A_632 : i32 to index
      %get3A_634 = tpu.vector_load %arg9[%get3A_633] {strides = array<i32>} : memref<12800xi32, #tpu.memory_space<vmem>>, vector<16xi32>,
      %mul3A_635 = arith.constant 5 : i32
      %mul3A_636 = vector.broadcast %mul3A_635 : i32 to vector<16xi32>
      %mul3A_637 = arith.muli %gather3A_628, %mul3A_636 : vector<16xi32>
      %add3A_638 = arith.addi %mul3A_637, %get3A_634 : vector<16xi32>
      %gather3A_639 = tpu.vector_load_idx %arg6[%add3A_638] : memref<64xf32, #tpu.memory_space<vmem>>[vector<16xi32>], vector<16xf32>,
      %add3A_640 = arith.addf %add3A_564, %gather3A_639 : vector<16xf32>
      %add3A_641 = arith.constant 1 : i32
      %add3A_642 = arith.addi %mul3A_302, %add3A_641 : i32
      %broadcast_in_dim3A_643 = vector.broadcast %add3A_642 : i32 to vector<16xi32>
      %add3A_644 = arith.constant 88 : i32
      %add3A_645 = vector.broadcast %add3A_644 : i32 to vector<16xi32>
      %add3A_646 = arith.addi %iota3A, %add3A_645 : vector<16xi32>
      %gather3A_647 = tpu.vector_load_idx %arg7[%broadcast_in_dim3A_643, %add3A_646] : memref<64x200xi32, #tpu.memory_space<vmem>>[vector<16xi32>, vector<16xi32>], vector<16xi32>,
      %mul3A_648 = arith.constant 400 : i32
      %mul3A_649 = arith.muli %scan3A_296, %mul3A_648 : i32
      %add3A_650 = arith.constant 288 : i32
      %add3A_651 = arith.addi %mul3A_649, %add3A_650 : i32
      %get3A_652 = arith.index_cast %add3A_651 : i32 to index
      %get3A_653 = tpu.vector_load %arg9[%get3A_652] {strides = array<i32>} : memref<12800xi32, #tpu.memory_space<vmem>>, vector<16xi32>,
      %mul3A_654 = arith.constant 5 : i32
      %mul3A_655 = vector.broadcast %mul3A_654 : i32 to vector<16xi32>
      %mul3A_656 = arith.muli %gather3A_647, %mul3A_655 : vector<16xi32>
      %add3A_657 = arith.addi %mul3A_656, %get3A_653 : vector<16xi32>
      %gather3A_658 = tpu.vector_load_idx %arg6[%add3A_657] : memref<64xf32, #tpu.memory_space<vmem>>[vector<16xi32>], vector<16xf32>,
      %add3A_659 = arith.addf %add3A_583, %gather3A_658 : vector<16xf32>
      %add3A_660 = arith.constant 1 : i32
      %add3A_661 = arith.addi %mul3A_302, %add3A_660 : i32
      %broadcast_in_dim3A_662 = vector.broadcast %add3A_661 : i32 to vector<16xi32>
      %add3A_663 = arith.constant 104 : i32
      %add3A_664 = vector.broadcast %add3A_663 : i32 to vector<16xi32>
      %add3A_665 = arith.addi %iota3A, %add3A_664 : vector<16xi32>
      %gather3A_666 = tpu.vector_load_idx %arg7[%broadcast_in_dim3A_662, %add3A_665] : memref<64x200xi32, #tpu.memory_space<vmem>>[vector<16xi32>, vector<16xi32>], vector<16xi32>,
      %mul3A_667 = arith.constant 400 : i32
      %mul3A_668 = arith.muli %scan3A_296, %mul3A_667 : i32
      %add3A_669 = arith.constant 304 : i32
      %add3A_670 = arith.addi %mul3A_668, %add3A_669 : i32
      %get3A_671 = arith.index_cast %add3A_670 : i32 to index
      %get3A_672 = tpu.vector_load %arg9[%get3A_671] {strides = array<i32>} : memref<12800xi32, #tpu.memory_space<vmem>>, vector<16xi32>,
      %mul3A_673 = arith.constant 5 : i32
      %mul3A_674 = vector.broadcast %mul3A_673 : i32 to vector<16xi32>
      %mul3A_675 = arith.muli %gather3A_666, %mul3A_674 : vector<16xi32>
      %add3A_676 = arith.addi %mul3A_675, %get3A_672 : vector<16xi32>
      %gather3A_677 = tpu.vector_load_idx %arg6[%add3A_676] : memref<64xf32, #tpu.memory_space<vmem>>[vector<16xi32>], vector<16xf32>,
      %add3A_678 = arith.addf %add3A_602, %gather3A_677 : vector<16xf32>
      %add3A_679 = arith.constant 1 : i32
      %add3A_680 = arith.addi %mul3A_302, %add3A_679 : i32
      %broadcast_in_dim3A_681 = vector.broadcast %add3A_680 : i32 to vector<16xi32>
      %add3A_682 = arith.constant 120 : i32
      %add3A_683 = vector.broadcast %add3A_682 : i32 to vector<16xi32>
      %add3A_684 = arith.addi %iota3A, %add3A_683 : vector<16xi32>
      %gather3A_685 = tpu.vector_load_idx %arg7[%broadcast_in_dim3A_681, %add3A_684] : memref<64x200xi32, #tpu.memory_space<vmem>>[vector<16xi32>, vector<16xi32>], vector<16xi32>,
      %mul3A_686 = arith.constant 400 : i32
      %mul3A_687 = arith.muli %scan3A_296, %mul3A_686 : i32
      %add3A_688 = arith.constant 320 : i32
      %add3A_689 = arith.addi %mul3A_687, %add3A_688 : i32
      %get3A_690 = arith.index_cast %add3A_689 : i32 to index
      %get3A_691 = tpu.vector_load %arg9[%get3A_690] {strides = array<i32>} : memref<12800xi32, #tpu.memory_space<vmem>>, vector<16xi32>,
      %mul3A_692 = arith.constant 5 : i32
      %mul3A_693 = vector.broadcast %mul3A_692 : i32 to vector<16xi32>
      %mul3A_694 = arith.muli %gather3A_685, %mul3A_693 : vector<16xi32>
      %add3A_695 = arith.addi %mul3A_694, %get3A_691 : vector<16xi32>
      %gather3A_696 = tpu.vector_load_idx %arg6[%add3A_695] : memref<64xf32, #tpu.memory_space<vmem>>[vector<16xi32>], vector<16xf32>,
      %add3A_697 = arith.addf %add3A_621, %gather3A_696 : vector<16xf32>
      %add3A_698 = arith.constant 1 : i32
      %add3A_699 = arith.addi %mul3A_302, %add3A_698 : i32
      %broadcast_in_dim3A_700 = vector.broadcast %add3A_699 : i32 to vector<16xi32>
      %add3A_701 = arith.constant 136 : i32
      %add3A_702 = vector.broadcast %add3A_701 : i32 to vector<16xi32>
      %add3A_703 = arith.addi %iota3A, %add3A_702 : vector<16xi32>
      %gather3A_704 = tpu.vector_load_idx %arg7[%broadcast_in_dim3A_700, %add3A_703] : memref<64x200xi32, #tpu.memory_space<vmem>>[vector<16xi32>, vector<16xi32>], vector<16xi32>,
      %mul3A_705 = arith.constant 400 : i32
      %mul3A_706 = arith.muli %scan3A_296, %mul3A_705 : i32
      %add3A_707 = arith.constant 336 : i32
      %add3A_708 = arith.addi %mul3A_706, %add3A_707 : i32
      %get3A_709 = arith.index_cast %add3A_708 : i32 to index
      %get3A_710 = tpu.vector_load %arg9[%get3A_709] {strides = array<i32>} : memref<12800xi32, #tpu.memory_space<vmem>>, vector<16xi32>,
      %mul3A_711 = arith.constant 5 : i32
      %mul3A_712 = vector.broadcast %mul3A_711 : i32 to vector<16xi32>
      %mul3A_713 = arith.muli %gather3A_704, %mul3A_712 : vector<16xi32>
      %add3A_714 = arith.addi %mul3A_713, %get3A_710 : vector<16xi32>
      %gather3A_715 = tpu.vector_load_idx %arg6[%add3A_714] : memref<64xf32, #tpu.memory_space<vmem>>[vector<16xi32>], vector<16xf32>,
      %add3A_716 = arith.addf %add3A_640, %gather3A_715 : vector<16xf32>
      %add3A_717 = arith.constant 1 : i32
      %add3A_718 = arith.addi %mul3A_302, %add3A_717 : i32
      %broadcast_in_dim3A_719 = vector.broadcast %add3A_718 : i32 to vector<16xi32>
      %add3A_720 = arith.constant 152 : i32
      %add3A_721 = vector.broadcast %add3A_720 : i32 to vector<16xi32>
      %add3A_722 = arith.addi %iota3A, %add3A_721 : vector<16xi32>
      %gather3A_723 = tpu.vector_load_idx %arg7[%broadcast_in_dim3A_719, %add3A_722] : memref<64x200xi32, #tpu.memory_space<vmem>>[vector<16xi32>, vector<16xi32>], vector<16xi32>,
      %mul3A_724 = arith.constant 400 : i32
      %mul3A_725 = arith.muli %scan3A_296, %mul3A_724 : i32
      %add3A_726 = arith.constant 352 : i32
      %add3A_727 = arith.addi %mul3A_725, %add3A_726 : i32
      %get3A_728 = arith.index_cast %add3A_727 : i32 to index
      %get3A_729 = tpu.vector_load %arg9[%get3A_728] {strides = array<i32>} : memref<12800xi32, #tpu.memory_space<vmem>>, vector<16xi32>,
      %mul3A_730 = arith.constant 5 : i32
      %mul3A_731 = vector.broadcast %mul3A_730 : i32 to vector<16xi32>
      %mul3A_732 = arith.muli %gather3A_723, %mul3A_731 : vector<16xi32>
      %add3A_733 = arith.addi %mul3A_732, %get3A_729 : vector<16xi32>
      %gather3A_734 = tpu.vector_load_idx %arg6[%add3A_733] : memref<64xf32, #tpu.memory_space<vmem>>[vector<16xi32>], vector<16xf32>,
      %add3A_735 = arith.addf %add3A_659, %gather3A_734 : vector<16xf32>
      %add3A_736 = arith.constant 1 : i32
      %add3A_737 = arith.addi %mul3A_302, %add3A_736 : i32
      %broadcast_in_dim3A_738 = vector.broadcast %add3A_737 : i32 to vector<16xi32>
      %add3A_739 = arith.constant 168 : i32
      %add3A_740 = vector.broadcast %add3A_739 : i32 to vector<16xi32>
      %add3A_741 = arith.addi %iota3A, %add3A_740 : vector<16xi32>
      %gather3A_742 = tpu.vector_load_idx %arg7[%broadcast_in_dim3A_738, %add3A_741] : memref<64x200xi32, #tpu.memory_space<vmem>>[vector<16xi32>, vector<16xi32>], vector<16xi32>,
      %mul3A_743 = arith.constant 400 : i32
      %mul3A_744 = arith.muli %scan3A_296, %mul3A_743 : i32
      %add3A_745 = arith.constant 368 : i32
      %add3A_746 = arith.addi %mul3A_744, %add3A_745 : i32
      %get3A_747 = arith.index_cast %add3A_746 : i32 to index
      %get3A_748 = tpu.vector_load %arg9[%get3A_747] {strides = array<i32>} : memref<12800xi32, #tpu.memory_space<vmem>>, vector<16xi32>,
      %mul3A_749 = arith.constant 5 : i32
      %mul3A_750 = vector.broadcast %mul3A_749 : i32 to vector<16xi32>
      %mul3A_751 = arith.muli %gather3A_742, %mul3A_750 : vector<16xi32>
      %add3A_752 = arith.addi %mul3A_751, %get3A_748 : vector<16xi32>
      %gather3A_753 = tpu.vector_load_idx %arg6[%add3A_752] : memref<64xf32, #tpu.memory_space<vmem>>[vector<16xi32>], vector<16xf32>,
      %add3A_754 = arith.addf %add3A_678, %gather3A_753 : vector<16xf32>
      %add3A_755 = arith.constant 1 : i32
      %add3A_756 = arith.addi %mul3A_302, %add3A_755 : i32
      %broadcast_in_dim3A_757 = vector.broadcast %add3A_756 : i32 to vector<16xi32>
      %add3A_758 = arith.constant 184 : i32
      %add3A_759 = vector.broadcast %add3A_758 : i32 to vector<16xi32>
      %add3A_760 = arith.addi %iota3A, %add3A_759 : vector<16xi32>
      %gather3A_761 = tpu.vector_load_idx %arg7[%broadcast_in_dim3A_757, %add3A_760] : memref<64x200xi32, #tpu.memory_space<vmem>>[vector<16xi32>, vector<16xi32>], vector<16xi32>,
      %mul3A_762 = arith.constant 400 : i32
      %mul3A_763 = arith.muli %scan3A_296, %mul3A_762 : i32
      %add3A_764 = arith.constant 384 : i32
      %add3A_765 = arith.addi %mul3A_763, %add3A_764 : i32
      %get3A_766 = arith.index_cast %add3A_765 : i32 to index
      %get3A_767 = tpu.vector_load %arg9[%get3A_766] {strides = array<i32>} : memref<12800xi32, #tpu.memory_space<vmem>>, vector<16xi32>,
      %mul3A_768 = arith.constant 5 : i32
      %mul3A_769 = vector.broadcast %mul3A_768 : i32 to vector<16xi32>
      %mul3A_770 = arith.muli %gather3A_761, %mul3A_769 : vector<16xi32>
      %add3A_771 = arith.addi %mul3A_770, %get3A_767 : vector<16xi32>
      %gather3A_772 = tpu.vector_load_idx %arg6[%add3A_771] : memref<64xf32, #tpu.memory_space<vmem>>[vector<16xi32>], vector<16xf32>,
      %add3A_773 = arith.addf %add3A_697, %gather3A_772 : vector<16xf32>
      scf.yield %add3A_773, %add3A_716, %add3A_735, %add3A_754 : vector<16xf32>, vector<16xf32>, vector<16xf32>, vector<16xf32>
    }
    %scan3A_203 = arith.constant 32 : i32
    %add3A_204 = arith.constant 384 : i32
    %add3A_205 = arith.addi %mul3A_2, %add3A_204 : i32
    %dma_start3A_206 = arith.constant 0 : i32
    %dma_start3A_207 = arith.constant 0 : i32
    %dma_start3A_208 = tpu.memref_slice %arg2[%add3A_205, %dma_start3A_207] : memref<16384x200xi32, #tpu.memory_space<hbm>> -> memref<64x200xi32, #tpu.memory_space<hbm>>
    %dma_start3A_209 = tpu.memref_slice %arg12[%dma_start3A_206] : memref<2x!tpu.dma_semaphore, #tpu.memory_space<semaphore_mem>> -> memref<1x!tpu.dma_semaphore, #tpu.memory_space<semaphore_mem>>
    %dma_start3A_210 = tpu.memref_squeeze %dma_start3A_209 : memref<1x!tpu.dma_semaphore, #tpu.memory_space<semaphore_mem>> -> memref<!tpu.dma_semaphore, #tpu.memory_space<semaphore_mem>>
    %dma_start3A_211 = arith.constant 0 : i32
    %dma_start3A_212 = tpu.memref_slice %arg2[%add3A_205, %dma_start3A_211] : memref<16384x200xi32, #tpu.memory_space<hbm>> -> memref<64x200xi32, #tpu.memory_space<hbm>>
    tpu.enqueue_dma source(%dma_start3A_212 : memref<64x200xi32, #tpu.memory_space<hbm>>) target(%arg7 : memref<64x200xi32, #tpu.memory_space<vmem>>) target_semaphore(%dma_start3A_210 : memref<!tpu.dma_semaphore, #tpu.memory_space<semaphore_mem>>)
    %add3A_213 = arith.constant 76800 : i32
    %add3A_214 = arith.addi %mul3A_4, %add3A_213 : i32
    %dma_start3A_215 = arith.constant 0 : i32
    %dma_start3A_216 = tpu.memref_slice %arg3[%add3A_214] : memref<3276800xi32, #tpu.memory_space<hbm>> -> memref<12800xi32, #tpu.memory_space<hbm>>
    %dma_start3A_217 = tpu.memref_slice %arg13[%dma_start3A_215] : memref<2x!tpu.dma_semaphore, #tpu.memory_space<semaphore_mem>> -> memref<1x!tpu.dma_semaphore, #tpu.memory_space<semaphore_mem>>
    %dma_start3A_218 = tpu.memref_squeeze %dma_start3A_217 : memref<1x!tpu.dma_semaphore, #tpu.memory_space<semaphore_mem>> -> memref<!tpu.dma_semaphore, #tpu.memory_space<semaphore_mem>>
    %dma_start3A_219 = tpu.memref_slice %arg3[%add3A_214] : memref<3276800xi32, #tpu.memory_space<hbm>> -> memref<12800xi32, #tpu.memory_space<hbm>>
    tpu.enqueue_dma source(%dma_start3A_219 : memref<12800xi32, #tpu.memory_space<hbm>>) target(%arg9 : memref<12800xi32, #tpu.memory_space<vmem>>) target_semaphore(%dma_start3A_218 : memref<!tpu.dma_semaphore, #tpu.memory_space<semaphore_mem>>)
    %dma_wait3A_220 = arith.constant 1 : i32
    %dma_wait3A_221 = arith.constant 0 : i32
    %dma_wait3A_222 = tpu.memref_slice %arg2[%add3A_171, %dma_wait3A_221] : memref<16384x200xi32, #tpu.memory_space<hbm>> -> memref<64x200xi32, #tpu.memory_space<hbm>>
    %dma_wait3A_223 = tpu.memref_slice %arg12[%dma_wait3A_220] : memref<2x!tpu.dma_semaphore, #tpu.memory_space<semaphore_mem>> -> memref<1x!tpu.dma_semaphore, #tpu.memory_space<semaphore_mem>>
    %dma_wait3A_224 = tpu.memref_squeeze %dma_wait3A_223 : memref<1x!tpu.dma_semaphore, #tpu.memory_space<semaphore_mem>> -> memref<!tpu.dma_semaphore, #tpu.memory_space<semaphore_mem>>
    %dma_wait3A_225 = arith.constant 0 : i32
    %dma_wait3A_226 = tpu.memref_slice %arg2[%add3A_171, %dma_wait3A_225] : memref<16384x200xi32, #tpu.memory_space<hbm>> -> memref<64x200xi32, #tpu.memory_space<hbm>>
    tpu.wait_dma2 semaphore(%dma_wait3A_224 : memref<!tpu.dma_semaphore, #tpu.memory_space<semaphore_mem>>) src(%dma_wait3A_226 : memref<64x200xi32, #tpu.memory_space<hbm>>) dst(%arg8 : memref<64x200xi32, #tpu.memory_space<vmem>>)
    %dma_wait3A_227 = arith.constant 1 : i32
    %dma_wait3A_228 = tpu.memref_slice %arg3[%add3A_180] : memref<3276800xi32, #tpu.memory_space<hbm>> -> memref<12800xi32, #tpu.memory_space<hbm>>
    %dma_wait3A_229 = tpu.memref_slice %arg13[%dma_wait3A_227] : memref<2x!tpu.dma_semaphore, #tpu.memory_space<semaphore_mem>> -> memref<1x!tpu.dma_semaphore, #tpu.memory_space<semaphore_mem>>
    %dma_wait3A_230 = tpu.memref_squeeze %dma_wait3A_229 : memref<1x!tpu.dma_semaphore, #tpu.memory_space<semaphore_mem>> -> memref<!tpu.dma_semaphore, #tpu.memory_space<semaphore_mem>>
    %dma_wait3A_231 = tpu.memref_slice %arg3[%add3A_180] : memref<3276800xi32, #tpu.memory_space<hbm>> -> memref<12800xi32, #tpu.memory_space<hbm>>
    tpu.wait_dma2 semaphore(%dma_wait3A_230 : memref<!tpu.dma_semaphore, #tpu.memory_space<semaphore_mem>>) src(%dma_wait3A_231 : memref<12800xi32, #tpu.memory_space<hbm>>) dst(%arg10 : memref<12800xi32, #tpu.memory_space<vmem>>)
    %scan3A_232 = arith.constant 0 : i32
    %scan3A_233 = arith.constant 32 : i32
    %scan3A_234 = arith.addi %scan3A_232, %scan3A_233 : i32
    %scan3A_235 = arith.constant 1 : i32
    %scan3A_236:4 = scf.for %scan3A_296 = %scan3A_232 to %scan3A_234 step %scan3A_235 iter_args(%scan3A_297 = %scan3A_202#0, %scan3A_298 = %scan3A_202#1, %scan3A_299 = %scan3A_202#2, %scan3A_300 = %scan3A_202#3) -> (vector<16xf32>, vector<16xf32>, vector<16xf32>, vector<16xf32>)  : i32 {
      %mul3A_301 = arith.constant 2 : i32
      %mul3A_302 = arith.muli %mul3A_301, %scan3A_296 : i32
      %add3A_303 = arith.constant 0 : i32
      %add3A_304 = arith.addi %mul3A_302, %add3A_303 : i32
      %broadcast_in_dim3A_305 = vector.broadcast %add3A_304 : i32 to vector<16xi32>
      %add3A_306 = arith.constant 0 : i32
      %add3A_307 = vector.broadcast %add3A_306 : i32 to vector<16xi32>
      %add3A_308 = arith.addi %iota3A, %add3A_307 : vector<16xi32>
      %gather3A = tpu.vector_load_idx %arg8[%broadcast_in_dim3A_305, %add3A_308] : memref<64x200xi32, #tpu.memory_space<vmem>>[vector<16xi32>, vector<16xi32>], vector<16xi32>,
      %mul3A_309 = arith.constant 400 : i32
      %mul3A_310 = arith.muli %scan3A_296, %mul3A_309 : i32
      %add3A_311 = arith.constant 0 : i32
      %add3A_312 = arith.addi %mul3A_310, %add3A_311 : i32
      %get3A = arith.index_cast %add3A_312 : i32 to index
      %get3A_313 = tpu.vector_load %arg10[%get3A] {strides = array<i32>} : memref<12800xi32, #tpu.memory_space<vmem>>, vector<16xi32>,
      %mul3A_314 = arith.constant 5 : i32
      %mul3A_315 = vector.broadcast %mul3A_314 : i32 to vector<16xi32>
      %mul3A_316 = arith.muli %gather3A, %mul3A_315 : vector<16xi32>
      %add3A_317 = arith.addi %mul3A_316, %get3A_313 : vector<16xi32>
      %gather3A_318 = tpu.vector_load_idx %arg6[%add3A_317] : memref<64xf32, #tpu.memory_space<vmem>>[vector<16xi32>], vector<16xf32>,
      %add3A_319 = arith.addf %scan3A_297, %gather3A_318 : vector<16xf32>
      %add3A_320 = arith.constant 0 : i32
      %add3A_321 = arith.addi %mul3A_302, %add3A_320 : i32
      %broadcast_in_dim3A_322 = vector.broadcast %add3A_321 : i32 to vector<16xi32>
      %add3A_323 = arith.constant 16 : i32
      %add3A_324 = vector.broadcast %add3A_323 : i32 to vector<16xi32>
      %add3A_325 = arith.addi %iota3A, %add3A_324 : vector<16xi32>
      %gather3A_326 = tpu.vector_load_idx %arg8[%broadcast_in_dim3A_322, %add3A_325] : memref<64x200xi32, #tpu.memory_space<vmem>>[vector<16xi32>, vector<16xi32>], vector<16xi32>,
      %mul3A_327 = arith.constant 400 : i32
      %mul3A_328 = arith.muli %scan3A_296, %mul3A_327 : i32
      %add3A_329 = arith.constant 16 : i32
      %add3A_330 = arith.addi %mul3A_328, %add3A_329 : i32
      %get3A_331 = arith.index_cast %add3A_330 : i32 to index
      %get3A_332 = tpu.vector_load %arg10[%get3A_331] {strides = array<i32>} : memref<12800xi32, #tpu.memory_space<vmem>>, vector<16xi32>,
      %mul3A_333 = arith.constant 5 : i32
      %mul3A_334 = vector.broadcast %mul3A_333 : i32 to vector<16xi32>
      %mul3A_335 = arith.muli %gather3A_326, %mul3A_334 : vector<16xi32>
      %add3A_336 = arith.addi %mul3A_335, %get3A_332 : vector<16xi32>
      %gather3A_337 = tpu.vector_load_idx %arg6[%add3A_336] : memref<64xf32, #tpu.memory_space<vmem>>[vector<16xi32>], vector<16xf32>,
      %add3A_338 = arith.addf %scan3A_298, %gather3A_337 : vector<16xf32>
      %add3A_339 = arith.constant 0 : i32
      %add3A_340 = arith.addi %mul3A_302, %add3A_339 : i32
      %broadcast_in_dim3A_341 = vector.broadcast %add3A_340 : i32 to vector<16xi32>
      %add3A_342 = arith.constant 32 : i32
      %add3A_343 = vector.broadcast %add3A_342 : i32 to vector<16xi32>
      %add3A_344 = arith.addi %iota3A, %add3A_343 : vector<16xi32>
      %gather3A_345 = tpu.vector_load_idx %arg8[%broadcast_in_dim3A_341, %add3A_344] : memref<64x200xi32, #tpu.memory_space<vmem>>[vector<16xi32>, vector<16xi32>], vector<16xi32>,
      %mul3A_346 = arith.constant 400 : i32
      %mul3A_347 = arith.muli %scan3A_296, %mul3A_346 : i32
      %add3A_348 = arith.constant 32 : i32
      %add3A_349 = arith.addi %mul3A_347, %add3A_348 : i32
      %get3A_350 = arith.index_cast %add3A_349 : i32 to index
      %get3A_351 = tpu.vector_load %arg10[%get3A_350] {strides = array<i32>} : memref<12800xi32, #tpu.memory_space<vmem>>, vector<16xi32>,
      %mul3A_352 = arith.constant 5 : i32
      %mul3A_353 = vector.broadcast %mul3A_352 : i32 to vector<16xi32>
      %mul3A_354 = arith.muli %gather3A_345, %mul3A_353 : vector<16xi32>
      %add3A_355 = arith.addi %mul3A_354, %get3A_351 : vector<16xi32>
      %gather3A_356 = tpu.vector_load_idx %arg6[%add3A_355] : memref<64xf32, #tpu.memory_space<vmem>>[vector<16xi32>], vector<16xf32>,
      %add3A_357 = arith.addf %scan3A_299, %gather3A_356 : vector<16xf32>
      %add3A_358 = arith.constant 0 : i32
      %add3A_359 = arith.addi %mul3A_302, %add3A_358 : i32
      %broadcast_in_dim3A_360 = vector.broadcast %add3A_359 : i32 to vector<16xi32>
      %add3A_361 = arith.constant 48 : i32
      %add3A_362 = vector.broadcast %add3A_361 : i32 to vector<16xi32>
      %add3A_363 = arith.addi %iota3A, %add3A_362 : vector<16xi32>
      %gather3A_364 = tpu.vector_load_idx %arg8[%broadcast_in_dim3A_360, %add3A_363] : memref<64x200xi32, #tpu.memory_space<vmem>>[vector<16xi32>, vector<16xi32>], vector<16xi32>,
      %mul3A_365 = arith.constant 400 : i32
      %mul3A_366 = arith.muli %scan3A_296, %mul3A_365 : i32
      %add3A_367 = arith.constant 48 : i32
      %add3A_368 = arith.addi %mul3A_366, %add3A_367 : i32
      %get3A_369 = arith.index_cast %add3A_368 : i32 to index
      %get3A_370 = tpu.vector_load %arg10[%get3A_369] {strides = array<i32>} : memref<12800xi32, #tpu.memory_space<vmem>>, vector<16xi32>,
      %mul3A_371 = arith.constant 5 : i32
      %mul3A_372 = vector.broadcast %mul3A_371 : i32 to vector<16xi32>
      %mul3A_373 = arith.muli %gather3A_364, %mul3A_372 : vector<16xi32>
      %add3A_374 = arith.addi %mul3A_373, %get3A_370 : vector<16xi32>
      %gather3A_375 = tpu.vector_load_idx %arg6[%add3A_374] : memref<64xf32, #tpu.memory_space<vmem>>[vector<16xi32>], vector<16xf32>,
      %add3A_376 = arith.addf %scan3A_300, %gather3A_375 : vector<16xf32>
      %add3A_377 = arith.constant 0 : i32
      %add3A_378 = arith.addi %mul3A_302, %add3A_377 : i32
      %broadcast_in_dim3A_379 = vector.broadcast %add3A_378 : i32 to vector<16xi32>
      %add3A_380 = arith.constant 64 : i32
      %add3A_381 = vector.broadcast %add3A_380 : i32 to vector<16xi32>
      %add3A_382 = arith.addi %iota3A, %add3A_381 : vector<16xi32>
      %gather3A_383 = tpu.vector_load_idx %arg8[%broadcast_in_dim3A_379, %add3A_382] : memref<64x200xi32, #tpu.memory_space<vmem>>[vector<16xi32>, vector<16xi32>], vector<16xi32>,
      %mul3A_384 = arith.constant 400 : i32
      %mul3A_385 = arith.muli %scan3A_296, %mul3A_384 : i32
      %add3A_386 = arith.constant 64 : i32
      %add3A_387 = arith.addi %mul3A_385, %add3A_386 : i32
      %get3A_388 = arith.index_cast %add3A_387 : i32 to index
      %get3A_389 = tpu.vector_load %arg10[%get3A_388] {strides = array<i32>} : memref<12800xi32, #tpu.memory_space<vmem>>, vector<16xi32>,
      %mul3A_390 = arith.constant 5 : i32
      %mul3A_391 = vector.broadcast %mul3A_390 : i32 to vector<16xi32>
      %mul3A_392 = arith.muli %gather3A_383, %mul3A_391 : vector<16xi32>
      %add3A_393 = arith.addi %mul3A_392, %get3A_389 : vector<16xi32>
      %gather3A_394 = tpu.vector_load_idx %arg6[%add3A_393] : memref<64xf32, #tpu.memory_space<vmem>>[vector<16xi32>], vector<16xf32>,
      %add3A_395 = arith.addf %add3A_319, %gather3A_394 : vector<16xf32>
      %add3A_396 = arith.constant 0 : i32
      %add3A_397 = arith.addi %mul3A_302, %add3A_396 : i32
      %broadcast_in_dim3A_398 = vector.broadcast %add3A_397 : i32 to vector<16xi32>
      %add3A_399 = arith.constant 80 : i32
      %add3A_400 = vector.broadcast %add3A_399 : i32 to vector<16xi32>
      %add3A_401 = arith.addi %iota3A, %add3A_400 : vector<16xi32>
      %gather3A_402 = tpu.vector_load_idx %arg8[%broadcast_in_dim3A_398, %add3A_401] : memref<64x200xi32, #tpu.memory_space<vmem>>[vector<16xi32>, vector<16xi32>], vector<16xi32>,
      %mul3A_403 = arith.constant 400 : i32
      %mul3A_404 = arith.muli %scan3A_296, %mul3A_403 : i32
      %add3A_405 = arith.constant 80 : i32
      %add3A_406 = arith.addi %mul3A_404, %add3A_405 : i32
      %get3A_407 = arith.index_cast %add3A_406 : i32 to index
      %get3A_408 = tpu.vector_load %arg10[%get3A_407] {strides = array<i32>} : memref<12800xi32, #tpu.memory_space<vmem>>, vector<16xi32>,
      %mul3A_409 = arith.constant 5 : i32
      %mul3A_410 = vector.broadcast %mul3A_409 : i32 to vector<16xi32>
      %mul3A_411 = arith.muli %gather3A_402, %mul3A_410 : vector<16xi32>
      %add3A_412 = arith.addi %mul3A_411, %get3A_408 : vector<16xi32>
      %gather3A_413 = tpu.vector_load_idx %arg6[%add3A_412] : memref<64xf32, #tpu.memory_space<vmem>>[vector<16xi32>], vector<16xf32>,
      %add3A_414 = arith.addf %add3A_338, %gather3A_413 : vector<16xf32>
      %add3A_415 = arith.constant 0 : i32
      %add3A_416 = arith.addi %mul3A_302, %add3A_415 : i32
      %broadcast_in_dim3A_417 = vector.broadcast %add3A_416 : i32 to vector<16xi32>
      %add3A_418 = arith.constant 96 : i32
      %add3A_419 = vector.broadcast %add3A_418 : i32 to vector<16xi32>
      %add3A_420 = arith.addi %iota3A, %add3A_419 : vector<16xi32>
      %gather3A_421 = tpu.vector_load_idx %arg8[%broadcast_in_dim3A_417, %add3A_420] : memref<64x200xi32, #tpu.memory_space<vmem>>[vector<16xi32>, vector<16xi32>], vector<16xi32>,
      %mul3A_422 = arith.constant 400 : i32
      %mul3A_423 = arith.muli %scan3A_296, %mul3A_422 : i32
      %add3A_424 = arith.constant 96 : i32
      %add3A_425 = arith.addi %mul3A_423, %add3A_424 : i32
      %get3A_426 = arith.index_cast %add3A_425 : i32 to index
      %get3A_427 = tpu.vector_load %arg10[%get3A_426] {strides = array<i32>} : memref<12800xi32, #tpu.memory_space<vmem>>, vector<16xi32>,
      %mul3A_428 = arith.constant 5 : i32
      %mul3A_429 = vector.broadcast %mul3A_428 : i32 to vector<16xi32>
      %mul3A_430 = arith.muli %gather3A_421, %mul3A_429 : vector<16xi32>
      %add3A_431 = arith.addi %mul3A_430, %get3A_427 : vector<16xi32>
      %gather3A_432 = tpu.vector_load_idx %arg6[%add3A_431] : memref<64xf32, #tpu.memory_space<vmem>>[vector<16xi32>], vector<16xf32>,
      %add3A_433 = arith.addf %add3A_357, %gather3A_432 : vector<16xf32>
      %add3A_434 = arith.constant 0 : i32
      %add3A_435 = arith.addi %mul3A_302, %add3A_434 : i32
      %broadcast_in_dim3A_436 = vector.broadcast %add3A_435 : i32 to vector<16xi32>
      %add3A_437 = arith.constant 112 : i32
      %add3A_438 = vector.broadcast %add3A_437 : i32 to vector<16xi32>
      %add3A_439 = arith.addi %iota3A, %add3A_438 : vector<16xi32>
      %gather3A_440 = tpu.vector_load_idx %arg8[%broadcast_in_dim3A_436, %add3A_439] : memref<64x200xi32, #tpu.memory_space<vmem>>[vector<16xi32>, vector<16xi32>], vector<16xi32>,
      %mul3A_441 = arith.constant 400 : i32
      %mul3A_442 = arith.muli %scan3A_296, %mul3A_441 : i32
      %add3A_443 = arith.constant 112 : i32
      %add3A_444 = arith.addi %mul3A_442, %add3A_443 : i32
      %get3A_445 = arith.index_cast %add3A_444 : i32 to index
      %get3A_446 = tpu.vector_load %arg10[%get3A_445] {strides = array<i32>} : memref<12800xi32, #tpu.memory_space<vmem>>, vector<16xi32>,
      %mul3A_447 = arith.constant 5 : i32
      %mul3A_448 = vector.broadcast %mul3A_447 : i32 to vector<16xi32>
      %mul3A_449 = arith.muli %gather3A_440, %mul3A_448 : vector<16xi32>
      %add3A_450 = arith.addi %mul3A_449, %get3A_446 : vector<16xi32>
      %gather3A_451 = tpu.vector_load_idx %arg6[%add3A_450] : memref<64xf32, #tpu.memory_space<vmem>>[vector<16xi32>], vector<16xf32>,
      %add3A_452 = arith.addf %add3A_376, %gather3A_451 : vector<16xf32>
      %add3A_453 = arith.constant 0 : i32
      %add3A_454 = arith.addi %mul3A_302, %add3A_453 : i32
      %broadcast_in_dim3A_455 = vector.broadcast %add3A_454 : i32 to vector<16xi32>
      %add3A_456 = arith.constant 128 : i32
      %add3A_457 = vector.broadcast %add3A_456 : i32 to vector<16xi32>
      %add3A_458 = arith.addi %iota3A, %add3A_457 : vector<16xi32>
      %gather3A_459 = tpu.vector_load_idx %arg8[%broadcast_in_dim3A_455, %add3A_458] : memref<64x200xi32, #tpu.memory_space<vmem>>[vector<16xi32>, vector<16xi32>], vector<16xi32>,
      %mul3A_460 = arith.constant 400 : i32
      %mul3A_461 = arith.muli %scan3A_296, %mul3A_460 : i32
      %add3A_462 = arith.constant 128 : i32
      %add3A_463 = arith.addi %mul3A_461, %add3A_462 : i32
      %get3A_464 = arith.index_cast %add3A_463 : i32 to index
      %get3A_465 = tpu.vector_load %arg10[%get3A_464] {strides = array<i32>} : memref<12800xi32, #tpu.memory_space<vmem>>, vector<16xi32>,
      %mul3A_466 = arith.constant 5 : i32
      %mul3A_467 = vector.broadcast %mul3A_466 : i32 to vector<16xi32>
      %mul3A_468 = arith.muli %gather3A_459, %mul3A_467 : vector<16xi32>
      %add3A_469 = arith.addi %mul3A_468, %get3A_465 : vector<16xi32>
      %gather3A_470 = tpu.vector_load_idx %arg6[%add3A_469] : memref<64xf32, #tpu.memory_space<vmem>>[vector<16xi32>], vector<16xf32>,
      %add3A_471 = arith.addf %add3A_395, %gather3A_470 : vector<16xf32>
      %add3A_472 = arith.constant 0 : i32
      %add3A_473 = arith.addi %mul3A_302, %add3A_472 : i32
      %broadcast_in_dim3A_474 = vector.broadcast %add3A_473 : i32 to vector<16xi32>
      %add3A_475 = arith.constant 144 : i32
      %add3A_476 = vector.broadcast %add3A_475 : i32 to vector<16xi32>
      %add3A_477 = arith.addi %iota3A, %add3A_476 : vector<16xi32>
      %gather3A_478 = tpu.vector_load_idx %arg8[%broadcast_in_dim3A_474, %add3A_477] : memref<64x200xi32, #tpu.memory_space<vmem>>[vector<16xi32>, vector<16xi32>], vector<16xi32>,
      %mul3A_479 = arith.constant 400 : i32
      %mul3A_480 = arith.muli %scan3A_296, %mul3A_479 : i32
      %add3A_481 = arith.constant 144 : i32
      %add3A_482 = arith.addi %mul3A_480, %add3A_481 : i32
      %get3A_483 = arith.index_cast %add3A_482 : i32 to index
      %get3A_484 = tpu.vector_load %arg10[%get3A_483] {strides = array<i32>} : memref<12800xi32, #tpu.memory_space<vmem>>, vector<16xi32>,
      %mul3A_485 = arith.constant 5 : i32
      %mul3A_486 = vector.broadcast %mul3A_485 : i32 to vector<16xi32>
      %mul3A_487 = arith.muli %gather3A_478, %mul3A_486 : vector<16xi32>
      %add3A_488 = arith.addi %mul3A_487, %get3A_484 : vector<16xi32>
      %gather3A_489 = tpu.vector_load_idx %arg6[%add3A_488] : memref<64xf32, #tpu.memory_space<vmem>>[vector<16xi32>], vector<16xf32>,
      %add3A_490 = arith.addf %add3A_414, %gather3A_489 : vector<16xf32>
      %add3A_491 = arith.constant 0 : i32
      %add3A_492 = arith.addi %mul3A_302, %add3A_491 : i32
      %broadcast_in_dim3A_493 = vector.broadcast %add3A_492 : i32 to vector<16xi32>
      %add3A_494 = arith.constant 160 : i32
      %add3A_495 = vector.broadcast %add3A_494 : i32 to vector<16xi32>
      %add3A_496 = arith.addi %iota3A, %add3A_495 : vector<16xi32>
      %gather3A_497 = tpu.vector_load_idx %arg8[%broadcast_in_dim3A_493, %add3A_496] : memref<64x200xi32, #tpu.memory_space<vmem>>[vector<16xi32>, vector<16xi32>], vector<16xi32>,
      %mul3A_498 = arith.constant 400 : i32
      %mul3A_499 = arith.muli %scan3A_296, %mul3A_498 : i32
      %add3A_500 = arith.constant 160 : i32
      %add3A_501 = arith.addi %mul3A_499, %add3A_500 : i32
      %get3A_502 = arith.index_cast %add3A_501 : i32 to index
      %get3A_503 = tpu.vector_load %arg10[%get3A_502] {strides = array<i32>} : memref<12800xi32, #tpu.memory_space<vmem>>, vector<16xi32>,
      %mul3A_504 = arith.constant 5 : i32
      %mul3A_505 = vector.broadcast %mul3A_504 : i32 to vector<16xi32>
      %mul3A_506 = arith.muli %gather3A_497, %mul3A_505 : vector<16xi32>
      %add3A_507 = arith.addi %mul3A_506, %get3A_503 : vector<16xi32>
      %gather3A_508 = tpu.vector_load_idx %arg6[%add3A_507] : memref<64xf32, #tpu.memory_space<vmem>>[vector<16xi32>], vector<16xf32>,
      %add3A_509 = arith.addf %add3A_433, %gather3A_508 : vector<16xf32>
      %add3A_510 = arith.constant 0 : i32
      %add3A_511 = arith.addi %mul3A_302, %add3A_510 : i32
      %broadcast_in_dim3A_512 = vector.broadcast %add3A_511 : i32 to vector<16xi32>
      %add3A_513 = arith.constant 176 : i32
      %add3A_514 = vector.broadcast %add3A_513 : i32 to vector<16xi32>
      %add3A_515 = arith.addi %iota3A, %add3A_514 : vector<16xi32>
      %gather3A_516 = tpu.vector_load_idx %arg8[%broadcast_in_dim3A_512, %add3A_515] : memref<64x200xi32, #tpu.memory_space<vmem>>[vector<16xi32>, vector<16xi32>], vector<16xi32>,
      %mul3A_517 = arith.constant 400 : i32
      %mul3A_518 = arith.muli %scan3A_296, %mul3A_517 : i32
      %add3A_519 = arith.constant 176 : i32
      %add3A_520 = arith.addi %mul3A_518, %add3A_519 : i32
      %get3A_521 = arith.index_cast %add3A_520 : i32 to index
      %get3A_522 = tpu.vector_load %arg10[%get3A_521] {strides = array<i32>} : memref<12800xi32, #tpu.memory_space<vmem>>, vector<16xi32>,
      %mul3A_523 = arith.constant 5 : i32
      %mul3A_524 = vector.broadcast %mul3A_523 : i32 to vector<16xi32>
      %mul3A_525 = arith.muli %gather3A_516, %mul3A_524 : vector<16xi32>
      %add3A_526 = arith.addi %mul3A_525, %get3A_522 : vector<16xi32>
      %gather3A_527 = tpu.vector_load_idx %arg6[%add3A_526] : memref<64xf32, #tpu.memory_space<vmem>>[vector<16xi32>], vector<16xf32>,
      %add3A_528 = arith.addf %add3A_452, %gather3A_527 : vector<16xf32>
      %add3A_529 = arith.constant 0 : i32
      %add3A_530 = arith.addi %mul3A_302, %add3A_529 : i32
      %add3A_531 = vector.broadcast %add3A_530 : i32 to vector<16xi32>
      %add3A_532 = arith.addi %convert_element_type3A, %add3A_531 : vector<16xi32>
      %gather3A_533 = tpu.vector_load_idx %arg8[%add3A_532, %select_n3A] : memref<64x200xi32, #tpu.memory_space<vmem>>[vector<16xi32>, vector<16xi32>], vector<16xi32>,
      %mul3A_534 = arith.constant 400 : i32
      %mul3A_535 = arith.muli %scan3A_296, %mul3A_534 : i32
      %add3A_536 = arith.constant 192 : i32
      %add3A_537 = arith.addi %mul3A_535, %add3A_536 : i32
      %get3A_538 = arith.index_cast %add3A_537 : i32 to index
      %get3A_539 = tpu.vector_load %arg10[%get3A_538] {strides = array<i32>} : memref<12800xi32, #tpu.memory_space<vmem>>, vector<16xi32>,
      %mul3A_540 = arith.constant 5 : i32
      %mul3A_541 = vector.broadcast %mul3A_540 : i32 to vector<16xi32>
      %mul3A_542 = arith.muli %gather3A_533, %mul3A_541 : vector<16xi32>
      %add3A_543 = arith.addi %mul3A_542, %get3A_539 : vector<16xi32>
      %gather3A_544 = tpu.vector_load_idx %arg6[%add3A_543] : memref<64xf32, #tpu.memory_space<vmem>>[vector<16xi32>], vector<16xf32>,
      %add3A_545 = arith.addf %add3A_471, %gather3A_544 : vector<16xf32>
      %add3A_546 = arith.constant 1 : i32
      %add3A_547 = arith.addi %mul3A_302, %add3A_546 : i32
      %broadcast_in_dim3A_548 = vector.broadcast %add3A_547 : i32 to vector<16xi32>
      %add3A_549 = arith.constant 8 : i32
      %add3A_550 = vector.broadcast %add3A_549 : i32 to vector<16xi32>
      %add3A_551 = arith.addi %iota3A, %add3A_550 : vector<16xi32>
      %gather3A_552 = tpu.vector_load_idx %arg8[%broadcast_in_dim3A_548, %add3A_551] : memref<64x200xi32, #tpu.memory_space<vmem>>[vector<16xi32>, vector<16xi32>], vector<16xi32>,
      %mul3A_553 = arith.constant 400 : i32
      %mul3A_554 = arith.muli %scan3A_296, %mul3A_553 : i32
      %add3A_555 = arith.constant 208 : i32
      %add3A_556 = arith.addi %mul3A_554, %add3A_555 : i32
      %get3A_557 = arith.index_cast %add3A_556 : i32 to index
      %get3A_558 = tpu.vector_load %arg10[%get3A_557] {strides = array<i32>} : memref<12800xi32, #tpu.memory_space<vmem>>, vector<16xi32>,
      %mul3A_559 = arith.constant 5 : i32
      %mul3A_560 = vector.broadcast %mul3A_559 : i32 to vector<16xi32>
      %mul3A_561 = arith.muli %gather3A_552, %mul3A_560 : vector<16xi32>
      %add3A_562 = arith.addi %mul3A_561, %get3A_558 : vector<16xi32>
      %gather3A_563 = tpu.vector_load_idx %arg6[%add3A_562] : memref<64xf32, #tpu.memory_space<vmem>>[vector<16xi32>], vector<16xf32>,
      %add3A_564 = arith.addf %add3A_490, %gather3A_563 : vector<16xf32>
      %add3A_565 = arith.constant 1 : i32
      %add3A_566 = arith.addi %mul3A_302, %add3A_565 : i32
      %broadcast_in_dim3A_567 = vector.broadcast %add3A_566 : i32 to vector<16xi32>
      %add3A_568 = arith.constant 24 : i32
      %add3A_569 = vector.broadcast %add3A_568 : i32 to vector<16xi32>
      %add3A_570 = arith.addi %iota3A, %add3A_569 : vector<16xi32>
      %gather3A_571 = tpu.vector_load_idx %arg8[%broadcast_in_dim3A_567, %add3A_570] : memref<64x200xi32, #tpu.memory_space<vmem>>[vector<16xi32>, vector<16xi32>], vector<16xi32>,
      %mul3A_572 = arith.constant 400 : i32
      %mul3A_573 = arith.muli %scan3A_296, %mul3A_572 : i32
      %add3A_574 = arith.constant 224 : i32
      %add3A_575 = arith.addi %mul3A_573, %add3A_574 : i32
      %get3A_576 = arith.index_cast %add3A_575 : i32 to index
      %get3A_577 = tpu.vector_load %arg10[%get3A_576] {strides = array<i32>} : memref<12800xi32, #tpu.memory_space<vmem>>, vector<16xi32>,
      %mul3A_578 = arith.constant 5 : i32
      %mul3A_579 = vector.broadcast %mul3A_578 : i32 to vector<16xi32>
      %mul3A_580 = arith.muli %gather3A_571, %mul3A_579 : vector<16xi32>
      %add3A_581 = arith.addi %mul3A_580, %get3A_577 : vector<16xi32>
      %gather3A_582 = tpu.vector_load_idx %arg6[%add3A_581] : memref<64xf32, #tpu.memory_space<vmem>>[vector<16xi32>], vector<16xf32>,
      %add3A_583 = arith.addf %add3A_509, %gather3A_582 : vector<16xf32>
      %add3A_584 = arith.constant 1 : i32
      %add3A_585 = arith.addi %mul3A_302, %add3A_584 : i32
      %broadcast_in_dim3A_586 = vector.broadcast %add3A_585 : i32 to vector<16xi32>
      %add3A_587 = arith.constant 40 : i32
      %add3A_588 = vector.broadcast %add3A_587 : i32 to vector<16xi32>
      %add3A_589 = arith.addi %iota3A, %add3A_588 : vector<16xi32>
      %gather3A_590 = tpu.vector_load_idx %arg8[%broadcast_in_dim3A_586, %add3A_589] : memref<64x200xi32, #tpu.memory_space<vmem>>[vector<16xi32>, vector<16xi32>], vector<16xi32>,
      %mul3A_591 = arith.constant 400 : i32
      %mul3A_592 = arith.muli %scan3A_296, %mul3A_591 : i32
      %add3A_593 = arith.constant 240 : i32
      %add3A_594 = arith.addi %mul3A_592, %add3A_593 : i32
      %get3A_595 = arith.index_cast %add3A_594 : i32 to index
      %get3A_596 = tpu.vector_load %arg10[%get3A_595] {strides = array<i32>} : memref<12800xi32, #tpu.memory_space<vmem>>, vector<16xi32>,
      %mul3A_597 = arith.constant 5 : i32
      %mul3A_598 = vector.broadcast %mul3A_597 : i32 to vector<16xi32>
      %mul3A_599 = arith.muli %gather3A_590, %mul3A_598 : vector<16xi32>
      %add3A_600 = arith.addi %mul3A_599, %get3A_596 : vector<16xi32>
      %gather3A_601 = tpu.vector_load_idx %arg6[%add3A_600] : memref<64xf32, #tpu.memory_space<vmem>>[vector<16xi32>], vector<16xf32>,
      %add3A_602 = arith.addf %add3A_528, %gather3A_601 : vector<16xf32>
      %add3A_603 = arith.constant 1 : i32
      %add3A_604 = arith.addi %mul3A_302, %add3A_603 : i32
      %broadcast_in_dim3A_605 = vector.broadcast %add3A_604 : i32 to vector<16xi32>
      %add3A_606 = arith.constant 56 : i32
      %add3A_607 = vector.broadcast %add3A_606 : i32 to vector<16xi32>
      %add3A_608 = arith.addi %iota3A, %add3A_607 : vector<16xi32>
      %gather3A_609 = tpu.vector_load_idx %arg8[%broadcast_in_dim3A_605, %add3A_608] : memref<64x200xi32, #tpu.memory_space<vmem>>[vector<16xi32>, vector<16xi32>], vector<16xi32>,
      %mul3A_610 = arith.constant 400 : i32
      %mul3A_611 = arith.muli %scan3A_296, %mul3A_610 : i32
      %add3A_612 = arith.constant 256 : i32
      %add3A_613 = arith.addi %mul3A_611, %add3A_612 : i32
      %get3A_614 = arith.index_cast %add3A_613 : i32 to index
      %get3A_615 = tpu.vector_load %arg10[%get3A_614] {strides = array<i32>} : memref<12800xi32, #tpu.memory_space<vmem>>, vector<16xi32>,
      %mul3A_616 = arith.constant 5 : i32
      %mul3A_617 = vector.broadcast %mul3A_616 : i32 to vector<16xi32>
      %mul3A_618 = arith.muli %gather3A_609, %mul3A_617 : vector<16xi32>
      %add3A_619 = arith.addi %mul3A_618, %get3A_615 : vector<16xi32>
      %gather3A_620 = tpu.vector_load_idx %arg6[%add3A_619] : memref<64xf32, #tpu.memory_space<vmem>>[vector<16xi32>], vector<16xf32>,
      %add3A_621 = arith.addf %add3A_545, %gather3A_620 : vector<16xf32>
      %add3A_622 = arith.constant 1 : i32
      %add3A_623 = arith.addi %mul3A_302, %add3A_622 : i32
      %broadcast_in_dim3A_624 = vector.broadcast %add3A_623 : i32 to vector<16xi32>
      %add3A_625 = arith.constant 72 : i32
      %add3A_626 = vector.broadcast %add3A_625 : i32 to vector<16xi32>
      %add3A_627 = arith.addi %iota3A, %add3A_626 : vector<16xi32>
      %gather3A_628 = tpu.vector_load_idx %arg8[%broadcast_in_dim3A_624, %add3A_627] : memref<64x200xi32, #tpu.memory_space<vmem>>[vector<16xi32>, vector<16xi32>], vector<16xi32>,
      %mul3A_629 = arith.constant 400 : i32
      %mul3A_630 = arith.muli %scan3A_296, %mul3A_629 : i32
      %add3A_631 = arith.constant 272 : i32
      %add3A_632 = arith.addi %mul3A_630, %add3A_631 : i32
      %get3A_633 = arith.index_cast %add3A_632 : i32 to index
      %get3A_634 = tpu.vector_load %arg10[%get3A_633] {strides = array<i32>} : memref<12800xi32, #tpu.memory_space<vmem>>, vector<16xi32>,
      %mul3A_635 = arith.constant 5 : i32
      %mul3A_636 = vector.broadcast %mul3A_635 : i32 to vector<16xi32>
      %mul3A_637 = arith.muli %gather3A_628, %mul3A_636 : vector<16xi32>
      %add3A_638 = arith.addi %mul3A_637, %get3A_634 : vector<16xi32>
      %gather3A_639 = tpu.vector_load_idx %arg6[%add3A_638] : memref<64xf32, #tpu.memory_space<vmem>>[vector<16xi32>], vector<16xf32>,
      %add3A_640 = arith.addf %add3A_564, %gather3A_639 : vector<16xf32>
      %add3A_641 = arith.constant 1 : i32
      %add3A_642 = arith.addi %mul3A_302, %add3A_641 : i32
      %broadcast_in_dim3A_643 = vector.broadcast %add3A_642 : i32 to vector<16xi32>
      %add3A_644 = arith.constant 88 : i32
      %add3A_645 = vector.broadcast %add3A_644 : i32 to vector<16xi32>
      %add3A_646 = arith.addi %iota3A, %add3A_645 : vector<16xi32>
      %gather3A_647 = tpu.vector_load_idx %arg8[%broadcast_in_dim3A_643, %add3A_646] : memref<64x200xi32, #tpu.memory_space<vmem>>[vector<16xi32>, vector<16xi32>], vector<16xi32>,
      %mul3A_648 = arith.constant 400 : i32
      %mul3A_649 = arith.muli %scan3A_296, %mul3A_648 : i32
      %add3A_650 = arith.constant 288 : i32
      %add3A_651 = arith.addi %mul3A_649, %add3A_650 : i32
      %get3A_652 = arith.index_cast %add3A_651 : i32 to index
      %get3A_653 = tpu.vector_load %arg10[%get3A_652] {strides = array<i32>} : memref<12800xi32, #tpu.memory_space<vmem>>, vector<16xi32>,
      %mul3A_654 = arith.constant 5 : i32
      %mul3A_655 = vector.broadcast %mul3A_654 : i32 to vector<16xi32>
      %mul3A_656 = arith.muli %gather3A_647, %mul3A_655 : vector<16xi32>
      %add3A_657 = arith.addi %mul3A_656, %get3A_653 : vector<16xi32>
      %gather3A_658 = tpu.vector_load_idx %arg6[%add3A_657] : memref<64xf32, #tpu.memory_space<vmem>>[vector<16xi32>], vector<16xf32>,
      %add3A_659 = arith.addf %add3A_583, %gather3A_658 : vector<16xf32>
      %add3A_660 = arith.constant 1 : i32
      %add3A_661 = arith.addi %mul3A_302, %add3A_660 : i32
      %broadcast_in_dim3A_662 = vector.broadcast %add3A_661 : i32 to vector<16xi32>
      %add3A_663 = arith.constant 104 : i32
      %add3A_664 = vector.broadcast %add3A_663 : i32 to vector<16xi32>
      %add3A_665 = arith.addi %iota3A, %add3A_664 : vector<16xi32>
      %gather3A_666 = tpu.vector_load_idx %arg8[%broadcast_in_dim3A_662, %add3A_665] : memref<64x200xi32, #tpu.memory_space<vmem>>[vector<16xi32>, vector<16xi32>], vector<16xi32>,
      %mul3A_667 = arith.constant 400 : i32
      %mul3A_668 = arith.muli %scan3A_296, %mul3A_667 : i32
      %add3A_669 = arith.constant 304 : i32
      %add3A_670 = arith.addi %mul3A_668, %add3A_669 : i32
      %get3A_671 = arith.index_cast %add3A_670 : i32 to index
      %get3A_672 = tpu.vector_load %arg10[%get3A_671] {strides = array<i32>} : memref<12800xi32, #tpu.memory_space<vmem>>, vector<16xi32>,
      %mul3A_673 = arith.constant 5 : i32
      %mul3A_674 = vector.broadcast %mul3A_673 : i32 to vector<16xi32>
      %mul3A_675 = arith.muli %gather3A_666, %mul3A_674 : vector<16xi32>
      %add3A_676 = arith.addi %mul3A_675, %get3A_672 : vector<16xi32>
      %gather3A_677 = tpu.vector_load_idx %arg6[%add3A_676] : memref<64xf32, #tpu.memory_space<vmem>>[vector<16xi32>], vector<16xf32>,
      %add3A_678 = arith.addf %add3A_602, %gather3A_677 : vector<16xf32>
      %add3A_679 = arith.constant 1 : i32
      %add3A_680 = arith.addi %mul3A_302, %add3A_679 : i32
      %broadcast_in_dim3A_681 = vector.broadcast %add3A_680 : i32 to vector<16xi32>
      %add3A_682 = arith.constant 120 : i32
      %add3A_683 = vector.broadcast %add3A_682 : i32 to vector<16xi32>
      %add3A_684 = arith.addi %iota3A, %add3A_683 : vector<16xi32>
      %gather3A_685 = tpu.vector_load_idx %arg8[%broadcast_in_dim3A_681, %add3A_684] : memref<64x200xi32, #tpu.memory_space<vmem>>[vector<16xi32>, vector<16xi32>], vector<16xi32>,
      %mul3A_686 = arith.constant 400 : i32
      %mul3A_687 = arith.muli %scan3A_296, %mul3A_686 : i32
      %add3A_688 = arith.constant 320 : i32
      %add3A_689 = arith.addi %mul3A_687, %add3A_688 : i32
      %get3A_690 = arith.index_cast %add3A_689 : i32 to index
      %get3A_691 = tpu.vector_load %arg10[%get3A_690] {strides = array<i32>} : memref<12800xi32, #tpu.memory_space<vmem>>, vector<16xi32>,
      %mul3A_692 = arith.constant 5 : i32
      %mul3A_693 = vector.broadcast %mul3A_692 : i32 to vector<16xi32>
      %mul3A_694 = arith.muli %gather3A_685, %mul3A_693 : vector<16xi32>
      %add3A_695 = arith.addi %mul3A_694, %get3A_691 : vector<16xi32>
      %gather3A_696 = tpu.vector_load_idx %arg6[%add3A_695] : memref<64xf32, #tpu.memory_space<vmem>>[vector<16xi32>], vector<16xf32>,
      %add3A_697 = arith.addf %add3A_621, %gather3A_696 : vector<16xf32>
      %add3A_698 = arith.constant 1 : i32
      %add3A_699 = arith.addi %mul3A_302, %add3A_698 : i32
      %broadcast_in_dim3A_700 = vector.broadcast %add3A_699 : i32 to vector<16xi32>
      %add3A_701 = arith.constant 136 : i32
      %add3A_702 = vector.broadcast %add3A_701 : i32 to vector<16xi32>
      %add3A_703 = arith.addi %iota3A, %add3A_702 : vector<16xi32>
      %gather3A_704 = tpu.vector_load_idx %arg8[%broadcast_in_dim3A_700, %add3A_703] : memref<64x200xi32, #tpu.memory_space<vmem>>[vector<16xi32>, vector<16xi32>], vector<16xi32>,
      %mul3A_705 = arith.constant 400 : i32
      %mul3A_706 = arith.muli %scan3A_296, %mul3A_705 : i32
      %add3A_707 = arith.constant 336 : i32
      %add3A_708 = arith.addi %mul3A_706, %add3A_707 : i32
      %get3A_709 = arith.index_cast %add3A_708 : i32 to index
      %get3A_710 = tpu.vector_load %arg10[%get3A_709] {strides = array<i32>} : memref<12800xi32, #tpu.memory_space<vmem>>, vector<16xi32>,
      %mul3A_711 = arith.constant 5 : i32
      %mul3A_712 = vector.broadcast %mul3A_711 : i32 to vector<16xi32>
      %mul3A_713 = arith.muli %gather3A_704, %mul3A_712 : vector<16xi32>
      %add3A_714 = arith.addi %mul3A_713, %get3A_710 : vector<16xi32>
      %gather3A_715 = tpu.vector_load_idx %arg6[%add3A_714] : memref<64xf32, #tpu.memory_space<vmem>>[vector<16xi32>], vector<16xf32>,
      %add3A_716 = arith.addf %add3A_640, %gather3A_715 : vector<16xf32>
      %add3A_717 = arith.constant 1 : i32
      %add3A_718 = arith.addi %mul3A_302, %add3A_717 : i32
      %broadcast_in_dim3A_719 = vector.broadcast %add3A_718 : i32 to vector<16xi32>
      %add3A_720 = arith.constant 152 : i32
      %add3A_721 = vector.broadcast %add3A_720 : i32 to vector<16xi32>
      %add3A_722 = arith.addi %iota3A, %add3A_721 : vector<16xi32>
      %gather3A_723 = tpu.vector_load_idx %arg8[%broadcast_in_dim3A_719, %add3A_722] : memref<64x200xi32, #tpu.memory_space<vmem>>[vector<16xi32>, vector<16xi32>], vector<16xi32>,
      %mul3A_724 = arith.constant 400 : i32
      %mul3A_725 = arith.muli %scan3A_296, %mul3A_724 : i32
      %add3A_726 = arith.constant 352 : i32
      %add3A_727 = arith.addi %mul3A_725, %add3A_726 : i32
      %get3A_728 = arith.index_cast %add3A_727 : i32 to index
      %get3A_729 = tpu.vector_load %arg10[%get3A_728] {strides = array<i32>} : memref<12800xi32, #tpu.memory_space<vmem>>, vector<16xi32>,
      %mul3A_730 = arith.constant 5 : i32
      %mul3A_731 = vector.broadcast %mul3A_730 : i32 to vector<16xi32>
      %mul3A_732 = arith.muli %gather3A_723, %mul3A_731 : vector<16xi32>
      %add3A_733 = arith.addi %mul3A_732, %get3A_729 : vector<16xi32>
      %gather3A_734 = tpu.vector_load_idx %arg6[%add3A_733] : memref<64xf32, #tpu.memory_space<vmem>>[vector<16xi32>], vector<16xf32>,
      %add3A_735 = arith.addf %add3A_659, %gather3A_734 : vector<16xf32>
      %add3A_736 = arith.constant 1 : i32
      %add3A_737 = arith.addi %mul3A_302, %add3A_736 : i32
      %broadcast_in_dim3A_738 = vector.broadcast %add3A_737 : i32 to vector<16xi32>
      %add3A_739 = arith.constant 168 : i32
      %add3A_740 = vector.broadcast %add3A_739 : i32 to vector<16xi32>
      %add3A_741 = arith.addi %iota3A, %add3A_740 : vector<16xi32>
      %gather3A_742 = tpu.vector_load_idx %arg8[%broadcast_in_dim3A_738, %add3A_741] : memref<64x200xi32, #tpu.memory_space<vmem>>[vector<16xi32>, vector<16xi32>], vector<16xi32>,
      %mul3A_743 = arith.constant 400 : i32
      %mul3A_744 = arith.muli %scan3A_296, %mul3A_743 : i32
      %add3A_745 = arith.constant 368 : i32
      %add3A_746 = arith.addi %mul3A_744, %add3A_745 : i32
      %get3A_747 = arith.index_cast %add3A_746 : i32 to index
      %get3A_748 = tpu.vector_load %arg10[%get3A_747] {strides = array<i32>} : memref<12800xi32, #tpu.memory_space<vmem>>, vector<16xi32>,
      %mul3A_749 = arith.constant 5 : i32
      %mul3A_750 = vector.broadcast %mul3A_749 : i32 to vector<16xi32>
      %mul3A_751 = arith.muli %gather3A_742, %mul3A_750 : vector<16xi32>
      %add3A_752 = arith.addi %mul3A_751, %get3A_748 : vector<16xi32>
      %gather3A_753 = tpu.vector_load_idx %arg6[%add3A_752] : memref<64xf32, #tpu.memory_space<vmem>>[vector<16xi32>], vector<16xf32>,
      %add3A_754 = arith.addf %add3A_678, %gather3A_753 : vector<16xf32>
      %add3A_755 = arith.constant 1 : i32
      %add3A_756 = arith.addi %mul3A_302, %add3A_755 : i32
      %broadcast_in_dim3A_757 = vector.broadcast %add3A_756 : i32 to vector<16xi32>
      %add3A_758 = arith.constant 184 : i32
      %add3A_759 = vector.broadcast %add3A_758 : i32 to vector<16xi32>
      %add3A_760 = arith.addi %iota3A, %add3A_759 : vector<16xi32>
      %gather3A_761 = tpu.vector_load_idx %arg8[%broadcast_in_dim3A_757, %add3A_760] : memref<64x200xi32, #tpu.memory_space<vmem>>[vector<16xi32>, vector<16xi32>], vector<16xi32>,
      %mul3A_762 = arith.constant 400 : i32
      %mul3A_763 = arith.muli %scan3A_296, %mul3A_762 : i32
      %add3A_764 = arith.constant 384 : i32
      %add3A_765 = arith.addi %mul3A_763, %add3A_764 : i32
      %get3A_766 = arith.index_cast %add3A_765 : i32 to index
      %get3A_767 = tpu.vector_load %arg10[%get3A_766] {strides = array<i32>} : memref<12800xi32, #tpu.memory_space<vmem>>, vector<16xi32>,
      %mul3A_768 = arith.constant 5 : i32
      %mul3A_769 = vector.broadcast %mul3A_768 : i32 to vector<16xi32>
      %mul3A_770 = arith.muli %gather3A_761, %mul3A_769 : vector<16xi32>
      %add3A_771 = arith.addi %mul3A_770, %get3A_767 : vector<16xi32>
      %gather3A_772 = tpu.vector_load_idx %arg6[%add3A_771] : memref<64xf32, #tpu.memory_space<vmem>>[vector<16xi32>], vector<16xf32>,
      %add3A_773 = arith.addf %add3A_697, %gather3A_772 : vector<16xf32>
      scf.yield %add3A_773, %add3A_716, %add3A_735, %add3A_754 : vector<16xf32>, vector<16xf32>, vector<16xf32>, vector<16xf32>
    }
    %scan3A_237 = arith.constant 32 : i32
    %add3A_238 = arith.constant 448 : i32
    %add3A_239 = arith.addi %mul3A_2, %add3A_238 : i32
    %dma_start3A_240 = arith.constant 1 : i32
    %dma_start3A_241 = arith.constant 0 : i32
    %dma_start3A_242 = tpu.memref_slice %arg2[%add3A_239, %dma_start3A_241] : memref<16384x200xi32, #tpu.memory_space<hbm>> -> memref<64x200xi32, #tpu.memory_space<hbm>>
    %dma_start3A_243 = tpu.memref_slice %arg12[%dma_start3A_240] : memref<2x!tpu.dma_semaphore, #tpu.memory_space<semaphore_mem>> -> memref<1x!tpu.dma_semaphore, #tpu.memory_space<semaphore_mem>>
    %dma_start3A_244 = tpu.memref_squeeze %dma_start3A_243 : memref<1x!tpu.dma_semaphore, #tpu.memory_space<semaphore_mem>> -> memref<!tpu.dma_semaphore, #tpu.memory_space<semaphore_mem>>
    %dma_start3A_245 = arith.constant 0 : i32
    %dma_start3A_246 = tpu.memref_slice %arg2[%add3A_239, %dma_start3A_245] : memref<16384x200xi32, #tpu.memory_space<hbm>> -> memref<64x200xi32, #tpu.memory_space<hbm>>
    tpu.enqueue_dma source(%dma_start3A_246 : memref<64x200xi32, #tpu.memory_space<hbm>>) target(%arg8 : memref<64x200xi32, #tpu.memory_space<vmem>>) target_semaphore(%dma_start3A_244 : memref<!tpu.dma_semaphore, #tpu.memory_space<semaphore_mem>>)
    %add3A_247 = arith.constant 89600 : i32
    %add3A_248 = arith.addi %mul3A_4, %add3A_247 : i32
    %dma_start3A_249 = arith.constant 1 : i32
    %dma_start3A_250 = tpu.memref_slice %arg3[%add3A_248] : memref<3276800xi32, #tpu.memory_space<hbm>> -> memref<12800xi32, #tpu.memory_space<hbm>>
    %dma_start3A_251 = tpu.memref_slice %arg13[%dma_start3A_249] : memref<2x!tpu.dma_semaphore, #tpu.memory_space<semaphore_mem>> -> memref<1x!tpu.dma_semaphore, #tpu.memory_space<semaphore_mem>>
    %dma_start3A_252 = tpu.memref_squeeze %dma_start3A_251 : memref<1x!tpu.dma_semaphore, #tpu.memory_space<semaphore_mem>> -> memref<!tpu.dma_semaphore, #tpu.memory_space<semaphore_mem>>
    %dma_start3A_253 = tpu.memref_slice %arg3[%add3A_248] : memref<3276800xi32, #tpu.memory_space<hbm>> -> memref<12800xi32, #tpu.memory_space<hbm>>
    tpu.enqueue_dma source(%dma_start3A_253 : memref<12800xi32, #tpu.memory_space<hbm>>) target(%arg10 : memref<12800xi32, #tpu.memory_space<vmem>>) target_semaphore(%dma_start3A_252 : memref<!tpu.dma_semaphore, #tpu.memory_space<semaphore_mem>>)
    %dma_wait3A_254 = arith.constant 0 : i32
    %dma_wait3A_255 = arith.constant 0 : i32
    %dma_wait3A_256 = tpu.memref_slice %arg2[%add3A_205, %dma_wait3A_255] : memref<16384x200xi32, #tpu.memory_space<hbm>> -> memref<64x200xi32, #tpu.memory_space<hbm>>
    %dma_wait3A_257 = tpu.memref_slice %arg12[%dma_wait3A_254] : memref<2x!tpu.dma_semaphore, #tpu.memory_space<semaphore_mem>> -> memref<1x!tpu.dma_semaphore, #tpu.memory_space<semaphore_mem>>
    %dma_wait3A_258 = tpu.memref_squeeze %dma_wait3A_257 : memref<1x!tpu.dma_semaphore, #tpu.memory_space<semaphore_mem>> -> memref<!tpu.dma_semaphore, #tpu.memory_space<semaphore_mem>>
    %dma_wait3A_259 = arith.constant 0 : i32
    %dma_wait3A_260 = tpu.memref_slice %arg2[%add3A_205, %dma_wait3A_259] : memref<16384x200xi32, #tpu.memory_space<hbm>> -> memref<64x200xi32, #tpu.memory_space<hbm>>
    tpu.wait_dma2 semaphore(%dma_wait3A_258 : memref<!tpu.dma_semaphore, #tpu.memory_space<semaphore_mem>>) src(%dma_wait3A_260 : memref<64x200xi32, #tpu.memory_space<hbm>>) dst(%arg7 : memref<64x200xi32, #tpu.memory_space<vmem>>)
    %dma_wait3A_261 = arith.constant 0 : i32
    %dma_wait3A_262 = tpu.memref_slice %arg3[%add3A_214] : memref<3276800xi32, #tpu.memory_space<hbm>> -> memref<12800xi32, #tpu.memory_space<hbm>>
    %dma_wait3A_263 = tpu.memref_slice %arg13[%dma_wait3A_261] : memref<2x!tpu.dma_semaphore, #tpu.memory_space<semaphore_mem>> -> memref<1x!tpu.dma_semaphore, #tpu.memory_space<semaphore_mem>>
    %dma_wait3A_264 = tpu.memref_squeeze %dma_wait3A_263 : memref<1x!tpu.dma_semaphore, #tpu.memory_space<semaphore_mem>> -> memref<!tpu.dma_semaphore, #tpu.memory_space<semaphore_mem>>
    %dma_wait3A_265 = tpu.memref_slice %arg3[%add3A_214] : memref<3276800xi32, #tpu.memory_space<hbm>> -> memref<12800xi32, #tpu.memory_space<hbm>>
    tpu.wait_dma2 semaphore(%dma_wait3A_264 : memref<!tpu.dma_semaphore, #tpu.memory_space<semaphore_mem>>) src(%dma_wait3A_265 : memref<12800xi32, #tpu.memory_space<hbm>>) dst(%arg9 : memref<12800xi32, #tpu.memory_space<vmem>>)
    %scan3A_266 = arith.constant 0 : i32
    %scan3A_267 = arith.constant 32 : i32
    %scan3A_268 = arith.addi %scan3A_266, %scan3A_267 : i32
    %scan3A_269 = arith.constant 1 : i32
    %scan3A_270:4 = scf.for %scan3A_296 = %scan3A_266 to %scan3A_268 step %scan3A_269 iter_args(%scan3A_297 = %scan3A_236#0, %scan3A_298 = %scan3A_236#1, %scan3A_299 = %scan3A_236#2, %scan3A_300 = %scan3A_236#3) -> (vector<16xf32>, vector<16xf32>, vector<16xf32>, vector<16xf32>)  : i32 {
      %mul3A_301 = arith.constant 2 : i32
      %mul3A_302 = arith.muli %mul3A_301, %scan3A_296 : i32
      %add3A_303 = arith.constant 0 : i32
      %add3A_304 = arith.addi %mul3A_302, %add3A_303 : i32
      %broadcast_in_dim3A_305 = vector.broadcast %add3A_304 : i32 to vector<16xi32>
      %add3A_306 = arith.constant 0 : i32
      %add3A_307 = vector.broadcast %add3A_306 : i32 to vector<16xi32>
      %add3A_308 = arith.addi %iota3A, %add3A_307 : vector<16xi32>
      %gather3A = tpu.vector_load_idx %arg7[%broadcast_in_dim3A_305, %add3A_308] : memref<64x200xi32, #tpu.memory_space<vmem>>[vector<16xi32>, vector<16xi32>], vector<16xi32>,
      %mul3A_309 = arith.constant 400 : i32
      %mul3A_310 = arith.muli %scan3A_296, %mul3A_309 : i32
      %add3A_311 = arith.constant 0 : i32
      %add3A_312 = arith.addi %mul3A_310, %add3A_311 : i32
      %get3A = arith.index_cast %add3A_312 : i32 to index
      %get3A_313 = tpu.vector_load %arg9[%get3A] {strides = array<i32>} : memref<12800xi32, #tpu.memory_space<vmem>>, vector<16xi32>,
      %mul3A_314 = arith.constant 5 : i32
      %mul3A_315 = vector.broadcast %mul3A_314 : i32 to vector<16xi32>
      %mul3A_316 = arith.muli %gather3A, %mul3A_315 : vector<16xi32>
      %add3A_317 = arith.addi %mul3A_316, %get3A_313 : vector<16xi32>
      %gather3A_318 = tpu.vector_load_idx %arg6[%add3A_317] : memref<64xf32, #tpu.memory_space<vmem>>[vector<16xi32>], vector<16xf32>,
      %add3A_319 = arith.addf %scan3A_297, %gather3A_318 : vector<16xf32>
      %add3A_320 = arith.constant 0 : i32
      %add3A_321 = arith.addi %mul3A_302, %add3A_320 : i32
      %broadcast_in_dim3A_322 = vector.broadcast %add3A_321 : i32 to vector<16xi32>
      %add3A_323 = arith.constant 16 : i32
      %add3A_324 = vector.broadcast %add3A_323 : i32 to vector<16xi32>
      %add3A_325 = arith.addi %iota3A, %add3A_324 : vector<16xi32>
      %gather3A_326 = tpu.vector_load_idx %arg7[%broadcast_in_dim3A_322, %add3A_325] : memref<64x200xi32, #tpu.memory_space<vmem>>[vector<16xi32>, vector<16xi32>], vector<16xi32>,
      %mul3A_327 = arith.constant 400 : i32
      %mul3A_328 = arith.muli %scan3A_296, %mul3A_327 : i32
      %add3A_329 = arith.constant 16 : i32
      %add3A_330 = arith.addi %mul3A_328, %add3A_329 : i32
      %get3A_331 = arith.index_cast %add3A_330 : i32 to index
      %get3A_332 = tpu.vector_load %arg9[%get3A_331] {strides = array<i32>} : memref<12800xi32, #tpu.memory_space<vmem>>, vector<16xi32>,
      %mul3A_333 = arith.constant 5 : i32
      %mul3A_334 = vector.broadcast %mul3A_333 : i32 to vector<16xi32>
      %mul3A_335 = arith.muli %gather3A_326, %mul3A_334 : vector<16xi32>
      %add3A_336 = arith.addi %mul3A_335, %get3A_332 : vector<16xi32>
      %gather3A_337 = tpu.vector_load_idx %arg6[%add3A_336] : memref<64xf32, #tpu.memory_space<vmem>>[vector<16xi32>], vector<16xf32>,
      %add3A_338 = arith.addf %scan3A_298, %gather3A_337 : vector<16xf32>
      %add3A_339 = arith.constant 0 : i32
      %add3A_340 = arith.addi %mul3A_302, %add3A_339 : i32
      %broadcast_in_dim3A_341 = vector.broadcast %add3A_340 : i32 to vector<16xi32>
      %add3A_342 = arith.constant 32 : i32
      %add3A_343 = vector.broadcast %add3A_342 : i32 to vector<16xi32>
      %add3A_344 = arith.addi %iota3A, %add3A_343 : vector<16xi32>
      %gather3A_345 = tpu.vector_load_idx %arg7[%broadcast_in_dim3A_341, %add3A_344] : memref<64x200xi32, #tpu.memory_space<vmem>>[vector<16xi32>, vector<16xi32>], vector<16xi32>,
      %mul3A_346 = arith.constant 400 : i32
      %mul3A_347 = arith.muli %scan3A_296, %mul3A_346 : i32
      %add3A_348 = arith.constant 32 : i32
      %add3A_349 = arith.addi %mul3A_347, %add3A_348 : i32
      %get3A_350 = arith.index_cast %add3A_349 : i32 to index
      %get3A_351 = tpu.vector_load %arg9[%get3A_350] {strides = array<i32>} : memref<12800xi32, #tpu.memory_space<vmem>>, vector<16xi32>,
      %mul3A_352 = arith.constant 5 : i32
      %mul3A_353 = vector.broadcast %mul3A_352 : i32 to vector<16xi32>
      %mul3A_354 = arith.muli %gather3A_345, %mul3A_353 : vector<16xi32>
      %add3A_355 = arith.addi %mul3A_354, %get3A_351 : vector<16xi32>
      %gather3A_356 = tpu.vector_load_idx %arg6[%add3A_355] : memref<64xf32, #tpu.memory_space<vmem>>[vector<16xi32>], vector<16xf32>,
      %add3A_357 = arith.addf %scan3A_299, %gather3A_356 : vector<16xf32>
      %add3A_358 = arith.constant 0 : i32
      %add3A_359 = arith.addi %mul3A_302, %add3A_358 : i32
      %broadcast_in_dim3A_360 = vector.broadcast %add3A_359 : i32 to vector<16xi32>
      %add3A_361 = arith.constant 48 : i32
      %add3A_362 = vector.broadcast %add3A_361 : i32 to vector<16xi32>
      %add3A_363 = arith.addi %iota3A, %add3A_362 : vector<16xi32>
      %gather3A_364 = tpu.vector_load_idx %arg7[%broadcast_in_dim3A_360, %add3A_363] : memref<64x200xi32, #tpu.memory_space<vmem>>[vector<16xi32>, vector<16xi32>], vector<16xi32>,
      %mul3A_365 = arith.constant 400 : i32
      %mul3A_366 = arith.muli %scan3A_296, %mul3A_365 : i32
      %add3A_367 = arith.constant 48 : i32
      %add3A_368 = arith.addi %mul3A_366, %add3A_367 : i32
      %get3A_369 = arith.index_cast %add3A_368 : i32 to index
      %get3A_370 = tpu.vector_load %arg9[%get3A_369] {strides = array<i32>} : memref<12800xi32, #tpu.memory_space<vmem>>, vector<16xi32>,
      %mul3A_371 = arith.constant 5 : i32
      %mul3A_372 = vector.broadcast %mul3A_371 : i32 to vector<16xi32>
      %mul3A_373 = arith.muli %gather3A_364, %mul3A_372 : vector<16xi32>
      %add3A_374 = arith.addi %mul3A_373, %get3A_370 : vector<16xi32>
      %gather3A_375 = tpu.vector_load_idx %arg6[%add3A_374] : memref<64xf32, #tpu.memory_space<vmem>>[vector<16xi32>], vector<16xf32>,
      %add3A_376 = arith.addf %scan3A_300, %gather3A_375 : vector<16xf32>
      %add3A_377 = arith.constant 0 : i32
      %add3A_378 = arith.addi %mul3A_302, %add3A_377 : i32
      %broadcast_in_dim3A_379 = vector.broadcast %add3A_378 : i32 to vector<16xi32>
      %add3A_380 = arith.constant 64 : i32
      %add3A_381 = vector.broadcast %add3A_380 : i32 to vector<16xi32>
      %add3A_382 = arith.addi %iota3A, %add3A_381 : vector<16xi32>
      %gather3A_383 = tpu.vector_load_idx %arg7[%broadcast_in_dim3A_379, %add3A_382] : memref<64x200xi32, #tpu.memory_space<vmem>>[vector<16xi32>, vector<16xi32>], vector<16xi32>,
      %mul3A_384 = arith.constant 400 : i32
      %mul3A_385 = arith.muli %scan3A_296, %mul3A_384 : i32
      %add3A_386 = arith.constant 64 : i32
      %add3A_387 = arith.addi %mul3A_385, %add3A_386 : i32
      %get3A_388 = arith.index_cast %add3A_387 : i32 to index
      %get3A_389 = tpu.vector_load %arg9[%get3A_388] {strides = array<i32>} : memref<12800xi32, #tpu.memory_space<vmem>>, vector<16xi32>,
      %mul3A_390 = arith.constant 5 : i32
      %mul3A_391 = vector.broadcast %mul3A_390 : i32 to vector<16xi32>
      %mul3A_392 = arith.muli %gather3A_383, %mul3A_391 : vector<16xi32>
      %add3A_393 = arith.addi %mul3A_392, %get3A_389 : vector<16xi32>
      %gather3A_394 = tpu.vector_load_idx %arg6[%add3A_393] : memref<64xf32, #tpu.memory_space<vmem>>[vector<16xi32>], vector<16xf32>,
      %add3A_395 = arith.addf %add3A_319, %gather3A_394 : vector<16xf32>
      %add3A_396 = arith.constant 0 : i32
      %add3A_397 = arith.addi %mul3A_302, %add3A_396 : i32
      %broadcast_in_dim3A_398 = vector.broadcast %add3A_397 : i32 to vector<16xi32>
      %add3A_399 = arith.constant 80 : i32
      %add3A_400 = vector.broadcast %add3A_399 : i32 to vector<16xi32>
      %add3A_401 = arith.addi %iota3A, %add3A_400 : vector<16xi32>
      %gather3A_402 = tpu.vector_load_idx %arg7[%broadcast_in_dim3A_398, %add3A_401] : memref<64x200xi32, #tpu.memory_space<vmem>>[vector<16xi32>, vector<16xi32>], vector<16xi32>,
      %mul3A_403 = arith.constant 400 : i32
      %mul3A_404 = arith.muli %scan3A_296, %mul3A_403 : i32
      %add3A_405 = arith.constant 80 : i32
      %add3A_406 = arith.addi %mul3A_404, %add3A_405 : i32
      %get3A_407 = arith.index_cast %add3A_406 : i32 to index
      %get3A_408 = tpu.vector_load %arg9[%get3A_407] {strides = array<i32>} : memref<12800xi32, #tpu.memory_space<vmem>>, vector<16xi32>,
      %mul3A_409 = arith.constant 5 : i32
      %mul3A_410 = vector.broadcast %mul3A_409 : i32 to vector<16xi32>
      %mul3A_411 = arith.muli %gather3A_402, %mul3A_410 : vector<16xi32>
      %add3A_412 = arith.addi %mul3A_411, %get3A_408 : vector<16xi32>
      %gather3A_413 = tpu.vector_load_idx %arg6[%add3A_412] : memref<64xf32, #tpu.memory_space<vmem>>[vector<16xi32>], vector<16xf32>,
      %add3A_414 = arith.addf %add3A_338, %gather3A_413 : vector<16xf32>
      %add3A_415 = arith.constant 0 : i32
      %add3A_416 = arith.addi %mul3A_302, %add3A_415 : i32
      %broadcast_in_dim3A_417 = vector.broadcast %add3A_416 : i32 to vector<16xi32>
      %add3A_418 = arith.constant 96 : i32
      %add3A_419 = vector.broadcast %add3A_418 : i32 to vector<16xi32>
      %add3A_420 = arith.addi %iota3A, %add3A_419 : vector<16xi32>
      %gather3A_421 = tpu.vector_load_idx %arg7[%broadcast_in_dim3A_417, %add3A_420] : memref<64x200xi32, #tpu.memory_space<vmem>>[vector<16xi32>, vector<16xi32>], vector<16xi32>,
      %mul3A_422 = arith.constant 400 : i32
      %mul3A_423 = arith.muli %scan3A_296, %mul3A_422 : i32
      %add3A_424 = arith.constant 96 : i32
      %add3A_425 = arith.addi %mul3A_423, %add3A_424 : i32
      %get3A_426 = arith.index_cast %add3A_425 : i32 to index
      %get3A_427 = tpu.vector_load %arg9[%get3A_426] {strides = array<i32>} : memref<12800xi32, #tpu.memory_space<vmem>>, vector<16xi32>,
      %mul3A_428 = arith.constant 5 : i32
      %mul3A_429 = vector.broadcast %mul3A_428 : i32 to vector<16xi32>
      %mul3A_430 = arith.muli %gather3A_421, %mul3A_429 : vector<16xi32>
      %add3A_431 = arith.addi %mul3A_430, %get3A_427 : vector<16xi32>
      %gather3A_432 = tpu.vector_load_idx %arg6[%add3A_431] : memref<64xf32, #tpu.memory_space<vmem>>[vector<16xi32>], vector<16xf32>,
      %add3A_433 = arith.addf %add3A_357, %gather3A_432 : vector<16xf32>
      %add3A_434 = arith.constant 0 : i32
      %add3A_435 = arith.addi %mul3A_302, %add3A_434 : i32
      %broadcast_in_dim3A_436 = vector.broadcast %add3A_435 : i32 to vector<16xi32>
      %add3A_437 = arith.constant 112 : i32
      %add3A_438 = vector.broadcast %add3A_437 : i32 to vector<16xi32>
      %add3A_439 = arith.addi %iota3A, %add3A_438 : vector<16xi32>
      %gather3A_440 = tpu.vector_load_idx %arg7[%broadcast_in_dim3A_436, %add3A_439] : memref<64x200xi32, #tpu.memory_space<vmem>>[vector<16xi32>, vector<16xi32>], vector<16xi32>,
      %mul3A_441 = arith.constant 400 : i32
      %mul3A_442 = arith.muli %scan3A_296, %mul3A_441 : i32
      %add3A_443 = arith.constant 112 : i32
      %add3A_444 = arith.addi %mul3A_442, %add3A_443 : i32
      %get3A_445 = arith.index_cast %add3A_444 : i32 to index
      %get3A_446 = tpu.vector_load %arg9[%get3A_445] {strides = array<i32>} : memref<12800xi32, #tpu.memory_space<vmem>>, vector<16xi32>,
      %mul3A_447 = arith.constant 5 : i32
      %mul3A_448 = vector.broadcast %mul3A_447 : i32 to vector<16xi32>
      %mul3A_449 = arith.muli %gather3A_440, %mul3A_448 : vector<16xi32>
      %add3A_450 = arith.addi %mul3A_449, %get3A_446 : vector<16xi32>
      %gather3A_451 = tpu.vector_load_idx %arg6[%add3A_450] : memref<64xf32, #tpu.memory_space<vmem>>[vector<16xi32>], vector<16xf32>,
      %add3A_452 = arith.addf %add3A_376, %gather3A_451 : vector<16xf32>
      %add3A_453 = arith.constant 0 : i32
      %add3A_454 = arith.addi %mul3A_302, %add3A_453 : i32
      %broadcast_in_dim3A_455 = vector.broadcast %add3A_454 : i32 to vector<16xi32>
      %add3A_456 = arith.constant 128 : i32
      %add3A_457 = vector.broadcast %add3A_456 : i32 to vector<16xi32>
      %add3A_458 = arith.addi %iota3A, %add3A_457 : vector<16xi32>
      %gather3A_459 = tpu.vector_load_idx %arg7[%broadcast_in_dim3A_455, %add3A_458] : memref<64x200xi32, #tpu.memory_space<vmem>>[vector<16xi32>, vector<16xi32>], vector<16xi32>,
      %mul3A_460 = arith.constant 400 : i32
      %mul3A_461 = arith.muli %scan3A_296, %mul3A_460 : i32
      %add3A_462 = arith.constant 128 : i32
      %add3A_463 = arith.addi %mul3A_461, %add3A_462 : i32
      %get3A_464 = arith.index_cast %add3A_463 : i32 to index
      %get3A_465 = tpu.vector_load %arg9[%get3A_464] {strides = array<i32>} : memref<12800xi32, #tpu.memory_space<vmem>>, vector<16xi32>,
      %mul3A_466 = arith.constant 5 : i32
      %mul3A_467 = vector.broadcast %mul3A_466 : i32 to vector<16xi32>
      %mul3A_468 = arith.muli %gather3A_459, %mul3A_467 : vector<16xi32>
      %add3A_469 = arith.addi %mul3A_468, %get3A_465 : vector<16xi32>
      %gather3A_470 = tpu.vector_load_idx %arg6[%add3A_469] : memref<64xf32, #tpu.memory_space<vmem>>[vector<16xi32>], vector<16xf32>,
      %add3A_471 = arith.addf %add3A_395, %gather3A_470 : vector<16xf32>
      %add3A_472 = arith.constant 0 : i32
      %add3A_473 = arith.addi %mul3A_302, %add3A_472 : i32
      %broadcast_in_dim3A_474 = vector.broadcast %add3A_473 : i32 to vector<16xi32>
      %add3A_475 = arith.constant 144 : i32
      %add3A_476 = vector.broadcast %add3A_475 : i32 to vector<16xi32>
      %add3A_477 = arith.addi %iota3A, %add3A_476 : vector<16xi32>
      %gather3A_478 = tpu.vector_load_idx %arg7[%broadcast_in_dim3A_474, %add3A_477] : memref<64x200xi32, #tpu.memory_space<vmem>>[vector<16xi32>, vector<16xi32>], vector<16xi32>,
      %mul3A_479 = arith.constant 400 : i32
      %mul3A_480 = arith.muli %scan3A_296, %mul3A_479 : i32
      %add3A_481 = arith.constant 144 : i32
      %add3A_482 = arith.addi %mul3A_480, %add3A_481 : i32
      %get3A_483 = arith.index_cast %add3A_482 : i32 to index
      %get3A_484 = tpu.vector_load %arg9[%get3A_483] {strides = array<i32>} : memref<12800xi32, #tpu.memory_space<vmem>>, vector<16xi32>,
      %mul3A_485 = arith.constant 5 : i32
      %mul3A_486 = vector.broadcast %mul3A_485 : i32 to vector<16xi32>
      %mul3A_487 = arith.muli %gather3A_478, %mul3A_486 : vector<16xi32>
      %add3A_488 = arith.addi %mul3A_487, %get3A_484 : vector<16xi32>
      %gather3A_489 = tpu.vector_load_idx %arg6[%add3A_488] : memref<64xf32, #tpu.memory_space<vmem>>[vector<16xi32>], vector<16xf32>,
      %add3A_490 = arith.addf %add3A_414, %gather3A_489 : vector<16xf32>
      %add3A_491 = arith.constant 0 : i32
      %add3A_492 = arith.addi %mul3A_302, %add3A_491 : i32
      %broadcast_in_dim3A_493 = vector.broadcast %add3A_492 : i32 to vector<16xi32>
      %add3A_494 = arith.constant 160 : i32
      %add3A_495 = vector.broadcast %add3A_494 : i32 to vector<16xi32>
      %add3A_496 = arith.addi %iota3A, %add3A_495 : vector<16xi32>
      %gather3A_497 = tpu.vector_load_idx %arg7[%broadcast_in_dim3A_493, %add3A_496] : memref<64x200xi32, #tpu.memory_space<vmem>>[vector<16xi32>, vector<16xi32>], vector<16xi32>,
      %mul3A_498 = arith.constant 400 : i32
      %mul3A_499 = arith.muli %scan3A_296, %mul3A_498 : i32
      %add3A_500 = arith.constant 160 : i32
      %add3A_501 = arith.addi %mul3A_499, %add3A_500 : i32
      %get3A_502 = arith.index_cast %add3A_501 : i32 to index
      %get3A_503 = tpu.vector_load %arg9[%get3A_502] {strides = array<i32>} : memref<12800xi32, #tpu.memory_space<vmem>>, vector<16xi32>,
      %mul3A_504 = arith.constant 5 : i32
      %mul3A_505 = vector.broadcast %mul3A_504 : i32 to vector<16xi32>
      %mul3A_506 = arith.muli %gather3A_497, %mul3A_505 : vector<16xi32>
      %add3A_507 = arith.addi %mul3A_506, %get3A_503 : vector<16xi32>
      %gather3A_508 = tpu.vector_load_idx %arg6[%add3A_507] : memref<64xf32, #tpu.memory_space<vmem>>[vector<16xi32>], vector<16xf32>,
      %add3A_509 = arith.addf %add3A_433, %gather3A_508 : vector<16xf32>
      %add3A_510 = arith.constant 0 : i32
      %add3A_511 = arith.addi %mul3A_302, %add3A_510 : i32
      %broadcast_in_dim3A_512 = vector.broadcast %add3A_511 : i32 to vector<16xi32>
      %add3A_513 = arith.constant 176 : i32
      %add3A_514 = vector.broadcast %add3A_513 : i32 to vector<16xi32>
      %add3A_515 = arith.addi %iota3A, %add3A_514 : vector<16xi32>
      %gather3A_516 = tpu.vector_load_idx %arg7[%broadcast_in_dim3A_512, %add3A_515] : memref<64x200xi32, #tpu.memory_space<vmem>>[vector<16xi32>, vector<16xi32>], vector<16xi32>,
      %mul3A_517 = arith.constant 400 : i32
      %mul3A_518 = arith.muli %scan3A_296, %mul3A_517 : i32
      %add3A_519 = arith.constant 176 : i32
      %add3A_520 = arith.addi %mul3A_518, %add3A_519 : i32
      %get3A_521 = arith.index_cast %add3A_520 : i32 to index
      %get3A_522 = tpu.vector_load %arg9[%get3A_521] {strides = array<i32>} : memref<12800xi32, #tpu.memory_space<vmem>>, vector<16xi32>,
      %mul3A_523 = arith.constant 5 : i32
      %mul3A_524 = vector.broadcast %mul3A_523 : i32 to vector<16xi32>
      %mul3A_525 = arith.muli %gather3A_516, %mul3A_524 : vector<16xi32>
      %add3A_526 = arith.addi %mul3A_525, %get3A_522 : vector<16xi32>
      %gather3A_527 = tpu.vector_load_idx %arg6[%add3A_526] : memref<64xf32, #tpu.memory_space<vmem>>[vector<16xi32>], vector<16xf32>,
      %add3A_528 = arith.addf %add3A_452, %gather3A_527 : vector<16xf32>
      %add3A_529 = arith.constant 0 : i32
      %add3A_530 = arith.addi %mul3A_302, %add3A_529 : i32
      %add3A_531 = vector.broadcast %add3A_530 : i32 to vector<16xi32>
      %add3A_532 = arith.addi %convert_element_type3A, %add3A_531 : vector<16xi32>
      %gather3A_533 = tpu.vector_load_idx %arg7[%add3A_532, %select_n3A] : memref<64x200xi32, #tpu.memory_space<vmem>>[vector<16xi32>, vector<16xi32>], vector<16xi32>,
      %mul3A_534 = arith.constant 400 : i32
      %mul3A_535 = arith.muli %scan3A_296, %mul3A_534 : i32
      %add3A_536 = arith.constant 192 : i32
      %add3A_537 = arith.addi %mul3A_535, %add3A_536 : i32
      %get3A_538 = arith.index_cast %add3A_537 : i32 to index
      %get3A_539 = tpu.vector_load %arg9[%get3A_538] {strides = array<i32>} : memref<12800xi32, #tpu.memory_space<vmem>>, vector<16xi32>,
      %mul3A_540 = arith.constant 5 : i32
      %mul3A_541 = vector.broadcast %mul3A_540 : i32 to vector<16xi32>
      %mul3A_542 = arith.muli %gather3A_533, %mul3A_541 : vector<16xi32>
      %add3A_543 = arith.addi %mul3A_542, %get3A_539 : vector<16xi32>
      %gather3A_544 = tpu.vector_load_idx %arg6[%add3A_543] : memref<64xf32, #tpu.memory_space<vmem>>[vector<16xi32>], vector<16xf32>,
      %add3A_545 = arith.addf %add3A_471, %gather3A_544 : vector<16xf32>
      %add3A_546 = arith.constant 1 : i32
      %add3A_547 = arith.addi %mul3A_302, %add3A_546 : i32
      %broadcast_in_dim3A_548 = vector.broadcast %add3A_547 : i32 to vector<16xi32>
      %add3A_549 = arith.constant 8 : i32
      %add3A_550 = vector.broadcast %add3A_549 : i32 to vector<16xi32>
      %add3A_551 = arith.addi %iota3A, %add3A_550 : vector<16xi32>
      %gather3A_552 = tpu.vector_load_idx %arg7[%broadcast_in_dim3A_548, %add3A_551] : memref<64x200xi32, #tpu.memory_space<vmem>>[vector<16xi32>, vector<16xi32>], vector<16xi32>,
      %mul3A_553 = arith.constant 400 : i32
      %mul3A_554 = arith.muli %scan3A_296, %mul3A_553 : i32
      %add3A_555 = arith.constant 208 : i32
      %add3A_556 = arith.addi %mul3A_554, %add3A_555 : i32
      %get3A_557 = arith.index_cast %add3A_556 : i32 to index
      %get3A_558 = tpu.vector_load %arg9[%get3A_557] {strides = array<i32>} : memref<12800xi32, #tpu.memory_space<vmem>>, vector<16xi32>,
      %mul3A_559 = arith.constant 5 : i32
      %mul3A_560 = vector.broadcast %mul3A_559 : i32 to vector<16xi32>
      %mul3A_561 = arith.muli %gather3A_552, %mul3A_560 : vector<16xi32>
      %add3A_562 = arith.addi %mul3A_561, %get3A_558 : vector<16xi32>
      %gather3A_563 = tpu.vector_load_idx %arg6[%add3A_562] : memref<64xf32, #tpu.memory_space<vmem>>[vector<16xi32>], vector<16xf32>,
      %add3A_564 = arith.addf %add3A_490, %gather3A_563 : vector<16xf32>
      %add3A_565 = arith.constant 1 : i32
      %add3A_566 = arith.addi %mul3A_302, %add3A_565 : i32
      %broadcast_in_dim3A_567 = vector.broadcast %add3A_566 : i32 to vector<16xi32>
      %add3A_568 = arith.constant 24 : i32
      %add3A_569 = vector.broadcast %add3A_568 : i32 to vector<16xi32>
      %add3A_570 = arith.addi %iota3A, %add3A_569 : vector<16xi32>
      %gather3A_571 = tpu.vector_load_idx %arg7[%broadcast_in_dim3A_567, %add3A_570] : memref<64x200xi32, #tpu.memory_space<vmem>>[vector<16xi32>, vector<16xi32>], vector<16xi32>,
      %mul3A_572 = arith.constant 400 : i32
      %mul3A_573 = arith.muli %scan3A_296, %mul3A_572 : i32
      %add3A_574 = arith.constant 224 : i32
      %add3A_575 = arith.addi %mul3A_573, %add3A_574 : i32
      %get3A_576 = arith.index_cast %add3A_575 : i32 to index
      %get3A_577 = tpu.vector_load %arg9[%get3A_576] {strides = array<i32>} : memref<12800xi32, #tpu.memory_space<vmem>>, vector<16xi32>,
      %mul3A_578 = arith.constant 5 : i32
      %mul3A_579 = vector.broadcast %mul3A_578 : i32 to vector<16xi32>
      %mul3A_580 = arith.muli %gather3A_571, %mul3A_579 : vector<16xi32>
      %add3A_581 = arith.addi %mul3A_580, %get3A_577 : vector<16xi32>
      %gather3A_582 = tpu.vector_load_idx %arg6[%add3A_581] : memref<64xf32, #tpu.memory_space<vmem>>[vector<16xi32>], vector<16xf32>,
      %add3A_583 = arith.addf %add3A_509, %gather3A_582 : vector<16xf32>
      %add3A_584 = arith.constant 1 : i32
      %add3A_585 = arith.addi %mul3A_302, %add3A_584 : i32
      %broadcast_in_dim3A_586 = vector.broadcast %add3A_585 : i32 to vector<16xi32>
      %add3A_587 = arith.constant 40 : i32
      %add3A_588 = vector.broadcast %add3A_587 : i32 to vector<16xi32>
      %add3A_589 = arith.addi %iota3A, %add3A_588 : vector<16xi32>
      %gather3A_590 = tpu.vector_load_idx %arg7[%broadcast_in_dim3A_586, %add3A_589] : memref<64x200xi32, #tpu.memory_space<vmem>>[vector<16xi32>, vector<16xi32>], vector<16xi32>,
      %mul3A_591 = arith.constant 400 : i32
      %mul3A_592 = arith.muli %scan3A_296, %mul3A_591 : i32
      %add3A_593 = arith.constant 240 : i32
      %add3A_594 = arith.addi %mul3A_592, %add3A_593 : i32
      %get3A_595 = arith.index_cast %add3A_594 : i32 to index
      %get3A_596 = tpu.vector_load %arg9[%get3A_595] {strides = array<i32>} : memref<12800xi32, #tpu.memory_space<vmem>>, vector<16xi32>,
      %mul3A_597 = arith.constant 5 : i32
      %mul3A_598 = vector.broadcast %mul3A_597 : i32 to vector<16xi32>
      %mul3A_599 = arith.muli %gather3A_590, %mul3A_598 : vector<16xi32>
      %add3A_600 = arith.addi %mul3A_599, %get3A_596 : vector<16xi32>
      %gather3A_601 = tpu.vector_load_idx %arg6[%add3A_600] : memref<64xf32, #tpu.memory_space<vmem>>[vector<16xi32>], vector<16xf32>,
      %add3A_602 = arith.addf %add3A_528, %gather3A_601 : vector<16xf32>
      %add3A_603 = arith.constant 1 : i32
      %add3A_604 = arith.addi %mul3A_302, %add3A_603 : i32
      %broadcast_in_dim3A_605 = vector.broadcast %add3A_604 : i32 to vector<16xi32>
      %add3A_606 = arith.constant 56 : i32
      %add3A_607 = vector.broadcast %add3A_606 : i32 to vector<16xi32>
      %add3A_608 = arith.addi %iota3A, %add3A_607 : vector<16xi32>
      %gather3A_609 = tpu.vector_load_idx %arg7[%broadcast_in_dim3A_605, %add3A_608] : memref<64x200xi32, #tpu.memory_space<vmem>>[vector<16xi32>, vector<16xi32>], vector<16xi32>,
      %mul3A_610 = arith.constant 400 : i32
      %mul3A_611 = arith.muli %scan3A_296, %mul3A_610 : i32
      %add3A_612 = arith.constant 256 : i32
      %add3A_613 = arith.addi %mul3A_611, %add3A_612 : i32
      %get3A_614 = arith.index_cast %add3A_613 : i32 to index
      %get3A_615 = tpu.vector_load %arg9[%get3A_614] {strides = array<i32>} : memref<12800xi32, #tpu.memory_space<vmem>>, vector<16xi32>,
      %mul3A_616 = arith.constant 5 : i32
      %mul3A_617 = vector.broadcast %mul3A_616 : i32 to vector<16xi32>
      %mul3A_618 = arith.muli %gather3A_609, %mul3A_617 : vector<16xi32>
      %add3A_619 = arith.addi %mul3A_618, %get3A_615 : vector<16xi32>
      %gather3A_620 = tpu.vector_load_idx %arg6[%add3A_619] : memref<64xf32, #tpu.memory_space<vmem>>[vector<16xi32>], vector<16xf32>,
      %add3A_621 = arith.addf %add3A_545, %gather3A_620 : vector<16xf32>
      %add3A_622 = arith.constant 1 : i32
      %add3A_623 = arith.addi %mul3A_302, %add3A_622 : i32
      %broadcast_in_dim3A_624 = vector.broadcast %add3A_623 : i32 to vector<16xi32>
      %add3A_625 = arith.constant 72 : i32
      %add3A_626 = vector.broadcast %add3A_625 : i32 to vector<16xi32>
      %add3A_627 = arith.addi %iota3A, %add3A_626 : vector<16xi32>
      %gather3A_628 = tpu.vector_load_idx %arg7[%broadcast_in_dim3A_624, %add3A_627] : memref<64x200xi32, #tpu.memory_space<vmem>>[vector<16xi32>, vector<16xi32>], vector<16xi32>,
      %mul3A_629 = arith.constant 400 : i32
      %mul3A_630 = arith.muli %scan3A_296, %mul3A_629 : i32
      %add3A_631 = arith.constant 272 : i32
      %add3A_632 = arith.addi %mul3A_630, %add3A_631 : i32
      %get3A_633 = arith.index_cast %add3A_632 : i32 to index
      %get3A_634 = tpu.vector_load %arg9[%get3A_633] {strides = array<i32>} : memref<12800xi32, #tpu.memory_space<vmem>>, vector<16xi32>,
      %mul3A_635 = arith.constant 5 : i32
      %mul3A_636 = vector.broadcast %mul3A_635 : i32 to vector<16xi32>
      %mul3A_637 = arith.muli %gather3A_628, %mul3A_636 : vector<16xi32>
      %add3A_638 = arith.addi %mul3A_637, %get3A_634 : vector<16xi32>
      %gather3A_639 = tpu.vector_load_idx %arg6[%add3A_638] : memref<64xf32, #tpu.memory_space<vmem>>[vector<16xi32>], vector<16xf32>,
      %add3A_640 = arith.addf %add3A_564, %gather3A_639 : vector<16xf32>
      %add3A_641 = arith.constant 1 : i32
      %add3A_642 = arith.addi %mul3A_302, %add3A_641 : i32
      %broadcast_in_dim3A_643 = vector.broadcast %add3A_642 : i32 to vector<16xi32>
      %add3A_644 = arith.constant 88 : i32
      %add3A_645 = vector.broadcast %add3A_644 : i32 to vector<16xi32>
      %add3A_646 = arith.addi %iota3A, %add3A_645 : vector<16xi32>
      %gather3A_647 = tpu.vector_load_idx %arg7[%broadcast_in_dim3A_643, %add3A_646] : memref<64x200xi32, #tpu.memory_space<vmem>>[vector<16xi32>, vector<16xi32>], vector<16xi32>,
      %mul3A_648 = arith.constant 400 : i32
      %mul3A_649 = arith.muli %scan3A_296, %mul3A_648 : i32
      %add3A_650 = arith.constant 288 : i32
      %add3A_651 = arith.addi %mul3A_649, %add3A_650 : i32
      %get3A_652 = arith.index_cast %add3A_651 : i32 to index
      %get3A_653 = tpu.vector_load %arg9[%get3A_652] {strides = array<i32>} : memref<12800xi32, #tpu.memory_space<vmem>>, vector<16xi32>,
      %mul3A_654 = arith.constant 5 : i32
      %mul3A_655 = vector.broadcast %mul3A_654 : i32 to vector<16xi32>
      %mul3A_656 = arith.muli %gather3A_647, %mul3A_655 : vector<16xi32>
      %add3A_657 = arith.addi %mul3A_656, %get3A_653 : vector<16xi32>
      %gather3A_658 = tpu.vector_load_idx %arg6[%add3A_657] : memref<64xf32, #tpu.memory_space<vmem>>[vector<16xi32>], vector<16xf32>,
      %add3A_659 = arith.addf %add3A_583, %gather3A_658 : vector<16xf32>
      %add3A_660 = arith.constant 1 : i32
      %add3A_661 = arith.addi %mul3A_302, %add3A_660 : i32
      %broadcast_in_dim3A_662 = vector.broadcast %add3A_661 : i32 to vector<16xi32>
      %add3A_663 = arith.constant 104 : i32
      %add3A_664 = vector.broadcast %add3A_663 : i32 to vector<16xi32>
      %add3A_665 = arith.addi %iota3A, %add3A_664 : vector<16xi32>
      %gather3A_666 = tpu.vector_load_idx %arg7[%broadcast_in_dim3A_662, %add3A_665] : memref<64x200xi32, #tpu.memory_space<vmem>>[vector<16xi32>, vector<16xi32>], vector<16xi32>,
      %mul3A_667 = arith.constant 400 : i32
      %mul3A_668 = arith.muli %scan3A_296, %mul3A_667 : i32
      %add3A_669 = arith.constant 304 : i32
      %add3A_670 = arith.addi %mul3A_668, %add3A_669 : i32
      %get3A_671 = arith.index_cast %add3A_670 : i32 to index
      %get3A_672 = tpu.vector_load %arg9[%get3A_671] {strides = array<i32>} : memref<12800xi32, #tpu.memory_space<vmem>>, vector<16xi32>,
      %mul3A_673 = arith.constant 5 : i32
      %mul3A_674 = vector.broadcast %mul3A_673 : i32 to vector<16xi32>
      %mul3A_675 = arith.muli %gather3A_666, %mul3A_674 : vector<16xi32>
      %add3A_676 = arith.addi %mul3A_675, %get3A_672 : vector<16xi32>
      %gather3A_677 = tpu.vector_load_idx %arg6[%add3A_676] : memref<64xf32, #tpu.memory_space<vmem>>[vector<16xi32>], vector<16xf32>,
      %add3A_678 = arith.addf %add3A_602, %gather3A_677 : vector<16xf32>
      %add3A_679 = arith.constant 1 : i32
      %add3A_680 = arith.addi %mul3A_302, %add3A_679 : i32
      %broadcast_in_dim3A_681 = vector.broadcast %add3A_680 : i32 to vector<16xi32>
      %add3A_682 = arith.constant 120 : i32
      %add3A_683 = vector.broadcast %add3A_682 : i32 to vector<16xi32>
      %add3A_684 = arith.addi %iota3A, %add3A_683 : vector<16xi32>
      %gather3A_685 = tpu.vector_load_idx %arg7[%broadcast_in_dim3A_681, %add3A_684] : memref<64x200xi32, #tpu.memory_space<vmem>>[vector<16xi32>, vector<16xi32>], vector<16xi32>,
      %mul3A_686 = arith.constant 400 : i32
      %mul3A_687 = arith.muli %scan3A_296, %mul3A_686 : i32
      %add3A_688 = arith.constant 320 : i32
      %add3A_689 = arith.addi %mul3A_687, %add3A_688 : i32
      %get3A_690 = arith.index_cast %add3A_689 : i32 to index
      %get3A_691 = tpu.vector_load %arg9[%get3A_690] {strides = array<i32>} : memref<12800xi32, #tpu.memory_space<vmem>>, vector<16xi32>,
      %mul3A_692 = arith.constant 5 : i32
      %mul3A_693 = vector.broadcast %mul3A_692 : i32 to vector<16xi32>
      %mul3A_694 = arith.muli %gather3A_685, %mul3A_693 : vector<16xi32>
      %add3A_695 = arith.addi %mul3A_694, %get3A_691 : vector<16xi32>
      %gather3A_696 = tpu.vector_load_idx %arg6[%add3A_695] : memref<64xf32, #tpu.memory_space<vmem>>[vector<16xi32>], vector<16xf32>,
      %add3A_697 = arith.addf %add3A_621, %gather3A_696 : vector<16xf32>
      %add3A_698 = arith.constant 1 : i32
      %add3A_699 = arith.addi %mul3A_302, %add3A_698 : i32
      %broadcast_in_dim3A_700 = vector.broadcast %add3A_699 : i32 to vector<16xi32>
      %add3A_701 = arith.constant 136 : i32
      %add3A_702 = vector.broadcast %add3A_701 : i32 to vector<16xi32>
      %add3A_703 = arith.addi %iota3A, %add3A_702 : vector<16xi32>
      %gather3A_704 = tpu.vector_load_idx %arg7[%broadcast_in_dim3A_700, %add3A_703] : memref<64x200xi32, #tpu.memory_space<vmem>>[vector<16xi32>, vector<16xi32>], vector<16xi32>,
      %mul3A_705 = arith.constant 400 : i32
      %mul3A_706 = arith.muli %scan3A_296, %mul3A_705 : i32
      %add3A_707 = arith.constant 336 : i32
      %add3A_708 = arith.addi %mul3A_706, %add3A_707 : i32
      %get3A_709 = arith.index_cast %add3A_708 : i32 to index
      %get3A_710 = tpu.vector_load %arg9[%get3A_709] {strides = array<i32>} : memref<12800xi32, #tpu.memory_space<vmem>>, vector<16xi32>,
      %mul3A_711 = arith.constant 5 : i32
      %mul3A_712 = vector.broadcast %mul3A_711 : i32 to vector<16xi32>
      %mul3A_713 = arith.muli %gather3A_704, %mul3A_712 : vector<16xi32>
      %add3A_714 = arith.addi %mul3A_713, %get3A_710 : vector<16xi32>
      %gather3A_715 = tpu.vector_load_idx %arg6[%add3A_714] : memref<64xf32, #tpu.memory_space<vmem>>[vector<16xi32>], vector<16xf32>,
      %add3A_716 = arith.addf %add3A_640, %gather3A_715 : vector<16xf32>
      %add3A_717 = arith.constant 1 : i32
      %add3A_718 = arith.addi %mul3A_302, %add3A_717 : i32
      %broadcast_in_dim3A_719 = vector.broadcast %add3A_718 : i32 to vector<16xi32>
      %add3A_720 = arith.constant 152 : i32
      %add3A_721 = vector.broadcast %add3A_720 : i32 to vector<16xi32>
      %add3A_722 = arith.addi %iota3A, %add3A_721 : vector<16xi32>
      %gather3A_723 = tpu.vector_load_idx %arg7[%broadcast_in_dim3A_719, %add3A_722] : memref<64x200xi32, #tpu.memory_space<vmem>>[vector<16xi32>, vector<16xi32>], vector<16xi32>,
      %mul3A_724 = arith.constant 400 : i32
      %mul3A_725 = arith.muli %scan3A_296, %mul3A_724 : i32
      %add3A_726 = arith.constant 352 : i32
      %add3A_727 = arith.addi %mul3A_725, %add3A_726 : i32
      %get3A_728 = arith.index_cast %add3A_727 : i32 to index
      %get3A_729 = tpu.vector_load %arg9[%get3A_728] {strides = array<i32>} : memref<12800xi32, #tpu.memory_space<vmem>>, vector<16xi32>,
      %mul3A_730 = arith.constant 5 : i32
      %mul3A_731 = vector.broadcast %mul3A_730 : i32 to vector<16xi32>
      %mul3A_732 = arith.muli %gather3A_723, %mul3A_731 : vector<16xi32>
      %add3A_733 = arith.addi %mul3A_732, %get3A_729 : vector<16xi32>
      %gather3A_734 = tpu.vector_load_idx %arg6[%add3A_733] : memref<64xf32, #tpu.memory_space<vmem>>[vector<16xi32>], vector<16xf32>,
      %add3A_735 = arith.addf %add3A_659, %gather3A_734 : vector<16xf32>
      %add3A_736 = arith.constant 1 : i32
      %add3A_737 = arith.addi %mul3A_302, %add3A_736 : i32
      %broadcast_in_dim3A_738 = vector.broadcast %add3A_737 : i32 to vector<16xi32>
      %add3A_739 = arith.constant 168 : i32
      %add3A_740 = vector.broadcast %add3A_739 : i32 to vector<16xi32>
      %add3A_741 = arith.addi %iota3A, %add3A_740 : vector<16xi32>
      %gather3A_742 = tpu.vector_load_idx %arg7[%broadcast_in_dim3A_738, %add3A_741] : memref<64x200xi32, #tpu.memory_space<vmem>>[vector<16xi32>, vector<16xi32>], vector<16xi32>,
      %mul3A_743 = arith.constant 400 : i32
      %mul3A_744 = arith.muli %scan3A_296, %mul3A_743 : i32
      %add3A_745 = arith.constant 368 : i32
      %add3A_746 = arith.addi %mul3A_744, %add3A_745 : i32
      %get3A_747 = arith.index_cast %add3A_746 : i32 to index
      %get3A_748 = tpu.vector_load %arg9[%get3A_747] {strides = array<i32>} : memref<12800xi32, #tpu.memory_space<vmem>>, vector<16xi32>,
      %mul3A_749 = arith.constant 5 : i32
      %mul3A_750 = vector.broadcast %mul3A_749 : i32 to vector<16xi32>
      %mul3A_751 = arith.muli %gather3A_742, %mul3A_750 : vector<16xi32>
      %add3A_752 = arith.addi %mul3A_751, %get3A_748 : vector<16xi32>
      %gather3A_753 = tpu.vector_load_idx %arg6[%add3A_752] : memref<64xf32, #tpu.memory_space<vmem>>[vector<16xi32>], vector<16xf32>,
      %add3A_754 = arith.addf %add3A_678, %gather3A_753 : vector<16xf32>
      %add3A_755 = arith.constant 1 : i32
      %add3A_756 = arith.addi %mul3A_302, %add3A_755 : i32
      %broadcast_in_dim3A_757 = vector.broadcast %add3A_756 : i32 to vector<16xi32>
      %add3A_758 = arith.constant 184 : i32
      %add3A_759 = vector.broadcast %add3A_758 : i32 to vector<16xi32>
      %add3A_760 = arith.addi %iota3A, %add3A_759 : vector<16xi32>
      %gather3A_761 = tpu.vector_load_idx %arg7[%broadcast_in_dim3A_757, %add3A_760] : memref<64x200xi32, #tpu.memory_space<vmem>>[vector<16xi32>, vector<16xi32>], vector<16xi32>,
      %mul3A_762 = arith.constant 400 : i32
      %mul3A_763 = arith.muli %scan3A_296, %mul3A_762 : i32
      %add3A_764 = arith.constant 384 : i32
      %add3A_765 = arith.addi %mul3A_763, %add3A_764 : i32
      %get3A_766 = arith.index_cast %add3A_765 : i32 to index
      %get3A_767 = tpu.vector_load %arg9[%get3A_766] {strides = array<i32>} : memref<12800xi32, #tpu.memory_space<vmem>>, vector<16xi32>,
      %mul3A_768 = arith.constant 5 : i32
      %mul3A_769 = vector.broadcast %mul3A_768 : i32 to vector<16xi32>
      %mul3A_770 = arith.muli %gather3A_761, %mul3A_769 : vector<16xi32>
      %add3A_771 = arith.addi %mul3A_770, %get3A_767 : vector<16xi32>
      %gather3A_772 = tpu.vector_load_idx %arg6[%add3A_771] : memref<64xf32, #tpu.memory_space<vmem>>[vector<16xi32>], vector<16xf32>,
      %add3A_773 = arith.addf %add3A_697, %gather3A_772 : vector<16xf32>
      scf.yield %add3A_773, %add3A_716, %add3A_735, %add3A_754 : vector<16xf32>, vector<16xf32>, vector<16xf32>, vector<16xf32>
    }
    %scan3A_271 = arith.constant 32 : i32
    %dma_wait3A_272 = arith.constant 1 : i32
    %dma_wait3A_273 = arith.constant 0 : i32
    %dma_wait3A_274 = tpu.memref_slice %arg2[%add3A_239, %dma_wait3A_273] : memref<16384x200xi32, #tpu.memory_space<hbm>> -> memref<64x200xi32, #tpu.memory_space<hbm>>
    %dma_wait3A_275 = tpu.memref_slice %arg12[%dma_wait3A_272] : memref<2x!tpu.dma_semaphore, #tpu.memory_space<semaphore_mem>> -> memref<1x!tpu.dma_semaphore, #tpu.memory_space<semaphore_mem>>
    %dma_wait3A_276 = tpu.memref_squeeze %dma_wait3A_275 : memref<1x!tpu.dma_semaphore, #tpu.memory_space<semaphore_mem>> -> memref<!tpu.dma_semaphore, #tpu.memory_space<semaphore_mem>>
    %dma_wait3A_277 = arith.constant 0 : i32
    %dma_wait3A_278 = tpu.memref_slice %arg2[%add3A_239, %dma_wait3A_277] : memref<16384x200xi32, #tpu.memory_space<hbm>> -> memref<64x200xi32, #tpu.memory_space<hbm>>
    tpu.wait_dma2 semaphore(%dma_wait3A_276 : memref<!tpu.dma_semaphore, #tpu.memory_space<semaphore_mem>>) src(%dma_wait3A_278 : memref<64x200xi32, #tpu.memory_space<hbm>>) dst(%arg8 : memref<64x200xi32, #tpu.memory_space<vmem>>)
    %dma_wait3A_279 = arith.constant 1 : i32
    %dma_wait3A_280 = tpu.memref_slice %arg3[%add3A_248] : memref<3276800xi32, #tpu.memory_space<hbm>> -> memref<12800xi32, #tpu.memory_space<hbm>>
    %dma_wait3A_281 = tpu.memref_slice %arg13[%dma_wait3A_279] : memref<2x!tpu.dma_semaphore, #tpu.memory_space<semaphore_mem>> -> memref<1x!tpu.dma_semaphore, #tpu.memory_space<semaphore_mem>>
    %dma_wait3A_282 = tpu.memref_squeeze %dma_wait3A_281 : memref<1x!tpu.dma_semaphore, #tpu.memory_space<semaphore_mem>> -> memref<!tpu.dma_semaphore, #tpu.memory_space<semaphore_mem>>
    %dma_wait3A_283 = tpu.memref_slice %arg3[%add3A_248] : memref<3276800xi32, #tpu.memory_space<hbm>> -> memref<12800xi32, #tpu.memory_space<hbm>>
    tpu.wait_dma2 semaphore(%dma_wait3A_282 : memref<!tpu.dma_semaphore, #tpu.memory_space<semaphore_mem>>) src(%dma_wait3A_283 : memref<12800xi32, #tpu.memory_space<hbm>>) dst(%arg10 : memref<12800xi32, #tpu.memory_space<vmem>>)
    %scan3A_284 = arith.constant 0 : i32
    %scan3A_285 = arith.constant 32 : i32
    %scan3A_286 = arith.addi %scan3A_284, %scan3A_285 : i32
    %scan3A_287 = arith.constant 1 : i32
    %scan3A_288:4 = scf.for %scan3A_296 = %scan3A_284 to %scan3A_286 step %scan3A_287 iter_args(%scan3A_297 = %scan3A_270#0, %scan3A_298 = %scan3A_270#1, %scan3A_299 = %scan3A_270#2, %scan3A_300 = %scan3A_270#3) -> (vector<16xf32>, vector<16xf32>, vector<16xf32>, vector<16xf32>)  : i32 {
      %mul3A_301 = arith.constant 2 : i32
      %mul3A_302 = arith.muli %mul3A_301, %scan3A_296 : i32
      %add3A_303 = arith.constant 0 : i32
      %add3A_304 = arith.addi %mul3A_302, %add3A_303 : i32
      %broadcast_in_dim3A_305 = vector.broadcast %add3A_304 : i32 to vector<16xi32>
      %add3A_306 = arith.constant 0 : i32
      %add3A_307 = vector.broadcast %add3A_306 : i32 to vector<16xi32>
      %add3A_308 = arith.addi %iota3A, %add3A_307 : vector<16xi32>
      %gather3A = tpu.vector_load_idx %arg8[%broadcast_in_dim3A_305, %add3A_308] : memref<64x200xi32, #tpu.memory_space<vmem>>[vector<16xi32>, vector<16xi32>], vector<16xi32>,
      %mul3A_309 = arith.constant 400 : i32
      %mul3A_310 = arith.muli %scan3A_296, %mul3A_309 : i32
      %add3A_311 = arith.constant 0 : i32
      %add3A_312 = arith.addi %mul3A_310, %add3A_311 : i32
      %get3A = arith.index_cast %add3A_312 : i32 to index
      %get3A_313 = tpu.vector_load %arg10[%get3A] {strides = array<i32>} : memref<12800xi32, #tpu.memory_space<vmem>>, vector<16xi32>,
      %mul3A_314 = arith.constant 5 : i32
      %mul3A_315 = vector.broadcast %mul3A_314 : i32 to vector<16xi32>
      %mul3A_316 = arith.muli %gather3A, %mul3A_315 : vector<16xi32>
      %add3A_317 = arith.addi %mul3A_316, %get3A_313 : vector<16xi32>
      %gather3A_318 = tpu.vector_load_idx %arg6[%add3A_317] : memref<64xf32, #tpu.memory_space<vmem>>[vector<16xi32>], vector<16xf32>,
      %add3A_319 = arith.addf %scan3A_297, %gather3A_318 : vector<16xf32>
      %add3A_320 = arith.constant 0 : i32
      %add3A_321 = arith.addi %mul3A_302, %add3A_320 : i32
      %broadcast_in_dim3A_322 = vector.broadcast %add3A_321 : i32 to vector<16xi32>
      %add3A_323 = arith.constant 16 : i32
      %add3A_324 = vector.broadcast %add3A_323 : i32 to vector<16xi32>
      %add3A_325 = arith.addi %iota3A, %add3A_324 : vector<16xi32>
      %gather3A_326 = tpu.vector_load_idx %arg8[%broadcast_in_dim3A_322, %add3A_325] : memref<64x200xi32, #tpu.memory_space<vmem>>[vector<16xi32>, vector<16xi32>], vector<16xi32>,
      %mul3A_327 = arith.constant 400 : i32
      %mul3A_328 = arith.muli %scan3A_296, %mul3A_327 : i32
      %add3A_329 = arith.constant 16 : i32
      %add3A_330 = arith.addi %mul3A_328, %add3A_329 : i32
      %get3A_331 = arith.index_cast %add3A_330 : i32 to index
      %get3A_332 = tpu.vector_load %arg10[%get3A_331] {strides = array<i32>} : memref<12800xi32, #tpu.memory_space<vmem>>, vector<16xi32>,
      %mul3A_333 = arith.constant 5 : i32
      %mul3A_334 = vector.broadcast %mul3A_333 : i32 to vector<16xi32>
      %mul3A_335 = arith.muli %gather3A_326, %mul3A_334 : vector<16xi32>
      %add3A_336 = arith.addi %mul3A_335, %get3A_332 : vector<16xi32>
      %gather3A_337 = tpu.vector_load_idx %arg6[%add3A_336] : memref<64xf32, #tpu.memory_space<vmem>>[vector<16xi32>], vector<16xf32>,
      %add3A_338 = arith.addf %scan3A_298, %gather3A_337 : vector<16xf32>
      %add3A_339 = arith.constant 0 : i32
      %add3A_340 = arith.addi %mul3A_302, %add3A_339 : i32
      %broadcast_in_dim3A_341 = vector.broadcast %add3A_340 : i32 to vector<16xi32>
      %add3A_342 = arith.constant 32 : i32
      %add3A_343 = vector.broadcast %add3A_342 : i32 to vector<16xi32>
      %add3A_344 = arith.addi %iota3A, %add3A_343 : vector<16xi32>
      %gather3A_345 = tpu.vector_load_idx %arg8[%broadcast_in_dim3A_341, %add3A_344] : memref<64x200xi32, #tpu.memory_space<vmem>>[vector<16xi32>, vector<16xi32>], vector<16xi32>,
      %mul3A_346 = arith.constant 400 : i32
      %mul3A_347 = arith.muli %scan3A_296, %mul3A_346 : i32
      %add3A_348 = arith.constant 32 : i32
      %add3A_349 = arith.addi %mul3A_347, %add3A_348 : i32
      %get3A_350 = arith.index_cast %add3A_349 : i32 to index
      %get3A_351 = tpu.vector_load %arg10[%get3A_350] {strides = array<i32>} : memref<12800xi32, #tpu.memory_space<vmem>>, vector<16xi32>,
      %mul3A_352 = arith.constant 5 : i32
      %mul3A_353 = vector.broadcast %mul3A_352 : i32 to vector<16xi32>
      %mul3A_354 = arith.muli %gather3A_345, %mul3A_353 : vector<16xi32>
      %add3A_355 = arith.addi %mul3A_354, %get3A_351 : vector<16xi32>
      %gather3A_356 = tpu.vector_load_idx %arg6[%add3A_355] : memref<64xf32, #tpu.memory_space<vmem>>[vector<16xi32>], vector<16xf32>,
      %add3A_357 = arith.addf %scan3A_299, %gather3A_356 : vector<16xf32>
      %add3A_358 = arith.constant 0 : i32
      %add3A_359 = arith.addi %mul3A_302, %add3A_358 : i32
      %broadcast_in_dim3A_360 = vector.broadcast %add3A_359 : i32 to vector<16xi32>
      %add3A_361 = arith.constant 48 : i32
      %add3A_362 = vector.broadcast %add3A_361 : i32 to vector<16xi32>
      %add3A_363 = arith.addi %iota3A, %add3A_362 : vector<16xi32>
      %gather3A_364 = tpu.vector_load_idx %arg8[%broadcast_in_dim3A_360, %add3A_363] : memref<64x200xi32, #tpu.memory_space<vmem>>[vector<16xi32>, vector<16xi32>], vector<16xi32>,
      %mul3A_365 = arith.constant 400 : i32
      %mul3A_366 = arith.muli %scan3A_296, %mul3A_365 : i32
      %add3A_367 = arith.constant 48 : i32
      %add3A_368 = arith.addi %mul3A_366, %add3A_367 : i32
      %get3A_369 = arith.index_cast %add3A_368 : i32 to index
      %get3A_370 = tpu.vector_load %arg10[%get3A_369] {strides = array<i32>} : memref<12800xi32, #tpu.memory_space<vmem>>, vector<16xi32>,
      %mul3A_371 = arith.constant 5 : i32
      %mul3A_372 = vector.broadcast %mul3A_371 : i32 to vector<16xi32>
      %mul3A_373 = arith.muli %gather3A_364, %mul3A_372 : vector<16xi32>
      %add3A_374 = arith.addi %mul3A_373, %get3A_370 : vector<16xi32>
      %gather3A_375 = tpu.vector_load_idx %arg6[%add3A_374] : memref<64xf32, #tpu.memory_space<vmem>>[vector<16xi32>], vector<16xf32>,
      %add3A_376 = arith.addf %scan3A_300, %gather3A_375 : vector<16xf32>
      %add3A_377 = arith.constant 0 : i32
      %add3A_378 = arith.addi %mul3A_302, %add3A_377 : i32
      %broadcast_in_dim3A_379 = vector.broadcast %add3A_378 : i32 to vector<16xi32>
      %add3A_380 = arith.constant 64 : i32
      %add3A_381 = vector.broadcast %add3A_380 : i32 to vector<16xi32>
      %add3A_382 = arith.addi %iota3A, %add3A_381 : vector<16xi32>
      %gather3A_383 = tpu.vector_load_idx %arg8[%broadcast_in_dim3A_379, %add3A_382] : memref<64x200xi32, #tpu.memory_space<vmem>>[vector<16xi32>, vector<16xi32>], vector<16xi32>,
      %mul3A_384 = arith.constant 400 : i32
      %mul3A_385 = arith.muli %scan3A_296, %mul3A_384 : i32
      %add3A_386 = arith.constant 64 : i32
      %add3A_387 = arith.addi %mul3A_385, %add3A_386 : i32
      %get3A_388 = arith.index_cast %add3A_387 : i32 to index
      %get3A_389 = tpu.vector_load %arg10[%get3A_388] {strides = array<i32>} : memref<12800xi32, #tpu.memory_space<vmem>>, vector<16xi32>,
      %mul3A_390 = arith.constant 5 : i32
      %mul3A_391 = vector.broadcast %mul3A_390 : i32 to vector<16xi32>
      %mul3A_392 = arith.muli %gather3A_383, %mul3A_391 : vector<16xi32>
      %add3A_393 = arith.addi %mul3A_392, %get3A_389 : vector<16xi32>
      %gather3A_394 = tpu.vector_load_idx %arg6[%add3A_393] : memref<64xf32, #tpu.memory_space<vmem>>[vector<16xi32>], vector<16xf32>,
      %add3A_395 = arith.addf %add3A_319, %gather3A_394 : vector<16xf32>
      %add3A_396 = arith.constant 0 : i32
      %add3A_397 = arith.addi %mul3A_302, %add3A_396 : i32
      %broadcast_in_dim3A_398 = vector.broadcast %add3A_397 : i32 to vector<16xi32>
      %add3A_399 = arith.constant 80 : i32
      %add3A_400 = vector.broadcast %add3A_399 : i32 to vector<16xi32>
      %add3A_401 = arith.addi %iota3A, %add3A_400 : vector<16xi32>
      %gather3A_402 = tpu.vector_load_idx %arg8[%broadcast_in_dim3A_398, %add3A_401] : memref<64x200xi32, #tpu.memory_space<vmem>>[vector<16xi32>, vector<16xi32>], vector<16xi32>,
      %mul3A_403 = arith.constant 400 : i32
      %mul3A_404 = arith.muli %scan3A_296, %mul3A_403 : i32
      %add3A_405 = arith.constant 80 : i32
      %add3A_406 = arith.addi %mul3A_404, %add3A_405 : i32
      %get3A_407 = arith.index_cast %add3A_406 : i32 to index
      %get3A_408 = tpu.vector_load %arg10[%get3A_407] {strides = array<i32>} : memref<12800xi32, #tpu.memory_space<vmem>>, vector<16xi32>,
      %mul3A_409 = arith.constant 5 : i32
      %mul3A_410 = vector.broadcast %mul3A_409 : i32 to vector<16xi32>
      %mul3A_411 = arith.muli %gather3A_402, %mul3A_410 : vector<16xi32>
      %add3A_412 = arith.addi %mul3A_411, %get3A_408 : vector<16xi32>
      %gather3A_413 = tpu.vector_load_idx %arg6[%add3A_412] : memref<64xf32, #tpu.memory_space<vmem>>[vector<16xi32>], vector<16xf32>,
      %add3A_414 = arith.addf %add3A_338, %gather3A_413 : vector<16xf32>
      %add3A_415 = arith.constant 0 : i32
      %add3A_416 = arith.addi %mul3A_302, %add3A_415 : i32
      %broadcast_in_dim3A_417 = vector.broadcast %add3A_416 : i32 to vector<16xi32>
      %add3A_418 = arith.constant 96 : i32
      %add3A_419 = vector.broadcast %add3A_418 : i32 to vector<16xi32>
      %add3A_420 = arith.addi %iota3A, %add3A_419 : vector<16xi32>
      %gather3A_421 = tpu.vector_load_idx %arg8[%broadcast_in_dim3A_417, %add3A_420] : memref<64x200xi32, #tpu.memory_space<vmem>>[vector<16xi32>, vector<16xi32>], vector<16xi32>,
      %mul3A_422 = arith.constant 400 : i32
      %mul3A_423 = arith.muli %scan3A_296, %mul3A_422 : i32
      %add3A_424 = arith.constant 96 : i32
      %add3A_425 = arith.addi %mul3A_423, %add3A_424 : i32
      %get3A_426 = arith.index_cast %add3A_425 : i32 to index
      %get3A_427 = tpu.vector_load %arg10[%get3A_426] {strides = array<i32>} : memref<12800xi32, #tpu.memory_space<vmem>>, vector<16xi32>,
      %mul3A_428 = arith.constant 5 : i32
      %mul3A_429 = vector.broadcast %mul3A_428 : i32 to vector<16xi32>
      %mul3A_430 = arith.muli %gather3A_421, %mul3A_429 : vector<16xi32>
      %add3A_431 = arith.addi %mul3A_430, %get3A_427 : vector<16xi32>
      %gather3A_432 = tpu.vector_load_idx %arg6[%add3A_431] : memref<64xf32, #tpu.memory_space<vmem>>[vector<16xi32>], vector<16xf32>,
      %add3A_433 = arith.addf %add3A_357, %gather3A_432 : vector<16xf32>
      %add3A_434 = arith.constant 0 : i32
      %add3A_435 = arith.addi %mul3A_302, %add3A_434 : i32
      %broadcast_in_dim3A_436 = vector.broadcast %add3A_435 : i32 to vector<16xi32>
      %add3A_437 = arith.constant 112 : i32
      %add3A_438 = vector.broadcast %add3A_437 : i32 to vector<16xi32>
      %add3A_439 = arith.addi %iota3A, %add3A_438 : vector<16xi32>
      %gather3A_440 = tpu.vector_load_idx %arg8[%broadcast_in_dim3A_436, %add3A_439] : memref<64x200xi32, #tpu.memory_space<vmem>>[vector<16xi32>, vector<16xi32>], vector<16xi32>,
      %mul3A_441 = arith.constant 400 : i32
      %mul3A_442 = arith.muli %scan3A_296, %mul3A_441 : i32
      %add3A_443 = arith.constant 112 : i32
      %add3A_444 = arith.addi %mul3A_442, %add3A_443 : i32
      %get3A_445 = arith.index_cast %add3A_444 : i32 to index
      %get3A_446 = tpu.vector_load %arg10[%get3A_445] {strides = array<i32>} : memref<12800xi32, #tpu.memory_space<vmem>>, vector<16xi32>,
      %mul3A_447 = arith.constant 5 : i32
      %mul3A_448 = vector.broadcast %mul3A_447 : i32 to vector<16xi32>
      %mul3A_449 = arith.muli %gather3A_440, %mul3A_448 : vector<16xi32>
      %add3A_450 = arith.addi %mul3A_449, %get3A_446 : vector<16xi32>
      %gather3A_451 = tpu.vector_load_idx %arg6[%add3A_450] : memref<64xf32, #tpu.memory_space<vmem>>[vector<16xi32>], vector<16xf32>,
      %add3A_452 = arith.addf %add3A_376, %gather3A_451 : vector<16xf32>
      %add3A_453 = arith.constant 0 : i32
      %add3A_454 = arith.addi %mul3A_302, %add3A_453 : i32
      %broadcast_in_dim3A_455 = vector.broadcast %add3A_454 : i32 to vector<16xi32>
      %add3A_456 = arith.constant 128 : i32
      %add3A_457 = vector.broadcast %add3A_456 : i32 to vector<16xi32>
      %add3A_458 = arith.addi %iota3A, %add3A_457 : vector<16xi32>
      %gather3A_459 = tpu.vector_load_idx %arg8[%broadcast_in_dim3A_455, %add3A_458] : memref<64x200xi32, #tpu.memory_space<vmem>>[vector<16xi32>, vector<16xi32>], vector<16xi32>,
      %mul3A_460 = arith.constant 400 : i32
      %mul3A_461 = arith.muli %scan3A_296, %mul3A_460 : i32
      %add3A_462 = arith.constant 128 : i32
      %add3A_463 = arith.addi %mul3A_461, %add3A_462 : i32
      %get3A_464 = arith.index_cast %add3A_463 : i32 to index
      %get3A_465 = tpu.vector_load %arg10[%get3A_464] {strides = array<i32>} : memref<12800xi32, #tpu.memory_space<vmem>>, vector<16xi32>,
      %mul3A_466 = arith.constant 5 : i32
      %mul3A_467 = vector.broadcast %mul3A_466 : i32 to vector<16xi32>
      %mul3A_468 = arith.muli %gather3A_459, %mul3A_467 : vector<16xi32>
      %add3A_469 = arith.addi %mul3A_468, %get3A_465 : vector<16xi32>
      %gather3A_470 = tpu.vector_load_idx %arg6[%add3A_469] : memref<64xf32, #tpu.memory_space<vmem>>[vector<16xi32>], vector<16xf32>,
      %add3A_471 = arith.addf %add3A_395, %gather3A_470 : vector<16xf32>
      %add3A_472 = arith.constant 0 : i32
      %add3A_473 = arith.addi %mul3A_302, %add3A_472 : i32
      %broadcast_in_dim3A_474 = vector.broadcast %add3A_473 : i32 to vector<16xi32>
      %add3A_475 = arith.constant 144 : i32
      %add3A_476 = vector.broadcast %add3A_475 : i32 to vector<16xi32>
      %add3A_477 = arith.addi %iota3A, %add3A_476 : vector<16xi32>
      %gather3A_478 = tpu.vector_load_idx %arg8[%broadcast_in_dim3A_474, %add3A_477] : memref<64x200xi32, #tpu.memory_space<vmem>>[vector<16xi32>, vector<16xi32>], vector<16xi32>,
      %mul3A_479 = arith.constant 400 : i32
      %mul3A_480 = arith.muli %scan3A_296, %mul3A_479 : i32
      %add3A_481 = arith.constant 144 : i32
      %add3A_482 = arith.addi %mul3A_480, %add3A_481 : i32
      %get3A_483 = arith.index_cast %add3A_482 : i32 to index
      %get3A_484 = tpu.vector_load %arg10[%get3A_483] {strides = array<i32>} : memref<12800xi32, #tpu.memory_space<vmem>>, vector<16xi32>,
      %mul3A_485 = arith.constant 5 : i32
      %mul3A_486 = vector.broadcast %mul3A_485 : i32 to vector<16xi32>
      %mul3A_487 = arith.muli %gather3A_478, %mul3A_486 : vector<16xi32>
      %add3A_488 = arith.addi %mul3A_487, %get3A_484 : vector<16xi32>
      %gather3A_489 = tpu.vector_load_idx %arg6[%add3A_488] : memref<64xf32, #tpu.memory_space<vmem>>[vector<16xi32>], vector<16xf32>,
      %add3A_490 = arith.addf %add3A_414, %gather3A_489 : vector<16xf32>
      %add3A_491 = arith.constant 0 : i32
      %add3A_492 = arith.addi %mul3A_302, %add3A_491 : i32
      %broadcast_in_dim3A_493 = vector.broadcast %add3A_492 : i32 to vector<16xi32>
      %add3A_494 = arith.constant 160 : i32
      %add3A_495 = vector.broadcast %add3A_494 : i32 to vector<16xi32>
      %add3A_496 = arith.addi %iota3A, %add3A_495 : vector<16xi32>
      %gather3A_497 = tpu.vector_load_idx %arg8[%broadcast_in_dim3A_493, %add3A_496] : memref<64x200xi32, #tpu.memory_space<vmem>>[vector<16xi32>, vector<16xi32>], vector<16xi32>,
      %mul3A_498 = arith.constant 400 : i32
      %mul3A_499 = arith.muli %scan3A_296, %mul3A_498 : i32
      %add3A_500 = arith.constant 160 : i32
      %add3A_501 = arith.addi %mul3A_499, %add3A_500 : i32
      %get3A_502 = arith.index_cast %add3A_501 : i32 to index
      %get3A_503 = tpu.vector_load %arg10[%get3A_502] {strides = array<i32>} : memref<12800xi32, #tpu.memory_space<vmem>>, vector<16xi32>,
      %mul3A_504 = arith.constant 5 : i32
      %mul3A_505 = vector.broadcast %mul3A_504 : i32 to vector<16xi32>
      %mul3A_506 = arith.muli %gather3A_497, %mul3A_505 : vector<16xi32>
      %add3A_507 = arith.addi %mul3A_506, %get3A_503 : vector<16xi32>
      %gather3A_508 = tpu.vector_load_idx %arg6[%add3A_507] : memref<64xf32, #tpu.memory_space<vmem>>[vector<16xi32>], vector<16xf32>,
      %add3A_509 = arith.addf %add3A_433, %gather3A_508 : vector<16xf32>
      %add3A_510 = arith.constant 0 : i32
      %add3A_511 = arith.addi %mul3A_302, %add3A_510 : i32
      %broadcast_in_dim3A_512 = vector.broadcast %add3A_511 : i32 to vector<16xi32>
      %add3A_513 = arith.constant 176 : i32
      %add3A_514 = vector.broadcast %add3A_513 : i32 to vector<16xi32>
      %add3A_515 = arith.addi %iota3A, %add3A_514 : vector<16xi32>
      %gather3A_516 = tpu.vector_load_idx %arg8[%broadcast_in_dim3A_512, %add3A_515] : memref<64x200xi32, #tpu.memory_space<vmem>>[vector<16xi32>, vector<16xi32>], vector<16xi32>,
      %mul3A_517 = arith.constant 400 : i32
      %mul3A_518 = arith.muli %scan3A_296, %mul3A_517 : i32
      %add3A_519 = arith.constant 176 : i32
      %add3A_520 = arith.addi %mul3A_518, %add3A_519 : i32
      %get3A_521 = arith.index_cast %add3A_520 : i32 to index
      %get3A_522 = tpu.vector_load %arg10[%get3A_521] {strides = array<i32>} : memref<12800xi32, #tpu.memory_space<vmem>>, vector<16xi32>,
      %mul3A_523 = arith.constant 5 : i32
      %mul3A_524 = vector.broadcast %mul3A_523 : i32 to vector<16xi32>
      %mul3A_525 = arith.muli %gather3A_516, %mul3A_524 : vector<16xi32>
      %add3A_526 = arith.addi %mul3A_525, %get3A_522 : vector<16xi32>
      %gather3A_527 = tpu.vector_load_idx %arg6[%add3A_526] : memref<64xf32, #tpu.memory_space<vmem>>[vector<16xi32>], vector<16xf32>,
      %add3A_528 = arith.addf %add3A_452, %gather3A_527 : vector<16xf32>
      %add3A_529 = arith.constant 0 : i32
      %add3A_530 = arith.addi %mul3A_302, %add3A_529 : i32
      %add3A_531 = vector.broadcast %add3A_530 : i32 to vector<16xi32>
      %add3A_532 = arith.addi %convert_element_type3A, %add3A_531 : vector<16xi32>
      %gather3A_533 = tpu.vector_load_idx %arg8[%add3A_532, %select_n3A] : memref<64x200xi32, #tpu.memory_space<vmem>>[vector<16xi32>, vector<16xi32>], vector<16xi32>,
      %mul3A_534 = arith.constant 400 : i32
      %mul3A_535 = arith.muli %scan3A_296, %mul3A_534 : i32
      %add3A_536 = arith.constant 192 : i32
      %add3A_537 = arith.addi %mul3A_535, %add3A_536 : i32
      %get3A_538 = arith.index_cast %add3A_537 : i32 to index
      %get3A_539 = tpu.vector_load %arg10[%get3A_538] {strides = array<i32>} : memref<12800xi32, #tpu.memory_space<vmem>>, vector<16xi32>,
      %mul3A_540 = arith.constant 5 : i32
      %mul3A_541 = vector.broadcast %mul3A_540 : i32 to vector<16xi32>
      %mul3A_542 = arith.muli %gather3A_533, %mul3A_541 : vector<16xi32>
      %add3A_543 = arith.addi %mul3A_542, %get3A_539 : vector<16xi32>
      %gather3A_544 = tpu.vector_load_idx %arg6[%add3A_543] : memref<64xf32, #tpu.memory_space<vmem>>[vector<16xi32>], vector<16xf32>,
      %add3A_545 = arith.addf %add3A_471, %gather3A_544 : vector<16xf32>
      %add3A_546 = arith.constant 1 : i32
      %add3A_547 = arith.addi %mul3A_302, %add3A_546 : i32
      %broadcast_in_dim3A_548 = vector.broadcast %add3A_547 : i32 to vector<16xi32>
      %add3A_549 = arith.constant 8 : i32
      %add3A_550 = vector.broadcast %add3A_549 : i32 to vector<16xi32>
      %add3A_551 = arith.addi %iota3A, %add3A_550 : vector<16xi32>
      %gather3A_552 = tpu.vector_load_idx %arg8[%broadcast_in_dim3A_548, %add3A_551] : memref<64x200xi32, #tpu.memory_space<vmem>>[vector<16xi32>, vector<16xi32>], vector<16xi32>,
      %mul3A_553 = arith.constant 400 : i32
      %mul3A_554 = arith.muli %scan3A_296, %mul3A_553 : i32
      %add3A_555 = arith.constant 208 : i32
      %add3A_556 = arith.addi %mul3A_554, %add3A_555 : i32
      %get3A_557 = arith.index_cast %add3A_556 : i32 to index
      %get3A_558 = tpu.vector_load %arg10[%get3A_557] {strides = array<i32>} : memref<12800xi32, #tpu.memory_space<vmem>>, vector<16xi32>,
      %mul3A_559 = arith.constant 5 : i32
      %mul3A_560 = vector.broadcast %mul3A_559 : i32 to vector<16xi32>
      %mul3A_561 = arith.muli %gather3A_552, %mul3A_560 : vector<16xi32>
      %add3A_562 = arith.addi %mul3A_561, %get3A_558 : vector<16xi32>
      %gather3A_563 = tpu.vector_load_idx %arg6[%add3A_562] : memref<64xf32, #tpu.memory_space<vmem>>[vector<16xi32>], vector<16xf32>,
      %add3A_564 = arith.addf %add3A_490, %gather3A_563 : vector<16xf32>
      %add3A_565 = arith.constant 1 : i32
      %add3A_566 = arith.addi %mul3A_302, %add3A_565 : i32
      %broadcast_in_dim3A_567 = vector.broadcast %add3A_566 : i32 to vector<16xi32>
      %add3A_568 = arith.constant 24 : i32
      %add3A_569 = vector.broadcast %add3A_568 : i32 to vector<16xi32>
      %add3A_570 = arith.addi %iota3A, %add3A_569 : vector<16xi32>
      %gather3A_571 = tpu.vector_load_idx %arg8[%broadcast_in_dim3A_567, %add3A_570] : memref<64x200xi32, #tpu.memory_space<vmem>>[vector<16xi32>, vector<16xi32>], vector<16xi32>,
      %mul3A_572 = arith.constant 400 : i32
      %mul3A_573 = arith.muli %scan3A_296, %mul3A_572 : i32
      %add3A_574 = arith.constant 224 : i32
      %add3A_575 = arith.addi %mul3A_573, %add3A_574 : i32
      %get3A_576 = arith.index_cast %add3A_575 : i32 to index
      %get3A_577 = tpu.vector_load %arg10[%get3A_576] {strides = array<i32>} : memref<12800xi32, #tpu.memory_space<vmem>>, vector<16xi32>,
      %mul3A_578 = arith.constant 5 : i32
      %mul3A_579 = vector.broadcast %mul3A_578 : i32 to vector<16xi32>
      %mul3A_580 = arith.muli %gather3A_571, %mul3A_579 : vector<16xi32>
      %add3A_581 = arith.addi %mul3A_580, %get3A_577 : vector<16xi32>
      %gather3A_582 = tpu.vector_load_idx %arg6[%add3A_581] : memref<64xf32, #tpu.memory_space<vmem>>[vector<16xi32>], vector<16xf32>,
      %add3A_583 = arith.addf %add3A_509, %gather3A_582 : vector<16xf32>
      %add3A_584 = arith.constant 1 : i32
      %add3A_585 = arith.addi %mul3A_302, %add3A_584 : i32
      %broadcast_in_dim3A_586 = vector.broadcast %add3A_585 : i32 to vector<16xi32>
      %add3A_587 = arith.constant 40 : i32
      %add3A_588 = vector.broadcast %add3A_587 : i32 to vector<16xi32>
      %add3A_589 = arith.addi %iota3A, %add3A_588 : vector<16xi32>
      %gather3A_590 = tpu.vector_load_idx %arg8[%broadcast_in_dim3A_586, %add3A_589] : memref<64x200xi32, #tpu.memory_space<vmem>>[vector<16xi32>, vector<16xi32>], vector<16xi32>,
      %mul3A_591 = arith.constant 400 : i32
      %mul3A_592 = arith.muli %scan3A_296, %mul3A_591 : i32
      %add3A_593 = arith.constant 240 : i32
      %add3A_594 = arith.addi %mul3A_592, %add3A_593 : i32
      %get3A_595 = arith.index_cast %add3A_594 : i32 to index
      %get3A_596 = tpu.vector_load %arg10[%get3A_595] {strides = array<i32>} : memref<12800xi32, #tpu.memory_space<vmem>>, vector<16xi32>,
      %mul3A_597 = arith.constant 5 : i32
      %mul3A_598 = vector.broadcast %mul3A_597 : i32 to vector<16xi32>
      %mul3A_599 = arith.muli %gather3A_590, %mul3A_598 : vector<16xi32>
      %add3A_600 = arith.addi %mul3A_599, %get3A_596 : vector<16xi32>
      %gather3A_601 = tpu.vector_load_idx %arg6[%add3A_600] : memref<64xf32, #tpu.memory_space<vmem>>[vector<16xi32>], vector<16xf32>,
      %add3A_602 = arith.addf %add3A_528, %gather3A_601 : vector<16xf32>
      %add3A_603 = arith.constant 1 : i32
      %add3A_604 = arith.addi %mul3A_302, %add3A_603 : i32
      %broadcast_in_dim3A_605 = vector.broadcast %add3A_604 : i32 to vector<16xi32>
      %add3A_606 = arith.constant 56 : i32
      %add3A_607 = vector.broadcast %add3A_606 : i32 to vector<16xi32>
      %add3A_608 = arith.addi %iota3A, %add3A_607 : vector<16xi32>
      %gather3A_609 = tpu.vector_load_idx %arg8[%broadcast_in_dim3A_605, %add3A_608] : memref<64x200xi32, #tpu.memory_space<vmem>>[vector<16xi32>, vector<16xi32>], vector<16xi32>,
      %mul3A_610 = arith.constant 400 : i32
      %mul3A_611 = arith.muli %scan3A_296, %mul3A_610 : i32
      %add3A_612 = arith.constant 256 : i32
      %add3A_613 = arith.addi %mul3A_611, %add3A_612 : i32
      %get3A_614 = arith.index_cast %add3A_613 : i32 to index
      %get3A_615 = tpu.vector_load %arg10[%get3A_614] {strides = array<i32>} : memref<12800xi32, #tpu.memory_space<vmem>>, vector<16xi32>,
      %mul3A_616 = arith.constant 5 : i32
      %mul3A_617 = vector.broadcast %mul3A_616 : i32 to vector<16xi32>
      %mul3A_618 = arith.muli %gather3A_609, %mul3A_617 : vector<16xi32>
      %add3A_619 = arith.addi %mul3A_618, %get3A_615 : vector<16xi32>
      %gather3A_620 = tpu.vector_load_idx %arg6[%add3A_619] : memref<64xf32, #tpu.memory_space<vmem>>[vector<16xi32>], vector<16xf32>,
      %add3A_621 = arith.addf %add3A_545, %gather3A_620 : vector<16xf32>
      %add3A_622 = arith.constant 1 : i32
      %add3A_623 = arith.addi %mul3A_302, %add3A_622 : i32
      %broadcast_in_dim3A_624 = vector.broadcast %add3A_623 : i32 to vector<16xi32>
      %add3A_625 = arith.constant 72 : i32
      %add3A_626 = vector.broadcast %add3A_625 : i32 to vector<16xi32>
      %add3A_627 = arith.addi %iota3A, %add3A_626 : vector<16xi32>
      %gather3A_628 = tpu.vector_load_idx %arg8[%broadcast_in_dim3A_624, %add3A_627] : memref<64x200xi32, #tpu.memory_space<vmem>>[vector<16xi32>, vector<16xi32>], vector<16xi32>,
      %mul3A_629 = arith.constant 400 : i32
      %mul3A_630 = arith.muli %scan3A_296, %mul3A_629 : i32
      %add3A_631 = arith.constant 272 : i32
      %add3A_632 = arith.addi %mul3A_630, %add3A_631 : i32
      %get3A_633 = arith.index_cast %add3A_632 : i32 to index
      %get3A_634 = tpu.vector_load %arg10[%get3A_633] {strides = array<i32>} : memref<12800xi32, #tpu.memory_space<vmem>>, vector<16xi32>,
      %mul3A_635 = arith.constant 5 : i32
      %mul3A_636 = vector.broadcast %mul3A_635 : i32 to vector<16xi32>
      %mul3A_637 = arith.muli %gather3A_628, %mul3A_636 : vector<16xi32>
      %add3A_638 = arith.addi %mul3A_637, %get3A_634 : vector<16xi32>
      %gather3A_639 = tpu.vector_load_idx %arg6[%add3A_638] : memref<64xf32, #tpu.memory_space<vmem>>[vector<16xi32>], vector<16xf32>,
      %add3A_640 = arith.addf %add3A_564, %gather3A_639 : vector<16xf32>
      %add3A_641 = arith.constant 1 : i32
      %add3A_642 = arith.addi %mul3A_302, %add3A_641 : i32
      %broadcast_in_dim3A_643 = vector.broadcast %add3A_642 : i32 to vector<16xi32>
      %add3A_644 = arith.constant 88 : i32
      %add3A_645 = vector.broadcast %add3A_644 : i32 to vector<16xi32>
      %add3A_646 = arith.addi %iota3A, %add3A_645 : vector<16xi32>
      %gather3A_647 = tpu.vector_load_idx %arg8[%broadcast_in_dim3A_643, %add3A_646] : memref<64x200xi32, #tpu.memory_space<vmem>>[vector<16xi32>, vector<16xi32>], vector<16xi32>,
      %mul3A_648 = arith.constant 400 : i32
      %mul3A_649 = arith.muli %scan3A_296, %mul3A_648 : i32
      %add3A_650 = arith.constant 288 : i32
      %add3A_651 = arith.addi %mul3A_649, %add3A_650 : i32
      %get3A_652 = arith.index_cast %add3A_651 : i32 to index
      %get3A_653 = tpu.vector_load %arg10[%get3A_652] {strides = array<i32>} : memref<12800xi32, #tpu.memory_space<vmem>>, vector<16xi32>,
      %mul3A_654 = arith.constant 5 : i32
      %mul3A_655 = vector.broadcast %mul3A_654 : i32 to vector<16xi32>
      %mul3A_656 = arith.muli %gather3A_647, %mul3A_655 : vector<16xi32>
      %add3A_657 = arith.addi %mul3A_656, %get3A_653 : vector<16xi32>
      %gather3A_658 = tpu.vector_load_idx %arg6[%add3A_657] : memref<64xf32, #tpu.memory_space<vmem>>[vector<16xi32>], vector<16xf32>,
      %add3A_659 = arith.addf %add3A_583, %gather3A_658 : vector<16xf32>
      %add3A_660 = arith.constant 1 : i32
      %add3A_661 = arith.addi %mul3A_302, %add3A_660 : i32
      %broadcast_in_dim3A_662 = vector.broadcast %add3A_661 : i32 to vector<16xi32>
      %add3A_663 = arith.constant 104 : i32
      %add3A_664 = vector.broadcast %add3A_663 : i32 to vector<16xi32>
      %add3A_665 = arith.addi %iota3A, %add3A_664 : vector<16xi32>
      %gather3A_666 = tpu.vector_load_idx %arg8[%broadcast_in_dim3A_662, %add3A_665] : memref<64x200xi32, #tpu.memory_space<vmem>>[vector<16xi32>, vector<16xi32>], vector<16xi32>,
      %mul3A_667 = arith.constant 400 : i32
      %mul3A_668 = arith.muli %scan3A_296, %mul3A_667 : i32
      %add3A_669 = arith.constant 304 : i32
      %add3A_670 = arith.addi %mul3A_668, %add3A_669 : i32
      %get3A_671 = arith.index_cast %add3A_670 : i32 to index
      %get3A_672 = tpu.vector_load %arg10[%get3A_671] {strides = array<i32>} : memref<12800xi32, #tpu.memory_space<vmem>>, vector<16xi32>,
      %mul3A_673 = arith.constant 5 : i32
      %mul3A_674 = vector.broadcast %mul3A_673 : i32 to vector<16xi32>
      %mul3A_675 = arith.muli %gather3A_666, %mul3A_674 : vector<16xi32>
      %add3A_676 = arith.addi %mul3A_675, %get3A_672 : vector<16xi32>
      %gather3A_677 = tpu.vector_load_idx %arg6[%add3A_676] : memref<64xf32, #tpu.memory_space<vmem>>[vector<16xi32>], vector<16xf32>,
      %add3A_678 = arith.addf %add3A_602, %gather3A_677 : vector<16xf32>
      %add3A_679 = arith.constant 1 : i32
      %add3A_680 = arith.addi %mul3A_302, %add3A_679 : i32
      %broadcast_in_dim3A_681 = vector.broadcast %add3A_680 : i32 to vector<16xi32>
      %add3A_682 = arith.constant 120 : i32
      %add3A_683 = vector.broadcast %add3A_682 : i32 to vector<16xi32>
      %add3A_684 = arith.addi %iota3A, %add3A_683 : vector<16xi32>
      %gather3A_685 = tpu.vector_load_idx %arg8[%broadcast_in_dim3A_681, %add3A_684] : memref<64x200xi32, #tpu.memory_space<vmem>>[vector<16xi32>, vector<16xi32>], vector<16xi32>,
      %mul3A_686 = arith.constant 400 : i32
      %mul3A_687 = arith.muli %scan3A_296, %mul3A_686 : i32
      %add3A_688 = arith.constant 320 : i32
      %add3A_689 = arith.addi %mul3A_687, %add3A_688 : i32
      %get3A_690 = arith.index_cast %add3A_689 : i32 to index
      %get3A_691 = tpu.vector_load %arg10[%get3A_690] {strides = array<i32>} : memref<12800xi32, #tpu.memory_space<vmem>>, vector<16xi32>,
      %mul3A_692 = arith.constant 5 : i32
      %mul3A_693 = vector.broadcast %mul3A_692 : i32 to vector<16xi32>
      %mul3A_694 = arith.muli %gather3A_685, %mul3A_693 : vector<16xi32>
      %add3A_695 = arith.addi %mul3A_694, %get3A_691 : vector<16xi32>
      %gather3A_696 = tpu.vector_load_idx %arg6[%add3A_695] : memref<64xf32, #tpu.memory_space<vmem>>[vector<16xi32>], vector<16xf32>,
      %add3A_697 = arith.addf %add3A_621, %gather3A_696 : vector<16xf32>
      %add3A_698 = arith.constant 1 : i32
      %add3A_699 = arith.addi %mul3A_302, %add3A_698 : i32
      %broadcast_in_dim3A_700 = vector.broadcast %add3A_699 : i32 to vector<16xi32>
      %add3A_701 = arith.constant 136 : i32
      %add3A_702 = vector.broadcast %add3A_701 : i32 to vector<16xi32>
      %add3A_703 = arith.addi %iota3A, %add3A_702 : vector<16xi32>
      %gather3A_704 = tpu.vector_load_idx %arg8[%broadcast_in_dim3A_700, %add3A_703] : memref<64x200xi32, #tpu.memory_space<vmem>>[vector<16xi32>, vector<16xi32>], vector<16xi32>,
      %mul3A_705 = arith.constant 400 : i32
      %mul3A_706 = arith.muli %scan3A_296, %mul3A_705 : i32
      %add3A_707 = arith.constant 336 : i32
      %add3A_708 = arith.addi %mul3A_706, %add3A_707 : i32
      %get3A_709 = arith.index_cast %add3A_708 : i32 to index
      %get3A_710 = tpu.vector_load %arg10[%get3A_709] {strides = array<i32>} : memref<12800xi32, #tpu.memory_space<vmem>>, vector<16xi32>,
      %mul3A_711 = arith.constant 5 : i32
      %mul3A_712 = vector.broadcast %mul3A_711 : i32 to vector<16xi32>
      %mul3A_713 = arith.muli %gather3A_704, %mul3A_712 : vector<16xi32>
      %add3A_714 = arith.addi %mul3A_713, %get3A_710 : vector<16xi32>
      %gather3A_715 = tpu.vector_load_idx %arg6[%add3A_714] : memref<64xf32, #tpu.memory_space<vmem>>[vector<16xi32>], vector<16xf32>,
      %add3A_716 = arith.addf %add3A_640, %gather3A_715 : vector<16xf32>
      %add3A_717 = arith.constant 1 : i32
      %add3A_718 = arith.addi %mul3A_302, %add3A_717 : i32
      %broadcast_in_dim3A_719 = vector.broadcast %add3A_718 : i32 to vector<16xi32>
      %add3A_720 = arith.constant 152 : i32
      %add3A_721 = vector.broadcast %add3A_720 : i32 to vector<16xi32>
      %add3A_722 = arith.addi %iota3A, %add3A_721 : vector<16xi32>
      %gather3A_723 = tpu.vector_load_idx %arg8[%broadcast_in_dim3A_719, %add3A_722] : memref<64x200xi32, #tpu.memory_space<vmem>>[vector<16xi32>, vector<16xi32>], vector<16xi32>,
      %mul3A_724 = arith.constant 400 : i32
      %mul3A_725 = arith.muli %scan3A_296, %mul3A_724 : i32
      %add3A_726 = arith.constant 352 : i32
      %add3A_727 = arith.addi %mul3A_725, %add3A_726 : i32
      %get3A_728 = arith.index_cast %add3A_727 : i32 to index
      %get3A_729 = tpu.vector_load %arg10[%get3A_728] {strides = array<i32>} : memref<12800xi32, #tpu.memory_space<vmem>>, vector<16xi32>,
      %mul3A_730 = arith.constant 5 : i32
      %mul3A_731 = vector.broadcast %mul3A_730 : i32 to vector<16xi32>
      %mul3A_732 = arith.muli %gather3A_723, %mul3A_731 : vector<16xi32>
      %add3A_733 = arith.addi %mul3A_732, %get3A_729 : vector<16xi32>
      %gather3A_734 = tpu.vector_load_idx %arg6[%add3A_733] : memref<64xf32, #tpu.memory_space<vmem>>[vector<16xi32>], vector<16xf32>,
      %add3A_735 = arith.addf %add3A_659, %gather3A_734 : vector<16xf32>
      %add3A_736 = arith.constant 1 : i32
      %add3A_737 = arith.addi %mul3A_302, %add3A_736 : i32
      %broadcast_in_dim3A_738 = vector.broadcast %add3A_737 : i32 to vector<16xi32>
      %add3A_739 = arith.constant 168 : i32
      %add3A_740 = vector.broadcast %add3A_739 : i32 to vector<16xi32>
      %add3A_741 = arith.addi %iota3A, %add3A_740 : vector<16xi32>
      %gather3A_742 = tpu.vector_load_idx %arg8[%broadcast_in_dim3A_738, %add3A_741] : memref<64x200xi32, #tpu.memory_space<vmem>>[vector<16xi32>, vector<16xi32>], vector<16xi32>,
      %mul3A_743 = arith.constant 400 : i32
      %mul3A_744 = arith.muli %scan3A_296, %mul3A_743 : i32
      %add3A_745 = arith.constant 368 : i32
      %add3A_746 = arith.addi %mul3A_744, %add3A_745 : i32
      %get3A_747 = arith.index_cast %add3A_746 : i32 to index
      %get3A_748 = tpu.vector_load %arg10[%get3A_747] {strides = array<i32>} : memref<12800xi32, #tpu.memory_space<vmem>>, vector<16xi32>,
      %mul3A_749 = arith.constant 5 : i32
      %mul3A_750 = vector.broadcast %mul3A_749 : i32 to vector<16xi32>
      %mul3A_751 = arith.muli %gather3A_742, %mul3A_750 : vector<16xi32>
      %add3A_752 = arith.addi %mul3A_751, %get3A_748 : vector<16xi32>
      %gather3A_753 = tpu.vector_load_idx %arg6[%add3A_752] : memref<64xf32, #tpu.memory_space<vmem>>[vector<16xi32>], vector<16xf32>,
      %add3A_754 = arith.addf %add3A_678, %gather3A_753 : vector<16xf32>
      %add3A_755 = arith.constant 1 : i32
      %add3A_756 = arith.addi %mul3A_302, %add3A_755 : i32
      %broadcast_in_dim3A_757 = vector.broadcast %add3A_756 : i32 to vector<16xi32>
      %add3A_758 = arith.constant 184 : i32
      %add3A_759 = vector.broadcast %add3A_758 : i32 to vector<16xi32>
      %add3A_760 = arith.addi %iota3A, %add3A_759 : vector<16xi32>
      %gather3A_761 = tpu.vector_load_idx %arg8[%broadcast_in_dim3A_757, %add3A_760] : memref<64x200xi32, #tpu.memory_space<vmem>>[vector<16xi32>, vector<16xi32>], vector<16xi32>,
      %mul3A_762 = arith.constant 400 : i32
      %mul3A_763 = arith.muli %scan3A_296, %mul3A_762 : i32
      %add3A_764 = arith.constant 384 : i32
      %add3A_765 = arith.addi %mul3A_763, %add3A_764 : i32
      %get3A_766 = arith.index_cast %add3A_765 : i32 to index
      %get3A_767 = tpu.vector_load %arg10[%get3A_766] {strides = array<i32>} : memref<12800xi32, #tpu.memory_space<vmem>>, vector<16xi32>,
      %mul3A_768 = arith.constant 5 : i32
      %mul3A_769 = vector.broadcast %mul3A_768 : i32 to vector<16xi32>
      %mul3A_770 = arith.muli %gather3A_761, %mul3A_769 : vector<16xi32>
      %add3A_771 = arith.addi %mul3A_770, %get3A_767 : vector<16xi32>
      %gather3A_772 = tpu.vector_load_idx %arg6[%add3A_771] : memref<64xf32, #tpu.memory_space<vmem>>[vector<16xi32>], vector<16xf32>,
      %add3A_773 = arith.addf %add3A_697, %gather3A_772 : vector<16xf32>
      scf.yield %add3A_773, %add3A_716, %add3A_735, %add3A_754 : vector<16xf32>, vector<16xf32>, vector<16xf32>, vector<16xf32>
    }
    %scan3A_289 = arith.constant 32 : i32
    %add3A_290 = arith.addf %scan3A_288#0, %scan3A_288#1 : vector<16xf32>
    %add3A_291 = arith.addf %add3A_290, %scan3A_288#2 : vector<16xf32>
    %add3A_292 = arith.addf %add3A_291, %scan3A_288#3 : vector<16xf32>
    %swap3A = arith.constant 0 : index
    %swap3A_293 = tpu.vector_load %arg11[%swap3A] {strides = array<i32>} : memref<16xf32, #tpu.memory_space<vmem>>, vector<16xf32>,
    tpu.vector_store %arg11[%swap3A], %add3A_292 {strides = array<i32>} : memref<16xf32, #tpu.memory_space<vmem>>, vector<16xf32>,
    %mul3A_294 = arith.constant 16 : i32
    %mul3A_295 = arith.muli %add3A, %mul3A_294 : i32
    "tpu.region"() ({
      %run_scoped3A = tpu.sem_alloc : memref<!tpu.dma_semaphore, #tpu.memory_space<semaphore_mem>>
      %dma_start3A_296 = tpu.memref_slice %arg5[%mul3A_295] : memref<512xf32, #tpu.memory_space<hbm>> -> memref<16xf32, #tpu.memory_space<hbm>>
      %dma_start3A_297 = tpu.memref_slice %arg5[%mul3A_295] : memref<512xf32, #tpu.memory_space<hbm>> -> memref<16xf32, #tpu.memory_space<hbm>>
      tpu.enqueue_dma source(%arg11 : memref<16xf32, #tpu.memory_space<vmem>>) target(%dma_start3A_297 : memref<16xf32, #tpu.memory_space<hbm>>) target_semaphore(%run_scoped3A : memref<!tpu.dma_semaphore, #tpu.memory_space<semaphore_mem>>)
      %dma_wait3A_298 = tpu.memref_slice %arg5[%mul3A_295] : memref<512xf32, #tpu.memory_space<hbm>> -> memref<16xf32, #tpu.memory_space<hbm>>
      %dma_wait3A_299 = tpu.memref_slice %arg5[%mul3A_295] : memref<512xf32, #tpu.memory_space<hbm>> -> memref<16xf32, #tpu.memory_space<hbm>>
      tpu.wait_dma2 semaphore(%run_scoped3A : memref<!tpu.dma_semaphore, #tpu.memory_space<semaphore_mem>>) src(%arg11 : memref<16xf32, #tpu.memory_space<vmem>>) dst(%dma_wait3A_299 : memref<16xf32, #tpu.memory_space<hbm>>)
      tpu.yield
    }) : () -> ()
    return
  }
}

module attributes {stable_mosaic.version = 14 : i64} {
  func.func @table_body(%arg0: memref<10x4xf32, #tpu.memory_space<vmem>>, %arg1: memref<5x4xf32, #tpu.memory_space<vmem>>, %arg2: memref<5xf32, #tpu.memory_space<vmem>>, %arg3: memref<10x5xf32, #tpu.memory_space<vmem>>) attributes {dimension_semantics = [], scalar_prefetch = 0 : i64, scratch_operands = 0 : i64, tpu.core_type = #tpu.core_type<tc>} {
    %get3A = arith.constant 0 : index
    %get3A_0 = arith.constant 0 : index
    %get3A_1 = vector.load %arg0[%get3A, %get3A_0] : memref<10x4xf32, #tpu.memory_space<vmem>>, vector<10x4xf32>
    %get3A_2 = arith.constant 0 : index
    %get3A_3 = arith.constant 0 : index
    %get3A_4 = vector.load %arg1[%get3A_2, %get3A_3] : memref<5x4xf32, #tpu.memory_space<vmem>>, vector<5x4xf32>
    %dot_general3A = arith.constant dense<0.000000e+00> : vector<10x5xf32>
    %dot_general3A_5 = tpu.matmul %get3A_1, %get3A_4, %dot_general3A {dimension_numbers = #tpu.dot_dimension_numbers<[1], [1], [0], [0], [0, 0, 1, 0], [], []>, transpose_lhs_hint = false} : vector<10x4xf32>, vector<5x4xf32>, vector<10x5xf32> -> vector<10x5xf32>
    %get3A_6 = arith.constant 0 : index
    %get3A_7 = vector.load %arg2[%get3A_6] : memref<5xf32, #tpu.memory_space<vmem>>, vector<5xf32>
    %reshape3A = vector.shape_cast %get3A_7 : vector<5xf32> to vector<1x5xf32>
    %add3A = vector.broadcast %reshape3A : vector<1x5xf32> to vector<10x5xf32>
    %add3A_8 = arith.addf %dot_general3A_5, %add3A : vector<10x5xf32>
    %reduce_max3A = arith.constant dense<0xFF800000> : vector<10xf32>
    %reduce_max3A_9 = vector.multi_reduction <maximumf>, %add3A_8, %reduce_max3A [1] : vector<10x5xf32> to vector<10xf32>
    %broadcast_in_dim3A = vector.shape_cast %reduce_max3A_9 : vector<10xf32> to vector<10x1xf32>
    %sub3A = vector.broadcast %broadcast_in_dim3A : vector<10x1xf32> to vector<10x5xf32>
    %sub3A_10 = arith.subf %add3A_8, %sub3A : vector<10x5xf32>
    %exp3A = math.exp %sub3A_10 : vector<10x5xf32>
    %reduce_sum3A = arith.constant dense<0.000000e+00> : vector<10xf32>
    %reduce_sum3A_11 = vector.multi_reduction <add>, %exp3A, %reduce_sum3A [1] : vector<10x5xf32> to vector<10xf32>
    %broadcast_in_dim3A_12 = vector.shape_cast %reduce_sum3A_11 : vector<10xf32> to vector<10x1xf32>
    %div3A = vector.broadcast %broadcast_in_dim3A_12 : vector<10x1xf32> to vector<10x5xf32>
    %div3A_13 = arith.divf %exp3A, %div3A : vector<10x5xf32>
    %reduce_max3A_14 = arith.constant dense<0xFF800000> : vector<10xf32>
    %reduce_max3A_15 = vector.multi_reduction <maximumf>, %div3A_13, %reduce_max3A_14 [1] : vector<10x5xf32> to vector<10xf32>
    %broadcast_in_dim3A_16 = vector.shape_cast %reduce_max3A_15 : vector<10xf32> to vector<10x1xf32>
    %sub3A_17 = vector.broadcast %broadcast_in_dim3A_16 : vector<10x1xf32> to vector<10x5xf32>
    %sub3A_18 = arith.subf %div3A_13, %sub3A_17 : vector<10x5xf32>
    %exp3A_19 = math.exp %sub3A_18 : vector<10x5xf32>
    %reduce_sum3A_20 = arith.constant dense<0.000000e+00> : vector<10xf32>
    %reduce_sum3A_21 = vector.multi_reduction <add>, %exp3A_19, %reduce_sum3A_20 [1] : vector<10x5xf32> to vector<10xf32>
    %broadcast_in_dim3A_22 = vector.shape_cast %reduce_sum3A_21 : vector<10xf32> to vector<10x1xf32>
    %log3A = math.log %broadcast_in_dim3A_22 : vector<10x1xf32>
    %add3A_23 = arith.addf %log3A, %broadcast_in_dim3A_16 : vector<10x1xf32>
    %sub3A_24 = vector.broadcast %add3A_23 : vector<10x1xf32> to vector<10x5xf32>
    %sub3A_25 = arith.subf %sub3A_24, %div3A_13 : vector<10x5xf32>
    %swap3A = arith.constant 0 : index
    %swap3A_26 = arith.constant 0 : index
    %swap3A_27 = vector.load %arg3[%swap3A, %swap3A_26] : memref<10x5xf32, #tpu.memory_space<vmem>>, vector<10x5xf32>
    tpu.vector_store %arg3[%swap3A, %swap3A_26], %sub3A_25 {strides = array<i32>} : memref<10x5xf32, #tpu.memory_space<vmem>>, vector<10x5xf32>,
    return
  }
}

module attributes {stable_mosaic.version = 14 : i64} {
  func.func @combine_body(%arg0: memref<512xf32, #tpu.memory_space<vmem>>, %arg1: memref<1x1xf32, #tpu.memory_space<vmem>>) attributes {dimension_semantics = [], scalar_prefetch = 0 : i64, scratch_operands = 0 : i64, tpu.core_type = #tpu.core_type<tc>} {
    %get3A = arith.constant 0 : index
    %get3A_0 = vector.load %arg0[%get3A] : memref<512xf32, #tpu.memory_space<vmem>>, vector<512xf32>
    %reduce_sum3A = vector.shape_cast %get3A_0 : vector<512xf32> to vector<1x512xf32>
    %reduce_sum3A_1 = arith.constant dense<0.000000e+00> : vector<1xf32>
    %reduce_sum3A_2 = vector.multi_reduction <add>, %reduce_sum3A, %reduce_sum3A_1 [1] : vector<1x512xf32> to vector<1xf32>
    %reduce_sum3A_3 = vector.shape_cast %reduce_sum3A_2 : vector<1xf32> to vector<1x1xf32>
    %reduce_sum3A_4 = vector.extract %reduce_sum3A_3[0, 0] : f32 from vector<1x1xf32>
    %div3A = arith.constant 3.276800e+06 : f32
    %div3A_5 = arith.divf %reduce_sum3A_4, %div3A : f32
    %broadcast_in_dim3A = vector.broadcast %div3A_5 : f32 to vector<1x1xf32>
    %swap3A = arith.constant 0 : index
    %swap3A_6 = arith.constant 0 : index
    %swap3A_7 = vector.load %arg1[%swap3A, %swap3A_6] : memref<1x1xf32, #tpu.memory_space<vmem>>, vector<1x1xf32>
    tpu.vector_store %arg1[%swap3A, %swap3A_6], %broadcast_in_dim3A {strides = array<i32>} : memref<1x1xf32, #tpu.memory_space<vmem>>, vector<1x1xf32>,
    return
  }
}

</mosaic_0001>

<sc_bundles>
// kernel: kernel.5.cloned.1.call-start
scs
__scs_entry_jumppad:
0x0: {  	(pc) =	sbr.rel $0x88, $3  }
0x1: {  	(tag) =	ssettag $0x0;
	lr =	simm.s32 $0x1  }
0x2: {  	[smem:$0x3F9C] =	sst lr;
	_ =	strace $0xD0000000  }
0x3: {  	_ = 	snop  }
0x4: {  	_ = 	snop  }
0x5: {  	_ = 	snop  }
0x6: {  	_ = 	snop  }
0x7: {  	_ = 	snop  }
__scs_overlays_trampoline_lowered:
0x8: {  	[smem:$0x3FAB] =	sst s0  }
0x9: {  	[smem:$0x3FAC] =	sst s1  }
0xa: {  	[smem:$0x3FAD] =	sst s2  }
0xb: {  	[smem:$0x3FAE] =	sst s3  }
0xc: {  	[smem:$0x3FAF] =	sst s4  }
0xd: {  	[smem:$0x3FB0] =	sst s5  }
0xe: {  	[smem:$0x3FB1] =	sst s6  }
0xf: {  	[smem:$0x3FB2] =	sst s7  }
0x10: {  	[smem:$0x3FB3] =	sst s8  }
0x11: {  	[smem:$0x3FB4] =	sst s9;
	s0 =	simm.s32 @!p0 $0x0  }
0x12: {  	s1 =	sld [smem:$0x3F9A];
	s0 =	simm.s32 @p0 $0x1  }
0x13: {  	[smem:$0x3FB5] =	sst s0;
	s0 =	simm.s32 @!p1 $0x0  }
0x14: {  	s2 =	sld [smem:$0x3F99];
	s0 =	simm.s32 @p1 $0x1  }
0x15: {  	[smem:$0x3FB6] =	sst s0;
	s0 =	simm.s32 @!p2 $0x0  }
0x16: {  	s3 =	sld [smem:$0x3FDB];
	s0 =	simm.s32 @p2 $0x1  }
0x17: {  	s4 =	simm.s32 $0x1BF5;
	[smem:$0x3FB8] =	sst s0  }
0x18: {  	s0 =	sld [smem:$0x3F9B];
	_ =	swait.ge [sflag:s4], $0x0  }
0x19: {  	s7 =	sld [smem:$0x3F9C]  }
0x1a: {  	s8 =	sadd.s32 $0xFFFFE003, lr  }
0x1b: {  	s9 =	sadd.s32 $0xFFFFFEF7, lr;
	s5 =	simm.s32 $0xFFFFFFFF;
	p2 =	slt.u32 s8, $0xFFFFF086  }
0x1c: {  	p1 =	slt.u32 s9, $0xF7A;
	s5 =	simm.s32 @!p2 $0x0  }
0x1d: {  	s5 =	simm.s32 @p1 $0x1;
	p0 =	seq.s32 s7, s2  }
0x1e: {  	s7 =	smul.u32 @!p0 $0xF7A, s2;
	p2 =	seq.s32 @!p0 s5, $0x0  }
0x1f: {  	s9 =	smul.u32 $0xF7A, s1;
	s8 =	simm.s32 @!p0 $0x1BF5;
	p2 =	por !p2, p0  }
0x20: {  	[sflag:s8] =	ssyncset.s32 @!p0 $0xFFFFF086;
	s6 =	sadd.s32 @!p0 s3, s7;
	s7 =	simm.s32 @!p0 $0x108  }
0x21: {  	s3 =	sadd.s32 s3, s9;
	s6 =	sadd.s32 @!p0 $0x88, s6;
	s7 =	simm.s32 @p2 $0x1082  }
0x22: {  	[simem:s7], [sflag:s8] =	dma.local @!p0 [hbm:s6], $0xF7A  }
0x23: {  	s9 =	sor.u32 $0xD0000000, s2;
	s6 =	simm.s32 $0x108;
	_ =	swait.ge @!p0 [sflag:s8], $0x0  }
0x24: {  	s3 =	sadd.s32 $0x88, s3;
	s6 =	simm.s32 @!p1 $0x1082;
	[sflag:s4] =	ssyncset.s32 $0xFFFFF086  }
0x25: {  	[simem:s6], [sflag:s4] =	dma.local [hbm:s3], $0xF7A  }
0x26: {  	[smem:$0x3F9C] =	sst s1;
	(tag) =	ssettag s2;
	_ =	strace s9  }
0x27: {  	s1 =	sld [smem:$0x3FAC]  }
0x28: {  	s2 =	sld [smem:$0x3FAD]  }
0x29: {  	s4 =	sld [smem:$0x3FAF]  }
0x2a: {  	p0 =	seq.s32 s5, $0x0;
	s5 =	sld [smem:$0x3FB0]  }
0x2b: {  	s6 =	sld [smem:$0x3FB1]  }
0x2c: {  	s7 =	sld [smem:$0x3FB2]  }
0x2d: {  	s3 =	simm.s32 $0x108;
	s8 =	sld [smem:$0x3FB3]  }
0x2e: {  	s3 =	simm.s32 @!p0 $0x1082;
	s9 =	sld [smem:$0x3FB4]  }
0x2f: {  	lr =	sadd.s32 s0, s3;
	s0 =	sld [smem:$0x3FAB]  }
0x30: {  	s3 =	sld [smem:$0x3FAE]  }
0x31: {  	[smem:$0x3FB7] =	sst s10  }
0x32: {  	s10 =	sld [smem:$0x3FB5];
	_ =	sdelay $0x3  }
0x33: {  	p0 =	seq.s32 s10, $0x1;
	s10 =	sld [smem:$0x3FB7];
	_ =	sdelay $0x3  }
0x34: {  	[smem:$0x3FB7] =	sst s10  }
0x35: {  	s10 =	sld [smem:$0x3FB6];
	_ =	sdelay $0x3  }
0x36: {  	p1 =	seq.s32 s10, $0x1;
	s10 =	sld [smem:$0x3FB7];
	_ =	sdelay $0x3  }
0x37: {  	[smem:$0x3FB7] =	sst s10  }
0x38: {  	s10 =	sld [smem:$0x3FB8]  }
0x39: {  	_ = 	snop;
	(pc) =	sbr.ind lr, $3  }
0x3a: {  	_ = 	snop  }
0x3b: {  	_ = 	snop  }
0x3c: {  	p2 =	seq.s32 s10, $0x1;
	s10 =	sld [smem:$0x3FB7]  }
0x3d: {  	_ =	shalt  }
0x3e: {  	_ =	shalt  }
0x3f: {  	_ =	shalt  }
0x40: {  	_ =	shalt  }
0x41: {  	_ =	shalt  }
0x42: {  	_ =	shalt  }
0x43: {  	_ =	shalt  }
0x44: {  	_ =	shalt  }
0x45: {  	_ =	shalt  }
0x46: {  	_ =	shalt  }
0x47: {  	_ =	shalt  }
0x48: {  	_ =	shalt  }
0x49: {  	_ =	shalt  }
0x4a: {  	_ =	shalt  }
0x4b: {  	_ =	shalt  }
0x4c: {  	_ =	shalt  }
0x4d: {  	_ =	shalt  }
0x4e: {  	_ =	shalt  }
0x4f: {  	_ =	shalt  }
0x50: {  	_ =	shalt  }
0x51: {  	_ =	shalt  }
0x52: {  	_ =	shalt  }
0x53: {  	_ =	shalt  }
0x54: {  	_ =	shalt  }
0x55: {  	_ =	shalt  }
0x56: {  	_ =	shalt  }
0x57: {  	_ =	shalt  }
0x58: {  	_ =	shalt  }
0x59: {  	_ =	shalt  }
0x5a: {  	_ =	shalt  }
0x5b: {  	_ =	shalt  }
0x5c: {  	_ =	shalt  }
0x5d: {  	_ =	shalt  }
0x5e: {  	_ =	shalt  }
0x5f: {  	_ =	shalt  }
0x60: {  	_ =	shalt  }
0x61: {  	_ =	shalt  }
0x62: {  	_ =	shalt  }
0x63: {  	_ =	shalt  }
0x64: {  	_ =	shalt  }
0x65: {  	_ =	shalt  }
0x66: {  	_ =	shalt  }
0x67: {  	_ =	shalt  }
0x68: {  	_ =	shalt  }
0x69: {  	_ =	shalt  }
0x6a: {  	_ =	shalt  }
0x6b: {  	_ =	shalt  }
0x6c: {  	_ =	shalt  }
0x6d: {  	_ =	shalt  }
0x6e: {  	_ =	shalt  }
0x6f: {  	_ =	shalt  }
0x70: {  	_ =	shalt  }
0x71: {  	_ =	shalt  }
0x72: {  	_ =	shalt  }
0x73: {  	_ =	shalt  }
0x74: {  	_ =	shalt  }
0x75: {  	_ =	shalt  }
0x76: {  	_ =	shalt  }
0x77: {  	_ =	shalt  }
0x78: {  	_ =	shalt  }
0x79: {  	_ =	shalt  }
0x7a: {  	_ =	shalt  }
0x7b: {  	_ =	shalt  }
0x7c: {  	_ =	shalt  }
0x7d: {  	_ =	shalt  }
0x7e: {  	_ =	shalt  }
0x7f: {  	_ =	shalt  }
0x80: {  	_ =	shalt  }
0x81: {  	_ =	shalt  }
0x82: {  	_ =	shalt  }
0x83: {  	_ =	shalt  }
0x84: {  	_ =	shalt  }
0x85: {  	_ =	shalt  }
0x86: {  	_ =	shalt  }
0x87: {  	_ =	shalt  }
.Lfunc_end0:
.L_simem_size_0:
called_computation_lowered:
.L_overlay_start_0:
0x88: {  	s2 =	sld [smem:$0x3FD9]  }
0x89: {  	s3 =	sld [smem:$0x3FFE];
	_ =	sdelay $0x1  }
0x8a: {  	s1 =	srdreg.scid  }
0x8b: {  	s0 =	sand.u32 $0x1, s1  }
0x8c: {  	s17 =	sshll.u32 s0, $0xA;
	s2 =	sadd.s32 s3, s2  }
0x8d: {  	s2 =	sadd.s32 s2, s17  }
0x8e: {  	[smem:$0x3FC3] =	sst s2  }
0x8f: {  	_ = 	snop  }
0x90: {  	s2 =	sld [smem:$0x3FC8]  }
0x91: {  	s18 =	sld [smem:$0x3FD0];
	(tm) =	ssettm $0x1  }
0x92: {  	s4 =	sld [smem:$0x3FFB];
	_ =	sdelay $0x3  }
0x93: {  	_ =	strace s4  }
0x94: {  	s4 =	sld [smem:$0x3FFC];
	_ =	sdelay $0x3  }
0x95: {  	_ =	strace s4  }
0x96: {  	s4 =	sld [smem:$0x3FFD];
	_ =	sdelay $0x3  }
0x97: {  	_ =	strace s4  }
0x98: {  	_ =	strace $0x8FFFFFFF  }
0x99: {  	s19 =	sld [smem:$0x3FDB];
	_ =	sdelay $0x1  }
0x9a: {  	s5 =	simm.s32 $_scs_section_size  }
0x9b: {  	s6 =	simm.s32 $_size__tile_overlayer_lowered;
	s7 =	simm.s32 $_tile_overlayer_lowered  }
0x9c: {  	s22 =	simm.s32 $0x1BFF;
	s21 =	sshll.u32 s7, $0x1;
	s4 =	sadd.s32 s5, s19  }
0x9d: {  	s8 =	simm.s32 $0x0;
	s20 =	sshll.u32 s6, $0x1;
	s6 =	sadd.s32 s21, s4  }
0x9e: {  	[timem:s8], [sflag:s22] =	dma.local [hbm:s6], s20  }
0x9f: {  	_ =	swait.ge [sflag:s22], s20  }
0xa0: {  	s5 =	ssub.s32 $0x0, s20;
	[sflag:s22] =	ssyncset.done $0x0  }
0xa1: {  	[sflag:s22] =	ssyncadd.s32 s5;
	_ =	sdelay $0x1  }
0xa2: {  	s23 =	simm.s32 $0x1B8B  }
0xa3: {  	_ =	swait.ge [sflag:s23], $0x1  }
0xa4: {  	[sflag:s23] =	ssyncset.done $0x0  }
0xa5: {  	s25 =	simm.s32 $0x1B8E;
	s24 =	sld [smem:$0x3FFE];
	[sflag:s23] =	ssyncadd.s32 $0xFFFFFFFF  }
0xa6: {  	s26 =	simm.s32 $execute0_lowered;
	[smem:$0x3FD2] =	sst s25  }
0xa7: {  	s6 =	sshll.u32 s26, $0x1;
	_ =	strace $0x80000046;
	[dreg:$0x1] =	wrdreg $0xFFFFFFFF  }
0xa8: {  	s28 =	simm.s32 $_size_execute0_lowered;
	s4 =	sadd.s32 s4, s6;
	[dreg:$0x0] =	wrdreg $0x0  }
0xa9: {  	s6 =	sshll.u32 s28, $0x1;
	[dreg:$0x2] =	wrdreg s4  }
0xaa: {  	[dreg:$0x3] =	wrdreg s6  }
0xab: {  	[dreg:$0x4] =	wrdreg $0xC0  }
0xac: {  	_ =	task [dreg:s8], $0x5FFFF  }
0xad: {  	[dreg:$0x1] =	wrdreg $0xFFFFFFFF  }
0xae: {  	[dreg:$0x0] =	wrdreg $0x60  }
0xaf: {  	[dreg:$0x2] =	wrdreg s24  }
0xb0: {  	[dreg:$0x3] =	wrdreg s2  }
0xb1: {  	[dreg:$0x4] =	wrdreg s18  }
0xb2: {  	[dreg:$0x5] =	wrdreg $0x9  }
0xb3: {  	_ =	task.clear_ibuf [dreg:s8], $0x6FFFF;
	_ =	strace $0x90000046  }
0xb4: {  	s29 =	simm.s32 $0x9;
	_ =	strace $0x80000048  }
0xb5: {  	_ =	swait.ge [sflag:s29], $0x1  }
0xb6: {  	[sflag:s29] =	ssyncadd.s32 $0xFFFFFFFF  }
0xb7: {  	_ =	strace $0x90000048  }
0xb8: {  	_ =	sfence  }
0xb9: {  	s30 =	sld [smem:$0x0];
	_ =	sdelay $0x2  }
0xba: {  	s31 =	sshll.u32 s1, $0xD;
	s1 =	sshrl.u32 s1, $0x2  }
0xbb: {  	s3 =	sand.u32 $0x4000, s31;
	s1 =	sadd.s32 s1, s30  }
0xbc: {  	s0 =	sor.u32 s3, s0;
	s1 =	sshll.u32 s1, $0x11  }
0xbd: {  	s0 =	sor.u32 s1, s0  }
0xbe: {  	s0 =	sadd.s32 $0x8F2B, s0  }
0xbf: {  	[sflag:s0] =	ssyncadd.remote.s32 $0x1  }
0xc0: {  	_ =	sfence.sel $0xFFFF  }
0xc1: {  	[dreg:$0x0] =	wrdreg $0xFFFFFFFF;
	(pc) =	sbr.abs _section_cstart, $3  }
0xc2: {  	[dreg:$0x1] =	wrdreg $0xFFFFFFFF  }
0xc3: {  	_ =	task.clear_ibuf [dreg:s8], $0x2FFFF;
	_ =	strace $0x9FFFFFFF  }
0xc4: {  	(tm) =	ssettm $0x7FFFFFFF  }
0xc5: {  	_ =	shalt  }
tec
execute0_lowered:
.L_overlay_start_1:
0x0: {  	(tag) =	ssettag $0x1  }
0x1: {  	v4 =	vlaneseq.u32;
	v62 =	vimm.s32 $0x440;
	vm0 =	vcmask $0x704  }
0x2: {  	vm13 =	vcmask $0xB08;
	vm14 =	vcmask $0xF0C;
	vm15 =	vcmask $0x1310  }
0x3: {  	vm4 =	vcmask $0x1714;
	vm5 =	vcmask $0x1B18;
	v1 =	vimm.s32 $0x76543210  }
0x4: {  	vm6 =	vcmask $0x1F1C;
	v2 =	vimm.s32 $0x7B7A7978;
	v0 =	vshrl.u32 v4, $0x3  }
0x5: {  	v3 =	vimm.s32 $0x7F7E7D7C;
	vm7 =	vcmask $0xF00;
	v0 =	vmul.u32 $0x80, v0  }
0x6: {  	s0 =	rddreg [dreg:$0x0];
	s3 =	simm.s32 $0x0;
	vm8 =	vcmask $0x1F10;
	vm9 =	vcmask $0x2320;
	vm10 =	vcmask $0x2724  }
0x7: {  	vm11 =	vcmask $0x2B28;
	vm12 =	vcmask $0x2F2C;
	[smem:$0x7FF] =	sst s3;
	v5 =	vor.u32 $0x410, v4;
	[tilespmem:$0x1FEF0] =	vst v0  }
0x8: {  	s1 =	rddreg [dreg:$0x1];
	v12 =	vor.u32 $0x10, v4;
	v13 =	vor.u32 $0x20, v4;
	v7 =	vor.u32 $0x60, v4;
	_ =	strace $0x80000047;
	[tilespmem:$0x1FF00] =	vst v5  }
0x9: {  	s2 =	srdreg.scid;
	s4 =	stileid.u32;
	v14 =	vor.u32 $0x30, v4;
	v15 =	vor.u32 $0x40, v4;
	v6 =	vor.u32 $0x50, v4;
	[tilespmem:$0x1FF10] =	vst v7  }
0xa: {  	s22 =	simm.s32 $0x5;
	s28 =	simm.s32 $0x1;
	s29 =	simm.s32 $0x3;
	v9 =	vor.u32 $0x70, v4;
	v8 =	vor.u32 $0x420, v4;
	v0 =	vsel vm0, $0x441, v62;
	[tilespmem:$0x1FF20] =	vst v6  }
0xb: {  	s30 =	simm.s32 $0x2;
	v11 =	vor.u32 $0x400, v4;
	s2 =	sand.u32 $0x1, s2;
	s4 =	sshll.u32 s4, $0x1;
	v1 =	vunpack.c.l.s4.s8 v1;
	v0 =	vsel vm13, $0x442, v0;
	[tilespmem:$0x1FF30] =	vst v8  }
0xc: {  	s31 =	simm.s32 $0x4;
	v2 =	vunpack.c.0.s8.s32 v2;
	v10 =	vor.u32 $0x430, v4;
	s4 =	sor.u32 s2, s4;
	s2 =	ssub.s32 $0x2, s2;
	[tilespmem:$0x1FF40] =	vst v9;
	v0 =	vsel vm14, $0x443, v0  }
0xd: {  	v3 =	vunpack.c.0.s8.s32 v3;
	v23 =	vadd.s32 $0x18, v4;
	s5 =	sshll.u32 s4, $0xE;
	s6 =	smul.u32 $0x19000, s4;
	s4 =	sshll.u32 s4, $0x1;
	[tilespmem:$0x1FF50] =	vst v10;
	v0 =	vsel vm15, $0x444, v0  }
0xe: {  	v25 =	vadd.s32 $0x28, v4;
	v18 =	vadd.s32 $0x38, v4;
	s23 =	sshrl.u32 s2, $0x1;
	s18 =	sadd.s32 s5, s0;
	s0 =	sadd.s32 s4, s0;
	[tilespmem:$0x1FF60] =	vst v11;
	v0 =	vsel vm4, $0x445, v0  }
0xf: {  	v1 =	vunpack.c.0.s8.s32 v1;
	v2 =	vnsel vm7, $0x407, v2;
	s2 =	ssub.s32 s2, s23;
	s23 =	simm.s32 $0x80;
	s24 =	sshrl.u32 s6, $0x3;
	[tilespmem:$0x1FF70] =	vst v13;
	v0 =	vsel vm5, $0x446, v0  }
0x10: {  	v16 =	vadd.s32 $0x48, v4;
	v63 =	vsel vm8, v3, v2;
	s25 =	sadd.s32 $0x800, s18;
	s26 =	sadd.s32 $0x1000, s18;
	s8 =	sadd.s32 $0x1800, s18;
	[tilespmem:$0x1FF80] =	vst v12;
	v0 =	vsel vm6, $0x447, v0  }
0x11: {  	v20 =	vadd.s32 $0x58, v4;
	s10 =	sadd.s32 $0x2000, s18;
	s12 =	sadd.s32 $0x2800, s18;
	s14 =	sadd.s32 $0x3000, s18;
	[tilespmem:$0x1FF90] =	vst v14;
	v22 =	vcombine.low v0, v1;
	v0 =	vsel vm9, $0x400, v63  }
0x12: {  	v29 =	vadd.s32 $0x418, v4;
	s16 =	sadd.s32 $0x3800, s18;
	s18 =	sadd.s32 $0x4000, s18;
	s20 =	sadd.s32 $0x80800, s0;
	[tilespmem:$0x1FFA0] =	vst v15;
	v0 =	vsel vm10, $0x401, v0  }
0x13: {  	v17 =	vadd.s32 $0x408, v4;
	v30 =	vadd.s32 $0x428, v4;
	s21 =	smax.u32 s2, $0x1;
	s2 =	simm.s32 $0x0;
	[tilespmem:$0x1FFB0] =	vst v29;
	[dreg:$0x4] =	wrdreg s25;
	v0 =	vsel vm11, $0x402, v0  }
0x14: {  	v31 =	vadd.s32 $0x438, v4;
	vm13 =	vcmask $0x3330;
	[tilespmem:$0x1FFC0] =	vst v30;
	s5 =	sadd.s32 s1, s24;
	[dreg:$0x5] =	wrdreg s26;
	s24 =	simm.s32 $0x8080;
	v0 =	vsel vm12, $0x403, v0  }
0x15: {  	[tilespmem:$0x1FFD0] =	vst v31;
	vm14 =	vcmask $0x3734;
	s25 =	simm.s32 $0x4080;
	s26 =	simm.s32 $0xB280;
	s7 =	sadd.s32 $0x640, s5;
	v0 =	vsel vm13, $0x404, v0  }
0x16: {  	[tilespmem:$0x1FFE0] =	vst v16;
	s9 =	sadd.s32 $0xC80, s5;
	s11 =	sadd.s32 $0x12C0, s5;
	s13 =	sadd.s32 $0x1900, s5;
	vm15 =	vcmask $0x3B38;
	v0 =	vsel vm14, $0x405, v0  }
0x17: {  	v24 =	vadd.s32 $0x8, v4;
	v21 =	vadd.s32 $0x68, v4;
	[tilespmem:$0x1FFF0] =	vst v17;
	s15 =	sadd.s32 $0x1F40, s5;
	s17 =	sadd.s32 $0x2580, s5;
	s19 =	sadd.s32 $0x2BC0, s5;
	v19 =	vsel vm15, $0x406, v0  }
.LBB2_1:
0x18: {  	s0 =	rddreg [dreg:$0x2]  }
0x19: {  	[tilespmem:s3], [sflag:$0x5] =	stream.linear.gather [hbm4b:s0+s3], $0x80, $0x38;
	[tilespmem:$0xE500] =	vst v63  }
0x1a: {  	_ =	swait.ge [sflag:s22], $0x80  }
0x1b: {  	[sflag:s22] =	ssyncset.done $0x0  }
0x1c: {  	s1 =	rddreg [dreg:$0x4];
	[sflag:s22] =	ssyncadd.s32 $0xFFFFFF80  }
0x1d: {  	[tilespmem:s23], [sflag:$0x1] =	stream.linear.gather [hbm4b:s1+s3], $0x4000, $0x38;
	[tilespmem:$0xE500] =	vst v63  }
0x1e: {  	_ = 	snop  }
0x1f: {  	[tilespmem:s24], [sflag:$0x3] =	stream.linear.gather [hbm4b:s5+s3], $0x3200, $0x38;
	[tilespmem:$0xE500] =	vst v63  }
0x20: {  	s4 =	rddreg [dreg:$0x5]  }
0x21: {  	[tilespmem:s25], [sflag:$0x2] =	stream.linear.gather [hbm4b:s4+s3], $0x4000, $0x38;
	[tilespmem:$0xE500] =	vst v63  }
0x22: {  	_ = 	snop  }
0x23: {  	[tilespmem:s26], [sflag:$0x4] =	stream.linear.gather [hbm4b:s7+s3], $0x3200, $0x38;
	[tilespmem:$0xE500] =	vst v63  }
0x24: {  	_ =	swait.ge [sflag:s28], $0x4000  }
0x25: {  	[sflag:s28] =	ssyncset.done $0x0  }
0x26: {  	[sflag:s28] =	ssyncadd.s32 $0xFFFFC000  }
0x27: {  	_ =	swait.ge [sflag:s29], $0x3200  }
0x28: {  	[sflag:s29] =	ssyncset.done $0x0  }
0x29: {  	s0 =	simm.s32 $0x8140;
	[sflag:s29] =	ssyncadd.s32 $0xFFFFCE00  }
0x2a: {  	v36 =	vld [tilespmem:s0+$0x90]  }
0x2b: {  	v34 =	vld [tilespmem:s0+$0xA0]  }
0x2c: {  	v26 =	vld [tilespmem:s0+$0xB0]  }
0x2d: {  	v37 =	vld [tilespmem:s0+$0x50]  }
0x2e: {  	v35 =	vld [tilespmem:s0+$0x60]  }
0x2f: {  	v28 =	vld [tilespmem:s0+$0x70]  }
0x30: {  	v27 =	vld [tilespmem:s0+$0x80]  }
0x31: {  	v38 =	vld [tilespmem:s0+$0x10]  }
0x32: {  	v39 =	vld [tilespmem:s0+$0x20]  }
0x33: {  	v33 =	vld [tilespmem:s0+$0x30]  }
0x34: {  	v53 =	vld [tilespmem:s0+$0xFFFFFFD0]  }
0x35: {  	v52 =	vld [tilespmem:s0+$0xFFFFFFE0]  }
0x36: {  	v50 =	vld [tilespmem:s0+$0xFFFFFFF0]  }
0x37: {  	v40 =	vld [tilespmem:s0+$0x0]  }
0x38: {  	v51 =	vld [tilespmem:s0+$0xFFFFFF90]  }
0x39: {  	v49 =	vld [tilespmem:s0+$0xFFFFFFA0]  }
0x3a: {  	v0 =	vmov s3;
	v48 =	vld [tilespmem:s0+$0xFFFFFFB0]  }
0x3b: {  	v1 =	vshll.u32 v0, $0x8;
	v58 =	vshll.u32 v0, $0x7;
	v46 =	vld [tilespmem:s0+$0xFFFFFF50]  }
0x3c: {  	v57 =	vand.u32 $0x3800, v1;
	v0 =	vand.u32 $0x300, v58;
	v47 =	vld [tilespmem:s0+$0xFFFFFF60]  }
0x3d: {  	v0 =	vor.u32 v0, v57;
	v45 =	vld [tilespmem:s0+$0xFFFFFF70]  }
0x3e: {  	v1 =	vor.u32 v5, v0;
	v44 =	vld [tilespmem:s0+$0xFFFFFF80]  }
0x3f: {  	v2 =	vor.u32 v8, v0;
	s1 =	sand.u32 $0x3FF0, s3;
	v43 =	vld [tilespmem:s0+$0xFFFFFF40]  }
0x40: {  	v3 =	vor.u32 v10, v0;
	v41 =	vld [tilespmem:s1+$0x8200]  }
0x41: {  	v4 =	vor.u32 v6, v0;
	v42 =	vld [tilespmem:s1+$0x8180]  }
0x42: {  	v5 =	vor.u32 v7, v0;
	v56 =	vld [tilespmem:s1+$0x8100]  }
0x43: {  	v6 =	vor.u32 v9, v0;
	v63 =	vld.idx.msk [tilespmem:v1+s23+$0x0], $0xffff  }
0x44: {  	v7 =	vor.u32 v13, v0;
	v8 =	vld.idx.msk [tilespmem:v2+s23+$0x0], $0xffff  }
0x45: {  	v10 =	vor.u32 v14, v0;
	v3 =	vld.idx.msk [tilespmem:v3+s23+$0x0], $0xffff  }
0x46: {  	s6 =	simm.s32 $0x1;
	v4 =	vld.idx.msk [tilespmem:v4+s23+$0x0], $0xffff  }
0x47: {  	v9 =	vmov s6;
	v13 =	vlaneseq.u32;
	v1 =	vor.u32 v11, v0;
	v5 =	vld.idx.msk [tilespmem:v5+s23+$0x0], $0xffff  }
0x48: {  	v2 =	vor.u32 v12, v0;
	v11 =	vshll.u32 v9, $0x8;
	v9 =	vshll.u32 v9, $0x7;
	v6 =	vld.idx.msk [tilespmem:v6+s23+$0x0], $0xffff  }
0x49: {  	v12 =	vor.u32 v15, v0;
	v7 =	vld.idx.msk [tilespmem:v7+s23+$0x0], $0xffff;
	v11 =	vand.u32 $0x3800, v11;
	v9 =	vand.u32 $0x380, v9  }
0x4a: {  	v13 =	vor.u32 v13, v0;
	v0 =	vld.idx.msk [tilespmem:v10+s23+$0x0], $0xffff;
	v9 =	vor.u32 v9, v11  }
0x4b: {  	v11 =	vor.u32 v17, v9;
	v17 =	vld [tilespmem:$0x1FEF0]  }
0x4c: {  	v29 =	vor.u32 v29, v9;
	v61 =	vld.idx.msk [tilespmem:v1+s23+$0x0], $0xffff  }
0x4d: {  	v10 =	vor.u32 v30, v9;
	v62 =	vld.idx.msk [tilespmem:v2+s23+$0x0], $0xffff  }
0x4e: {  	v30 =	vor.u32 v31, v9;
	v1 =	vld.idx.msk [tilespmem:v12+s23+$0x0], $0xffff  }
0x4f: {  	v2 =	vld.idx.msk [tilespmem:v13+s23+$0x0], $0xffff  }
0x50: {  	v59 =	vld.idx.msk [tilespmem:v11+s23+$0x0], $0xffff  }
0x51: {  	v32 =	vimm.f32 $0.0e+00;
	v31 =	vimm.f32 $0.0e+00;
	v14 =	vor.u32 v16, v9;
	v60 =	vld.idx.msk [tilespmem:v29+s23+$0x0], $0xffff  }
0x52: {  	v13 =	vor.u32 v20, v9;
	v12 =	vor.u32 v21, v9;
	v11 =	vor.u32 v19, v9;
	v55 =	vld.idx.msk [tilespmem:v10+s23+$0x0], $0xffff  }
0x53: {  	s4 =	simm.s32 $0x0;
	s1 =	simm.s32 $0x2;
	v10 =	vor.u32 v24, v9;
	v54 =	vld.idx.msk [tilespmem:v30+s23+$0x0], $0xffff;
	v30 =	vimm.f32 $0.0e+00;
	v29 =	vimm.f32 $0.0e+00  }
.LBB2_2:
0x54: {  	_ =	sdelay $0x3  }
0x55: {  	v14 =	vld.idx.msk [tilespmem:v14+s23+$0x0], $0xffff  }
0x56: {  	v13 =	vld.idx.msk [tilespmem:v13+s23+$0x0], $0xffff  }
0x57: {  	v12 =	vld.idx.msk [tilespmem:v12+s23+$0x0], $0xffff  }
0x58: {  	v15 =	vor.u32 v23, v9;
	v8 =	vmul.u32 $0x5, v8;
	v11 =	vld.idx.msk [tilespmem:v11+s23+$0x0], $0xffff  }
0x59: {  	v16 =	vor.u32 v25, v9;
	v10 =	vld.idx.msk [tilespmem:v10+s23+$0x0], $0xffff;
	v0 =	vmul.u32 $0x5, v0;
	s0 =	sadd.s32 $0x190, s0  }
0x5a: {  	v9 =	vor.u32 v18, v9;
	v1 =	vmul.u32 $0x5, v1;
	v8 =	vadd.s32 v52, v8;
	v52 =	vld [tilespmem:s0+$0xFFFFFFE0]  }
0x5b: {  	v0 =	vadd.s32 v45, v0;
	v45 =	vld [tilespmem:s0+$0xFFFFFF70]  }
0x5c: {  	v1 =	vadd.s32 v44, v1;
	v44 =	vld [tilespmem:s0+$0xFFFFFF80]  }
0x5d: {  	v15 =	vld.idx.msk [tilespmem:v15+s23+$0x0], $0xffff  }
0x5e: {  	v3 =	vmul.u32 $0x5, v3;
	v16 =	vld.idx.msk [tilespmem:v16+s23+$0x0], $0xffff  }
0x5f: {  	v58 =	vor.u32 v17, v58;
	v63 =	vmul.u32 $0x5, v63;
	v4 =	vmul.u32 $0x5, v4;
	v9 =	vld.idx.msk [tilespmem:v9+s23+$0x0], $0xffff  }
0x60: {  	v58 =	vand.u32 $0x380, v58;
	v6 =	vmul.u32 $0x5, v6;
	v3 =	vadd.s32 v50, v3;
	v50 =	vld [tilespmem:s0+$0xFFFFFFF0]  }
0x61: {  	v57 =	vor.u32 v58, v57;
	v7 =	vmul.u32 $0x5, v7;
	v4 =	vadd.s32 v51, v4;
	v51 =	vld [tilespmem:s0+$0xFFFFFF90]  }
0x62: {  	v58 =	vmul.u32 $0x5, v61;
	v2 =	vmul.u32 $0x5, v2;
	v6 =	vadd.s32 v48, v6;
	v48 =	vld [tilespmem:s0+$0xFFFFFFB0]  }
0x63: {  	s4 =	sadd.s32 $0x190, s4;
	v57 =	vor.u32 v22, v57;
	v5 =	vmul.u32 $0x5, v5;
	v7 =	vadd.s32 v47, v7;
	v47 =	vld [tilespmem:s0+$0xFFFFFF60]  }
0x64: {  	s6 =	sand.u32 $0x3FF0, s4;
	v53 =	vadd.s32 v53, v63;
	v14 =	vmul.u32 $0x5, v14;
	v2 =	vadd.s32 v43, v2;
	v43 =	vld [tilespmem:s0+$0xFFFFFF40]  }
0x65: {  	v10 =	vmul.u32 $0x5, v10;
	v5 =	vadd.s32 v49, v5;
	v49 =	vadd.s32 v56, v58;
	v56 =	vld [tilespmem:s6+$0x8100]  }
0x66: {  	v14 =	vadd.s32 v37, v14;
	v37 =	vld [tilespmem:s0+$0x50]  }
0x67: {  	v10 =	vadd.s32 v38, v10;
	v38 =	vld [tilespmem:s0+$0x10]  }
0x68: {  	v61 =	vld.idx.msk [tilespmem:v57+s23+$0x0], $0xffff  }
0x69: {  	v57 =	vld.idx.msk [tilespmem:v53+s3+$0x0], $0xffff  }
0x6a: {  	v11 =	vmul.u32 $0x5, v11;
	v8 =	vld.idx.msk [tilespmem:v8+s3+$0x0], $0xffff  }
0x6b: {  	v0 =	vld.idx.msk [tilespmem:v0+s3+$0x0], $0xffff  }
0x6c: {  	v11 =	vadd.s32 v27, v11;
	v27 =	vmul.u32 $0x5, v54;
	v1 =	vld.idx.msk [tilespmem:v1+s3+$0x0], $0xffff  }
0x6d: {  	v63 =	vmul.u32 $0x5, v62;
	v53 =	vld [tilespmem:s0+$0xFFFFFFD0]  }
0x6e: {  	v27 =	vadd.s32 v41, v27;
	v41 =	vld [tilespmem:s6+$0x8200]  }
0x6f: {  	v46 =	vadd.s32 v46, v63;
	v3 =	vld.idx.msk [tilespmem:v3+s3+$0x0], $0xffff  }
0x70: {  	v60 =	vmul.u32 $0x5, v60;
	v4 =	vld.idx.msk [tilespmem:v4+s3+$0x0], $0xffff  }
0x71: {  	v5 =	vld.idx.msk [tilespmem:v5+s3+$0x0], $0xffff  }
0x72: {  	v34 =	vadd.s32 v34, v60;
	v6 =	vld.idx.msk [tilespmem:v6+s3+$0x0], $0xffff  }
0x73: {  	v58 =	vmul.u32 $0x5, v59;
	v59 =	vld.idx.msk [tilespmem:v49+s3+$0x0], $0xffff  }
0x74: {  	v13 =	vmul.u32 $0x5, v13;
	v46 =	vld.idx.msk [tilespmem:v46+s3+$0x0], $0xffff  }
0x75: {  	v7 =	vld.idx.msk [tilespmem:v7+s3+$0x0], $0xffff  }
0x76: {  	v13 =	vadd.s32 v35, v13;
	v2 =	vld.idx.msk [tilespmem:v2+s3+$0x0], $0xffff  }
0x77: {  	v63 =	vld.idx.msk [tilespmem:v34+s3+$0x0], $0xffff  }
0x78: {  	v34 =	vld [tilespmem:s0+$0xA0]  }
0x79: {  	v49 =	vld [tilespmem:s0+$0xFFFFFFA0]  }
0x7a: {  	v14 =	vld.idx.msk [tilespmem:v14+s3+$0x0], $0xffff;
	v61 =	vmul.u32 $0x5, v61  }
0x7b: {  	v36 =	vadd.s32 v36, v58;
	v15 =	vmul.u32 $0x5, v15;
	v16 =	vmul.u32 $0x5, v16;
	v13 =	vld.idx.msk [tilespmem:v13+s3+$0x0], $0xffff  }
0x7c: {  	v9 =	vmul.u32 $0x5, v9;
	v10 =	vld.idx.msk [tilespmem:v10+s3+$0x0], $0xffff;
	v35 =	vadd.s32 v40, v61  }
0x7d: {  	v12 =	vmul.u32 $0x5, v12;
	v15 =	vadd.s32 v39, v15;
	v16 =	vadd.s32 v33, v16;
	v39 =	vld [tilespmem:s0+$0x20]  }
0x7e: {  	v9 =	vadd.s32 v42, v9;
	v33 =	vld [tilespmem:s0+$0x30]  }
0x7f: {  	v12 =	vadd.s32 v28, v12;
	v28 =	vmul.u32 $0x5, v55;
	v42 =	vld [tilespmem:s6+$0x8180]  }
0x80: {  	v62 =	vld.idx.msk [tilespmem:v36+s3+$0x0], $0xffff;
	v2 =	vadd.f32 v2, v31  }
0x81: {  	v26 =	vadd.s32 v26, v28;
	v0 =	vadd.f32 v0, v29;
	v28 =	vadd.f32 v46, v32;
	v31 =	vld.idx.msk [tilespmem:v35+s3+$0x0], $0xffff  }
0x82: {  	v7 =	vadd.f32 v7, v30;
	v16 =	vld.idx.msk [tilespmem:v16+s3+$0x0], $0xffff;
	v1 =	vadd.f32 v1, v2  }
0x83: {  	v0 =	vadd.f32 v6, v0;
	v2 =	vld.idx.msk [tilespmem:v9+s3+$0x0], $0xffff;
	v4 =	vadd.f32 v4, v28  }
0x84: {  	v5 =	vadd.f32 v5, v7;
	v7 =	vld.idx.msk [tilespmem:v12+s3+$0x0], $0xffff;
	v1 =	vadd.f32 v59, v1  }
0x85: {  	v6 =	vld.idx.msk [tilespmem:v11+s3+$0x0], $0xffff;
	v0 =	vadd.f32 v3, v0;
	v4 =	vadd.f32 v57, v4  }
0x86: {  	v5 =	vadd.f32 v8, v5;
	v8 =	vld.idx.msk [tilespmem:v26+s3+$0x0], $0xffff;
	v1 =	vadd.f32 v31, v1  }
0x87: {  	v3 =	vld.idx.msk [tilespmem:v27+s3+$0x0], $0xffff;
	v4 =	vadd.f32 v10, v4;
	v0 =	vadd.f32 v16, v0  }
0x88: {  	v36 =	vld [tilespmem:s0+$0x90];
	v1 =	vadd.f32 v2, v1  }
0x89: {  	v40 =	vld [tilespmem:s0+$0x0];
	v0 =	vadd.f32 v7, v0;
	v2 =	vadd.f32 v14, v4  }
0x8a: {  	v15 =	vld.idx.msk [tilespmem:v15+s3+$0x0], $0xffff;
	v1 =	vadd.f32 v6, v1  }
0x8b: {  	v29 =	vadd.f32 v8, v0;
	v0 =	vmov s1;
	v32 =	vadd.f32 v62, v2;
	v2 =	vld [tilespmem:$0x1FF30]  }
0x8c: {  	v46 =	vld [tilespmem:s0+$0xFFFFFF50];
	v31 =	vadd.f32 v3, v1;
	v1 =	vshll.u32 v0, $0x8  }
0x8d: {  	v58 =	vshll.u32 v0, $0x7;
	v57 =	vand.u32 $0x3800, v1;
	v1 =	vld [tilespmem:$0x1FF00]  }
0x8e: {  	v28 =	vld [tilespmem:s0+$0x70];
	v0 =	vand.u32 $0x300, v58  }
0x8f: {  	v12 =	vld [tilespmem:$0x1FFA0];
	v5 =	vadd.f32 v15, v5;
	v0 =	vor.u32 v0, v57  }
0x90: {  	v10 =	vld [tilespmem:$0x1FF90];
	v2 =	vor.u32 v2, v0  }
0x91: {  	v7 =	vld [tilespmem:$0x1FF70];
	v4 =	vadd.f32 v13, v5  }
0x92: {  	v5 =	vld [tilespmem:$0x1FF10];
	v1 =	vor.u32 v1, v0  }
0x93: {  	v30 =	vadd.f32 v63, v4;
	v4 =	vld [tilespmem:$0x1FF20]  }
0x94: {  	v6 =	vld [tilespmem:$0x1FF40]  }
0x95: {  	v8 =	vld.idx.msk [tilespmem:v2+s23+$0x0], $0xffff  }
0x96: {  	v2 =	vld [tilespmem:$0x1FF80]  }
0x97: {  	v63 =	vld.idx.msk [tilespmem:v1+s23+$0x0], $0xffff  }
0x98: {  	v4 =	vor.u32 v4, v0;
	v1 =	vld [tilespmem:$0x1FF60]  }
0x99: {  	v3 =	vld [tilespmem:$0x1FF50]  }
0x9a: {  	v27 =	vld [tilespmem:s0+$0x80];
	v5 =	vor.u32 v5, v0  }
0x9b: {  	v26 =	vld [tilespmem:s0+$0xB0];
	v2 =	vor.u32 v2, v0  }
0x9c: {  	v35 =	vld [tilespmem:s0+$0x60];
	v13 =	vlaneseq.u32;
	v6 =	vor.u32 v6, v0  }
0x9d: {  	v7 =	vor.u32 v7, v0;
	v10 =	vor.u32 v10, v0;
	v4 =	vld.idx.msk [tilespmem:v4+s23+$0x0], $0xffff;
	v1 =	vor.u32 v1, v0  }
0x9e: {  	s6 =	sadd.s32 $0x1, s1;
	v12 =	vor.u32 v12, v0;
	v13 =	vor.u32 v13, v0;
	v3 =	vor.u32 v3, v0;
	v0 =	vld [tilespmem:$0x1FFF0]  }
0x9f: {  	v9 =	vmov s6;
	v5 =	vld.idx.msk [tilespmem:v5+s23+$0x0], $0xffff  }
0xa0: {  	v11 =	vshll.u32 v9, $0x8;
	v9 =	vshll.u32 v9, $0x7;
	v62 =	vld.idx.msk [tilespmem:v2+s23+$0x0], $0xffff  }
0xa1: {  	v11 =	vand.u32 $0x3800, v11;
	v9 =	vand.u32 $0x380, v9;
	v2 =	vld [tilespmem:$0x1FFD0]  }
0xa2: {  	v9 =	vor.u32 v9, v11;
	v61 =	vld.idx.msk [tilespmem:v1+s23+$0x0], $0xffff  }
0xa3: {  	v11 =	vor.u32 v0, v9;
	v0 =	vld [tilespmem:$0x1FFB0]  }
0xa4: {  	v1 =	vld [tilespmem:$0x1FFC0]  }
0xa5: {  	v6 =	vld.idx.msk [tilespmem:v6+s23+$0x0], $0xffff  }
0xa6: {  	v7 =	vld.idx.msk [tilespmem:v7+s23+$0x0], $0xffff  }
0xa7: {  	v3 =	vld.idx.msk [tilespmem:v3+s23+$0x0], $0xffff  }
0xa8: {  	v16 =	vor.u32 v2, v9;
	v15 =	vor.u32 v0, v9;
	v0 =	vld.idx.msk [tilespmem:v10+s23+$0x0], $0xffff  }
0xa9: {  	v10 =	vor.u32 v1, v9;
	v1 =	vld.idx.msk [tilespmem:v12+s23+$0x0], $0xffff  }
0xaa: {  	p0 =	sne.s32 s1, $0x3E;
	v12 =	vld [tilespmem:$0x1FFE0]  }
.Ltmp0:
0xab: {  	v2 =	vld.idx.msk [tilespmem:v13+s23+$0x0], $0xffff;
	(pc) =	sbr.rel @p0 .LBB2_2-.Ltmp0, $4  }
0xac: {  	v59 =	vld.idx.msk [tilespmem:v11+s23+$0x0], $0xffff  }
0xad: {  	v54 =	vld.idx.msk [tilespmem:v16+s23+$0x0], $0xffff  }
0xae: {  	v13 =	vor.u32 v20, v9;
	v11 =	vor.u32 v19, v9;
	v60 =	vld.idx.msk [tilespmem:v15+s23+$0x0], $0xffff  }
0xaf: {  	s1 =	sadd.s32 $0x2, s1;
	v14 =	vor.u32 v12, v9;
	v12 =	vor.u32 v21, v9;
	v55 =	vld.idx.msk [tilespmem:v10+s23+$0x0], $0xffff;
	v10 =	vor.u32 v24, v9  }
0xb0: {  	v3 =	vmul.u32 $0x5, v3  }
0xb1: {  	v15 =	vor.u32 v17, v58;
	v58 =	vor.u32 v25, v9  }
0xb2: {  	v63 =	vmul.u32 $0x5, v63;
	v3 =	vadd.s32 v50, v3  }
0xb3: {  	v8 =	vmul.u32 $0x5, v8  }
0xb4: {  	v53 =	vadd.s32 v53, v63  }
0xb5: {  	v59 =	vmul.u32 $0x5, v59;
	v8 =	vadd.s32 v52, v8  }
0xb6: {  	v50 =	vld.idx.msk [tilespmem:v58+s23+$0x0], $0xffff  }
0xb7: {  	v36 =	vadd.s32 v36, v59;
	v58 =	vmul.u32 $0x5, v0;
	v0 =	vld.idx.msk [tilespmem:v3+s3+$0x0], $0xffff  }
0xb8: {  	v14 =	vld.idx.msk [tilespmem:v14+s23+$0x0], $0xffff;
	v61 =	vmul.u32 $0x5, v61;
	v63 =	vmul.u32 $0x5, v62  }
0xb9: {  	v16 =	vor.u32 v23, v9;
	v52 =	vld.idx.msk [tilespmem:v53+s3+$0x0], $0xffff  }
0xba: {  	v53 =	vadd.s32 v56, v61;
	v56 =	vld.idx.msk [tilespmem:v8+s3+$0x0], $0xffff;
	v8 =	vadd.s32 v46, v63;
	v63 =	vmul.u32 $0x5, v60  }
0xbb: {  	v13 =	vld.idx.msk [tilespmem:v13+s23+$0x0], $0xffff  }
0xbc: {  	v1 =	vmul.u32 $0x5, v1;
	v34 =	vadd.s32 v34, v63;
	[tilespmem:$0x1FE80] =	vst v0;
	v0 =	vld.idx.msk [tilespmem:v36+s3+$0x0], $0xffff  }
0xbd: {  	v9 =	vor.u32 v18, v9;
	v12 =	vld.idx.msk [tilespmem:v12+s23+$0x0], $0xffff;
	v4 =	vmul.u32 $0x5, v4  }
0xbe: {  	v5 =	vmul.u32 $0x5, v5;
	v1 =	vadd.s32 v44, v1;
	v16 =	vld.idx.msk [tilespmem:v16+s23+$0x0], $0xffff  }
0xbf: {  	v11 =	vld.idx.msk [tilespmem:v11+s23+$0x0], $0xffff;
	v4 =	vadd.s32 v51, v4;
	v14 =	vmul.u32 $0x5, v14  }
0xc0: {  	v10 =	vld.idx.msk [tilespmem:v10+s23+$0x0], $0xffff;
	v15 =	vand.u32 $0x380, v15;
	v5 =	vadd.s32 v49, v5  }
0xc1: {  	v6 =	vmul.u32 $0x5, v6;
	v15 =	vor.u32 v15, v57;
	v14 =	vadd.s32 v37, v14;
	[tilespmem:$0x1FEC0] =	vst v0;
	v0 =	vld.idx.msk [tilespmem:v34+s3+$0x0], $0xffff  }
0xc2: {  	v2 =	vmul.u32 $0x5, v2;
	v15 =	vor.u32 v22, v15;
	v9 =	vld.idx.msk [tilespmem:v9+s23+$0x0], $0xffff  }
0xc3: {  	v6 =	vadd.s32 v48, v6;
	v59 =	vld.idx.msk [tilespmem:v1+s3+$0x0], $0xffff;
	v1 =	vmul.u32 $0x5, v16  }
0xc4: {  	v2 =	vadd.s32 v43, v2;
	v13 =	vmul.u32 $0x5, v13;
	v62 =	vld.idx.msk [tilespmem:v4+s3+$0x0], $0xffff  }
0xc5: {  	v5 =	vld.idx.msk [tilespmem:v5+s3+$0x0], $0xffff;
	v1 =	vadd.s32 v39, v1  }
0xc6: {  	v13 =	vadd.s32 v35, v13;
	[tilespmem:$0x1FED0] =	vst v0;
	v0 =	vld.idx.msk [tilespmem:v14+s3+$0x0], $0xffff  }
0xc7: {  	v7 =	vmul.u32 $0x5, v7;
	v15 =	vld.idx.msk [tilespmem:v15+s23+$0x0], $0xffff  }
0xc8: {  	v12 =	vmul.u32 $0x5, v12;
	v6 =	vld.idx.msk [tilespmem:v6+s3+$0x0], $0xffff  }
0xc9: {  	v11 =	vmul.u32 $0x5, v11;
	v3 =	vadd.s32 v47, v7;
	v2 =	vld.idx.msk [tilespmem:v2+s3+$0x0], $0xffff  }
0xca: {  	v7 =	vadd.s32 v45, v58;
	v12 =	vadd.s32 v28, v12;
	v28 =	vmul.u32 $0x5, v55;
	v55 =	vld.idx.msk [tilespmem:v1+s3+$0x0], $0xffff  }
0xcb: {  	v16 =	vmul.u32 $0x5, v50;
	v1 =	vadd.s32 v27, v11;
	[tilespmem:$0x1FE90] =	vst v0;
	v0 =	vld.idx.msk [tilespmem:v13+s3+$0x0], $0xffff  }
0xcc: {  	v61 =	vld.idx.msk [tilespmem:v53+s3+$0x0], $0xffff;
	v15 =	vmul.u32 $0x5, v15  }
0xcd: {  	v10 =	vmul.u32 $0x5, v10;
	v8 =	vld.idx.msk [tilespmem:v8+s3+$0x0], $0xffff;
	v16 =	vadd.s32 v33, v16  }
0xce: {  	v3 =	vld.idx.msk [tilespmem:v3+s3+$0x0], $0xffff;
	v15 =	vadd.s32 v40, v15  }
0xcf: {  	v10 =	vadd.s32 v38, v10;
	v7 =	vld.idx.msk [tilespmem:v7+s3+$0x0], $0xffff;
	v11 =	vmul.u32 $0x5, v54  }
0xd0: {  	v26 =	vadd.s32 v26, v28;
	v9 =	vmul.u32 $0x5, v9;
	[tilespmem:$0x1FEA0] =	vst v0;
	v0 =	vld.idx.msk [tilespmem:v1+s3+$0x0], $0xffff  }
0xd1: {  	v12 =	vld.idx.msk [tilespmem:v12+s3+$0x0], $0xffff;
	v11 =	vadd.s32 v41, v11  }
0xd2: {  	v9 =	vadd.s32 v42, v9;
	v16 =	vld.idx.msk [tilespmem:v16+s3+$0x0], $0xffff  }
0xd3: {  	v15 =	vld.idx.msk [tilespmem:v15+s3+$0x0], $0xffff  }
0xd4: {  	v14 =	vld.idx.msk [tilespmem:v10+s3+$0x0], $0xffff  }
0xd5: {  	[tilespmem:$0x1FEB0] =	vst v0;
	v0 =	vld.idx.msk [tilespmem:v26+s3+$0x0], $0xffff  }
0xd6: {  	s1 =	simm.s32 $0x0;
	v11 =	vld.idx.msk [tilespmem:v11+s3+$0x0], $0xffff  }
0xd7: {  	v13 =	vld.idx.msk [tilespmem:v9+s3+$0x0], $0xffff;
	[tilespmem:s23], [sflag:$0x1] =	stream.linear.gather [hbm4b:s8+s1], $0x4000, $0x38  }
0xd8: {  	[tilespmem:$0x1FE70] =	vst v52  }
0xd9: {  	[tilespmem:s24], [sflag:$0x3] =	stream.linear.gather [hbm4b:s9+s1], $0x3200, $0x38;
	[tilespmem:$0xE500] =	vst v63  }
0xda: {  	[tilespmem:$0x1FEE0] =	vst v0  }
0xdb: {  	_ =	swait.ge [sflag:s30], $0x4000  }
0xdc: {  	[sflag:s30] =	ssyncset.done $0x0  }
0xdd: {  	[sflag:s30] =	ssyncadd.s32 $0xFFFFC000  }
0xde: {  	_ =	swait.ge [sflag:s31], $0x3200  }
0xdf: {  	v0 =	vld [tilespmem:$0x1FF00]  }
0xe0: {  	v1 =	vmov s1  }
0xe1: {  	v9 =	vshll.u32 v1, $0x8;
	v58 =	vshll.u32 v1, $0x7  }
0xe2: {  	v57 =	vand.u32 $0x3800, v9;
	v1 =	vand.u32 $0x300, v58  }
0xe3: {  	v4 =	vor.u32 v1, v57  }
0xe4: {  	v1 =	vor.u32 v0, v4;
	v0 =	vld [tilespmem:$0x1FF30];
	_ =	sdelay $0x1  }
0xe5: {  	v3 =	vadd.f32 v3, v30  }
0xe6: {  	v10 =	vld [tilespmem:$0x1FF10]  }
0xe7: {  	v3 =	vadd.f32 v5, v3;
	v5 =	vld [tilespmem:$0x1FF80]  }
0xe8: {  	v9 =	vor.u32 v0, v4;
	v0 =	vld [tilespmem:$0x1FF50];
	_ =	sdelay $0x1  }
0xe9: {  	v7 =	vadd.f32 v7, v29  }
0xea: {  	v2 =	vadd.f32 v2, v31;
	v31 =	vor.u32 v10, v4;
	v10 =	vld [tilespmem:$0x1FF40]  }
0xeb: {  	v6 =	vadd.f32 v6, v7;
	v7 =	vor.u32 v5, v4;
	v5 =	vld [tilespmem:$0x1FF70]  }
0xec: {  	[sflag:s31] =	ssyncset.done $0x0;
	v63 =	vor.u32 v0, v4;
	v0 =	vld [tilespmem:$0x1FF20]  }
0xed: {  	[sflag:s31] =	ssyncadd.s32 $0xFFFFCE00  }
0xee: {  	v60 =	vld.idx.msk [tilespmem:v9+s25+$0x0], $0xffff  }
0xef: {  	v9 =	vld [tilespmem:$0x1FFA0]  }
0xf0: {  	v29 =	vor.u32 v10, v4;
	v10 =	vld [tilespmem:$0x1FF60]  }
0xf1: {  	v8 =	vadd.f32 v8, v32;
	v32 =	vor.u32 v5, v4;
	v5 =	vld [tilespmem:$0x1FF90];
	v0 =	vor.u32 v0, v4  }
0xf2: {  	v2 =	vadd.f32 v59, v2;
	v59 =	vld.idx.msk [tilespmem:v63+s25+$0x0], $0xffff  }
0xf3: {  	v63 =	vld.idx.msk [tilespmem:v31+s25+$0x0], $0xffff  }
0xf4: {  	v31 =	vor.u32 v9, v4;
	v9 =	vld [tilespmem:$0x1FE70]  }
0xf5: {  	s6 =	simm.s32 $0x1  }
0xf6: {  	v8 =	vadd.f32 v62, v8;
	v30 =	vor.u32 v10, v4;
	v62 =	vld.idx.msk [tilespmem:v0+s25+$0x0], $0xffff;
	v0 =	vmov s6  }
0xf7: {  	v10 =	vor.u32 v5, v4;
	v5 =	vshll.u32 v0, $0x8;
	v0 =	vshll.u32 v0, $0x7  }
0xf8: {  	v5 =	vand.u32 $0x3800, v5;
	v0 =	vand.u32 $0x380, v0  }
0xf9: {  	v8 =	vadd.f32 v9, v8;
	v9 =	vor.u32 v0, v5;
	v0 =	vlaneseq.u32  }
0xfa: {  	v0 =	vor.u32 v0, v4;
	v4 =	vld [tilespmem:$0x1FE80]  }
0xfb: {  	s0 =	simm.s32 $0xB340  }
0xfc: {  	v36 =	vld [tilespmem:s0+$0x90]  }
0xfd: {  	v34 =	vld [tilespmem:s0+$0xA0]  }
0xfe: {  	v26 =	vld [tilespmem:s0+$0xB0]  }
0xff: {  	v37 =	vld [tilespmem:s0+$0x50];
	v4 =	vadd.f32 v4, v6  }
0x100: {  	v35 =	vld [tilespmem:s0+$0x60]  }
0x101: {  	v16 =	vadd.f32 v16, v4;
	v4 =	vld [tilespmem:$0x1FFC0]  }
0x102: {  	v28 =	vld [tilespmem:s0+$0x70]  }
0x103: {  	v2 =	vadd.f32 v61, v2;
	v3 =	vadd.f32 v56, v3;
	v27 =	vld [tilespmem:s0+$0x80]  }
0x104: {  	v38 =	vld [tilespmem:s0+$0x10]  }
0x105: {  	v2 =	vadd.f32 v15, v2;
	v15 =	vadd.f32 v55, v3;
	v3 =	vld.idx.msk [tilespmem:v10+s25+$0x0], $0xffff  }
0x106: {  	v10 =	vor.u32 v4, v9;
	v4 =	vld [tilespmem:$0x1FE90]  }
0x107: {  	v39 =	vld [tilespmem:s0+$0x20]  }
0x108: {  	v33 =	vld [tilespmem:s0+$0x30]  }
0x109: {  	v53 =	vld [tilespmem:s0+$0xFFFFFFD0];
	v8 =	vadd.f32 v14, v8  }
0x10a: {  	v52 =	vld [tilespmem:s0+$0xFFFFFFE0]  }
0x10b: {  	v2 =	vadd.f32 v13, v2;
	v13 =	vadd.f32 v4, v8;
	v8 =	vld [tilespmem:$0x1FFD0]  }
0x10c: {  	v50 =	vld [tilespmem:s0+$0xFFFFFFF0]  }
0x10d: {  	v40 =	vld [tilespmem:s0+$0x0]  }
0x10e: {  	v51 =	vld [tilespmem:s0+$0xFFFFFF90]  }
0x10f: {  	v49 =	vld [tilespmem:s0+$0xFFFFFFA0]  }
0x110: {  	v56 =	vor.u32 v8, v9;
	v8 =	vld [tilespmem:$0x1FEA0]  }
0x111: {  	v48 =	vld [tilespmem:s0+$0xFFFFFFB0]  }
0x112: {  	v46 =	vld [tilespmem:s0+$0xFFFFFF50]  }
0x113: {  	v47 =	vld [tilespmem:s0+$0xFFFFFF60]  }
0x114: {  	v45 =	vld [tilespmem:s0+$0xFFFFFF70]  }
0x115: {  	v15 =	vadd.f32 v8, v15;
	v8 =	vld.idx.msk [tilespmem:v0+s25+$0x0], $0xffff  }
0x116: {  	v0 =	vld [tilespmem:$0x1FEB0]  }
0x117: {  	v44 =	vld [tilespmem:s0+$0xFFFFFF80]  }
0x118: {  	s4 =	sand.u32 $0x3FF0, s1;
	v43 =	vld [tilespmem:s0+$0xFFFFFF40]  }
0x119: {  	v41 =	vld [tilespmem:s4+$0xB400]  }
0x11a: {  	v42 =	vld [tilespmem:s4+$0xB380]  }
0x11b: {  	v12 =	vadd.f32 v12, v16;
	v16 =	vadd.f32 v0, v2;
	v0 =	vld [tilespmem:$0x1FEC0]  }
0x11c: {  	v14 =	vld [tilespmem:$0x1FFB0]  }
0x11d: {  	v6 =	vld.idx.msk [tilespmem:v7+s25+$0x0], $0xffff  }
0x11e: {  	v7 =	vld [tilespmem:$0x1FFF0]  }
0x11f: {  	v4 =	vld.idx.msk [tilespmem:v31+s25+$0x0], $0xffff  }
0x120: {  	v31 =	vadd.f32 v0, v13;
	v0 =	vld [tilespmem:$0x1FED0]  }
0x121: {  	v61 =	vld.idx.msk [tilespmem:v29+s25+$0x0], $0xffff  }
0x122: {  	v5 =	vld.idx.msk [tilespmem:v30+s25+$0x0], $0xffff  }
0x123: {  	v29 =	vor.u32 v7, v9;
	v7 =	vld.idx.msk [tilespmem:v32+s25+$0x0], $0xffff  }
0x124: {  	v32 =	vadd.f32 v11, v16;
	v11 =	vld [tilespmem:$0x1FFE0]  }
0x125: {  	v14 =	vor.u32 v14, v9;
	v30 =	vadd.f32 v0, v15;
	v0 =	vld [tilespmem:$0x1FEE0]  }
0x126: {  	v54 =	vld [tilespmem:s4+$0xB300]  }
0x127: {  	v1 =	vld.idx.msk [tilespmem:v1+s25+$0x0], $0xffff  }
0x128: {  	v55 =	vld.idx.msk [tilespmem:v10+s25+$0x0], $0xffff  }
0x129: {  	v2 =	vld.idx.msk [tilespmem:v29+s25+$0x0], $0xffff  }
0x12a: {  	v10 =	vor.u32 v24, v9;
	v29 =	vadd.f32 v0, v12;
	v0 =	vld.idx.msk [tilespmem:v14+s25+$0x0], $0xffff;
	v14 =	vor.u32 v11, v9  }
0x12b: {  	s4 =	simm.s32 $0x2;
	v56 =	vld.idx.msk [tilespmem:v56+s25+$0x0], $0xffff;
	v13 =	vor.u32 v20, v9;
	v12 =	vor.u32 v21, v9;
	v11 =	vor.u32 v19, v9  }
.LBB2_4:
0x12c: {  	_ =	sdelay $0x2  }
0x12d: {  	v14 =	vld.idx.msk [tilespmem:v14+s25+$0x0], $0xffff  }
0x12e: {  	v13 =	vld.idx.msk [tilespmem:v13+s25+$0x0], $0xffff  }
0x12f: {  	v12 =	vld.idx.msk [tilespmem:v12+s25+$0x0], $0xffff  }
0x130: {  	v11 =	vld.idx.msk [tilespmem:v11+s25+$0x0], $0xffff;
	v5 =	vmul.u32 $0x5, v5;
	s1 =	sadd.s32 $0x190, s1  }
0x131: {  	v15 =	vor.u32 v17, v58;
	v16 =	vor.u32 v23, v9;
	v10 =	vld.idx.msk [tilespmem:v10+s25+$0x0], $0xffff;
	v6 =	vmul.u32 $0x5, v6;
	s6 =	sand.u32 $0x3FF0, s1  }
0x132: {  	v58 =	vor.u32 v25, v9;
	v7 =	vmul.u32 $0x5, v7;
	s0 =	sadd.s32 $0x190, s0;
	v5 =	vadd.s32 v54, v5;
	v54 =	vld [tilespmem:s6+$0xB300]  }
0x133: {  	v9 =	vor.u32 v18, v9;
	v3 =	vmul.u32 $0x5, v3;
	v6 =	vadd.s32 v46, v6;
	v46 =	vld [tilespmem:s0+$0xFFFFFF50]  }
0x134: {  	v8 =	vmul.u32 $0x5, v8;
	v7 =	vadd.s32 v47, v7;
	v47 =	vld [tilespmem:s0+$0xFFFFFF60]  }
0x135: {  	v3 =	vadd.s32 v45, v3;
	v45 =	vld [tilespmem:s0+$0xFFFFFF70]  }
0x136: {  	v8 =	vadd.s32 v43, v8;
	v43 =	vld [tilespmem:s0+$0xFFFFFF40]  }
0x137: {  	v15 =	vand.u32 $0x380, v15;
	v2 =	vmul.u32 $0x5, v2;
	v16 =	vld.idx.msk [tilespmem:v16+s25+$0x0], $0xffff  }
0x138: {  	v15 =	vor.u32 v15, v57;
	v57 =	vmul.u32 $0x5, v60;
	v0 =	vmul.u32 $0x5, v0;
	v9 =	vld.idx.msk [tilespmem:v9+s25+$0x0], $0xffff  }
0x139: {  	v60 =	vmul.u32 $0x5, v62;
	v4 =	vmul.u32 $0x5, v4;
	v2 =	vadd.s32 v36, v2;
	v36 =	vld [tilespmem:s0+$0x90]  }
0x13a: {  	v62 =	vmul.u32 $0x5, v63;
	v63 =	vmul.u32 $0x5, v61;
	v0 =	vadd.s32 v34, v0;
	v34 =	vld [tilespmem:s0+$0xA0]  }
0x13b: {  	v15 =	vor.u32 v22, v15;
	v14 =	vmul.u32 $0x5, v14;
	v4 =	vadd.s32 v44, v4;
	v44 =	vld [tilespmem:s0+$0xFFFFFF80]  }
0x13c: {  	v1 =	vmul.u32 $0x5, v1;
	v52 =	vadd.s32 v52, v57;
	v13 =	vmul.u32 $0x5, v13;
	v5 =	vld.idx.msk [tilespmem:v5+s3+$0x0], $0xffff  }
0x13d: {  	v51 =	vadd.s32 v51, v60;
	v10 =	vmul.u32 $0x5, v10;
	v14 =	vadd.s32 v37, v14;
	v37 =	vld [tilespmem:s0+$0x50]  }
0x13e: {  	v1 =	vadd.s32 v53, v1;
	v53 =	vmul.u32 $0x5, v59;
	v13 =	vadd.s32 v35, v13;
	v35 =	vld [tilespmem:s0+$0x60]  }
0x13f: {  	v49 =	vadd.s32 v49, v62;
	v10 =	vadd.s32 v38, v10;
	v38 =	vld [tilespmem:s0+$0x10]  }
0x140: {  	v48 =	vadd.s32 v48, v63;
	v50 =	vadd.s32 v50, v53;
	v53 =	vld.idx.msk [tilespmem:v58+s25+$0x0], $0xffff  }
0x141: {  	v15 =	vld.idx.msk [tilespmem:v15+s25+$0x0], $0xffff  }
0x142: {  	v52 =	vld.idx.msk [tilespmem:v52+s3+$0x0], $0xffff  }
0x143: {  	v60 =	vld.idx.msk [tilespmem:v51+s3+$0x0], $0xffff  }
0x144: {  	v61 =	vld.idx.msk [tilespmem:v49+s3+$0x0], $0xffff  }
0x145: {  	v62 =	vld.idx.msk [tilespmem:v48+s3+$0x0], $0xffff  }
0x146: {  	v6 =	vld.idx.msk [tilespmem:v6+s3+$0x0], $0xffff  }
0x147: {  	v7 =	vld.idx.msk [tilespmem:v7+s3+$0x0], $0xffff  }
0x148: {  	v3 =	vld.idx.msk [tilespmem:v3+s3+$0x0], $0xffff  }
0x149: {  	v11 =	vmul.u32 $0x5, v11;
	v8 =	vld.idx.msk [tilespmem:v8+s3+$0x0], $0xffff  }
0x14a: {  	v51 =	vld [tilespmem:s0+$0xFFFFFF90]  }
0x14b: {  	v11 =	vadd.s32 v27, v11;
	v27 =	vmul.u32 $0x5, v56;
	v49 =	vld [tilespmem:s0+$0xFFFFFFA0]  }
0x14c: {  	v48 =	vld [tilespmem:s0+$0xFFFFFFB0]  }
0x14d: {  	v27 =	vadd.s32 v41, v27;
	v41 =	vld [tilespmem:s6+$0xB400]  }
0x14e: {  	v16 =	vmul.u32 $0x5, v16;
	v1 =	vld.idx.msk [tilespmem:v1+s3+$0x0], $0xffff  }
0x14f: {  	v4 =	vld.idx.msk [tilespmem:v4+s3+$0x0], $0xffff;
	v63 =	vmul.u32 $0x5, v53  }
0x150: {  	v9 =	vmul.u32 $0x5, v9;
	v2 =	vld.idx.msk [tilespmem:v2+s3+$0x0], $0xffff;
	v16 =	vadd.s32 v39, v16  }
0x151: {  	v12 =	vmul.u32 $0x5, v12;
	v0 =	vld.idx.msk [tilespmem:v0+s3+$0x0], $0xffff;
	v33 =	vadd.s32 v33, v63  }
0x152: {  	v14 =	vld.idx.msk [tilespmem:v14+s3+$0x0], $0xffff;
	v9 =	vadd.s32 v42, v9  }
0x153: {  	v12 =	vadd.s32 v28, v12;
	v28 =	vmul.u32 $0x5, v55;
	v10 =	vld.idx.msk [tilespmem:v10+s3+$0x0], $0xffff  }
0x154: {  	v59 =	vld.idx.msk [tilespmem:v50+s3+$0x0], $0xffff;
	v15 =	vmul.u32 $0x5, v15  }
0x155: {  	v26 =	vadd.s32 v26, v28;
	v8 =	vadd.f32 v8, v32;
	v3 =	vadd.f32 v3, v29;
	v16 =	vld.idx.msk [tilespmem:v16+s3+$0x0], $0xffff  }
0x156: {  	v6 =	vadd.f32 v6, v31;
	v7 =	vadd.f32 v7, v30;
	v15 =	vadd.s32 v40, v15;
	v28 =	vld.idx.msk [tilespmem:v33+s3+$0x0], $0xffff  }
0x157: {  	v4 =	vadd.f32 v4, v8;
	v3 =	vadd.f32 v62, v3;
	v8 =	vld.idx.msk [tilespmem:v9+s3+$0x0], $0xffff  }
0x158: {  	v6 =	vadd.f32 v60, v6;
	v7 =	vadd.f32 v61, v7;
	v9 =	vld.idx.msk [tilespmem:v12+s3+$0x0], $0xffff  }
0x159: {  	v13 =	vld.idx.msk [tilespmem:v13+s3+$0x0], $0xffff;
	v3 =	vadd.f32 v59, v3  }
0x15a: {  	v1 =	vadd.f32 v1, v6;
	v6 =	vadd.f32 v52, v7;
	v7 =	vld.idx.msk [tilespmem:v26+s3+$0x0], $0xffff  }
0x15b: {  	v15 =	vld.idx.msk [tilespmem:v15+s3+$0x0], $0xffff;
	v3 =	vadd.f32 v28, v3  }
0x15c: {  	v39 =	vld [tilespmem:s0+$0x20];
	v6 =	vadd.f32 v16, v6  }
0x15d: {  	v42 =	vld [tilespmem:s6+$0xB380];
	v1 =	vadd.f32 v10, v1;
	v3 =	vadd.f32 v9, v3  }
0x15e: {  	v4 =	vadd.f32 v5, v4;
	v5 =	vld.idx.msk [tilespmem:v11+s3+$0x0], $0xffff;
	v6 =	vadd.f32 v13, v6  }
0x15f: {  	v1 =	vadd.f32 v14, v1;
	v29 =	vadd.f32 v7, v3;
	v3 =	vld [tilespmem:$0x1FF50]  }
0x160: {  	v53 =	vld [tilespmem:s0+$0xFFFFFFD0];
	v4 =	vadd.f32 v15, v4;
	v30 =	vadd.f32 v0, v6;
	v0 =	vmov s4  }
0x161: {  	v11 =	vld.idx.msk [tilespmem:v27+s3+$0x0], $0xffff;
	v31 =	vadd.f32 v2, v1;
	v1 =	vshll.u32 v0, $0x8;
	v58 =	vshll.u32 v0, $0x7  }
0x162: {  	v50 =	vld [tilespmem:s0+$0xFFFFFFF0];
	v4 =	vadd.f32 v8, v4;
	v57 =	vand.u32 $0x3800, v1;
	v0 =	vand.u32 $0x300, v58  }
0x163: {  	v2 =	vld [tilespmem:$0x1FF30];
	v0 =	vor.u32 v0, v57  }
0x164: {  	v6 =	vld [tilespmem:$0x1FF40];
	v4 =	vadd.f32 v5, v4;
	v3 =	vor.u32 v3, v0  }
0x165: {  	v8 =	vld [tilespmem:$0x1FF90]  }
0x166: {  	v32 =	vadd.f32 v11, v4;
	v4 =	vld [tilespmem:$0x1FF20]  }
0x167: {  	v5 =	vld [tilespmem:$0x1FF10]  }
0x168: {  	v7 =	vld [tilespmem:$0x1FF60];
	v2 =	vor.u32 v2, v0  }
0x169: {  	v59 =	vld.idx.msk [tilespmem:v3+s25+$0x0], $0xffff  }
0x16a: {  	v3 =	vld [tilespmem:$0x1FF70]  }
0x16b: {  	v9 =	vld [tilespmem:$0x1FFA0];
	v4 =	vor.u32 v4, v0  }
0x16c: {  	v1 =	vld [tilespmem:$0x1FF00];
	v5 =	vor.u32 v5, v0  }
0x16d: {  	v6 =	vor.u32 v6, v0;
	v60 =	vld.idx.msk [tilespmem:v2+s25+$0x0], $0xffff  }
0x16e: {  	v7 =	vor.u32 v7, v0;
	v2 =	vld [tilespmem:$0x1FF80]  }
0x16f: {  	s6 =	sadd.s32 $0x1, s4;
	v40 =	vld [tilespmem:s0+$0x0];
	v3 =	vor.u32 v3, v0  }
0x170: {  	v62 =	vld.idx.msk [tilespmem:v4+s25+$0x0], $0xffff;
	v4 =	vmov s6  }
0x171: {  	v8 =	vor.u32 v8, v0;
	v63 =	vld.idx.msk [tilespmem:v5+s25+$0x0], $0xffff;
	v5 =	vshll.u32 v4, $0x8  }
0x172: {  	v10 =	vor.u32 v9, v0;
	v61 =	vld.idx.msk [tilespmem:v6+s25+$0x0], $0xffff;
	v6 =	vand.u32 $0x3800, v5;
	v5 =	vlaneseq.u32  }
0x173: {  	v1 =	vor.u32 v1, v0;
	v2 =	vor.u32 v2, v0;
	v0 =	vor.u32 v5, v0;
	v5 =	vld.idx.msk [tilespmem:v7+s25+$0x0], $0xffff  }
0x174: {  	v7 =	vld.idx.msk [tilespmem:v3+s25+$0x0], $0xffff  }
0x175: {  	v4 =	vshll.u32 v4, $0x7;
	v3 =	vld [tilespmem:$0x1FFB0]  }
0x176: {  	v26 =	vld [tilespmem:s0+$0xB0];
	v4 =	vand.u32 $0x380, v4  }
0x177: {  	v9 =	vor.u32 v4, v6;
	v4 =	vld [tilespmem:$0x1FFC0]  }
0x178: {  	v6 =	vld.idx.msk [tilespmem:v2+s25+$0x0], $0xffff  }
0x179: {  	v2 =	vld [tilespmem:$0x1FFF0]  }
0x17a: {  	v11 =	vor.u32 v3, v9;
	v3 =	vld.idx.msk [tilespmem:v8+s25+$0x0], $0xffff  }
0x17b: {  	v8 =	vld [tilespmem:$0x1FFD0]  }
0x17c: {  	v27 =	vld [tilespmem:s0+$0x80]  }
0x17d: {  	v52 =	vld [tilespmem:s0+$0xFFFFFFE0]  }
0x17e: {  	v33 =	vld [tilespmem:s0+$0x30]  }
0x17f: {  	v28 =	vld [tilespmem:s0+$0x70];
	v15 =	vor.u32 v4, v9  }
0x180: {  	v2 =	vor.u32 v2, v9;
	v16 =	vor.u32 v8, v9;
	v8 =	vld.idx.msk [tilespmem:v0+s25+$0x0], $0xffff  }
0x181: {  	v0 =	vld [tilespmem:$0x1FFE0]  }
0x182: {  	p0 =	sne.s32 s4, $0x3E;
	v1 =	vld.idx.msk [tilespmem:v1+s25+$0x0], $0xffff  }
.Ltmp1:
0x183: {  	v4 =	vld.idx.msk [tilespmem:v10+s25+$0x0], $0xffff;
	(pc) =	sbr.rel @p0 .LBB2_4-.Ltmp1, $4  }
0x184: {  	v55 =	vld.idx.msk [tilespmem:v15+s25+$0x0], $0xffff  }
0x185: {  	v2 =	vld.idx.msk [tilespmem:v2+s25+$0x0], $0xffff  }
0x186: {  	v13 =	vor.u32 v20, v9;
	v14 =	vor.u32 v0, v9;
	v0 =	vld.idx.msk [tilespmem:v11+s25+$0x0], $0xffff  }
0x187: {  	s4 =	sadd.s32 $0x2, s4;
	v12 =	vor.u32 v21, v9;
	v10 =	vor.u32 v24, v9;
	v11 =	vor.u32 v19, v9;
	v56 =	vld.idx.msk [tilespmem:v16+s25+$0x0], $0xffff  }
0x188: {  	_ =	sdelay $0x3  }
0x189: {  	v16 =	vor.u32 v23, v9;
	v14 =	vld.idx.msk [tilespmem:v14+s25+$0x0], $0xffff  }
0x18a: {  	v15 =	vor.u32 v17, v58;
	v58 =	vor.u32 v25, v9;
	v13 =	vld.idx.msk [tilespmem:v13+s25+$0x0], $0xffff;
	v1 =	vmul.u32 $0x5, v1  }
0x18b: {  	v9 =	vor.u32 v18, v9;
	v12 =	vld.idx.msk [tilespmem:v12+s25+$0x0], $0xffff;
	v62 =	vmul.u32 $0x5, v62  }
0x18c: {  	v11 =	vld.idx.msk [tilespmem:v11+s25+$0x0], $0xffff;
	v5 =	vmul.u32 $0x5, v5;
	v1 =	vadd.s32 v53, v1  }
0x18d: {  	v10 =	vld.idx.msk [tilespmem:v10+s25+$0x0], $0xffff;
	v6 =	vmul.u32 $0x5, v6;
	v53 =	vmul.u32 $0x5, v59;
	v51 =	vadd.s32 v51, v62  }
0x18e: {  	v3 =	vmul.u32 $0x5, v3;
	v5 =	vadd.s32 v54, v5;
	v16 =	vld.idx.msk [tilespmem:v16+s25+$0x0], $0xffff  }
0x18f: {  	v4 =	vmul.u32 $0x5, v4;
	v6 =	vadd.s32 v46, v6;
	v50 =	vadd.s32 v50, v53;
	v53 =	vld.idx.msk [tilespmem:v58+s25+$0x0], $0xffff  }
0x190: {  	v8 =	vmul.u32 $0x5, v8;
	v15 =	vand.u32 $0x380, v15;
	v3 =	vadd.s32 v45, v3;
	v9 =	vld.idx.msk [tilespmem:v9+s25+$0x0], $0xffff  }
0x191: {  	v60 =	vmul.u32 $0x5, v60;
	v15 =	vor.u32 v15, v57;
	v4 =	vadd.s32 v44, v4;
	v1 =	vld.idx.msk [tilespmem:v1+s3+$0x0], $0xffff  }
0x192: {  	v62 =	vmul.u32 $0x5, v61;
	v8 =	vadd.s32 v43, v8;
	v0 =	vmul.u32 $0x5, v0;
	v61 =	vld.idx.msk [tilespmem:v51+s3+$0x0], $0xffff  }
0x193: {  	v2 =	vmul.u32 $0x5, v2;
	v15 =	vor.u32 v22, v15;
	v5 =	vld.idx.msk [tilespmem:v5+s3+$0x0], $0xffff  }
0x194: {  	v52 =	vadd.s32 v52, v60;
	v60 =	vmul.u32 $0x5, v63;
	v0 =	vadd.s32 v34, v0;
	v6 =	vld.idx.msk [tilespmem:v6+s3+$0x0], $0xffff  }
0x195: {  	v2 =	vadd.s32 v36, v2;
	v3 =	vld.idx.msk [tilespmem:v3+s3+$0x0], $0xffff  }
0x196: {  	v49 =	vadd.s32 v49, v60;
	v4 =	vld.idx.msk [tilespmem:v4+s3+$0x0], $0xffff  }
0x197: {  	v48 =	vadd.s32 v48, v62;
	v12 =	vmul.u32 $0x5, v12;
	v8 =	vld.idx.msk [tilespmem:v8+s3+$0x0], $0xffff  }
0x198: {  	v14 =	vmul.u32 $0x5, v14;
	v15 =	vld.idx.msk [tilespmem:v15+s25+$0x0], $0xffff  }
0x199: {  	v11 =	vmul.u32 $0x5, v11;
	v12 =	vadd.s32 v28, v12;
	v0 =	vld.idx.msk [tilespmem:v0+s3+$0x0], $0xffff  }
0x19a: {  	v14 =	vadd.s32 v37, v14;
	v28 =	vmul.u32 $0x5, v55;
	v2 =	vld.idx.msk [tilespmem:v2+s3+$0x0], $0xffff  }
0x19b: {  	v11 =	vadd.s32 v27, v11;
	v59 =	vld.idx.msk [tilespmem:v49+s3+$0x0], $0xffff  }
0x19c: {  	v60 =	vld.idx.msk [tilespmem:v48+s3+$0x0], $0xffff;
	v26 =	vadd.s32 v26, v28;
	v63 =	vmul.u32 $0x5, v53  }
0x19d: {  	v16 =	vmul.u32 $0x5, v16;
	[tilespmem:$0x1FDF0] =	vst v1;
	v1 =	vmul.u32 $0x5, v7;
	v7 =	vld.idx.msk [tilespmem:v52+s3+$0x0], $0xffff  }
0x19e: {  	v9 =	vmul.u32 $0x5, v9;
	v12 =	vld.idx.msk [tilespmem:v12+s3+$0x0], $0xffff;
	[tilespmem:$0x1FE50] =	vst v0;
	v0 =	vadd.s32 v33, v63  }
0x19f: {  	v13 =	vmul.u32 $0x5, v13;
	v16 =	vadd.s32 v39, v16;
	[tilespmem:$0x1FE40] =	vst v2;
	v2 =	vld.idx.msk [tilespmem:v14+s3+$0x0], $0xffff  }
0x1a0: {  	v9 =	vadd.s32 v42, v9;
	v14 =	vld.idx.msk [tilespmem:v11+s3+$0x0], $0xffff  }
0x1a1: {  	v13 =	vadd.s32 v35, v13;
	v27 =	vmul.u32 $0x5, v56;
	v62 =	vld.idx.msk [tilespmem:v26+s3+$0x0], $0xffff  }
0x1a2: {  	v10 =	vmul.u32 $0x5, v10;
	v1 =	vadd.s32 v47, v1;
	[tilespmem:$0x1FE00] =	vst v7;
	v7 =	vld.idx.msk [tilespmem:v50+s3+$0x0], $0xffff  }
0x1a3: {  	v15 =	vmul.u32 $0x5, v15;
	v55 =	vld.idx.msk [tilespmem:v0+s3+$0x0], $0xffff;
	v0 =	vadd.s32 v41, v27  }
0x1a4: {  	v10 =	vadd.s32 v38, v10;
	v16 =	vld.idx.msk [tilespmem:v16+s3+$0x0], $0xffff  }
0x1a5: {  	v15 =	vadd.s32 v40, v15;
	v56 =	vld.idx.msk [tilespmem:v9+s3+$0x0], $0xffff  }
0x1a6: {  	[tilespmem:$0x1FE20] =	vst v2;
	v2 =	vld.idx.msk [tilespmem:v13+s3+$0x0], $0xffff  }
0x1a7: {  	v1 =	vld.idx.msk [tilespmem:v1+s3+$0x0], $0xffff  }
0x1a8: {  	v0 =	vld.idx.msk [tilespmem:v0+s3+$0x0], $0xffff  }
0x1a9: {  	s1 =	simm.s32 $0x0;
	v13 =	vld.idx.msk [tilespmem:v10+s3+$0x0], $0xffff  }
0x1aa: {  	[tilespmem:$0x1FE10] =	vst v7;
	v15 =	vld.idx.msk [tilespmem:v15+s3+$0x0], $0xffff;
	[tilespmem:s25], [sflag:$0x2] =	stream.linear.gather [hbm4b:s10+s1], $0x4000, $0x38  }
0x1ab: {  	[tilespmem:$0x1FE30] =	vst v2  }
0x1ac: {  	[tilespmem:s26], [sflag:$0x4] =	stream.linear.gather [hbm4b:s11+s1], $0x3200, $0x38;
	[tilespmem:$0xE500] =	vst v63  }
0x1ad: {  	[tilespmem:$0x1FE60] =	vst v0  }
0x1ae: {  	_ =	swait.ge [sflag:s28], $0x4000  }
0x1af: {  	[sflag:s28] =	ssyncset.done $0x0  }
0x1b0: {  	v0 =	vmov s1;
	[sflag:s28] =	ssyncadd.s32 $0xFFFFC000  }
0x1b1: {  	v9 =	vshll.u32 v0, $0x8;
	v58 =	vshll.u32 v0, $0x7;
	_ =	swait.ge [sflag:s29], $0x3200  }
0x1b2: {  	v57 =	vand.u32 $0x3800, v9;
	v0 =	vand.u32 $0x300, v58;
	v7 =	vld [tilespmem:$0x1FF30]  }
0x1b3: {  	v2 =	vor.u32 v0, v57;
	v0 =	vld [tilespmem:$0x1FF00];
	_ =	sdelay $0x3  }
0x1b4: {  	v9 =	vor.u32 v7, v2;
	v7 =	vld [tilespmem:$0x1FF50]  }
0x1b5: {  	v30 =	vadd.f32 v1, v30;
	v1 =	vld [tilespmem:$0x1FF40];
	v0 =	vor.u32 v0, v2;
	_ =	sdelay $0x2  }
0x1b6: {  	[sflag:s29] =	ssyncset.done $0x0;
	v10 =	vld [tilespmem:$0x1FF10]  }
0x1b7: {  	v8 =	vadd.f32 v8, v32;
	v6 =	vadd.f32 v6, v31;
	[sflag:s29] =	ssyncadd.s32 $0xFFFFCE00;
	v63 =	vor.u32 v7, v2;
	v7 =	vld [tilespmem:$0x1FF20]  }
0x1b8: {  	v3 =	vadd.f32 v3, v29;
	v29 =	vor.u32 v1, v2;
	v1 =	vld.idx.msk [tilespmem:v0+s23+$0x0], $0xffff  }
0x1b9: {  	v0 =	vadd.f32 v4, v8;
	v4 =	vadd.f32 v61, v6;
	v61 =	vld.idx.msk [tilespmem:v9+s23+$0x0], $0xffff  }
0x1ba: {  	v9 =	vld [tilespmem:$0x1FF80];
	_ =	sdelay $0x1  }
0x1bb: {  	v32 =	vadd.f32 v5, v0;
	v0 =	vld [tilespmem:$0x1FF70];
	v7 =	vor.u32 v7, v2;
	_ =	sdelay $0x1  }
0x1bc: {  	v31 =	vor.u32 v10, v2;
	v6 =	vld [tilespmem:$0x1FF60]  }
0x1bd: {  	v8 =	vadd.f32 v59, v30;
	v30 =	vor.u32 v9, v2;
	v9 =	vld [tilespmem:$0x1FFA0]  }
0x1be: {  	v59 =	vld.idx.msk [tilespmem:v63+s23+$0x0], $0xffff  }
0x1bf: {  	v10 =	vor.u32 v0, v2;
	v0 =	vld.idx.msk [tilespmem:v7+s23+$0x0], $0xffff  }
0x1c0: {  	v7 =	vld [tilespmem:$0x1FF90]  }
0x1c1: {  	v63 =	vld.idx.msk [tilespmem:v31+s23+$0x0], $0xffff  }
0x1c2: {  	s0 =	simm.s32 $0x8140;
	v31 =	vor.u32 v9, v2;
	v9 =	vld [tilespmem:$0x1FDF0]  }
0x1c3: {  	s6 =	simm.s32 $0x1;
	v36 =	vld [tilespmem:s0+$0x90];
	v6 =	vor.u32 v6, v2  }
0x1c4: {  	v34 =	vld [tilespmem:s0+$0xA0];
	v5 =	vmov s6  }
0x1c5: {  	v26 =	vld [tilespmem:s0+$0xB0];
	v11 =	vor.u32 v7, v2;
	v7 =	vshll.u32 v5, $0x8;
	v5 =	vshll.u32 v5, $0x7  }
0x1c6: {  	v37 =	vld [tilespmem:s0+$0x50];
	v7 =	vand.u32 $0x3800, v7;
	v5 =	vand.u32 $0x380, v5  }
0x1c7: {  	v35 =	vld [tilespmem:s0+$0x60];
	v4 =	vadd.f32 v9, v4;
	v9 =	vor.u32 v5, v7;
	v5 =	vlaneseq.u32  }
0x1c8: {  	v2 =	vor.u32 v5, v2;
	v5 =	vld.idx.msk [tilespmem:v6+s23+$0x0], $0xffff  }
0x1c9: {  	v6 =	vld [tilespmem:$0x1FE00]  }
0x1ca: {  	v28 =	vld [tilespmem:s0+$0x70]  }
0x1cb: {  	v27 =	vld [tilespmem:s0+$0x80]  }
0x1cc: {  	v38 =	vld [tilespmem:s0+$0x10]  }
0x1cd: {  	v39 =	vld [tilespmem:s0+$0x20]  }
0x1ce: {  	v8 =	vadd.f32 v6, v8;
	v6 =	vld [tilespmem:$0x1FE10]  }
0x1cf: {  	v33 =	vld [tilespmem:s0+$0x30]  }
0x1d0: {  	v53 =	vld [tilespmem:s0+$0xFFFFFFD0]  }
0x1d1: {  	v3 =	vadd.f32 v60, v3;
	v52 =	vld [tilespmem:s0+$0xFFFFFFE0]  }
0x1d2: {  	v50 =	vld [tilespmem:s0+$0xFFFFFFF0]  }
0x1d3: {  	v3 =	vadd.f32 v6, v3;
	v6 =	vld.idx.msk [tilespmem:v30+s23+$0x0], $0xffff  }
0x1d4: {  	v30 =	vld [tilespmem:$0x1FFD0]  }
0x1d5: {  	v7 =	vld [tilespmem:$0x1FFF0]  }
0x1d6: {  	v40 =	vld [tilespmem:s0+$0x0]  }
0x1d7: {  	v51 =	vld [tilespmem:s0+$0xFFFFFF90];
	v15 =	vadd.f32 v15, v32  }
0x1d8: {  	v60 =	vld.idx.msk [tilespmem:v29+s23+$0x0], $0xffff  }
0x1d9: {  	v15 =	vadd.f32 v56, v15;
	v56 =	vor.u32 v30, v9;
	v30 =	vld [tilespmem:$0x1FE30]  }
0x1da: {  	v29 =	vor.u32 v7, v9;
	v7 =	vld.idx.msk [tilespmem:v10+s23+$0x0], $0xffff  }
0x1db: {  	v10 =	vld [tilespmem:$0x1FFB0]  }
0x1dc: {  	v49 =	vld [tilespmem:s0+$0xFFFFFFA0];
	v8 =	vadd.f32 v16, v8  }
0x1dd: {  	v16 =	vld [tilespmem:$0x1FE20]  }
0x1de: {  	v30 =	vadd.f32 v30, v8;
	v8 =	vld.idx.msk [tilespmem:v2+s23+$0x0], $0xffff  }
0x1df: {  	v2 =	vld [tilespmem:$0x1FE40]  }
0x1e0: {  	v48 =	vld [tilespmem:s0+$0xFFFFFFB0];
	v4 =	vadd.f32 v13, v4;
	v10 =	vor.u32 v10, v9  }
0x1e1: {  	v46 =	vld [tilespmem:s0+$0xFFFFFF50];
	v13 =	vadd.f32 v55, v3  }
0x1e2: {  	v47 =	vld [tilespmem:s0+$0xFFFFFF60];
	v16 =	vadd.f32 v16, v4  }
0x1e3: {  	v4 =	vld.idx.msk [tilespmem:v31+s23+$0x0], $0xffff;
	v12 =	vadd.f32 v12, v13  }
0x1e4: {  	v31 =	vadd.f32 v2, v16;
	v2 =	vld.idx.msk [tilespmem:v29+s23+$0x0], $0xffff  }
0x1e5: {  	v29 =	vadd.f32 v62, v12;
	v62 =	vld.idx.msk [tilespmem:v10+s23+$0x0], $0xffff  }
0x1e6: {  	v10 =	vld [tilespmem:$0x1FE60]  }
0x1e7: {  	v3 =	vld.idx.msk [tilespmem:v11+s23+$0x0], $0xffff  }
0x1e8: {  	v11 =	vld [tilespmem:$0x1FFC0]  }
0x1e9: {  	v45 =	vld [tilespmem:s0+$0xFFFFFF70];
	v13 =	vadd.f32 v14, v15  }
0x1ea: {  	v14 =	vld [tilespmem:$0x1FE50]  }
0x1eb: {  	v32 =	vadd.f32 v10, v13;
	v10 =	vld [tilespmem:$0x1FFE0]  }
0x1ec: {  	v44 =	vld [tilespmem:s0+$0xFFFFFF80]  }
0x1ed: {  	s4 =	sand.u32 $0x3FF0, s1;
	v43 =	vld [tilespmem:s0+$0xFFFFFF40];
	v11 =	vor.u32 v11, v9  }
0x1ee: {  	v41 =	vld [tilespmem:s4+$0x8200]  }
0x1ef: {  	v42 =	vld [tilespmem:s4+$0x8180]  }
0x1f0: {  	v54 =	vld [tilespmem:s4+$0x8100];
	v30 =	vadd.f32 v14, v30;
	v14 =	vor.u32 v10, v9  }
0x1f1: {  	v56 =	vld.idx.msk [tilespmem:v56+s23+$0x0], $0xffff;
	v13 =	vor.u32 v20, v9  }
0x1f2: {  	s4 =	simm.s32 $0x2;
	v55 =	vld.idx.msk [tilespmem:v11+s23+$0x0], $0xffff;
	v11 =	vor.u32 v19, v9;
	v12 =	vor.u32 v21, v9;
	v10 =	vor.u32 v24, v9  }
.LBB2_6:
0x1f3: {  	_ =	sdelay $0x1  }
0x1f4: {  	v15 =	vor.u32 v17, v58;
	v16 =	vor.u32 v23, v9;
	v14 =	vld.idx.msk [tilespmem:v14+s23+$0x0], $0xffff  }
0x1f5: {  	v58 =	vor.u32 v25, v9;
	v13 =	vld.idx.msk [tilespmem:v13+s23+$0x0], $0xffff;
	v9 =	vor.u32 v18, v9;
	v5 =	vmul.u32 $0x5, v5  }
0x1f6: {  	v12 =	vld.idx.msk [tilespmem:v12+s23+$0x0], $0xffff;
	v15 =	vand.u32 $0x380, v15  }
0x1f7: {  	v1 =	vmul.u32 $0x5, v1;
	v11 =	vld.idx.msk [tilespmem:v11+s23+$0x0], $0xffff;
	v15 =	vor.u32 v15, v57;
	v5 =	vadd.s32 v54, v5  }
0x1f8: {  	v61 =	vmul.u32 $0x5, v61;
	v10 =	vld.idx.msk [tilespmem:v10+s23+$0x0], $0xffff;
	v15 =	vor.u32 v22, v15  }
0x1f9: {  	v0 =	vmul.u32 $0x5, v0;
	v1 =	vadd.s32 v53, v1;
	v53 =	vmul.u32 $0x5, v59;
	v16 =	vld.idx.msk [tilespmem:v16+s23+$0x0], $0xffff  }
0x1fa: {  	v6 =	vmul.u32 $0x5, v6;
	v52 =	vadd.s32 v52, v61;
	v9 =	vld.idx.msk [tilespmem:v9+s23+$0x0], $0xffff  }
0x1fb: {  	v7 =	vmul.u32 $0x5, v7;
	v0 =	vadd.s32 v51, v0;
	v50 =	vadd.s32 v50, v53;
	v53 =	vld.idx.msk [tilespmem:v58+s23+$0x0], $0xffff  }
0x1fc: {  	v3 =	vmul.u32 $0x5, v3;
	v6 =	vadd.s32 v46, v6;
	v5 =	vld.idx.msk [tilespmem:v5+s3+$0x0], $0xffff  }
0x1fd: {  	v8 =	vmul.u32 $0x5, v8;
	v7 =	vadd.s32 v47, v7;
	v15 =	vld.idx.msk [tilespmem:v15+s23+$0x0], $0xffff  }
0x1fe: {  	v61 =	vmul.u32 $0x5, v63;
	v3 =	vadd.s32 v45, v3;
	v1 =	vld.idx.msk [tilespmem:v1+s3+$0x0], $0xffff  }
0x1ff: {  	v8 =	vadd.s32 v43, v8;
	v57 =	vld.idx.msk [tilespmem:v52+s3+$0x0], $0xffff  }
0x200: {  	v63 =	vmul.u32 $0x5, v60;
	v49 =	vadd.s32 v49, v61;
	v0 =	vld.idx.msk [tilespmem:v0+s3+$0x0], $0xffff  }
0x201: {  	v10 =	vmul.u32 $0x5, v10;
	v6 =	vld.idx.msk [tilespmem:v6+s3+$0x0], $0xffff  }
0x202: {  	v48 =	vadd.s32 v48, v63;
	v7 =	vld.idx.msk [tilespmem:v7+s3+$0x0], $0xffff;
	v16 =	vmul.u32 $0x5, v16  }
0x203: {  	v14 =	vmul.u32 $0x5, v14;
	v10 =	vadd.s32 v38, v10;
	v3 =	vld.idx.msk [tilespmem:v3+s3+$0x0], $0xffff  }
0x204: {  	v13 =	vmul.u32 $0x5, v13;
	v8 =	vld.idx.msk [tilespmem:v8+s3+$0x0], $0xffff;
	v16 =	vadd.s32 v39, v16  }
0x205: {  	v4 =	vmul.u32 $0x5, v4;
	v2 =	vmul.u32 $0x5, v2;
	v14 =	vadd.s32 v37, v14;
	v59 =	vld.idx.msk [tilespmem:v49+s3+$0x0], $0xffff  }
0x206: {  	v12 =	vmul.u32 $0x5, v12;
	v61 =	vmul.u32 $0x5, v62;
	v13 =	vadd.s32 v35, v13;
	v58 =	vld.idx.msk [tilespmem:v50+s3+$0x0], $0xffff  }
0x207: {  	v11 =	vmul.u32 $0x5, v11;
	v2 =	vadd.s32 v36, v2;
	v60 =	vld.idx.msk [tilespmem:v48+s3+$0x0], $0xffff;
	v6 =	vadd.f32 v6, v31  }
0x208: {  	v34 =	vadd.s32 v34, v61;
	v62 =	vmul.u32 $0x5, v53;
	v10 =	vld.idx.msk [tilespmem:v10+s3+$0x0], $0xffff;
	v7 =	vadd.f32 v7, v30  }
0x209: {  	v4 =	vadd.s32 v44, v4;
	v12 =	vadd.s32 v28, v12;
	v0 =	vadd.f32 v0, v6;
	v16 =	vld.idx.msk [tilespmem:v16+s3+$0x0], $0xffff  }
0x20a: {  	v28 =	vmul.u32 $0x5, v55;
	v14 =	vld.idx.msk [tilespmem:v14+s3+$0x0], $0xffff;
	v33 =	vadd.s32 v33, v62;
	v6 =	vadd.f32 v59, v7  }
0x20b: {  	v13 =	vld.idx.msk [tilespmem:v13+s3+$0x0], $0xffff;
	v15 =	vmul.u32 $0x5, v15;
	v0 =	vadd.f32 v1, v0  }
0x20c: {  	v11 =	vadd.s32 v27, v11;
	v26 =	vadd.s32 v26, v28;
	v2 =	vld.idx.msk [tilespmem:v2+s3+$0x0], $0xffff;
	v1 =	vadd.f32 v57, v6  }
0x20d: {  	v9 =	vmul.u32 $0x5, v9;
	v63 =	vld.idx.msk [tilespmem:v34+s3+$0x0], $0xffff;
	v15 =	vadd.s32 v40, v15;
	v0 =	vadd.f32 v10, v0  }
0x20e: {  	v27 =	vmul.u32 $0x5, v56;
	v4 =	vld.idx.msk [tilespmem:v4+s3+$0x0], $0xffff;
	v3 =	vadd.f32 v3, v29;
	v1 =	vadd.f32 v16, v1  }
0x20f: {  	v9 =	vadd.s32 v42, v9;
	v28 =	vld.idx.msk [tilespmem:v33+s3+$0x0], $0xffff;
	v0 =	vadd.f32 v14, v0  }
0x210: {  	v27 =	vadd.s32 v41, v27;
	v7 =	vld.idx.msk [tilespmem:v12+s3+$0x0], $0xffff;
	v3 =	vadd.f32 v60, v3;
	v1 =	vadd.f32 v13, v1  }
0x211: {  	v8 =	vadd.f32 v8, v32;
	v6 =	vld.idx.msk [tilespmem:v26+s3+$0x0], $0xffff;
	v31 =	vadd.f32 v2, v0;
	v0 =	vmov s4  }
0x212: {  	v3 =	vadd.f32 v58, v3;
	v15 =	vld.idx.msk [tilespmem:v15+s3+$0x0], $0xffff;
	v30 =	vadd.f32 v63, v1;
	v1 =	vshll.u32 v0, $0x8  }
0x213: {  	v4 =	vadd.f32 v4, v8;
	v57 =	vand.u32 $0x3800, v1;
	v1 =	vld [tilespmem:$0x1FF30]  }
0x214: {  	v8 =	vld.idx.msk [tilespmem:v9+s3+$0x0], $0xffff;
	v3 =	vadd.f32 v28, v3  }
0x215: {  	v4 =	vadd.f32 v5, v4;
	v58 =	vshll.u32 v0, $0x7  }
0x216: {  	v5 =	vld.idx.msk [tilespmem:v11+s3+$0x0], $0xffff;
	v3 =	vadd.f32 v7, v3;
	v0 =	vand.u32 $0x300, v58  }
0x217: {  	v9 =	vld.idx.msk [tilespmem:v27+s3+$0x0], $0xffff;
	v4 =	vadd.f32 v15, v4;
	v2 =	vor.u32 v0, v57  }
0x218: {  	s1 =	sadd.s32 $0x190, s1;
	v29 =	vadd.f32 v6, v3;
	v3 =	vor.u32 v1, v2;
	v1 =	vld [tilespmem:$0x1FF50]  }
0x219: {  	s6 =	sand.u32 $0x3FF0, s1;
	v4 =	vadd.f32 v8, v4  }
0x21a: {  	s0 =	sadd.s32 $0x190, s0;
	v54 =	vld [tilespmem:s6+$0x8100]  }
0x21b: {  	v51 =	vld [tilespmem:s0+$0xFFFFFF90];
	v4 =	vadd.f32 v5, v4  }
0x21c: {  	v46 =	vld [tilespmem:s0+$0xFFFFFF50]  }
0x21d: {  	v32 =	vadd.f32 v9, v4;
	v4 =	vor.u32 v1, v2;
	v1 =	vld [tilespmem:$0x1FF20]  }
0x21e: {  	v47 =	vld [tilespmem:s0+$0xFFFFFF60]  }
0x21f: {  	v45 =	vld [tilespmem:s0+$0xFFFFFF70]  }
0x220: {  	v43 =	vld [tilespmem:s0+$0xFFFFFF40]  }
0x221: {  	v0 =	vld [tilespmem:$0x1FF00]  }
0x222: {  	v5 =	vor.u32 v1, v2;
	v1 =	vld [tilespmem:$0x1FF10]  }
0x223: {  	v36 =	vld [tilespmem:s0+$0x90]  }
0x224: {  	v44 =	vld [tilespmem:s0+$0xFFFFFF80]  }
0x225: {  	v37 =	vld [tilespmem:s0+$0x50]  }
0x226: {  	v35 =	vld [tilespmem:s0+$0x60]  }
0x227: {  	v0 =	vor.u32 v0, v2;
	v6 =	vor.u32 v1, v2;
	v1 =	vld [tilespmem:$0x1FF40]  }
0x228: {  	v38 =	vld [tilespmem:s0+$0x10]  }
0x229: {  	v52 =	vld [tilespmem:s0+$0xFFFFFFE0]  }
0x22a: {  	v41 =	vld [tilespmem:s6+$0x8200]  }
0x22b: {  	v53 =	vld [tilespmem:s0+$0xFFFFFFD0]  }
0x22c: {  	v7 =	vor.u32 v1, v2;
	v1 =	vld.idx.msk [tilespmem:v0+s23+$0x0], $0xffff  }
0x22d: {  	v0 =	vld [tilespmem:$0x1FF60]  }
0x22e: {  	v50 =	vld [tilespmem:s0+$0xFFFFFFF0]  }
0x22f: {  	v49 =	vld [tilespmem:s0+$0xFFFFFFA0]  }
0x230: {  	v48 =	vld [tilespmem:s0+$0xFFFFFFB0]  }
0x231: {  	v39 =	vld [tilespmem:s0+$0x20]  }
0x232: {  	v8 =	vor.u32 v0, v2;
	v0 =	vld [tilespmem:$0x1FF80]  }
0x233: {  	v42 =	vld [tilespmem:s6+$0x8180]  }
0x234: {  	v34 =	vld [tilespmem:s0+$0xA0]  }
0x235: {  	v9 =	vld [tilespmem:$0x1FF90]  }
0x236: {  	v61 =	vld.idx.msk [tilespmem:v3+s23+$0x0], $0xffff  }
0x237: {  	v3 =	vor.u32 v0, v2;
	v0 =	vld [tilespmem:$0x1FF70]  }
0x238: {  	v40 =	vld [tilespmem:s0+$0x0]  }
0x239: {  	v27 =	vld [tilespmem:s0+$0x80]  }
0x23a: {  	v10 =	vor.u32 v9, v2;
	v9 =	vld [tilespmem:$0x1FFA0]  }
0x23b: {  	s6 =	sadd.s32 $0x1, s4;
	v59 =	vld.idx.msk [tilespmem:v4+s23+$0x0], $0xffff  }
0x23c: {  	v4 =	vor.u32 v0, v2;
	v0 =	vld.idx.msk [tilespmem:v5+s23+$0x0], $0xffff;
	v5 =	vmov s6  }
0x23d: {  	v63 =	vld.idx.msk [tilespmem:v6+s23+$0x0], $0xffff;
	v6 =	vshll.u32 v5, $0x8;
	v5 =	vshll.u32 v5, $0x7  }
0x23e: {  	v60 =	vld.idx.msk [tilespmem:v7+s23+$0x0], $0xffff;
	v6 =	vand.u32 $0x3800, v6;
	v7 =	vand.u32 $0x380, v5  }
0x23f: {  	v11 =	vor.u32 v9, v2;
	v9 =	vor.u32 v7, v6;
	v6 =	vld.idx.msk [tilespmem:v3+s23+$0x0], $0xffff  }
0x240: {  	v5 =	vlaneseq.u32;
	v3 =	vld [tilespmem:$0x1FFF0]  }
0x241: {  	v2 =	vor.u32 v5, v2;
	v5 =	vld.idx.msk [tilespmem:v8+s23+$0x0], $0xffff  }
0x242: {  	v8 =	vld [tilespmem:$0x1FFD0]  }
0x243: {  	v26 =	vld [tilespmem:s0+$0xB0]  }
0x244: {  	v7 =	vld.idx.msk [tilespmem:v4+s23+$0x0], $0xffff  }
0x245: {  	v12 =	vor.u32 v3, v9;
	v3 =	vld [tilespmem:$0x1FFB0]  }
0x246: {  	v4 =	vld [tilespmem:$0x1FFC0]  }
0x247: {  	v16 =	vor.u32 v8, v9;
	v8 =	vld.idx.msk [tilespmem:v2+s23+$0x0], $0xffff  }
0x248: {  	v2 =	vld [tilespmem:$0x1FFE0]  }
0x249: {  	v33 =	vld [tilespmem:s0+$0x30]  }
0x24a: {  	v28 =	vld [tilespmem:s0+$0x70];
	v15 =	vor.u32 v3, v9  }
0x24b: {  	p0 =	sne.s32 s4, $0x3E;
	v3 =	vld.idx.msk [tilespmem:v10+s23+$0x0], $0xffff;
	v10 =	vor.u32 v4, v9  }
.Ltmp2:
0x24c: {  	v4 =	vld.idx.msk [tilespmem:v11+s23+$0x0], $0xffff;
	(pc) =	sbr.rel @p0 .LBB2_6-.Ltmp2, $4  }
0x24d: {  	v14 =	vor.u32 v2, v9;
	v2 =	vld.idx.msk [tilespmem:v12+s23+$0x0], $0xffff  }
0x24e: {  	v56 =	vld.idx.msk [tilespmem:v16+s23+$0x0], $0xffff  }
0x24f: {  	v13 =	vor.u32 v20, v9;
	v62 =	vld.idx.msk [tilespmem:v15+s23+$0x0], $0xffff  }
0x250: {  	s4 =	sadd.s32 $0x2, s4;
	v12 =	vor.u32 v21, v9;
	v11 =	vor.u32 v19, v9;
	v55 =	vld.idx.msk [tilespmem:v10+s23+$0x0], $0xffff;
	v10 =	vor.u32 v24, v9  }
0x251: {  	v1 =	vmul.u32 $0x5, v1;
	_ =	sdelay $0x1  }
0x252: {  	v15 =	vor.u32 v17, v58;
	v1 =	vadd.s32 v53, v1  }
0x253: {  	v0 =	vmul.u32 $0x5, v0;
	v15 =	vand.u32 $0x380, v15  }
0x254: {  	v15 =	vor.u32 v15, v57  }
0x255: {  	v57 =	vmul.u32 $0x5, v61;
	v51 =	vadd.s32 v51, v0;
	v0 =	vmul.u32 $0x5, v60  }
0x256: {  	v14 =	vld.idx.msk [tilespmem:v14+s23+$0x0], $0xffff  }
0x257: {  	v52 =	vadd.s32 v52, v57;
	v48 =	vadd.s32 v48, v0;
	v0 =	vld.idx.msk [tilespmem:v1+s3+$0x0], $0xffff  }
0x258: {  	v16 =	vor.u32 v23, v9;
	v13 =	vld.idx.msk [tilespmem:v13+s23+$0x0], $0xffff  }
0x259: {  	v58 =	vor.u32 v25, v9;
	v12 =	vld.idx.msk [tilespmem:v12+s23+$0x0], $0xffff  }
0x25a: {  	v9 =	vor.u32 v18, v9;
	v11 =	vld.idx.msk [tilespmem:v11+s23+$0x0], $0xffff;
	v61 =	vmul.u32 $0x5, v59  }
0x25b: {  	v10 =	vld.idx.msk [tilespmem:v10+s23+$0x0], $0xffff;
	v63 =	vmul.u32 $0x5, v63  }
0x25c: {  	v5 =	vmul.u32 $0x5, v5;
	v50 =	vadd.s32 v50, v61;
	[tilespmem:$0x1FD80] =	vst v0;
	v0 =	vld.idx.msk [tilespmem:v52+s3+$0x0], $0xffff  }
0x25d: {  	v6 =	vmul.u32 $0x5, v6;
	v49 =	vadd.s32 v49, v63;
	v16 =	vld.idx.msk [tilespmem:v16+s23+$0x0], $0xffff  }
0x25e: {  	v3 =	vmul.u32 $0x5, v3;
	v5 =	vadd.s32 v54, v5;
	v53 =	vld.idx.msk [tilespmem:v58+s23+$0x0], $0xffff  }
0x25f: {  	v2 =	vmul.u32 $0x5, v2;
	v6 =	vadd.s32 v46, v6;
	v9 =	vld.idx.msk [tilespmem:v9+s23+$0x0], $0xffff  }
0x260: {  	v4 =	vmul.u32 $0x5, v4;
	v3 =	vadd.s32 v45, v3;
	v1 =	vmul.u32 $0x5, v7;
	v7 =	vld.idx.msk [tilespmem:v51+s3+$0x0], $0xffff  }
0x261: {  	v2 =	vadd.s32 v36, v2;
	[tilespmem:$0x1FD90] =	vst v0;
	v0 =	vld.idx.msk [tilespmem:v50+s3+$0x0], $0xffff  }
0x262: {  	v8 =	vmul.u32 $0x5, v8;
	v4 =	vadd.s32 v44, v4;
	v59 =	vld.idx.msk [tilespmem:v49+s3+$0x0], $0xffff  }
0x263: {  	v15 =	vor.u32 v22, v15;
	v63 =	vld.idx.msk [tilespmem:v5+s3+$0x0], $0xffff  }
0x264: {  	v8 =	vadd.s32 v43, v8;
	v58 =	vmul.u32 $0x5, v62;
	v6 =	vld.idx.msk [tilespmem:v6+s3+$0x0], $0xffff  }
0x265: {  	v10 =	vmul.u32 $0x5, v10;
	v3 =	vld.idx.msk [tilespmem:v3+s3+$0x0], $0xffff  }
0x266: {  	v12 =	vmul.u32 $0x5, v12;
	v34 =	vadd.s32 v34, v58;
	[tilespmem:$0x1FDA0] =	vst v0;
	v0 =	vld.idx.msk [tilespmem:v2+s3+$0x0], $0xffff  }
0x267: {  	v11 =	vmul.u32 $0x5, v11;
	v4 =	vld.idx.msk [tilespmem:v4+s3+$0x0], $0xffff;
	v10 =	vadd.s32 v38, v10  }
0x268: {  	v12 =	vadd.s32 v28, v12;
	v15 =	vld.idx.msk [tilespmem:v15+s23+$0x0], $0xffff  }
0x269: {  	v14 =	vmul.u32 $0x5, v14;
	v8 =	vld.idx.msk [tilespmem:v8+s3+$0x0], $0xffff;
	v11 =	vadd.s32 v27, v11  }
0x26a: {  	v1 =	vadd.s32 v47, v1;
	v60 =	vld.idx.msk [tilespmem:v48+s3+$0x0], $0xffff;
	v16 =	vmul.u32 $0x5, v16  }
0x26b: {  	v14 =	vadd.s32 v37, v14;
	v61 =	vmul.u32 $0x5, v53;
	[tilespmem:$0x1FDD0] =	vst v0;
	v0 =	vld.idx.msk [tilespmem:v34+s3+$0x0], $0xffff  }
0x26c: {  	v9 =	vmul.u32 $0x5, v9;
	v16 =	vadd.s32 v39, v16;
	v10 =	vld.idx.msk [tilespmem:v10+s3+$0x0], $0xffff  }
0x26d: {  	v33 =	vadd.s32 v33, v61;
	v12 =	vld.idx.msk [tilespmem:v12+s3+$0x0], $0xffff;
	v15 =	vmul.u32 $0x5, v15  }
0x26e: {  	v13 =	vmul.u32 $0x5, v13;
	v9 =	vadd.s32 v42, v9;
	v11 =	vld.idx.msk [tilespmem:v11+s3+$0x0], $0xffff  }
0x26f: {  	v27 =	vmul.u32 $0x5, v56;
	v1 =	vld.idx.msk [tilespmem:v1+s3+$0x0], $0xffff;
	v15 =	vadd.s32 v40, v15  }
0x270: {  	v13 =	vadd.s32 v35, v13;
	v28 =	vmul.u32 $0x5, v55;
	[tilespmem:$0x1FDE0] =	vst v0;
	v0 =	vld.idx.msk [tilespmem:v14+s3+$0x0], $0xffff  }
0x271: {  	v27 =	vadd.s32 v41, v27;
	v16 =	vld.idx.msk [tilespmem:v16+s3+$0x0], $0xffff  }
0x272: {  	v26 =	vadd.s32 v26, v28;
	v55 =	vld.idx.msk [tilespmem:v33+s3+$0x0], $0xffff  }
0x273: {  	v56 =	vld.idx.msk [tilespmem:v9+s3+$0x0], $0xffff  }
0x274: {  	v15 =	vld.idx.msk [tilespmem:v15+s3+$0x0], $0xffff  }
0x275: {  	[tilespmem:$0x1FDB0] =	vst v0;
	v0 =	vld.idx.msk [tilespmem:v13+s3+$0x0], $0xffff  }
0x276: {  	s1 =	simm.s32 $0x0;
	v14 =	vld.idx.msk [tilespmem:v27+s3+$0x0], $0xffff  }
0x277: {  	v13 =	vld.idx.msk [tilespmem:v26+s3+$0x0], $0xffff;
	[tilespmem:s23], [sflag:$0x1] =	stream.linear.gather [hbm4b:s12+s1], $0x4000, $0x38  }
0x278: {  	_ = 	snop  }
0x279: {  	[tilespmem:s24], [sflag:$0x3] =	stream.linear.gather [hbm4b:s13+s1], $0x3200, $0x38;
	[tilespmem:$0xE500] =	vst v63  }
0x27a: {  	[tilespmem:$0x1FDC0] =	vst v0  }
0x27b: {  	_ =	swait.ge [sflag:s30], $0x4000  }
0x27c: {  	v8 =	vadd.f32 v8, v32;
	[sflag:s30] =	ssyncset.done $0x0  }
0x27d: {  	[sflag:s30] =	ssyncadd.s32 $0xFFFFC000  }
0x27e: {  	v4 =	vadd.f32 v4, v8;
	_ =	swait.ge [sflag:s31], $0x3200  }
0x27f: {  	v0 =	vld [tilespmem:$0x1FF00]  }
0x280: {  	v4 =	vadd.f32 v63, v4;
	v2 =	vld [tilespmem:$0x1FF10]  }
0x281: {  	v30 =	vadd.f32 v1, v30;
	[sflag:s31] =	ssyncset.done $0x0;
	v1 =	vld [tilespmem:$0x1FF40]  }
0x282: {  	s0 =	simm.s32 $0xB340;
	v4 =	vadd.f32 v15, v4;
	v15 =	vld [tilespmem:$0x1FFB0];
	[sflag:s31] =	ssyncadd.s32 $0xFFFFCE00  }
0x283: {  	v36 =	vld [tilespmem:s0+$0x90]  }
0x284: {  	v34 =	vld [tilespmem:s0+$0xA0]  }
0x285: {  	v26 =	vld [tilespmem:s0+$0xB0]  }
0x286: {  	v37 =	vld [tilespmem:s0+$0x50]  }
0x287: {  	v35 =	vld [tilespmem:s0+$0x60]  }
0x288: {  	v28 =	vld [tilespmem:s0+$0x70]  }
0x289: {  	v9 =	vmov s1;
	v27 =	vld [tilespmem:s0+$0x80]  }
0x28a: {  	v62 =	vshll.u32 v9, $0x8;
	v58 =	vshll.u32 v9, $0x7;
	v38 =	vld [tilespmem:s0+$0x10]  }
0x28b: {  	v57 =	vand.u32 $0x3800, v62;
	v9 =	vand.u32 $0x300, v58;
	v39 =	vld [tilespmem:s0+$0x20]  }
0x28c: {  	v5 =	vor.u32 v9, v57;
	v33 =	vld [tilespmem:s0+$0x30]  }
0x28d: {  	v6 =	vadd.f32 v6, v31;
	v31 =	vor.u32 v2, v5;
	v2 =	vld [tilespmem:$0x1FF60]  }
0x28e: {  	v53 =	vld [tilespmem:s0+$0xFFFFFFD0]  }
0x28f: {  	v3 =	vadd.f32 v3, v29;
	v52 =	vld [tilespmem:s0+$0xFFFFFFE0];
	v29 =	vor.u32 v1, v5  }
0x290: {  	v50 =	vld [tilespmem:s0+$0xFFFFFFF0]  }
0x291: {  	v9 =	vor.u32 v0, v5;
	v0 =	vld [tilespmem:$0x1FF30]  }
0x292: {  	v6 =	vadd.f32 v7, v6;
	v7 =	vor.u32 v2, v5;
	v2 =	vld [tilespmem:$0x1FF80]  }
0x293: {  	v40 =	vld [tilespmem:s0+$0x0]  }
0x294: {  	v3 =	vadd.f32 v60, v3;
	v60 =	vld.idx.msk [tilespmem:v29+s25+$0x0], $0xffff  }
0x295: {  	v29 =	vld [tilespmem:$0x1FD80]  }
0x296: {  	v61 =	vor.u32 v0, v5;
	v0 =	vld [tilespmem:$0x1FF50]  }
0x297: {  	v8 =	vadd.f32 v59, v30;
	v30 =	vor.u32 v2, v5;
	v2 =	vld [tilespmem:$0x1FF70]  }
0x298: {  	v51 =	vld [tilespmem:s0+$0xFFFFFF90]  }
0x299: {  	v49 =	vld [tilespmem:s0+$0xFFFFFFA0]  }
0x29a: {  	v29 =	vadd.f32 v29, v6;
	v6 =	vld [tilespmem:$0x1FD90]  }
0x29b: {  	v62 =	vor.u32 v0, v5;
	v0 =	vld [tilespmem:$0x1FF20]  }
0x29c: {  	v32 =	vor.u32 v2, v5;
	v2 =	vld [tilespmem:$0x1FF90]  }
0x29d: {  	v48 =	vld [tilespmem:s0+$0xFFFFFFB0]  }
0x29e: {  	v46 =	vld [tilespmem:s0+$0xFFFFFF50]  }
0x29f: {  	v8 =	vadd.f32 v6, v8;
	v6 =	vld [tilespmem:$0x1FDA0]  }
0x2a0: {  	v47 =	vld [tilespmem:s0+$0xFFFFFF60];
	v0 =	vor.u32 v0, v5  }
0x2a1: {  	v45 =	vld [tilespmem:s0+$0xFFFFFF70];
	v2 =	vor.u32 v2, v5  }
0x2a2: {  	v1 =	vld.idx.msk [tilespmem:v9+s25+$0x0], $0xffff  }
0x2a3: {  	v10 =	vadd.f32 v10, v29;
	v29 =	vld [tilespmem:$0x1FFD0]  }
0x2a4: {  	v59 =	vld.idx.msk [tilespmem:v62+s25+$0x0], $0xffff;
	v3 =	vadd.f32 v6, v3  }
0x2a5: {  	v62 =	vld.idx.msk [tilespmem:v0+s25+$0x0], $0xffff  }
0x2a6: {  	s6 =	simm.s32 $0x1;
	v8 =	vadd.f32 v16, v8;
	v16 =	vadd.f32 v55, v3;
	v3 =	vld.idx.msk [tilespmem:v2+s25+$0x0], $0xffff  }
0x2a7: {  	v0 =	vmov s6;
	v2 =	vld [tilespmem:$0x1FFC0]  }
0x2a8: {  	v63 =	vld.idx.msk [tilespmem:v31+s25+$0x0], $0xffff;
	v9 =	vshll.u32 v0, $0x8;
	v0 =	vshll.u32 v0, $0x7  }
0x2a9: {  	v31 =	vld [tilespmem:$0x1FFA0];
	v9 =	vand.u32 $0x3800, v9;
	v0 =	vand.u32 $0x380, v0  }
0x2aa: {  	v44 =	vld [tilespmem:s0+$0xFFFFFF80];
	v9 =	vor.u32 v0, v9;
	v0 =	vlaneseq.u32  }
0x2ab: {  	v43 =	vld [tilespmem:s0+$0xFFFFFF40];
	v0 =	vor.u32 v0, v5  }
0x2ac: {  	s4 =	sand.u32 $0x3FF0, s1;
	v55 =	vor.u32 v2, v9;
	v2 =	vadd.f32 v56, v4;
	v56 =	vor.u32 v29, v9;
	v29 =	vld [tilespmem:$0x1FDC0]  }
0x2ad: {  	v41 =	vld [tilespmem:s4+$0xB400]  }
0x2ae: {  	v31 =	vor.u32 v31, v5;
	v5 =	vld.idx.msk [tilespmem:v7+s25+$0x0], $0xffff  }
0x2af: {  	v7 =	vld [tilespmem:$0x1FFF0]  }
0x2b0: {  	v4 =	vld [tilespmem:$0x1FDB0]  }
0x2b1: {  	v29 =	vadd.f32 v29, v8;
	v8 =	vld.idx.msk [tilespmem:v0+s25+$0x0], $0xffff  }
0x2b2: {  	v0 =	vld [tilespmem:$0x1FDD0]  }
0x2b3: {  	v42 =	vld [tilespmem:s4+$0xB380]  }
0x2b4: {  	v54 =	vld [tilespmem:s4+$0xB300]  }
0x2b5: {  	v6 =	vld.idx.msk [tilespmem:v30+s25+$0x0], $0xffff;
	v10 =	vadd.f32 v4, v10  }
0x2b6: {  	v30 =	vor.u32 v7, v9;
	v4 =	vld.idx.msk [tilespmem:v31+s25+$0x0], $0xffff  }
0x2b7: {  	v31 =	vadd.f32 v0, v10;
	v0 =	vld [tilespmem:$0x1FDE0]  }
0x2b8: {  	v10 =	vld [tilespmem:$0x1FFE0]  }
0x2b9: {  	v61 =	vld.idx.msk [tilespmem:v61+s25+$0x0], $0xffff;
	v15 =	vor.u32 v15, v9  }
0x2ba: {  	v7 =	vld.idx.msk [tilespmem:v32+s25+$0x0], $0xffff;
	v11 =	vadd.f32 v11, v2  }
0x2bb: {  	v12 =	vadd.f32 v12, v16;
	v2 =	vld.idx.msk [tilespmem:v30+s25+$0x0], $0xffff  }
0x2bc: {  	v32 =	vadd.f32 v14, v11;
	v11 =	vor.u32 v19, v9;
	v55 =	vld.idx.msk [tilespmem:v55+s25+$0x0], $0xffff  }
0x2bd: {  	v56 =	vld.idx.msk [tilespmem:v56+s25+$0x0], $0xffff;
	v30 =	vadd.f32 v0, v29;
	v29 =	vadd.f32 v13, v12;
	v14 =	vor.u32 v10, v9  }
0x2be: {  	s4 =	simm.s32 $0x2;
	v0 =	vld.idx.msk [tilespmem:v15+s25+$0x0], $0xffff;
	v13 =	vor.u32 v20, v9;
	v12 =	vor.u32 v21, v9;
	v10 =	vor.u32 v24, v9  }
.LBB2_8:
0x2bf: {  	_ =	sdelay $0x2  }
0x2c0: {  	v14 =	vld.idx.msk [tilespmem:v14+s25+$0x0], $0xffff  }
0x2c1: {  	v13 =	vld.idx.msk [tilespmem:v13+s25+$0x0], $0xffff  }
0x2c2: {  	v12 =	vld.idx.msk [tilespmem:v12+s25+$0x0], $0xffff  }
0x2c3: {  	v11 =	vld.idx.msk [tilespmem:v11+s25+$0x0], $0xffff;
	v5 =	vmul.u32 $0x5, v5;
	s1 =	sadd.s32 $0x190, s1  }
0x2c4: {  	v15 =	vor.u32 v17, v58;
	v16 =	vor.u32 v23, v9;
	v10 =	vld.idx.msk [tilespmem:v10+s25+$0x0], $0xffff;
	v6 =	vmul.u32 $0x5, v6;
	s6 =	sand.u32 $0x3FF0, s1  }
0x2c5: {  	v58 =	vor.u32 v25, v9;
	v7 =	vmul.u32 $0x5, v7;
	s0 =	sadd.s32 $0x190, s0;
	v5 =	vadd.s32 v54, v5;
	v54 =	vld [tilespmem:s6+$0xB300]  }
0x2c6: {  	v9 =	vor.u32 v18, v9;
	v3 =	vmul.u32 $0x5, v3;
	v6 =	vadd.s32 v46, v6;
	v46 =	vld [tilespmem:s0+$0xFFFFFF50]  }
0x2c7: {  	v8 =	vmul.u32 $0x5, v8;
	v7 =	vadd.s32 v47, v7;
	v47 =	vld [tilespmem:s0+$0xFFFFFF60]  }
0x2c8: {  	v3 =	vadd.s32 v45, v3;
	v45 =	vld [tilespmem:s0+$0xFFFFFF70]  }
0x2c9: {  	v8 =	vadd.s32 v43, v8;
	v43 =	vld [tilespmem:s0+$0xFFFFFF40]  }
0x2ca: {  	v15 =	vand.u32 $0x380, v15;
	v2 =	vmul.u32 $0x5, v2;
	v16 =	vld.idx.msk [tilespmem:v16+s25+$0x0], $0xffff  }
0x2cb: {  	v15 =	vor.u32 v15, v57;
	v57 =	vmul.u32 $0x5, v61;
	v0 =	vmul.u32 $0x5, v0;
	v9 =	vld.idx.msk [tilespmem:v9+s25+$0x0], $0xffff  }
0x2cc: {  	v61 =	vmul.u32 $0x5, v62;
	v4 =	vmul.u32 $0x5, v4;
	v2 =	vadd.s32 v36, v2;
	v36 =	vld [tilespmem:s0+$0x90]  }
0x2cd: {  	v62 =	vmul.u32 $0x5, v63;
	v63 =	vmul.u32 $0x5, v60;
	v0 =	vadd.s32 v34, v0;
	v34 =	vld [tilespmem:s0+$0xA0]  }
0x2ce: {  	v15 =	vor.u32 v22, v15;
	v14 =	vmul.u32 $0x5, v14;
	v4 =	vadd.s32 v44, v4;
	v44 =	vld [tilespmem:s0+$0xFFFFFF80]  }
0x2cf: {  	v1 =	vmul.u32 $0x5, v1;
	v52 =	vadd.s32 v52, v57;
	v13 =	vmul.u32 $0x5, v13;
	v5 =	vld.idx.msk [tilespmem:v5+s3+$0x0], $0xffff  }
0x2d0: {  	v51 =	vadd.s32 v51, v61;
	v10 =	vmul.u32 $0x5, v10;
	v14 =	vadd.s32 v37, v14;
	v37 =	vld [tilespmem:s0+$0x50]  }
0x2d1: {  	v1 =	vadd.s32 v53, v1;
	v53 =	vmul.u32 $0x5, v59;
	v13 =	vadd.s32 v35, v13;
	v35 =	vld [tilespmem:s0+$0x60]  }
0x2d2: {  	v49 =	vadd.s32 v49, v62;
	v10 =	vadd.s32 v38, v10;
	v38 =	vld [tilespmem:s0+$0x10]  }
0x2d3: {  	v48 =	vadd.s32 v48, v63;
	v50 =	vadd.s32 v50, v53;
	v53 =	vld.idx.msk [tilespmem:v58+s25+$0x0], $0xffff  }
0x2d4: {  	v15 =	vld.idx.msk [tilespmem:v15+s25+$0x0], $0xffff  }
0x2d5: {  	v52 =	vld.idx.msk [tilespmem:v52+s3+$0x0], $0xffff  }
0x2d6: {  	v60 =	vld.idx.msk [tilespmem:v51+s3+$0x0], $0xffff  }
0x2d7: {  	v61 =	vld.idx.msk [tilespmem:v49+s3+$0x0], $0xffff  }
0x2d8: {  	v62 =	vld.idx.msk [tilespmem:v48+s3+$0x0], $0xffff  }
0x2d9: {  	v6 =	vld.idx.msk [tilespmem:v6+s3+$0x0], $0xffff  }
0x2da: {  	v7 =	vld.idx.msk [tilespmem:v7+s3+$0x0], $0xffff  }
0x2db: {  	v3 =	vld.idx.msk [tilespmem:v3+s3+$0x0], $0xffff  }
0x2dc: {  	v11 =	vmul.u32 $0x5, v11;
	v8 =	vld.idx.msk [tilespmem:v8+s3+$0x0], $0xffff  }
0x2dd: {  	v51 =	vld [tilespmem:s0+$0xFFFFFF90]  }
0x2de: {  	v11 =	vadd.s32 v27, v11;
	v27 =	vmul.u32 $0x5, v56;
	v49 =	vld [tilespmem:s0+$0xFFFFFFA0]  }
0x2df: {  	v48 =	vld [tilespmem:s0+$0xFFFFFFB0]  }
0x2e0: {  	v27 =	vadd.s32 v41, v27;
	v41 =	vld [tilespmem:s6+$0xB400]  }
0x2e1: {  	v16 =	vmul.u32 $0x5, v16;
	v1 =	vld.idx.msk [tilespmem:v1+s3+$0x0], $0xffff  }
0x2e2: {  	v4 =	vld.idx.msk [tilespmem:v4+s3+$0x0], $0xffff;
	v63 =	vmul.u32 $0x5, v53  }
0x2e3: {  	v9 =	vmul.u32 $0x5, v9;
	v2 =	vld.idx.msk [tilespmem:v2+s3+$0x0], $0xffff;
	v16 =	vadd.s32 v39, v16  }
0x2e4: {  	v12 =	vmul.u32 $0x5, v12;
	v0 =	vld.idx.msk [tilespmem:v0+s3+$0x0], $0xffff;
	v33 =	vadd.s32 v33, v63  }
0x2e5: {  	v14 =	vld.idx.msk [tilespmem:v14+s3+$0x0], $0xffff;
	v9 =	vadd.s32 v42, v9  }
0x2e6: {  	v12 =	vadd.s32 v28, v12;
	v28 =	vmul.u32 $0x5, v55;
	v10 =	vld.idx.msk [tilespmem:v10+s3+$0x0], $0xffff  }
0x2e7: {  	v59 =	vld.idx.msk [tilespmem:v50+s3+$0x0], $0xffff;
	v15 =	vmul.u32 $0x5, v15  }
0x2e8: {  	v26 =	vadd.s32 v26, v28;
	v8 =	vadd.f32 v8, v32;
	v3 =	vadd.f32 v3, v29;
	v16 =	vld.idx.msk [tilespmem:v16+s3+$0x0], $0xffff  }
0x2e9: {  	v6 =	vadd.f32 v6, v31;
	v7 =	vadd.f32 v7, v30;
	v15 =	vadd.s32 v40, v15;
	v28 =	vld.idx.msk [tilespmem:v33+s3+$0x0], $0xffff  }
0x2ea: {  	v4 =	vadd.f32 v4, v8;
	v3 =	vadd.f32 v62, v3;
	v8 =	vld.idx.msk [tilespmem:v9+s3+$0x0], $0xffff  }
0x2eb: {  	v6 =	vadd.f32 v60, v6;
	v7 =	vadd.f32 v61, v7;
	v9 =	vld.idx.msk [tilespmem:v12+s3+$0x0], $0xffff  }
0x2ec: {  	v13 =	vld.idx.msk [tilespmem:v13+s3+$0x0], $0xffff;
	v3 =	vadd.f32 v59, v3  }
0x2ed: {  	v1 =	vadd.f32 v1, v6;
	v6 =	vadd.f32 v52, v7;
	v7 =	vld.idx.msk [tilespmem:v26+s3+$0x0], $0xffff  }
0x2ee: {  	v15 =	vld.idx.msk [tilespmem:v15+s3+$0x0], $0xffff;
	v3 =	vadd.f32 v28, v3  }
0x2ef: {  	v39 =	vld [tilespmem:s0+$0x20];
	v6 =	vadd.f32 v16, v6  }
0x2f0: {  	v42 =	vld [tilespmem:s6+$0xB380];
	v1 =	vadd.f32 v10, v1;
	v3 =	vadd.f32 v9, v3  }
0x2f1: {  	v4 =	vadd.f32 v5, v4;
	v5 =	vld.idx.msk [tilespmem:v11+s3+$0x0], $0xffff;
	v6 =	vadd.f32 v13, v6  }
0x2f2: {  	v1 =	vadd.f32 v14, v1;
	v29 =	vadd.f32 v7, v3;
	v3 =	vld [tilespmem:$0x1FF50]  }
0x2f3: {  	v53 =	vld [tilespmem:s0+$0xFFFFFFD0];
	v4 =	vadd.f32 v15, v4;
	v30 =	vadd.f32 v0, v6;
	v0 =	vmov s4  }
0x2f4: {  	v11 =	vld.idx.msk [tilespmem:v27+s3+$0x0], $0xffff;
	v31 =	vadd.f32 v2, v1;
	v1 =	vshll.u32 v0, $0x8;
	v58 =	vshll.u32 v0, $0x7  }
0x2f5: {  	v50 =	vld [tilespmem:s0+$0xFFFFFFF0];
	v4 =	vadd.f32 v8, v4;
	v57 =	vand.u32 $0x3800, v1;
	v0 =	vand.u32 $0x300, v58  }
0x2f6: {  	v2 =	vld [tilespmem:$0x1FF30];
	v0 =	vor.u32 v0, v57  }
0x2f7: {  	v6 =	vld [tilespmem:$0x1FF40];
	v4 =	vadd.f32 v5, v4;
	v3 =	vor.u32 v3, v0  }
0x2f8: {  	v8 =	vld [tilespmem:$0x1FF90]  }
0x2f9: {  	v32 =	vadd.f32 v11, v4;
	v4 =	vld [tilespmem:$0x1FF20]  }
0x2fa: {  	v5 =	vld [tilespmem:$0x1FF10]  }
0x2fb: {  	v7 =	vld [tilespmem:$0x1FF60];
	v2 =	vor.u32 v2, v0  }
0x2fc: {  	v59 =	vld.idx.msk [tilespmem:v3+s25+$0x0], $0xffff  }
0x2fd: {  	v3 =	vld [tilespmem:$0x1FF70]  }
0x2fe: {  	v9 =	vld [tilespmem:$0x1FFA0];
	v4 =	vor.u32 v4, v0  }
0x2ff: {  	v1 =	vld [tilespmem:$0x1FF00];
	v5 =	vor.u32 v5, v0  }
0x300: {  	v6 =	vor.u32 v6, v0;
	v61 =	vld.idx.msk [tilespmem:v2+s25+$0x0], $0xffff  }
0x301: {  	v7 =	vor.u32 v7, v0;
	v2 =	vld [tilespmem:$0x1FF80]  }
0x302: {  	s6 =	sadd.s32 $0x1, s4;
	v40 =	vld [tilespmem:s0+$0x0];
	v3 =	vor.u32 v3, v0  }
0x303: {  	v62 =	vld.idx.msk [tilespmem:v4+s25+$0x0], $0xffff;
	v4 =	vmov s6  }
0x304: {  	v8 =	vor.u32 v8, v0;
	v63 =	vld.idx.msk [tilespmem:v5+s25+$0x0], $0xffff;
	v5 =	vshll.u32 v4, $0x8  }
0x305: {  	v10 =	vor.u32 v9, v0;
	v60 =	vld.idx.msk [tilespmem:v6+s25+$0x0], $0xffff;
	v6 =	vand.u32 $0x3800, v5;
	v5 =	vlaneseq.u32  }
0x306: {  	v1 =	vor.u32 v1, v0;
	v2 =	vor.u32 v2, v0;
	v0 =	vor.u32 v5, v0;
	v5 =	vld.idx.msk [tilespmem:v7+s25+$0x0], $0xffff  }
0x307: {  	v7 =	vld.idx.msk [tilespmem:v3+s25+$0x0], $0xffff  }
0x308: {  	v4 =	vshll.u32 v4, $0x7;
	v3 =	vld [tilespmem:$0x1FFB0]  }
0x309: {  	v26 =	vld [tilespmem:s0+$0xB0];
	v4 =	vand.u32 $0x380, v4  }
0x30a: {  	v9 =	vor.u32 v4, v6;
	v4 =	vld [tilespmem:$0x1FFC0]  }
0x30b: {  	v6 =	vld.idx.msk [tilespmem:v2+s25+$0x0], $0xffff  }
0x30c: {  	v2 =	vld [tilespmem:$0x1FFF0]  }
0x30d: {  	v11 =	vor.u32 v3, v9;
	v3 =	vld.idx.msk [tilespmem:v8+s25+$0x0], $0xffff  }
0x30e: {  	v8 =	vld [tilespmem:$0x1FFD0]  }
0x30f: {  	v27 =	vld [tilespmem:s0+$0x80]  }
0x310: {  	v52 =	vld [tilespmem:s0+$0xFFFFFFE0]  }
0x311: {  	v33 =	vld [tilespmem:s0+$0x30]  }
0x312: {  	v28 =	vld [tilespmem:s0+$0x70];
	v15 =	vor.u32 v4, v9  }
0x313: {  	v2 =	vor.u32 v2, v9;
	v16 =	vor.u32 v8, v9;
	v8 =	vld.idx.msk [tilespmem:v0+s25+$0x0], $0xffff  }
0x314: {  	v0 =	vld [tilespmem:$0x1FFE0]  }
0x315: {  	p0 =	sne.s32 s4, $0x3E;
	v1 =	vld.idx.msk [tilespmem:v1+s25+$0x0], $0xffff  }
.Ltmp3:
0x316: {  	v4 =	vld.idx.msk [tilespmem:v10+s25+$0x0], $0xffff;
	(pc) =	sbr.rel @p0 .LBB2_8-.Ltmp3, $4  }
0x317: {  	v55 =	vld.idx.msk [tilespmem:v15+s25+$0x0], $0xffff  }
0x318: {  	v2 =	vld.idx.msk [tilespmem:v2+s25+$0x0], $0xffff  }
0x319: {  	v13 =	vor.u32 v20, v9;
	v14 =	vor.u32 v0, v9;
	v0 =	vld.idx.msk [tilespmem:v11+s25+$0x0], $0xffff  }
0x31a: {  	s4 =	sadd.s32 $0x2, s4;
	v12 =	vor.u32 v21, v9;
	v10 =	vor.u32 v24, v9;
	v11 =	vor.u32 v19, v9;
	v56 =	vld.idx.msk [tilespmem:v16+s25+$0x0], $0xffff  }
0x31b: {  	_ =	sdelay $0x3  }
0x31c: {  	v16 =	vor.u32 v23, v9;
	v14 =	vld.idx.msk [tilespmem:v14+s25+$0x0], $0xffff  }
0x31d: {  	v15 =	vor.u32 v17, v58;
	v58 =	vor.u32 v25, v9;
	v13 =	vld.idx.msk [tilespmem:v13+s25+$0x0], $0xffff;
	v1 =	vmul.u32 $0x5, v1  }
0x31e: {  	v9 =	vor.u32 v18, v9;
	v12 =	vld.idx.msk [tilespmem:v12+s25+$0x0], $0xffff;
	v61 =	vmul.u32 $0x5, v61;
	v62 =	vmul.u32 $0x5, v62  }
0x31f: {  	v11 =	vld.idx.msk [tilespmem:v11+s25+$0x0], $0xffff;
	v5 =	vmul.u32 $0x5, v5;
	v6 =	vmul.u32 $0x5, v6;
	v1 =	vadd.s32 v53, v1  }
0x320: {  	v10 =	vld.idx.msk [tilespmem:v10+s25+$0x0], $0xffff;
	v3 =	vmul.u32 $0x5, v3;
	v53 =	vmul.u32 $0x5, v59;
	v51 =	vadd.s32 v51, v62  }
0x321: {  	v4 =	vmul.u32 $0x5, v4;
	v8 =	vmul.u32 $0x5, v8;
	v5 =	vadd.s32 v54, v5;
	v16 =	vld.idx.msk [tilespmem:v16+s25+$0x0], $0xffff  }
0x322: {  	v15 =	vand.u32 $0x380, v15;
	v6 =	vadd.s32 v46, v6;
	v50 =	vadd.s32 v50, v53;
	v53 =	vld.idx.msk [tilespmem:v58+s25+$0x0], $0xffff  }
0x323: {  	v52 =	vadd.s32 v52, v61;
	v61 =	vmul.u32 $0x5, v63;
	v3 =	vadd.s32 v45, v3;
	v9 =	vld.idx.msk [tilespmem:v9+s25+$0x0], $0xffff  }
0x324: {  	v15 =	vor.u32 v15, v57;
	v4 =	vadd.s32 v44, v4;
	v1 =	vld.idx.msk [tilespmem:v1+s3+$0x0], $0xffff  }
0x325: {  	v8 =	vadd.s32 v43, v8;
	v0 =	vmul.u32 $0x5, v0;
	v49 =	vadd.s32 v49, v61;
	v61 =	vld.idx.msk [tilespmem:v51+s3+$0x0], $0xffff  }
0x326: {  	v2 =	vmul.u32 $0x5, v2;
	v15 =	vor.u32 v22, v15;
	v5 =	vld.idx.msk [tilespmem:v5+s3+$0x0], $0xffff  }
0x327: {  	v0 =	vadd.s32 v34, v0;
	v6 =	vld.idx.msk [tilespmem:v6+s3+$0x0], $0xffff  }
0x328: {  	v62 =	vmul.u32 $0x5, v60;
	v2 =	vadd.s32 v36, v2;
	v3 =	vld.idx.msk [tilespmem:v3+s3+$0x0], $0xffff  }
0x329: {  	v4 =	vld.idx.msk [tilespmem:v4+s3+$0x0], $0xffff  }
0x32a: {  	v48 =	vadd.s32 v48, v62;
	v12 =	vmul.u32 $0x5, v12;
	v8 =	vld.idx.msk [tilespmem:v8+s3+$0x0], $0xffff  }
0x32b: {  	v14 =	vmul.u32 $0x5, v14;
	v15 =	vld.idx.msk [tilespmem:v15+s25+$0x0], $0xffff  }
0x32c: {  	v11 =	vmul.u32 $0x5, v11;
	v12 =	vadd.s32 v28, v12;
	v0 =	vld.idx.msk [tilespmem:v0+s3+$0x0], $0xffff  }
0x32d: {  	v14 =	vadd.s32 v37, v14;
	v28 =	vmul.u32 $0x5, v55;
	v2 =	vld.idx.msk [tilespmem:v2+s3+$0x0], $0xffff  }
0x32e: {  	v11 =	vadd.s32 v27, v11;
	v59 =	vld.idx.msk [tilespmem:v49+s3+$0x0], $0xffff  }
0x32f: {  	v60 =	vld.idx.msk [tilespmem:v48+s3+$0x0], $0xffff;
	v26 =	vadd.s32 v26, v28;
	v63 =	vmul.u32 $0x5, v53  }
0x330: {  	v16 =	vmul.u32 $0x5, v16;
	[tilespmem:$0x1FD00] =	vst v1;
	v1 =	vmul.u32 $0x5, v7;
	v7 =	vld.idx.msk [tilespmem:v52+s3+$0x0], $0xffff  }
0x331: {  	v9 =	vmul.u32 $0x5, v9;
	v12 =	vld.idx.msk [tilespmem:v12+s3+$0x0], $0xffff;
	[tilespmem:$0x1FD60] =	vst v0;
	v0 =	vadd.s32 v33, v63  }
0x332: {  	v13 =	vmul.u32 $0x5, v13;
	v16 =	vadd.s32 v39, v16;
	[tilespmem:$0x1FD50] =	vst v2;
	v2 =	vld.idx.msk [tilespmem:v14+s3+$0x0], $0xffff  }
0x333: {  	v9 =	vadd.s32 v42, v9;
	v14 =	vld.idx.msk [tilespmem:v11+s3+$0x0], $0xffff  }
0x334: {  	v13 =	vadd.s32 v35, v13;
	v27 =	vmul.u32 $0x5, v56;
	v62 =	vld.idx.msk [tilespmem:v26+s3+$0x0], $0xffff  }
0x335: {  	v10 =	vmul.u32 $0x5, v10;
	v1 =	vadd.s32 v47, v1;
	[tilespmem:$0x1FD10] =	vst v7;
	v7 =	vld.idx.msk [tilespmem:v50+s3+$0x0], $0xffff  }
0x336: {  	v15 =	vmul.u32 $0x5, v15;
	v55 =	vld.idx.msk [tilespmem:v0+s3+$0x0], $0xffff;
	v0 =	vadd.s32 v41, v27  }
0x337: {  	v10 =	vadd.s32 v38, v10;
	v16 =	vld.idx.msk [tilespmem:v16+s3+$0x0], $0xffff  }
0x338: {  	v15 =	vadd.s32 v40, v15;
	v56 =	vld.idx.msk [tilespmem:v9+s3+$0x0], $0xffff  }
0x339: {  	[tilespmem:$0x1FD30] =	vst v2;
	v2 =	vld.idx.msk [tilespmem:v13+s3+$0x0], $0xffff  }
0x33a: {  	v1 =	vld.idx.msk [tilespmem:v1+s3+$0x0], $0xffff  }
0x33b: {  	v0 =	vld.idx.msk [tilespmem:v0+s3+$0x0], $0xffff  }
0x33c: {  	s1 =	simm.s32 $0x0;
	v13 =	vld.idx.msk [tilespmem:v10+s3+$0x0], $0xffff  }
0x33d: {  	[tilespmem:$0x1FD20] =	vst v7;
	v15 =	vld.idx.msk [tilespmem:v15+s3+$0x0], $0xffff;
	[tilespmem:s25], [sflag:$0x2] =	stream.linear.gather [hbm4b:s14+s1], $0x4000, $0x38  }
0x33e: {  	[tilespmem:$0x1FD40] =	vst v2  }
0x33f: {  	[tilespmem:s26], [sflag:$0x4] =	stream.linear.gather [hbm4b:s15+s1], $0x3200, $0x38;
	[tilespmem:$0xE500] =	vst v63  }
0x340: {  	[tilespmem:$0x1FD70] =	vst v0  }
0x341: {  	_ =	swait.ge [sflag:s28], $0x4000  }
0x342: {  	[sflag:s28] =	ssyncset.done $0x0  }
0x343: {  	v0 =	vmov s1;
	[sflag:s28] =	ssyncadd.s32 $0xFFFFC000  }
0x344: {  	v9 =	vshll.u32 v0, $0x8;
	v58 =	vshll.u32 v0, $0x7;
	_ =	swait.ge [sflag:s29], $0x3200  }
0x345: {  	v57 =	vand.u32 $0x3800, v9;
	v0 =	vand.u32 $0x300, v58;
	v7 =	vld [tilespmem:$0x1FF30]  }
0x346: {  	v2 =	vor.u32 v0, v57;
	v0 =	vld [tilespmem:$0x1FF00];
	_ =	sdelay $0x3  }
0x347: {  	v9 =	vor.u32 v7, v2;
	v7 =	vld [tilespmem:$0x1FF50]  }
0x348: {  	v30 =	vadd.f32 v1, v30;
	v1 =	vld [tilespmem:$0x1FF40];
	v0 =	vor.u32 v0, v2;
	_ =	sdelay $0x2  }
0x349: {  	[sflag:s29] =	ssyncset.done $0x0;
	v10 =	vld [tilespmem:$0x1FF10]  }
0x34a: {  	v8 =	vadd.f32 v8, v32;
	v6 =	vadd.f32 v6, v31;
	[sflag:s29] =	ssyncadd.s32 $0xFFFFCE00;
	v63 =	vor.u32 v7, v2;
	v7 =	vld [tilespmem:$0x1FF20]  }
0x34b: {  	v3 =	vadd.f32 v3, v29;
	v29 =	vor.u32 v1, v2;
	v1 =	vld.idx.msk [tilespmem:v0+s23+$0x0], $0xffff  }
0x34c: {  	v0 =	vadd.f32 v4, v8;
	v4 =	vadd.f32 v61, v6;
	v61 =	vld.idx.msk [tilespmem:v9+s23+$0x0], $0xffff  }
0x34d: {  	v9 =	vld [tilespmem:$0x1FF80];
	_ =	sdelay $0x1  }
0x34e: {  	v32 =	vadd.f32 v5, v0;
	v0 =	vld [tilespmem:$0x1FF70];
	v7 =	vor.u32 v7, v2;
	_ =	sdelay $0x1  }
0x34f: {  	v31 =	vor.u32 v10, v2;
	v6 =	vld [tilespmem:$0x1FF60]  }
0x350: {  	v8 =	vadd.f32 v59, v30;
	v30 =	vor.u32 v9, v2;
	v9 =	vld [tilespmem:$0x1FFA0]  }
0x351: {  	v59 =	vld.idx.msk [tilespmem:v63+s23+$0x0], $0xffff  }
0x352: {  	v10 =	vor.u32 v0, v2;
	v0 =	vld.idx.msk [tilespmem:v7+s23+$0x0], $0xffff  }
0x353: {  	v7 =	vld [tilespmem:$0x1FF90]  }
0x354: {  	v63 =	vld.idx.msk [tilespmem:v31+s23+$0x0], $0xffff  }
0x355: {  	s0 =	simm.s32 $0x8140;
	v31 =	vor.u32 v9, v2;
	v9 =	vld [tilespmem:$0x1FD00]  }
0x356: {  	s6 =	simm.s32 $0x1;
	v36 =	vld [tilespmem:s0+$0x90];
	v6 =	vor.u32 v6, v2  }
0x357: {  	v34 =	vld [tilespmem:s0+$0xA0];
	v5 =	vmov s6  }
0x358: {  	v26 =	vld [tilespmem:s0+$0xB0];
	v11 =	vor.u32 v7, v2;
	v7 =	vshll.u32 v5, $0x8;
	v5 =	vshll.u32 v5, $0x7  }
0x359: {  	v37 =	vld [tilespmem:s0+$0x50];
	v7 =	vand.u32 $0x3800, v7;
	v5 =	vand.u32 $0x380, v5  }
0x35a: {  	v35 =	vld [tilespmem:s0+$0x60];
	v4 =	vadd.f32 v9, v4;
	v9 =	vor.u32 v5, v7;
	v5 =	vlaneseq.u32  }
0x35b: {  	v2 =	vor.u32 v5, v2;
	v5 =	vld.idx.msk [tilespmem:v6+s23+$0x0], $0xffff  }
0x35c: {  	v6 =	vld [tilespmem:$0x1FD10]  }
0x35d: {  	v28 =	vld [tilespmem:s0+$0x70]  }
0x35e: {  	v27 =	vld [tilespmem:s0+$0x80]  }
0x35f: {  	v38 =	vld [tilespmem:s0+$0x10]  }
0x360: {  	v39 =	vld [tilespmem:s0+$0x20]  }
0x361: {  	v8 =	vadd.f32 v6, v8;
	v6 =	vld [tilespmem:$0x1FD20]  }
0x362: {  	v33 =	vld [tilespmem:s0+$0x30]  }
0x363: {  	v53 =	vld [tilespmem:s0+$0xFFFFFFD0]  }
0x364: {  	v3 =	vadd.f32 v60, v3;
	v52 =	vld [tilespmem:s0+$0xFFFFFFE0]  }
0x365: {  	v50 =	vld [tilespmem:s0+$0xFFFFFFF0]  }
0x366: {  	v3 =	vadd.f32 v6, v3;
	v6 =	vld.idx.msk [tilespmem:v30+s23+$0x0], $0xffff  }
0x367: {  	v30 =	vld [tilespmem:$0x1FFD0]  }
0x368: {  	v7 =	vld [tilespmem:$0x1FFF0]  }
0x369: {  	v40 =	vld [tilespmem:s0+$0x0]  }
0x36a: {  	v51 =	vld [tilespmem:s0+$0xFFFFFF90];
	v15 =	vadd.f32 v15, v32  }
0x36b: {  	v60 =	vld.idx.msk [tilespmem:v29+s23+$0x0], $0xffff  }
0x36c: {  	v15 =	vadd.f32 v56, v15;
	v56 =	vor.u32 v30, v9;
	v30 =	vld [tilespmem:$0x1FD40]  }
0x36d: {  	v29 =	vor.u32 v7, v9;
	v7 =	vld.idx.msk [tilespmem:v10+s23+$0x0], $0xffff  }
0x36e: {  	v10 =	vld [tilespmem:$0x1FFB0]  }
0x36f: {  	v49 =	vld [tilespmem:s0+$0xFFFFFFA0];
	v8 =	vadd.f32 v16, v8  }
0x370: {  	v16 =	vld [tilespmem:$0x1FD30]  }
0x371: {  	v30 =	vadd.f32 v30, v8;
	v8 =	vld.idx.msk [tilespmem:v2+s23+$0x0], $0xffff  }
0x372: {  	v2 =	vld [tilespmem:$0x1FD50]  }
0x373: {  	v48 =	vld [tilespmem:s0+$0xFFFFFFB0];
	v4 =	vadd.f32 v13, v4;
	v10 =	vor.u32 v10, v9  }
0x374: {  	v46 =	vld [tilespmem:s0+$0xFFFFFF50];
	v13 =	vadd.f32 v55, v3  }
0x375: {  	v47 =	vld [tilespmem:s0+$0xFFFFFF60];
	v16 =	vadd.f32 v16, v4  }
0x376: {  	v4 =	vld.idx.msk [tilespmem:v31+s23+$0x0], $0xffff;
	v12 =	vadd.f32 v12, v13  }
0x377: {  	v31 =	vadd.f32 v2, v16;
	v2 =	vld.idx.msk [tilespmem:v29+s23+$0x0], $0xffff  }
0x378: {  	v29 =	vadd.f32 v62, v12;
	v62 =	vld.idx.msk [tilespmem:v10+s23+$0x0], $0xffff  }
0x379: {  	v10 =	vld [tilespmem:$0x1FD70]  }
0x37a: {  	v3 =	vld.idx.msk [tilespmem:v11+s23+$0x0], $0xffff  }
0x37b: {  	v11 =	vld [tilespmem:$0x1FFC0]  }
0x37c: {  	v45 =	vld [tilespmem:s0+$0xFFFFFF70];
	v13 =	vadd.f32 v14, v15  }
0x37d: {  	v14 =	vld [tilespmem:$0x1FD60]  }
0x37e: {  	v32 =	vadd.f32 v10, v13;
	v10 =	vld [tilespmem:$0x1FFE0]  }
0x37f: {  	v44 =	vld [tilespmem:s0+$0xFFFFFF80]  }
0x380: {  	s4 =	sand.u32 $0x3FF0, s1;
	v43 =	vld [tilespmem:s0+$0xFFFFFF40];
	v11 =	vor.u32 v11, v9  }
0x381: {  	v41 =	vld [tilespmem:s4+$0x8200]  }
0x382: {  	v42 =	vld [tilespmem:s4+$0x8180]  }
0x383: {  	v54 =	vld [tilespmem:s4+$0x8100];
	v30 =	vadd.f32 v14, v30;
	v14 =	vor.u32 v10, v9  }
0x384: {  	v56 =	vld.idx.msk [tilespmem:v56+s23+$0x0], $0xffff;
	v13 =	vor.u32 v20, v9  }
0x385: {  	s4 =	simm.s32 $0x2;
	v55 =	vld.idx.msk [tilespmem:v11+s23+$0x0], $0xffff;
	v11 =	vor.u32 v19, v9;
	v12 =	vor.u32 v21, v9;
	v10 =	vor.u32 v24, v9  }
.LBB2_10:
0x386: {  	_ =	sdelay $0x1  }
0x387: {  	v15 =	vor.u32 v17, v58;
	v16 =	vor.u32 v23, v9;
	v14 =	vld.idx.msk [tilespmem:v14+s23+$0x0], $0xffff  }
0x388: {  	v58 =	vor.u32 v25, v9;
	v13 =	vld.idx.msk [tilespmem:v13+s23+$0x0], $0xffff;
	v9 =	vor.u32 v18, v9;
	v5 =	vmul.u32 $0x5, v5  }
0x389: {  	v12 =	vld.idx.msk [tilespmem:v12+s23+$0x0], $0xffff;
	v15 =	vand.u32 $0x380, v15  }
0x38a: {  	v1 =	vmul.u32 $0x5, v1;
	v11 =	vld.idx.msk [tilespmem:v11+s23+$0x0], $0xffff;
	v15 =	vor.u32 v15, v57;
	v5 =	vadd.s32 v54, v5  }
0x38b: {  	v61 =	vmul.u32 $0x5, v61;
	v10 =	vld.idx.msk [tilespmem:v10+s23+$0x0], $0xffff;
	v15 =	vor.u32 v22, v15  }
0x38c: {  	v0 =	vmul.u32 $0x5, v0;
	v1 =	vadd.s32 v53, v1;
	v53 =	vmul.u32 $0x5, v59;
	v16 =	vld.idx.msk [tilespmem:v16+s23+$0x0], $0xffff  }
0x38d: {  	v6 =	vmul.u32 $0x5, v6;
	v52 =	vadd.s32 v52, v61;
	v9 =	vld.idx.msk [tilespmem:v9+s23+$0x0], $0xffff  }
0x38e: {  	v7 =	vmul.u32 $0x5, v7;
	v0 =	vadd.s32 v51, v0;
	v50 =	vadd.s32 v50, v53;
	v53 =	vld.idx.msk [tilespmem:v58+s23+$0x0], $0xffff  }
0x38f: {  	v3 =	vmul.u32 $0x5, v3;
	v6 =	vadd.s32 v46, v6;
	v5 =	vld.idx.msk [tilespmem:v5+s3+$0x0], $0xffff  }
0x390: {  	v8 =	vmul.u32 $0x5, v8;
	v7 =	vadd.s32 v47, v7;
	v15 =	vld.idx.msk [tilespmem:v15+s23+$0x0], $0xffff  }
0x391: {  	v61 =	vmul.u32 $0x5, v63;
	v3 =	vadd.s32 v45, v3;
	v1 =	vld.idx.msk [tilespmem:v1+s3+$0x0], $0xffff  }
0x392: {  	v8 =	vadd.s32 v43, v8;
	v57 =	vld.idx.msk [tilespmem:v52+s3+$0x0], $0xffff  }
0x393: {  	v63 =	vmul.u32 $0x5, v60;
	v49 =	vadd.s32 v49, v61;
	v0 =	vld.idx.msk [tilespmem:v0+s3+$0x0], $0xffff  }
0x394: {  	v10 =	vmul.u32 $0x5, v10;
	v6 =	vld.idx.msk [tilespmem:v6+s3+$0x0], $0xffff  }
0x395: {  	v48 =	vadd.s32 v48, v63;
	v7 =	vld.idx.msk [tilespmem:v7+s3+$0x0], $0xffff;
	v16 =	vmul.u32 $0x5, v16  }
0x396: {  	v14 =	vmul.u32 $0x5, v14;
	v10 =	vadd.s32 v38, v10;
	v3 =	vld.idx.msk [tilespmem:v3+s3+$0x0], $0xffff  }
0x397: {  	v13 =	vmul.u32 $0x5, v13;
	v8 =	vld.idx.msk [tilespmem:v8+s3+$0x0], $0xffff;
	v16 =	vadd.s32 v39, v16  }
0x398: {  	v4 =	vmul.u32 $0x5, v4;
	v2 =	vmul.u32 $0x5, v2;
	v14 =	vadd.s32 v37, v14;
	v59 =	vld.idx.msk [tilespmem:v49+s3+$0x0], $0xffff  }
0x399: {  	v12 =	vmul.u32 $0x5, v12;
	v61 =	vmul.u32 $0x5, v62;
	v13 =	vadd.s32 v35, v13;
	v58 =	vld.idx.msk [tilespmem:v50+s3+$0x0], $0xffff  }
0x39a: {  	v11 =	vmul.u32 $0x5, v11;
	v2 =	vadd.s32 v36, v2;
	v60 =	vld.idx.msk [tilespmem:v48+s3+$0x0], $0xffff;
	v6 =	vadd.f32 v6, v31  }
0x39b: {  	v34 =	vadd.s32 v34, v61;
	v62 =	vmul.u32 $0x5, v53;
	v10 =	vld.idx.msk [tilespmem:v10+s3+$0x0], $0xffff;
	v7 =	vadd.f32 v7, v30  }
0x39c: {  	v4 =	vadd.s32 v44, v4;
	v12 =	vadd.s32 v28, v12;
	v0 =	vadd.f32 v0, v6;
	v16 =	vld.idx.msk [tilespmem:v16+s3+$0x0], $0xffff  }
0x39d: {  	v28 =	vmul.u32 $0x5, v55;
	v14 =	vld.idx.msk [tilespmem:v14+s3+$0x0], $0xffff;
	v33 =	vadd.s32 v33, v62;
	v6 =	vadd.f32 v59, v7  }
0x39e: {  	v13 =	vld.idx.msk [tilespmem:v13+s3+$0x0], $0xffff;
	v15 =	vmul.u32 $0x5, v15;
	v0 =	vadd.f32 v1, v0  }
0x39f: {  	v11 =	vadd.s32 v27, v11;
	v26 =	vadd.s32 v26, v28;
	v2 =	vld.idx.msk [tilespmem:v2+s3+$0x0], $0xffff;
	v1 =	vadd.f32 v57, v6  }
0x3a0: {  	v9 =	vmul.u32 $0x5, v9;
	v63 =	vld.idx.msk [tilespmem:v34+s3+$0x0], $0xffff;
	v15 =	vadd.s32 v40, v15;
	v0 =	vadd.f32 v10, v0  }
0x3a1: {  	v27 =	vmul.u32 $0x5, v56;
	v4 =	vld.idx.msk [tilespmem:v4+s3+$0x0], $0xffff;
	v3 =	vadd.f32 v3, v29;
	v1 =	vadd.f32 v16, v1  }
0x3a2: {  	v9 =	vadd.s32 v42, v9;
	v28 =	vld.idx.msk [tilespmem:v33+s3+$0x0], $0xffff;
	v0 =	vadd.f32 v14, v0  }
0x3a3: {  	v27 =	vadd.s32 v41, v27;
	v7 =	vld.idx.msk [tilespmem:v12+s3+$0x0], $0xffff;
	v3 =	vadd.f32 v60, v3;
	v1 =	vadd.f32 v13, v1  }
0x3a4: {  	v8 =	vadd.f32 v8, v32;
	v6 =	vld.idx.msk [tilespmem:v26+s3+$0x0], $0xffff;
	v31 =	vadd.f32 v2, v0;
	v0 =	vmov s4  }
0x3a5: {  	v3 =	vadd.f32 v58, v3;
	v15 =	vld.idx.msk [tilespmem:v15+s3+$0x0], $0xffff;
	v30 =	vadd.f32 v63, v1;
	v1 =	vshll.u32 v0, $0x8  }
0x3a6: {  	v4 =	vadd.f32 v4, v8;
	v57 =	vand.u32 $0x3800, v1;
	v1 =	vld [tilespmem:$0x1FF30]  }
0x3a7: {  	v8 =	vld.idx.msk [tilespmem:v9+s3+$0x0], $0xffff;
	v3 =	vadd.f32 v28, v3  }
0x3a8: {  	v4 =	vadd.f32 v5, v4;
	v58 =	vshll.u32 v0, $0x7  }
0x3a9: {  	v5 =	vld.idx.msk [tilespmem:v11+s3+$0x0], $0xffff;
	v3 =	vadd.f32 v7, v3;
	v0 =	vand.u32 $0x300, v58  }
0x3aa: {  	v9 =	vld.idx.msk [tilespmem:v27+s3+$0x0], $0xffff;
	v4 =	vadd.f32 v15, v4;
	v2 =	vor.u32 v0, v57  }
0x3ab: {  	s1 =	sadd.s32 $0x190, s1;
	v29 =	vadd.f32 v6, v3;
	v3 =	vor.u32 v1, v2;
	v1 =	vld [tilespmem:$0x1FF50]  }
0x3ac: {  	s6 =	sand.u32 $0x3FF0, s1;
	v4 =	vadd.f32 v8, v4  }
0x3ad: {  	s0 =	sadd.s32 $0x190, s0;
	v54 =	vld [tilespmem:s6+$0x8100]  }
0x3ae: {  	v51 =	vld [tilespmem:s0+$0xFFFFFF90];
	v4 =	vadd.f32 v5, v4  }
0x3af: {  	v46 =	vld [tilespmem:s0+$0xFFFFFF50]  }
0x3b0: {  	v32 =	vadd.f32 v9, v4;
	v4 =	vor.u32 v1, v2;
	v1 =	vld [tilespmem:$0x1FF20]  }
0x3b1: {  	v47 =	vld [tilespmem:s0+$0xFFFFFF60]  }
0x3b2: {  	v45 =	vld [tilespmem:s0+$0xFFFFFF70]  }
0x3b3: {  	v43 =	vld [tilespmem:s0+$0xFFFFFF40]  }
0x3b4: {  	v0 =	vld [tilespmem:$0x1FF00]  }
0x3b5: {  	v5 =	vor.u32 v1, v2;
	v1 =	vld [tilespmem:$0x1FF10]  }
0x3b6: {  	v36 =	vld [tilespmem:s0+$0x90]  }
0x3b7: {  	v44 =	vld [tilespmem:s0+$0xFFFFFF80]  }
0x3b8: {  	v37 =	vld [tilespmem:s0+$0x50]  }
0x3b9: {  	v35 =	vld [tilespmem:s0+$0x60]  }
0x3ba: {  	v0 =	vor.u32 v0, v2;
	v6 =	vor.u32 v1, v2;
	v1 =	vld [tilespmem:$0x1FF40]  }
0x3bb: {  	v38 =	vld [tilespmem:s0+$0x10]  }
0x3bc: {  	v52 =	vld [tilespmem:s0+$0xFFFFFFE0]  }
0x3bd: {  	v41 =	vld [tilespmem:s6+$0x8200]  }
0x3be: {  	v53 =	vld [tilespmem:s0+$0xFFFFFFD0]  }
0x3bf: {  	v7 =	vor.u32 v1, v2;
	v1 =	vld.idx.msk [tilespmem:v0+s23+$0x0], $0xffff  }
0x3c0: {  	v0 =	vld [tilespmem:$0x1FF60]  }
0x3c1: {  	v50 =	vld [tilespmem:s0+$0xFFFFFFF0]  }
0x3c2: {  	v49 =	vld [tilespmem:s0+$0xFFFFFFA0]  }
0x3c3: {  	v48 =	vld [tilespmem:s0+$0xFFFFFFB0]  }
0x3c4: {  	v39 =	vld [tilespmem:s0+$0x20]  }
0x3c5: {  	v8 =	vor.u32 v0, v2;
	v0 =	vld [tilespmem:$0x1FF80]  }
0x3c6: {  	v42 =	vld [tilespmem:s6+$0x8180]  }
0x3c7: {  	v34 =	vld [tilespmem:s0+$0xA0]  }
0x3c8: {  	v9 =	vld [tilespmem:$0x1FF90]  }
0x3c9: {  	v61 =	vld.idx.msk [tilespmem:v3+s23+$0x0], $0xffff  }
0x3ca: {  	v3 =	vor.u32 v0, v2;
	v0 =	vld [tilespmem:$0x1FF70]  }
0x3cb: {  	v40 =	vld [tilespmem:s0+$0x0]  }
0x3cc: {  	v27 =	vld [tilespmem:s0+$0x80]  }
0x3cd: {  	v10 =	vor.u32 v9, v2;
	v9 =	vld [tilespmem:$0x1FFA0]  }
0x3ce: {  	s6 =	sadd.s32 $0x1, s4;
	v59 =	vld.idx.msk [tilespmem:v4+s23+$0x0], $0xffff  }
0x3cf: {  	v4 =	vor.u32 v0, v2;
	v0 =	vld.idx.msk [tilespmem:v5+s23+$0x0], $0xffff;
	v5 =	vmov s6  }
0x3d0: {  	v63 =	vld.idx.msk [tilespmem:v6+s23+$0x0], $0xffff;
	v6 =	vshll.u32 v5, $0x8;
	v5 =	vshll.u32 v5, $0x7  }
0x3d1: {  	v60 =	vld.idx.msk [tilespmem:v7+s23+$0x0], $0xffff;
	v6 =	vand.u32 $0x3800, v6;
	v7 =	vand.u32 $0x380, v5  }
0x3d2: {  	v11 =	vor.u32 v9, v2;
	v9 =	vor.u32 v7, v6;
	v6 =	vld.idx.msk [tilespmem:v3+s23+$0x0], $0xffff  }
0x3d3: {  	v5 =	vlaneseq.u32;
	v3 =	vld [tilespmem:$0x1FFF0]  }
0x3d4: {  	v2 =	vor.u32 v5, v2;
	v5 =	vld.idx.msk [tilespmem:v8+s23+$0x0], $0xffff  }
0x3d5: {  	v8 =	vld [tilespmem:$0x1FFD0]  }
0x3d6: {  	v26 =	vld [tilespmem:s0+$0xB0]  }
0x3d7: {  	v7 =	vld.idx.msk [tilespmem:v4+s23+$0x0], $0xffff  }
0x3d8: {  	v12 =	vor.u32 v3, v9;
	v3 =	vld [tilespmem:$0x1FFB0]  }
0x3d9: {  	v4 =	vld [tilespmem:$0x1FFC0]  }
0x3da: {  	v16 =	vor.u32 v8, v9;
	v8 =	vld.idx.msk [tilespmem:v2+s23+$0x0], $0xffff  }
0x3db: {  	v2 =	vld [tilespmem:$0x1FFE0]  }
0x3dc: {  	v33 =	vld [tilespmem:s0+$0x30]  }
0x3dd: {  	v28 =	vld [tilespmem:s0+$0x70];
	v15 =	vor.u32 v3, v9  }
0x3de: {  	p0 =	sne.s32 s4, $0x3E;
	v3 =	vld.idx.msk [tilespmem:v10+s23+$0x0], $0xffff;
	v10 =	vor.u32 v4, v9  }
.Ltmp4:
0x3df: {  	v4 =	vld.idx.msk [tilespmem:v11+s23+$0x0], $0xffff;
	(pc) =	sbr.rel @p0 .LBB2_10-.Ltmp4, $4  }
0x3e0: {  	v14 =	vor.u32 v2, v9;
	v2 =	vld.idx.msk [tilespmem:v12+s23+$0x0], $0xffff  }
0x3e1: {  	v56 =	vld.idx.msk [tilespmem:v16+s23+$0x0], $0xffff  }
0x3e2: {  	v13 =	vor.u32 v20, v9;
	v62 =	vld.idx.msk [tilespmem:v15+s23+$0x0], $0xffff  }
0x3e3: {  	s4 =	sadd.s32 $0x2, s4;
	v12 =	vor.u32 v21, v9;
	v11 =	vor.u32 v19, v9;
	v55 =	vld.idx.msk [tilespmem:v10+s23+$0x0], $0xffff;
	v10 =	vor.u32 v24, v9  }
0x3e4: {  	v1 =	vmul.u32 $0x5, v1;
	_ =	sdelay $0x1  }
0x3e5: {  	v15 =	vor.u32 v17, v58;
	v1 =	vadd.s32 v53, v1  }
0x3e6: {  	v0 =	vmul.u32 $0x5, v0;
	v15 =	vand.u32 $0x380, v15  }
0x3e7: {  	v15 =	vor.u32 v15, v57  }
0x3e8: {  	v57 =	vmul.u32 $0x5, v61;
	v51 =	vadd.s32 v51, v0;
	v0 =	vmul.u32 $0x5, v60  }
0x3e9: {  	v14 =	vld.idx.msk [tilespmem:v14+s23+$0x0], $0xffff  }
0x3ea: {  	v52 =	vadd.s32 v52, v57;
	v48 =	vadd.s32 v48, v0;
	v0 =	vld.idx.msk [tilespmem:v1+s3+$0x0], $0xffff  }
0x3eb: {  	v16 =	vor.u32 v23, v9;
	v13 =	vld.idx.msk [tilespmem:v13+s23+$0x0], $0xffff  }
0x3ec: {  	v58 =	vor.u32 v25, v9;
	v12 =	vld.idx.msk [tilespmem:v12+s23+$0x0], $0xffff  }
0x3ed: {  	v9 =	vor.u32 v18, v9;
	v11 =	vld.idx.msk [tilespmem:v11+s23+$0x0], $0xffff;
	v61 =	vmul.u32 $0x5, v59  }
0x3ee: {  	v10 =	vld.idx.msk [tilespmem:v10+s23+$0x0], $0xffff;
	v63 =	vmul.u32 $0x5, v63  }
0x3ef: {  	v5 =	vmul.u32 $0x5, v5;
	v50 =	vadd.s32 v50, v61;
	[tilespmem:$0x1FC90] =	vst v0;
	v0 =	vld.idx.msk [tilespmem:v52+s3+$0x0], $0xffff  }
0x3f0: {  	v6 =	vmul.u32 $0x5, v6;
	v49 =	vadd.s32 v49, v63;
	v16 =	vld.idx.msk [tilespmem:v16+s23+$0x0], $0xffff  }
0x3f1: {  	v3 =	vmul.u32 $0x5, v3;
	v5 =	vadd.s32 v54, v5;
	v53 =	vld.idx.msk [tilespmem:v58+s23+$0x0], $0xffff  }
0x3f2: {  	v2 =	vmul.u32 $0x5, v2;
	v6 =	vadd.s32 v46, v6;
	v9 =	vld.idx.msk [tilespmem:v9+s23+$0x0], $0xffff  }
0x3f3: {  	v4 =	vmul.u32 $0x5, v4;
	v3 =	vadd.s32 v45, v3;
	v1 =	vmul.u32 $0x5, v7;
	v7 =	vld.idx.msk [tilespmem:v51+s3+$0x0], $0xffff  }
0x3f4: {  	v2 =	vadd.s32 v36, v2;
	[tilespmem:$0x1FCA0] =	vst v0;
	v0 =	vld.idx.msk [tilespmem:v50+s3+$0x0], $0xffff  }
0x3f5: {  	v8 =	vmul.u32 $0x5, v8;
	v4 =	vadd.s32 v44, v4;
	v59 =	vld.idx.msk [tilespmem:v49+s3+$0x0], $0xffff  }
0x3f6: {  	v15 =	vor.u32 v22, v15;
	v63 =	vld.idx.msk [tilespmem:v5+s3+$0x0], $0xffff  }
0x3f7: {  	v8 =	vadd.s32 v43, v8;
	v58 =	vmul.u32 $0x5, v62;
	v6 =	vld.idx.msk [tilespmem:v6+s3+$0x0], $0xffff  }
0x3f8: {  	v10 =	vmul.u32 $0x5, v10;
	v3 =	vld.idx.msk [tilespmem:v3+s3+$0x0], $0xffff  }
0x3f9: {  	v12 =	vmul.u32 $0x5, v12;
	v34 =	vadd.s32 v34, v58;
	[tilespmem:$0x1FCB0] =	vst v0;
	v0 =	vld.idx.msk [tilespmem:v2+s3+$0x0], $0xffff  }
0x3fa: {  	v11 =	vmul.u32 $0x5, v11;
	v4 =	vld.idx.msk [tilespmem:v4+s3+$0x0], $0xffff;
	v10 =	vadd.s32 v38, v10  }
0x3fb: {  	v12 =	vadd.s32 v28, v12;
	v15 =	vld.idx.msk [tilespmem:v15+s23+$0x0], $0xffff  }
0x3fc: {  	v14 =	vmul.u32 $0x5, v14;
	v8 =	vld.idx.msk [tilespmem:v8+s3+$0x0], $0xffff;
	v11 =	vadd.s32 v27, v11  }
0x3fd: {  	v1 =	vadd.s32 v47, v1;
	v60 =	vld.idx.msk [tilespmem:v48+s3+$0x0], $0xffff;
	v16 =	vmul.u32 $0x5, v16  }
0x3fe: {  	v14 =	vadd.s32 v37, v14;
	v61 =	vmul.u32 $0x5, v53;
	[tilespmem:$0x1FCE0] =	vst v0;
	v0 =	vld.idx.msk [tilespmem:v34+s3+$0x0], $0xffff  }
0x3ff: {  	v9 =	vmul.u32 $0x5, v9;
	v16 =	vadd.s32 v39, v16;
	v10 =	vld.idx.msk [tilespmem:v10+s3+$0x0], $0xffff  }
0x400: {  	v33 =	vadd.s32 v33, v61;
	v12 =	vld.idx.msk [tilespmem:v12+s3+$0x0], $0xffff;
	v15 =	vmul.u32 $0x5, v15  }
0x401: {  	v13 =	vmul.u32 $0x5, v13;
	v9 =	vadd.s32 v42, v9;
	v11 =	vld.idx.msk [tilespmem:v11+s3+$0x0], $0xffff  }
0x402: {  	v27 =	vmul.u32 $0x5, v56;
	v1 =	vld.idx.msk [tilespmem:v1+s3+$0x0], $0xffff;
	v15 =	vadd.s32 v40, v15  }
0x403: {  	v13 =	vadd.s32 v35, v13;
	v28 =	vmul.u32 $0x5, v55;
	[tilespmem:$0x1FCF0] =	vst v0;
	v0 =	vld.idx.msk [tilespmem:v14+s3+$0x0], $0xffff  }
0x404: {  	v27 =	vadd.s32 v41, v27;
	v16 =	vld.idx.msk [tilespmem:v16+s3+$0x0], $0xffff  }
0x405: {  	v26 =	vadd.s32 v26, v28;
	v55 =	vld.idx.msk [tilespmem:v33+s3+$0x0], $0xffff  }
0x406: {  	v56 =	vld.idx.msk [tilespmem:v9+s3+$0x0], $0xffff  }
0x407: {  	v15 =	vld.idx.msk [tilespmem:v15+s3+$0x0], $0xffff  }
0x408: {  	[tilespmem:$0x1FCC0] =	vst v0;
	v0 =	vld.idx.msk [tilespmem:v13+s3+$0x0], $0xffff  }
0x409: {  	s1 =	simm.s32 $0x0;
	v14 =	vld.idx.msk [tilespmem:v27+s3+$0x0], $0xffff  }
0x40a: {  	v13 =	vld.idx.msk [tilespmem:v26+s3+$0x0], $0xffff;
	[tilespmem:s23], [sflag:$0x1] =	stream.linear.gather [hbm4b:s16+s1], $0x4000, $0x38  }
0x40b: {  	_ = 	snop  }
0x40c: {  	[tilespmem:s24], [sflag:$0x3] =	stream.linear.gather [hbm4b:s17+s1], $0x3200, $0x38;
	[tilespmem:$0xE500] =	vst v63  }
0x40d: {  	[tilespmem:$0x1FCD0] =	vst v0  }
0x40e: {  	_ =	swait.ge [sflag:s30], $0x4000  }
0x40f: {  	v8 =	vadd.f32 v8, v32;
	[sflag:s30] =	ssyncset.done $0x0  }
0x410: {  	[sflag:s30] =	ssyncadd.s32 $0xFFFFC000  }
0x411: {  	v4 =	vadd.f32 v4, v8;
	_ =	swait.ge [sflag:s31], $0x3200  }
0x412: {  	v0 =	vld [tilespmem:$0x1FF00]  }
0x413: {  	v4 =	vadd.f32 v63, v4;
	v2 =	vld [tilespmem:$0x1FF10]  }
0x414: {  	v30 =	vadd.f32 v1, v30;
	[sflag:s31] =	ssyncset.done $0x0;
	v1 =	vld [tilespmem:$0x1FF40]  }
0x415: {  	s0 =	simm.s32 $0xB340;
	v4 =	vadd.f32 v15, v4;
	v15 =	vld [tilespmem:$0x1FFB0];
	[sflag:s31] =	ssyncadd.s32 $0xFFFFCE00  }
0x416: {  	v36 =	vld [tilespmem:s0+$0x90]  }
0x417: {  	v34 =	vld [tilespmem:s0+$0xA0]  }
0x418: {  	v26 =	vld [tilespmem:s0+$0xB0]  }
0x419: {  	v37 =	vld [tilespmem:s0+$0x50]  }
0x41a: {  	v35 =	vld [tilespmem:s0+$0x60]  }
0x41b: {  	v28 =	vld [tilespmem:s0+$0x70]  }
0x41c: {  	v9 =	vmov s1;
	v27 =	vld [tilespmem:s0+$0x80]  }
0x41d: {  	v62 =	vshll.u32 v9, $0x8;
	v58 =	vshll.u32 v9, $0x7;
	v38 =	vld [tilespmem:s0+$0x10]  }
0x41e: {  	v57 =	vand.u32 $0x3800, v62;
	v9 =	vand.u32 $0x300, v58;
	v39 =	vld [tilespmem:s0+$0x20]  }
0x41f: {  	v5 =	vor.u32 v9, v57;
	v33 =	vld [tilespmem:s0+$0x30]  }
0x420: {  	v6 =	vadd.f32 v6, v31;
	v31 =	vor.u32 v2, v5;
	v2 =	vld [tilespmem:$0x1FF60]  }
0x421: {  	v53 =	vld [tilespmem:s0+$0xFFFFFFD0]  }
0x422: {  	v3 =	vadd.f32 v3, v29;
	v52 =	vld [tilespmem:s0+$0xFFFFFFE0];
	v29 =	vor.u32 v1, v5  }
0x423: {  	v50 =	vld [tilespmem:s0+$0xFFFFFFF0]  }
0x424: {  	v9 =	vor.u32 v0, v5;
	v0 =	vld [tilespmem:$0x1FF30]  }
0x425: {  	v6 =	vadd.f32 v7, v6;
	v7 =	vor.u32 v2, v5;
	v2 =	vld [tilespmem:$0x1FF80]  }
0x426: {  	v40 =	vld [tilespmem:s0+$0x0]  }
0x427: {  	v3 =	vadd.f32 v60, v3;
	v60 =	vld.idx.msk [tilespmem:v29+s25+$0x0], $0xffff  }
0x428: {  	v29 =	vld [tilespmem:$0x1FC90]  }
0x429: {  	v61 =	vor.u32 v0, v5;
	v0 =	vld [tilespmem:$0x1FF50]  }
0x42a: {  	v8 =	vadd.f32 v59, v30;
	v30 =	vor.u32 v2, v5;
	v2 =	vld [tilespmem:$0x1FF70]  }
0x42b: {  	v51 =	vld [tilespmem:s0+$0xFFFFFF90]  }
0x42c: {  	v49 =	vld [tilespmem:s0+$0xFFFFFFA0]  }
0x42d: {  	v29 =	vadd.f32 v29, v6;
	v6 =	vld [tilespmem:$0x1FCA0]  }
0x42e: {  	v62 =	vor.u32 v0, v5;
	v0 =	vld [tilespmem:$0x1FF20]  }
0x42f: {  	v32 =	vor.u32 v2, v5;
	v2 =	vld [tilespmem:$0x1FF90]  }
0x430: {  	v48 =	vld [tilespmem:s0+$0xFFFFFFB0]  }
0x431: {  	v46 =	vld [tilespmem:s0+$0xFFFFFF50]  }
0x432: {  	v8 =	vadd.f32 v6, v8;
	v6 =	vld [tilespmem:$0x1FCB0]  }
0x433: {  	v47 =	vld [tilespmem:s0+$0xFFFFFF60];
	v0 =	vor.u32 v0, v5  }
0x434: {  	v45 =	vld [tilespmem:s0+$0xFFFFFF70];
	v2 =	vor.u32 v2, v5  }
0x435: {  	v1 =	vld.idx.msk [tilespmem:v9+s25+$0x0], $0xffff  }
0x436: {  	v10 =	vadd.f32 v10, v29;
	v29 =	vld [tilespmem:$0x1FFD0]  }
0x437: {  	v59 =	vld.idx.msk [tilespmem:v62+s25+$0x0], $0xffff;
	v3 =	vadd.f32 v6, v3  }
0x438: {  	v62 =	vld.idx.msk [tilespmem:v0+s25+$0x0], $0xffff  }
0x439: {  	s6 =	simm.s32 $0x1;
	v8 =	vadd.f32 v16, v8;
	v16 =	vadd.f32 v55, v3;
	v3 =	vld.idx.msk [tilespmem:v2+s25+$0x0], $0xffff  }
0x43a: {  	v0 =	vmov s6;
	v2 =	vld [tilespmem:$0x1FFC0]  }
0x43b: {  	v63 =	vld.idx.msk [tilespmem:v31+s25+$0x0], $0xffff;
	v9 =	vshll.u32 v0, $0x8;
	v0 =	vshll.u32 v0, $0x7  }
0x43c: {  	v31 =	vld [tilespmem:$0x1FFA0];
	v9 =	vand.u32 $0x3800, v9;
	v0 =	vand.u32 $0x380, v0  }
0x43d: {  	v44 =	vld [tilespmem:s0+$0xFFFFFF80];
	v9 =	vor.u32 v0, v9;
	v0 =	vlaneseq.u32  }
0x43e: {  	v43 =	vld [tilespmem:s0+$0xFFFFFF40];
	v0 =	vor.u32 v0, v5  }
0x43f: {  	s4 =	sand.u32 $0x3FF0, s1;
	v55 =	vor.u32 v2, v9;
	v2 =	vadd.f32 v56, v4;
	v56 =	vor.u32 v29, v9;
	v29 =	vld [tilespmem:$0x1FCD0]  }
0x440: {  	v41 =	vld [tilespmem:s4+$0xB400]  }
0x441: {  	v31 =	vor.u32 v31, v5;
	v5 =	vld.idx.msk [tilespmem:v7+s25+$0x0], $0xffff  }
0x442: {  	v7 =	vld [tilespmem:$0x1FFF0]  }
0x443: {  	v4 =	vld [tilespmem:$0x1FCC0]  }
0x444: {  	v29 =	vadd.f32 v29, v8;
	v8 =	vld.idx.msk [tilespmem:v0+s25+$0x0], $0xffff  }
0x445: {  	v0 =	vld [tilespmem:$0x1FCE0]  }
0x446: {  	v42 =	vld [tilespmem:s4+$0xB380]  }
0x447: {  	v54 =	vld [tilespmem:s4+$0xB300]  }
0x448: {  	v6 =	vld.idx.msk [tilespmem:v30+s25+$0x0], $0xffff;
	v10 =	vadd.f32 v4, v10  }
0x449: {  	v30 =	vor.u32 v7, v9;
	v4 =	vld.idx.msk [tilespmem:v31+s25+$0x0], $0xffff  }
0x44a: {  	v31 =	vadd.f32 v0, v10;
	v0 =	vld [tilespmem:$0x1FCF0]  }
0x44b: {  	v10 =	vld [tilespmem:$0x1FFE0]  }
0x44c: {  	v61 =	vld.idx.msk [tilespmem:v61+s25+$0x0], $0xffff;
	v15 =	vor.u32 v15, v9  }
0x44d: {  	v7 =	vld.idx.msk [tilespmem:v32+s25+$0x0], $0xffff;
	v11 =	vadd.f32 v11, v2  }
0x44e: {  	v12 =	vadd.f32 v12, v16;
	v2 =	vld.idx.msk [tilespmem:v30+s25+$0x0], $0xffff  }
0x44f: {  	v32 =	vadd.f32 v14, v11;
	v11 =	vor.u32 v19, v9;
	v55 =	vld.idx.msk [tilespmem:v55+s25+$0x0], $0xffff  }
0x450: {  	v56 =	vld.idx.msk [tilespmem:v56+s25+$0x0], $0xffff;
	v30 =	vadd.f32 v0, v29;
	v29 =	vadd.f32 v13, v12;
	v14 =	vor.u32 v10, v9  }
0x451: {  	s4 =	simm.s32 $0x2;
	v0 =	vld.idx.msk [tilespmem:v15+s25+$0x0], $0xffff;
	v13 =	vor.u32 v20, v9;
	v12 =	vor.u32 v21, v9;
	v10 =	vor.u32 v24, v9  }
.LBB2_12:
0x452: {  	_ =	sdelay $0x2  }
0x453: {  	v14 =	vld.idx.msk [tilespmem:v14+s25+$0x0], $0xffff  }
0x454: {  	v13 =	vld.idx.msk [tilespmem:v13+s25+$0x0], $0xffff  }
0x455: {  	v12 =	vld.idx.msk [tilespmem:v12+s25+$0x0], $0xffff  }
0x456: {  	v11 =	vld.idx.msk [tilespmem:v11+s25+$0x0], $0xffff;
	v5 =	vmul.u32 $0x5, v5;
	s1 =	sadd.s32 $0x190, s1  }
0x457: {  	v15 =	vor.u32 v17, v58;
	v16 =	vor.u32 v23, v9;
	v10 =	vld.idx.msk [tilespmem:v10+s25+$0x0], $0xffff;
	v6 =	vmul.u32 $0x5, v6;
	s6 =	sand.u32 $0x3FF0, s1  }
0x458: {  	v58 =	vor.u32 v25, v9;
	v7 =	vmul.u32 $0x5, v7;
	s0 =	sadd.s32 $0x190, s0;
	v5 =	vadd.s32 v54, v5;
	v54 =	vld [tilespmem:s6+$0xB300]  }
0x459: {  	v9 =	vor.u32 v18, v9;
	v3 =	vmul.u32 $0x5, v3;
	v6 =	vadd.s32 v46, v6;
	v46 =	vld [tilespmem:s0+$0xFFFFFF50]  }
0x45a: {  	v8 =	vmul.u32 $0x5, v8;
	v7 =	vadd.s32 v47, v7;
	v47 =	vld [tilespmem:s0+$0xFFFFFF60]  }
0x45b: {  	v3 =	vadd.s32 v45, v3;
	v45 =	vld [tilespmem:s0+$0xFFFFFF70]  }
0x45c: {  	v8 =	vadd.s32 v43, v8;
	v43 =	vld [tilespmem:s0+$0xFFFFFF40]  }
0x45d: {  	v15 =	vand.u32 $0x380, v15;
	v2 =	vmul.u32 $0x5, v2;
	v16 =	vld.idx.msk [tilespmem:v16+s25+$0x0], $0xffff  }
0x45e: {  	v15 =	vor.u32 v15, v57;
	v57 =	vmul.u32 $0x5, v61;
	v0 =	vmul.u32 $0x5, v0;
	v9 =	vld.idx.msk [tilespmem:v9+s25+$0x0], $0xffff  }
0x45f: {  	v61 =	vmul.u32 $0x5, v62;
	v4 =	vmul.u32 $0x5, v4;
	v2 =	vadd.s32 v36, v2;
	v36 =	vld [tilespmem:s0+$0x90]  }
0x460: {  	v62 =	vmul.u32 $0x5, v63;
	v63 =	vmul.u32 $0x5, v60;
	v0 =	vadd.s32 v34, v0;
	v34 =	vld [tilespmem:s0+$0xA0]  }
0x461: {  	v15 =	vor.u32 v22, v15;
	v14 =	vmul.u32 $0x5, v14;
	v4 =	vadd.s32 v44, v4;
	v44 =	vld [tilespmem:s0+$0xFFFFFF80]  }
0x462: {  	v1 =	vmul.u32 $0x5, v1;
	v52 =	vadd.s32 v52, v57;
	v13 =	vmul.u32 $0x5, v13;
	v5 =	vld.idx.msk [tilespmem:v5+s3+$0x0], $0xffff  }
0x463: {  	v51 =	vadd.s32 v51, v61;
	v10 =	vmul.u32 $0x5, v10;
	v14 =	vadd.s32 v37, v14;
	v37 =	vld [tilespmem:s0+$0x50]  }
0x464: {  	v1 =	vadd.s32 v53, v1;
	v53 =	vmul.u32 $0x5, v59;
	v13 =	vadd.s32 v35, v13;
	v35 =	vld [tilespmem:s0+$0x60]  }
0x465: {  	v49 =	vadd.s32 v49, v62;
	v10 =	vadd.s32 v38, v10;
	v38 =	vld [tilespmem:s0+$0x10]  }
0x466: {  	v48 =	vadd.s32 v48, v63;
	v50 =	vadd.s32 v50, v53;
	v53 =	vld.idx.msk [tilespmem:v58+s25+$0x0], $0xffff  }
0x467: {  	v15 =	vld.idx.msk [tilespmem:v15+s25+$0x0], $0xffff  }
0x468: {  	v52 =	vld.idx.msk [tilespmem:v52+s3+$0x0], $0xffff  }
0x469: {  	v60 =	vld.idx.msk [tilespmem:v51+s3+$0x0], $0xffff  }
0x46a: {  	v61 =	vld.idx.msk [tilespmem:v49+s3+$0x0], $0xffff  }
0x46b: {  	v62 =	vld.idx.msk [tilespmem:v48+s3+$0x0], $0xffff  }
0x46c: {  	v6 =	vld.idx.msk [tilespmem:v6+s3+$0x0], $0xffff  }
0x46d: {  	v7 =	vld.idx.msk [tilespmem:v7+s3+$0x0], $0xffff  }
0x46e: {  	v3 =	vld.idx.msk [tilespmem:v3+s3+$0x0], $0xffff  }
0x46f: {  	v11 =	vmul.u32 $0x5, v11;
	v8 =	vld.idx.msk [tilespmem:v8+s3+$0x0], $0xffff  }
0x470: {  	v51 =	vld [tilespmem:s0+$0xFFFFFF90]  }
0x471: {  	v11 =	vadd.s32 v27, v11;
	v27 =	vmul.u32 $0x5, v56;
	v49 =	vld [tilespmem:s0+$0xFFFFFFA0]  }
0x472: {  	v48 =	vld [tilespmem:s0+$0xFFFFFFB0]  }
0x473: {  	v27 =	vadd.s32 v41, v27;
	v41 =	vld [tilespmem:s6+$0xB400]  }
0x474: {  	v16 =	vmul.u32 $0x5, v16;
	v1 =	vld.idx.msk [tilespmem:v1+s3+$0x0], $0xffff  }
0x475: {  	v4 =	vld.idx.msk [tilespmem:v4+s3+$0x0], $0xffff;
	v63 =	vmul.u32 $0x5, v53  }
0x476: {  	v9 =	vmul.u32 $0x5, v9;
	v2 =	vld.idx.msk [tilespmem:v2+s3+$0x0], $0xffff;
	v16 =	vadd.s32 v39, v16  }
0x477: {  	v12 =	vmul.u32 $0x5, v12;
	v0 =	vld.idx.msk [tilespmem:v0+s3+$0x0], $0xffff;
	v33 =	vadd.s32 v33, v63  }
0x478: {  	v14 =	vld.idx.msk [tilespmem:v14+s3+$0x0], $0xffff;
	v9 =	vadd.s32 v42, v9  }
0x479: {  	v12 =	vadd.s32 v28, v12;
	v28 =	vmul.u32 $0x5, v55;
	v10 =	vld.idx.msk [tilespmem:v10+s3+$0x0], $0xffff  }
0x47a: {  	v59 =	vld.idx.msk [tilespmem:v50+s3+$0x0], $0xffff;
	v15 =	vmul.u32 $0x5, v15  }
0x47b: {  	v26 =	vadd.s32 v26, v28;
	v8 =	vadd.f32 v8, v32;
	v3 =	vadd.f32 v3, v29;
	v16 =	vld.idx.msk [tilespmem:v16+s3+$0x0], $0xffff  }
0x47c: {  	v6 =	vadd.f32 v6, v31;
	v7 =	vadd.f32 v7, v30;
	v15 =	vadd.s32 v40, v15;
	v28 =	vld.idx.msk [tilespmem:v33+s3+$0x0], $0xffff  }
0x47d: {  	v4 =	vadd.f32 v4, v8;
	v3 =	vadd.f32 v62, v3;
	v8 =	vld.idx.msk [tilespmem:v9+s3+$0x0], $0xffff  }
0x47e: {  	v6 =	vadd.f32 v60, v6;
	v7 =	vadd.f32 v61, v7;
	v9 =	vld.idx.msk [tilespmem:v12+s3+$0x0], $0xffff  }
0x47f: {  	v13 =	vld.idx.msk [tilespmem:v13+s3+$0x0], $0xffff;
	v3 =	vadd.f32 v59, v3  }
0x480: {  	v1 =	vadd.f32 v1, v6;
	v6 =	vadd.f32 v52, v7;
	v7 =	vld.idx.msk [tilespmem:v26+s3+$0x0], $0xffff  }
0x481: {  	v15 =	vld.idx.msk [tilespmem:v15+s3+$0x0], $0xffff;
	v3 =	vadd.f32 v28, v3  }
0x482: {  	v39 =	vld [tilespmem:s0+$0x20];
	v6 =	vadd.f32 v16, v6  }
0x483: {  	v42 =	vld [tilespmem:s6+$0xB380];
	v1 =	vadd.f32 v10, v1;
	v3 =	vadd.f32 v9, v3  }
0x484: {  	v4 =	vadd.f32 v5, v4;
	v5 =	vld.idx.msk [tilespmem:v11+s3+$0x0], $0xffff;
	v6 =	vadd.f32 v13, v6  }
0x485: {  	v1 =	vadd.f32 v14, v1;
	v29 =	vadd.f32 v7, v3;
	v3 =	vld [tilespmem:$0x1FF50]  }
0x486: {  	v53 =	vld [tilespmem:s0+$0xFFFFFFD0];
	v4 =	vadd.f32 v15, v4;
	v30 =	vadd.f32 v0, v6;
	v0 =	vmov s4  }
0x487: {  	v11 =	vld.idx.msk [tilespmem:v27+s3+$0x0], $0xffff;
	v31 =	vadd.f32 v2, v1;
	v1 =	vshll.u32 v0, $0x8;
	v58 =	vshll.u32 v0, $0x7  }
0x488: {  	v50 =	vld [tilespmem:s0+$0xFFFFFFF0];
	v4 =	vadd.f32 v8, v4;
	v57 =	vand.u32 $0x3800, v1;
	v0 =	vand.u32 $0x300, v58  }
0x489: {  	v2 =	vld [tilespmem:$0x1FF30];
	v0 =	vor.u32 v0, v57  }
0x48a: {  	v6 =	vld [tilespmem:$0x1FF40];
	v4 =	vadd.f32 v5, v4;
	v3 =	vor.u32 v3, v0  }
0x48b: {  	v8 =	vld [tilespmem:$0x1FF90]  }
0x48c: {  	v32 =	vadd.f32 v11, v4;
	v4 =	vld [tilespmem:$0x1FF20]  }
0x48d: {  	v5 =	vld [tilespmem:$0x1FF10]  }
0x48e: {  	v7 =	vld [tilespmem:$0x1FF60];
	v2 =	vor.u32 v2, v0  }
0x48f: {  	v59 =	vld.idx.msk [tilespmem:v3+s25+$0x0], $0xffff  }
0x490: {  	v3 =	vld [tilespmem:$0x1FF70]  }
0x491: {  	v9 =	vld [tilespmem:$0x1FFA0];
	v4 =	vor.u32 v4, v0  }
0x492: {  	v1 =	vld [tilespmem:$0x1FF00];
	v5 =	vor.u32 v5, v0  }
0x493: {  	v6 =	vor.u32 v6, v0;
	v61 =	vld.idx.msk [tilespmem:v2+s25+$0x0], $0xffff  }
0x494: {  	v7 =	vor.u32 v7, v0;
	v2 =	vld [tilespmem:$0x1FF80]  }
0x495: {  	s6 =	sadd.s32 $0x1, s4;
	v40 =	vld [tilespmem:s0+$0x0];
	v3 =	vor.u32 v3, v0  }
0x496: {  	v62 =	vld.idx.msk [tilespmem:v4+s25+$0x0], $0xffff;
	v4 =	vmov s6  }
0x497: {  	v8 =	vor.u32 v8, v0;
	v63 =	vld.idx.msk [tilespmem:v5+s25+$0x0], $0xffff;
	v5 =	vshll.u32 v4, $0x8  }
0x498: {  	v10 =	vor.u32 v9, v0;
	v60 =	vld.idx.msk [tilespmem:v6+s25+$0x0], $0xffff;
	v6 =	vand.u32 $0x3800, v5;
	v5 =	vlaneseq.u32  }
0x499: {  	v1 =	vor.u32 v1, v0;
	v2 =	vor.u32 v2, v0;
	v0 =	vor.u32 v5, v0;
	v5 =	vld.idx.msk [tilespmem:v7+s25+$0x0], $0xffff  }
0x49a: {  	v7 =	vld.idx.msk [tilespmem:v3+s25+$0x0], $0xffff  }
0x49b: {  	v4 =	vshll.u32 v4, $0x7;
	v3 =	vld [tilespmem:$0x1FFB0]  }
0x49c: {  	v26 =	vld [tilespmem:s0+$0xB0];
	v4 =	vand.u32 $0x380, v4  }
0x49d: {  	v9 =	vor.u32 v4, v6;
	v4 =	vld [tilespmem:$0x1FFC0]  }
0x49e: {  	v6 =	vld.idx.msk [tilespmem:v2+s25+$0x0], $0xffff  }
0x49f: {  	v2 =	vld [tilespmem:$0x1FFF0]  }
0x4a0: {  	v11 =	vor.u32 v3, v9;
	v3 =	vld.idx.msk [tilespmem:v8+s25+$0x0], $0xffff  }
0x4a1: {  	v8 =	vld [tilespmem:$0x1FFD0]  }
0x4a2: {  	v27 =	vld [tilespmem:s0+$0x80]  }
0x4a3: {  	v52 =	vld [tilespmem:s0+$0xFFFFFFE0]  }
0x4a4: {  	v33 =	vld [tilespmem:s0+$0x30]  }
0x4a5: {  	v28 =	vld [tilespmem:s0+$0x70];
	v15 =	vor.u32 v4, v9  }
0x4a6: {  	v2 =	vor.u32 v2, v9;
	v16 =	vor.u32 v8, v9;
	v8 =	vld.idx.msk [tilespmem:v0+s25+$0x0], $0xffff  }
0x4a7: {  	v0 =	vld [tilespmem:$0x1FFE0]  }
0x4a8: {  	p0 =	sne.s32 s4, $0x3E;
	v1 =	vld.idx.msk [tilespmem:v1+s25+$0x0], $0xffff  }
.Ltmp5:
0x4a9: {  	v4 =	vld.idx.msk [tilespmem:v10+s25+$0x0], $0xffff;
	(pc) =	sbr.rel @p0 .LBB2_12-.Ltmp5, $4  }
0x4aa: {  	v55 =	vld.idx.msk [tilespmem:v15+s25+$0x0], $0xffff  }
0x4ab: {  	v2 =	vld.idx.msk [tilespmem:v2+s25+$0x0], $0xffff  }
0x4ac: {  	v13 =	vor.u32 v20, v9;
	v14 =	vor.u32 v0, v9;
	v0 =	vld.idx.msk [tilespmem:v11+s25+$0x0], $0xffff  }
0x4ad: {  	s4 =	sadd.s32 $0x2, s4;
	v12 =	vor.u32 v21, v9;
	v10 =	vor.u32 v24, v9;
	v11 =	vor.u32 v19, v9;
	v56 =	vld.idx.msk [tilespmem:v16+s25+$0x0], $0xffff  }
0x4ae: {  	_ =	sdelay $0x3  }
0x4af: {  	v16 =	vor.u32 v23, v9;
	v14 =	vld.idx.msk [tilespmem:v14+s25+$0x0], $0xffff  }
0x4b0: {  	v15 =	vor.u32 v17, v58;
	v58 =	vor.u32 v25, v9;
	v13 =	vld.idx.msk [tilespmem:v13+s25+$0x0], $0xffff;
	v1 =	vmul.u32 $0x5, v1  }
0x4b1: {  	v9 =	vor.u32 v18, v9;
	v12 =	vld.idx.msk [tilespmem:v12+s25+$0x0], $0xffff;
	v61 =	vmul.u32 $0x5, v61;
	v62 =	vmul.u32 $0x5, v62  }
0x4b2: {  	v11 =	vld.idx.msk [tilespmem:v11+s25+$0x0], $0xffff;
	v5 =	vmul.u32 $0x5, v5;
	v6 =	vmul.u32 $0x5, v6;
	v1 =	vadd.s32 v53, v1  }
0x4b3: {  	v10 =	vld.idx.msk [tilespmem:v10+s25+$0x0], $0xffff;
	v3 =	vmul.u32 $0x5, v3;
	v53 =	vmul.u32 $0x5, v59;
	v51 =	vadd.s32 v51, v62  }
0x4b4: {  	v4 =	vmul.u32 $0x5, v4;
	v8 =	vmul.u32 $0x5, v8;
	v5 =	vadd.s32 v54, v5;
	v16 =	vld.idx.msk [tilespmem:v16+s25+$0x0], $0xffff  }
0x4b5: {  	v15 =	vand.u32 $0x380, v15;
	v6 =	vadd.s32 v46, v6;
	v50 =	vadd.s32 v50, v53;
	v53 =	vld.idx.msk [tilespmem:v58+s25+$0x0], $0xffff  }
0x4b6: {  	v52 =	vadd.s32 v52, v61;
	v61 =	vmul.u32 $0x5, v63;
	v3 =	vadd.s32 v45, v3;
	v9 =	vld.idx.msk [tilespmem:v9+s25+$0x0], $0xffff  }
0x4b7: {  	v15 =	vor.u32 v15, v57;
	v4 =	vadd.s32 v44, v4;
	v1 =	vld.idx.msk [tilespmem:v1+s3+$0x0], $0xffff  }
0x4b8: {  	v8 =	vadd.s32 v43, v8;
	v0 =	vmul.u32 $0x5, v0;
	v49 =	vadd.s32 v49, v61;
	v61 =	vld.idx.msk [tilespmem:v51+s3+$0x0], $0xffff  }
0x4b9: {  	v2 =	vmul.u32 $0x5, v2;
	v15 =	vor.u32 v22, v15;
	v5 =	vld.idx.msk [tilespmem:v5+s3+$0x0], $0xffff  }
0x4ba: {  	v0 =	vadd.s32 v34, v0;
	v6 =	vld.idx.msk [tilespmem:v6+s3+$0x0], $0xffff  }
0x4bb: {  	v62 =	vmul.u32 $0x5, v60;
	v2 =	vadd.s32 v36, v2;
	v3 =	vld.idx.msk [tilespmem:v3+s3+$0x0], $0xffff  }
0x4bc: {  	v4 =	vld.idx.msk [tilespmem:v4+s3+$0x0], $0xffff  }
0x4bd: {  	v48 =	vadd.s32 v48, v62;
	v12 =	vmul.u32 $0x5, v12;
	v8 =	vld.idx.msk [tilespmem:v8+s3+$0x0], $0xffff  }
0x4be: {  	v14 =	vmul.u32 $0x5, v14;
	v15 =	vld.idx.msk [tilespmem:v15+s25+$0x0], $0xffff  }
0x4bf: {  	v11 =	vmul.u32 $0x5, v11;
	v12 =	vadd.s32 v28, v12;
	v0 =	vld.idx.msk [tilespmem:v0+s3+$0x0], $0xffff  }
0x4c0: {  	v14 =	vadd.s32 v37, v14;
	v28 =	vmul.u32 $0x5, v55;
	v2 =	vld.idx.msk [tilespmem:v2+s3+$0x0], $0xffff  }
0x4c1: {  	v11 =	vadd.s32 v27, v11;
	v59 =	vld.idx.msk [tilespmem:v49+s3+$0x0], $0xffff  }
0x4c2: {  	v60 =	vld.idx.msk [tilespmem:v48+s3+$0x0], $0xffff;
	v26 =	vadd.s32 v26, v28;
	v63 =	vmul.u32 $0x5, v53  }
0x4c3: {  	v16 =	vmul.u32 $0x5, v16;
	[tilespmem:$0x1FC10] =	vst v1;
	v1 =	vmul.u32 $0x5, v7;
	v7 =	vld.idx.msk [tilespmem:v52+s3+$0x0], $0xffff  }
0x4c4: {  	v9 =	vmul.u32 $0x5, v9;
	v12 =	vld.idx.msk [tilespmem:v12+s3+$0x0], $0xffff;
	[tilespmem:$0x1FC70] =	vst v0;
	v0 =	vadd.s32 v33, v63  }
0x4c5: {  	v13 =	vmul.u32 $0x5, v13;
	v16 =	vadd.s32 v39, v16;
	[tilespmem:$0x1FC60] =	vst v2;
	v2 =	vld.idx.msk [tilespmem:v14+s3+$0x0], $0xffff  }
0x4c6: {  	v9 =	vadd.s32 v42, v9;
	v14 =	vld.idx.msk [tilespmem:v11+s3+$0x0], $0xffff  }
0x4c7: {  	v13 =	vadd.s32 v35, v13;
	v27 =	vmul.u32 $0x5, v56;
	v62 =	vld.idx.msk [tilespmem:v26+s3+$0x0], $0xffff  }
0x4c8: {  	v10 =	vmul.u32 $0x5, v10;
	v1 =	vadd.s32 v47, v1;
	[tilespmem:$0x1FC20] =	vst v7;
	v7 =	vld.idx.msk [tilespmem:v50+s3+$0x0], $0xffff  }
0x4c9: {  	v15 =	vmul.u32 $0x5, v15;
	v34 =	vld.idx.msk [tilespmem:v0+s3+$0x0], $0xffff;
	v0 =	vadd.s32 v41, v27  }
0x4ca: {  	v10 =	vadd.s32 v38, v10;
	v16 =	vld.idx.msk [tilespmem:v16+s3+$0x0], $0xffff  }
0x4cb: {  	v15 =	vadd.s32 v40, v15;
	v56 =	vld.idx.msk [tilespmem:v9+s3+$0x0], $0xffff  }
0x4cc: {  	[tilespmem:$0x1FC40] =	vst v2;
	v2 =	vld.idx.msk [tilespmem:v13+s3+$0x0], $0xffff  }
0x4cd: {  	v1 =	vld.idx.msk [tilespmem:v1+s3+$0x0], $0xffff  }
0x4ce: {  	v0 =	vld.idx.msk [tilespmem:v0+s3+$0x0], $0xffff  }
0x4cf: {  	s1 =	simm.s32 $0x0;
	v13 =	vld.idx.msk [tilespmem:v10+s3+$0x0], $0xffff  }
0x4d0: {  	[tilespmem:$0x1FC30] =	vst v7;
	v15 =	vld.idx.msk [tilespmem:v15+s3+$0x0], $0xffff;
	[tilespmem:s25], [sflag:$0x2] =	stream.linear.gather [hbm4b:s18+s1], $0x4000, $0x38  }
0x4d1: {  	[tilespmem:$0x1FC50] =	vst v2  }
0x4d2: {  	[tilespmem:s26], [sflag:$0x4] =	stream.linear.gather [hbm4b:s19+s1], $0x3200, $0x38;
	[tilespmem:$0xE500] =	vst v63  }
0x4d3: {  	[tilespmem:$0x1FC80] =	vst v0  }
0x4d4: {  	_ =	swait.ge [sflag:s28], $0x4000  }
0x4d5: {  	[sflag:s28] =	ssyncset.done $0x0  }
0x4d6: {  	v0 =	vmov s1;
	[sflag:s28] =	ssyncadd.s32 $0xFFFFC000  }
0x4d7: {  	v9 =	vshll.u32 v0, $0x8;
	v58 =	vshll.u32 v0, $0x7;
	_ =	swait.ge [sflag:s29], $0x3200  }
0x4d8: {  	v57 =	vand.u32 $0x3800, v9;
	v0 =	vand.u32 $0x300, v58;
	v7 =	vld [tilespmem:$0x1FF30]  }
0x4d9: {  	v2 =	vor.u32 v0, v57;
	v0 =	vld [tilespmem:$0x1FF00];
	_ =	sdelay $0x3  }
0x4da: {  	v9 =	vor.u32 v7, v2;
	v7 =	vld [tilespmem:$0x1FF50]  }
0x4db: {  	v30 =	vadd.f32 v1, v30;
	v1 =	vld [tilespmem:$0x1FF40];
	v0 =	vor.u32 v0, v2;
	_ =	sdelay $0x2  }
0x4dc: {  	[sflag:s29] =	ssyncset.done $0x0;
	v10 =	vld [tilespmem:$0x1FF10]  }
0x4dd: {  	v8 =	vadd.f32 v8, v32;
	v6 =	vadd.f32 v6, v31;
	[sflag:s29] =	ssyncadd.s32 $0xFFFFCE00;
	v63 =	vor.u32 v7, v2;
	v7 =	vld [tilespmem:$0x1FF20]  }
0x4de: {  	v3 =	vadd.f32 v3, v29;
	v29 =	vor.u32 v1, v2;
	v1 =	vld.idx.msk [tilespmem:v0+s23+$0x0], $0xffff  }
0x4df: {  	v0 =	vadd.f32 v4, v8;
	v4 =	vadd.f32 v61, v6;
	v61 =	vld.idx.msk [tilespmem:v9+s23+$0x0], $0xffff  }
0x4e0: {  	v9 =	vld [tilespmem:$0x1FF80];
	_ =	sdelay $0x1  }
0x4e1: {  	v32 =	vadd.f32 v5, v0;
	v0 =	vld [tilespmem:$0x1FF70];
	v7 =	vor.u32 v7, v2;
	_ =	sdelay $0x1  }
0x4e2: {  	v31 =	vor.u32 v10, v2;
	v6 =	vld [tilespmem:$0x1FF60]  }
0x4e3: {  	v8 =	vadd.f32 v59, v30;
	v30 =	vor.u32 v9, v2;
	v9 =	vld [tilespmem:$0x1FFA0]  }
0x4e4: {  	v59 =	vld.idx.msk [tilespmem:v63+s23+$0x0], $0xffff  }
0x4e5: {  	v10 =	vor.u32 v0, v2;
	v0 =	vld.idx.msk [tilespmem:v7+s23+$0x0], $0xffff  }
0x4e6: {  	v7 =	vld [tilespmem:$0x1FF90]  }
0x4e7: {  	v63 =	vld.idx.msk [tilespmem:v31+s23+$0x0], $0xffff  }
0x4e8: {  	v31 =	vor.u32 v9, v2;
	v9 =	vld [tilespmem:$0x1FC10]  }
0x4e9: {  	s6 =	simm.s32 $0x1;
	v6 =	vor.u32 v6, v2  }
0x4ea: {  	v5 =	vmov s6  }
0x4eb: {  	v11 =	vor.u32 v7, v2;
	v7 =	vshll.u32 v5, $0x8;
	v5 =	vshll.u32 v5, $0x7  }
0x4ec: {  	s0 =	simm.s32 $0x8140;
	v7 =	vand.u32 $0x3800, v7;
	v5 =	vand.u32 $0x380, v5  }
0x4ed: {  	v37 =	vld [tilespmem:s0+$0x90];
	v4 =	vadd.f32 v9, v4;
	v9 =	vor.u32 v5, v7;
	v5 =	vlaneseq.u32  }
0x4ee: {  	v2 =	vor.u32 v5, v2;
	v5 =	vld.idx.msk [tilespmem:v6+s23+$0x0], $0xffff  }
0x4ef: {  	v6 =	vld [tilespmem:$0x1FC20]  }
0x4f0: {  	v35 =	vld [tilespmem:s0+$0xA0]  }
0x4f1: {  	v26 =	vld [tilespmem:s0+$0xB0]  }
0x4f2: {  	v38 =	vld [tilespmem:s0+$0x50]  }
0x4f3: {  	v36 =	vld [tilespmem:s0+$0x60]  }
0x4f4: {  	v8 =	vadd.f32 v6, v8;
	v6 =	vld [tilespmem:$0x1FC30]  }
0x4f5: {  	v28 =	vld [tilespmem:s0+$0x70]  }
0x4f6: {  	v27 =	vld [tilespmem:s0+$0x80]  }
0x4f7: {  	v3 =	vadd.f32 v60, v3;
	v39 =	vld [tilespmem:s0+$0x10]  }
0x4f8: {  	v40 =	vld [tilespmem:s0+$0x20]  }
0x4f9: {  	v3 =	vadd.f32 v6, v3;
	v6 =	vld.idx.msk [tilespmem:v30+s23+$0x0], $0xffff  }
0x4fa: {  	v30 =	vld [tilespmem:$0x1FFD0]  }
0x4fb: {  	v33 =	vld [tilespmem:s0+$0x30]  }
0x4fc: {  	v7 =	vld [tilespmem:$0x1FFF0]  }
0x4fd: {  	v15 =	vadd.f32 v15, v32;
	v13 =	vadd.f32 v13, v4;
	v4 =	vld [tilespmem:$0x1FFB0]  }
0x4fe: {  	v8 =	vadd.f32 v16, v8;
	v16 =	vadd.f32 v34, v3;
	v3 =	vld [tilespmem:$0x1FFC0]  }
0x4ff: {  	v15 =	vadd.f32 v56, v15;
	v56 =	vor.u32 v30, v9;
	v30 =	vld [tilespmem:$0x1FC50]  }
0x500: {  	v60 =	vld.idx.msk [tilespmem:v29+s23+$0x0], $0xffff  }
0x501: {  	v29 =	vor.u32 v7, v9;
	v7 =	vld.idx.msk [tilespmem:v10+s23+$0x0], $0xffff  }
0x502: {  	v10 =	vor.u32 v4, v9;
	v4 =	vld.idx.msk [tilespmem:v11+s23+$0x0], $0xffff  }
0x503: {  	v11 =	vor.u32 v3, v9;
	v3 =	vld [tilespmem:$0x1FC40]  }
0x504: {  	v30 =	vadd.f32 v30, v8;
	v8 =	vld.idx.msk [tilespmem:v2+s23+$0x0], $0xffff  }
0x505: {  	v2 =	vld [tilespmem:$0x1FC60]  }
0x506: {  	v54 =	vld [tilespmem:s0+$0xFFFFFFD0]  }
0x507: {  	v53 =	vld [tilespmem:s0+$0xFFFFFFE0]  }
0x508: {  	v51 =	vld [tilespmem:s0+$0xFFFFFFF0];
	v13 =	vadd.f32 v3, v13  }
0x509: {  	v41 =	vld [tilespmem:s0+$0x0]  }
0x50a: {  	v32 =	vadd.f32 v2, v13;
	v13 =	vld [tilespmem:$0x1FC70]  }
0x50b: {  	v52 =	vld [tilespmem:s0+$0xFFFFFF90]  }
0x50c: {  	v50 =	vld [tilespmem:s0+$0xFFFFFFA0]  }
0x50d: {  	v49 =	vld [tilespmem:s0+$0xFFFFFFB0];
	v12 =	vadd.f32 v12, v16  }
0x50e: {  	v3 =	vld.idx.msk [tilespmem:v31+s23+$0x0], $0xffff  }
0x50f: {  	v31 =	vadd.f32 v13, v30;
	v30 =	vadd.f32 v62, v12;
	v62 =	vld.idx.msk [tilespmem:v10+s23+$0x0], $0xffff  }
0x510: {  	v10 =	vld [tilespmem:$0x1FC80]  }
0x511: {  	v47 =	vld [tilespmem:s0+$0xFFFFFF50]  }
0x512: {  	v48 =	vld [tilespmem:s0+$0xFFFFFF60]  }
0x513: {  	v46 =	vld [tilespmem:s0+$0xFFFFFF70];
	v14 =	vadd.f32 v14, v15  }
0x514: {  	v45 =	vld [tilespmem:s0+$0xFFFFFF80]  }
0x515: {  	v34 =	vadd.f32 v10, v14;
	v10 =	vld [tilespmem:$0x1FFE0]  }
0x516: {  	s4 =	sand.u32 $0x3FF0, s1;
	v44 =	vld [tilespmem:s0+$0xFFFFFF40]  }
0x517: {  	v42 =	vld [tilespmem:s4+$0x8200]  }
0x518: {  	v43 =	vld [tilespmem:s4+$0x8180]  }
0x519: {  	v55 =	vld [tilespmem:s4+$0x8100]  }
0x51a: {  	v56 =	vld.idx.msk [tilespmem:v56+s23+$0x0], $0xffff;
	v14 =	vor.u32 v10, v9  }
0x51b: {  	v2 =	vld.idx.msk [tilespmem:v29+s23+$0x0], $0xffff;
	v13 =	vor.u32 v20, v9  }
0x51c: {  	s4 =	simm.s32 $0x2;
	v29 =	vld.idx.msk [tilespmem:v11+s23+$0x0], $0xffff;
	v11 =	vor.u32 v19, v9;
	v12 =	vor.u32 v21, v9;
	v10 =	vor.u32 v24, v9  }
.LBB2_14:
0x51d: {  	_ =	sdelay $0x1  }
0x51e: {  	v15 =	vor.u32 v17, v58;
	v16 =	vor.u32 v23, v9;
	v14 =	vld.idx.msk [tilespmem:v14+s23+$0x0], $0xffff  }
0x51f: {  	v58 =	vor.u32 v25, v9;
	v13 =	vld.idx.msk [tilespmem:v13+s23+$0x0], $0xffff;
	v9 =	vor.u32 v18, v9;
	v5 =	vmul.u32 $0x5, v5  }
0x520: {  	v12 =	vld.idx.msk [tilespmem:v12+s23+$0x0], $0xffff;
	v15 =	vand.u32 $0x380, v15  }
0x521: {  	v1 =	vmul.u32 $0x5, v1;
	v11 =	vld.idx.msk [tilespmem:v11+s23+$0x0], $0xffff;
	v15 =	vor.u32 v15, v57;
	v5 =	vadd.s32 v55, v5  }
0x522: {  	v61 =	vmul.u32 $0x5, v61;
	v10 =	vld.idx.msk [tilespmem:v10+s23+$0x0], $0xffff;
	v15 =	vor.u32 v22, v15  }
0x523: {  	v0 =	vmul.u32 $0x5, v0;
	v1 =	vadd.s32 v54, v1;
	v54 =	vmul.u32 $0x5, v59;
	v16 =	vld.idx.msk [tilespmem:v16+s23+$0x0], $0xffff  }
0x524: {  	v6 =	vmul.u32 $0x5, v6;
	v53 =	vadd.s32 v53, v61;
	v9 =	vld.idx.msk [tilespmem:v9+s23+$0x0], $0xffff  }
0x525: {  	v7 =	vmul.u32 $0x5, v7;
	v0 =	vadd.s32 v52, v0;
	v51 =	vadd.s32 v51, v54;
	v54 =	vld.idx.msk [tilespmem:v58+s23+$0x0], $0xffff  }
0x526: {  	v4 =	vmul.u32 $0x5, v4;
	v6 =	vadd.s32 v47, v6;
	v5 =	vld.idx.msk [tilespmem:v5+s3+$0x0], $0xffff  }
0x527: {  	v8 =	vmul.u32 $0x5, v8;
	v7 =	vadd.s32 v48, v7;
	v15 =	vld.idx.msk [tilespmem:v15+s23+$0x0], $0xffff  }
0x528: {  	v61 =	vmul.u32 $0x5, v63;
	v4 =	vadd.s32 v46, v4;
	v1 =	vld.idx.msk [tilespmem:v1+s3+$0x0], $0xffff  }
0x529: {  	v3 =	vmul.u32 $0x5, v3;
	v8 =	vadd.s32 v44, v8;
	v57 =	vld.idx.msk [tilespmem:v53+s3+$0x0], $0xffff  }
0x52a: {  	v2 =	vmul.u32 $0x5, v2;
	v50 =	vadd.s32 v50, v61;
	v0 =	vld.idx.msk [tilespmem:v0+s3+$0x0], $0xffff  }
0x52b: {  	v10 =	vmul.u32 $0x5, v10;
	v3 =	vadd.s32 v45, v3;
	v6 =	vld.idx.msk [tilespmem:v6+s3+$0x0], $0xffff  }
0x52c: {  	v2 =	vadd.s32 v37, v2;
	v7 =	vld.idx.msk [tilespmem:v7+s3+$0x0], $0xffff;
	v16 =	vmul.u32 $0x5, v16  }
0x52d: {  	v14 =	vmul.u32 $0x5, v14;
	v10 =	vadd.s32 v39, v10;
	v4 =	vld.idx.msk [tilespmem:v4+s3+$0x0], $0xffff  }
0x52e: {  	v13 =	vmul.u32 $0x5, v13;
	v8 =	vld.idx.msk [tilespmem:v8+s3+$0x0], $0xffff;
	v16 =	vadd.s32 v40, v16  }
0x52f: {  	v61 =	vmul.u32 $0x5, v62;
	v14 =	vadd.s32 v38, v14;
	v59 =	vld.idx.msk [tilespmem:v50+s3+$0x0], $0xffff  }
0x530: {  	v13 =	vadd.s32 v36, v13;
	v3 =	vld.idx.msk [tilespmem:v3+s3+$0x0], $0xffff;
	v15 =	vmul.u32 $0x5, v15  }
0x531: {  	v63 =	vmul.u32 $0x5, v60;
	v35 =	vadd.s32 v35, v61;
	v2 =	vld.idx.msk [tilespmem:v2+s3+$0x0], $0xffff;
	v6 =	vadd.f32 v6, v32  }
0x532: {  	v9 =	vmul.u32 $0x5, v9;
	v10 =	vld.idx.msk [tilespmem:v10+s3+$0x0], $0xffff;
	v7 =	vadd.f32 v7, v31;
	v15 =	vadd.s32 v41, v15  }
0x533: {  	v11 =	vmul.u32 $0x5, v11;
	v49 =	vadd.s32 v49, v63;
	v0 =	vadd.f32 v0, v6;
	v16 =	vld.idx.msk [tilespmem:v16+s3+$0x0], $0xffff  }
0x534: {  	v12 =	vmul.u32 $0x5, v12;
	v14 =	vld.idx.msk [tilespmem:v14+s3+$0x0], $0xffff;
	v9 =	vadd.s32 v43, v9;
	v6 =	vadd.f32 v59, v7  }
0x535: {  	v11 =	vadd.s32 v27, v11;
	v27 =	vmul.u32 $0x5, v56;
	v13 =	vld.idx.msk [tilespmem:v13+s3+$0x0], $0xffff;
	v0 =	vadd.f32 v1, v0  }
0x536: {  	v12 =	vadd.s32 v28, v12;
	v63 =	vld.idx.msk [tilespmem:v35+s3+$0x0], $0xffff;
	v8 =	vadd.f32 v8, v34;
	v1 =	vadd.f32 v57, v6  }
0x537: {  	v27 =	vadd.s32 v42, v27;
	v62 =	vmul.u32 $0x5, v54;
	v15 =	vld.idx.msk [tilespmem:v15+s3+$0x0], $0xffff;
	v0 =	vadd.f32 v10, v0  }
0x538: {  	v28 =	vmul.u32 $0x5, v29;
	v60 =	vld.idx.msk [tilespmem:v49+s3+$0x0], $0xffff;
	v3 =	vadd.f32 v3, v8;
	v1 =	vadd.f32 v16, v1  }
0x539: {  	v33 =	vadd.s32 v33, v62;
	v8 =	vld.idx.msk [tilespmem:v9+s3+$0x0], $0xffff;
	v0 =	vadd.f32 v14, v0  }
0x53a: {  	v26 =	vadd.s32 v26, v28;
	v58 =	vld.idx.msk [tilespmem:v51+s3+$0x0], $0xffff;
	v3 =	vadd.f32 v5, v3;
	v1 =	vadd.f32 v13, v1  }
0x53b: {  	v4 =	vadd.f32 v4, v30;
	v5 =	vld.idx.msk [tilespmem:v11+s3+$0x0], $0xffff;
	v32 =	vadd.f32 v2, v0;
	v0 =	vmov s4  }
0x53c: {  	v9 =	vld.idx.msk [tilespmem:v27+s3+$0x0], $0xffff;
	v3 =	vadd.f32 v15, v3;
	v31 =	vadd.f32 v63, v1;
	v1 =	vshll.u32 v0, $0x8  }
0x53d: {  	v4 =	vadd.f32 v60, v4;
	v57 =	vand.u32 $0x3800, v1;
	v1 =	vld [tilespmem:$0x1FF30]  }
0x53e: {  	v28 =	vld.idx.msk [tilespmem:v33+s3+$0x0], $0xffff;
	v3 =	vadd.f32 v8, v3  }
0x53f: {  	v4 =	vadd.f32 v58, v4;
	v58 =	vshll.u32 v0, $0x7  }
0x540: {  	v7 =	vld.idx.msk [tilespmem:v12+s3+$0x0], $0xffff;
	v0 =	vand.u32 $0x300, v58;
	v3 =	vadd.f32 v5, v3  }
0x541: {  	v6 =	vld.idx.msk [tilespmem:v26+s3+$0x0], $0xffff;
	v2 =	vor.u32 v0, v57  }
0x542: {  	v34 =	vadd.f32 v9, v3;
	v3 =	vor.u32 v1, v2;
	v1 =	vld [tilespmem:$0x1FF50]  }
0x543: {  	v4 =	vadd.f32 v28, v4;
	_ =	sdelay $0x1  }
0x544: {  	v4 =	vadd.f32 v7, v4;
	_ =	sdelay $0x1  }
0x545: {  	s1 =	sadd.s32 $0x190, s1;
	v30 =	vadd.f32 v6, v4;
	v4 =	vor.u32 v1, v2;
	v1 =	vld [tilespmem:$0x1FF20]  }
0x546: {  	s6 =	sand.u32 $0x3FF0, s1  }
0x547: {  	s0 =	sadd.s32 $0x190, s0;
	v55 =	vld [tilespmem:s6+$0x8100]  }
0x548: {  	v52 =	vld [tilespmem:s0+$0xFFFFFF90]  }
0x549: {  	v0 =	vld [tilespmem:$0x1FF00]  }
0x54a: {  	v5 =	vor.u32 v1, v2;
	v1 =	vld [tilespmem:$0x1FF10]  }
0x54b: {  	v47 =	vld [tilespmem:s0+$0xFFFFFF50]  }
0x54c: {  	v48 =	vld [tilespmem:s0+$0xFFFFFF60]  }
0x54d: {  	v46 =	vld [tilespmem:s0+$0xFFFFFF70]  }
0x54e: {  	v44 =	vld [tilespmem:s0+$0xFFFFFF40]  }
0x54f: {  	v0 =	vor.u32 v0, v2;
	v6 =	vor.u32 v1, v2;
	v1 =	vld [tilespmem:$0x1FF40]  }
0x550: {  	v37 =	vld [tilespmem:s0+$0x90]  }
0x551: {  	v45 =	vld [tilespmem:s0+$0xFFFFFF80]  }
0x552: {  	v38 =	vld [tilespmem:s0+$0x50]  }
0x553: {  	v36 =	vld [tilespmem:s0+$0x60]  }
0x554: {  	v7 =	vor.u32 v1, v2;
	v1 =	vld.idx.msk [tilespmem:v0+s23+$0x0], $0xffff  }
0x555: {  	v0 =	vld [tilespmem:$0x1FF60]  }
0x556: {  	v39 =	vld [tilespmem:s0+$0x10]  }
0x557: {  	v53 =	vld [tilespmem:s0+$0xFFFFFFE0]  }
0x558: {  	v42 =	vld [tilespmem:s6+$0x8200]  }
0x559: {  	v54 =	vld [tilespmem:s0+$0xFFFFFFD0]  }
0x55a: {  	v8 =	vor.u32 v0, v2;
	v0 =	vld [tilespmem:$0x1FF80]  }
0x55b: {  	v51 =	vld [tilespmem:s0+$0xFFFFFFF0]  }
0x55c: {  	v50 =	vld [tilespmem:s0+$0xFFFFFFA0]  }
0x55d: {  	v9 =	vld [tilespmem:$0x1FF90]  }
0x55e: {  	v61 =	vld.idx.msk [tilespmem:v3+s23+$0x0], $0xffff  }
0x55f: {  	v3 =	vor.u32 v0, v2;
	v0 =	vld [tilespmem:$0x1FF70]  }
0x560: {  	v49 =	vld [tilespmem:s0+$0xFFFFFFB0]  }
0x561: {  	v43 =	vld [tilespmem:s6+$0x8180]  }
0x562: {  	v10 =	vor.u32 v9, v2;
	v9 =	vld [tilespmem:$0x1FFA0]  }
0x563: {  	s6 =	sadd.s32 $0x1, s4;
	v59 =	vld.idx.msk [tilespmem:v4+s23+$0x0], $0xffff  }
0x564: {  	v4 =	vor.u32 v0, v2;
	v0 =	vld.idx.msk [tilespmem:v5+s23+$0x0], $0xffff;
	v5 =	vmov s6  }
0x565: {  	v63 =	vld.idx.msk [tilespmem:v6+s23+$0x0], $0xffff;
	v6 =	vshll.u32 v5, $0x8;
	v5 =	vshll.u32 v5, $0x7  }
0x566: {  	v60 =	vld.idx.msk [tilespmem:v7+s23+$0x0], $0xffff;
	v6 =	vand.u32 $0x3800, v6;
	v7 =	vand.u32 $0x380, v5  }
0x567: {  	v11 =	vor.u32 v9, v2;
	v9 =	vor.u32 v7, v6;
	v6 =	vld.idx.msk [tilespmem:v3+s23+$0x0], $0xffff  }
0x568: {  	v3 =	vld [tilespmem:$0x1FFF0]  }
0x569: {  	v40 =	vld [tilespmem:s0+$0x20]  }
0x56a: {  	v35 =	vld [tilespmem:s0+$0xA0];
	v5 =	vlaneseq.u32  }
0x56b: {  	v2 =	vor.u32 v5, v2;
	v5 =	vld.idx.msk [tilespmem:v8+s23+$0x0], $0xffff  }
0x56c: {  	v8 =	vld [tilespmem:$0x1FFD0]  }
0x56d: {  	v12 =	vor.u32 v3, v9;
	v3 =	vld [tilespmem:$0x1FFB0]  }
0x56e: {  	v41 =	vld [tilespmem:s0+$0x0]  }
0x56f: {  	v27 =	vld [tilespmem:s0+$0x80]  }
0x570: {  	v26 =	vld [tilespmem:s0+$0xB0]  }
0x571: {  	v16 =	vor.u32 v8, v9;
	v8 =	vld.idx.msk [tilespmem:v2+s23+$0x0], $0xffff  }
0x572: {  	v15 =	vor.u32 v3, v9;
	v3 =	vld [tilespmem:$0x1FFC0]  }
0x573: {  	v2 =	vld [tilespmem:$0x1FFE0]  }
0x574: {  	v33 =	vld [tilespmem:s0+$0x30]  }
0x575: {  	v28 =	vld [tilespmem:s0+$0x70]  }
0x576: {  	v7 =	vld.idx.msk [tilespmem:v4+s23+$0x0], $0xffff  }
0x577: {  	p0 =	sne.s32 s4, $0x3E;
	v4 =	vld.idx.msk [tilespmem:v10+s23+$0x0], $0xffff;
	v10 =	vor.u32 v3, v9  }
.Ltmp6:
0x578: {  	v14 =	vor.u32 v2, v9;
	v2 =	vld.idx.msk [tilespmem:v12+s23+$0x0], $0xffff;
	(pc) =	sbr.rel @p0 .LBB2_14-.Ltmp6, $4  }
0x579: {  	v56 =	vld.idx.msk [tilespmem:v16+s23+$0x0], $0xffff  }
0x57a: {  	v3 =	vld.idx.msk [tilespmem:v11+s23+$0x0], $0xffff  }
0x57b: {  	v13 =	vor.u32 v20, v9;
	v62 =	vld.idx.msk [tilespmem:v15+s23+$0x0], $0xffff  }
0x57c: {  	s4 =	sadd.s32 $0x2, s4;
	v12 =	vor.u32 v21, v9;
	v11 =	vor.u32 v19, v9;
	v29 =	vld.idx.msk [tilespmem:v10+s23+$0x0], $0xffff;
	v10 =	vor.u32 v24, v9  }
0x57d: {  	_ =	sdelay $0x2  }
0x57e: {  	v0 =	vmul.u32 $0x5, v0  }
0x57f: {  	v16 =	vor.u32 v23, v9;
	v14 =	vld.idx.msk [tilespmem:v14+s23+$0x0], $0xffff;
	v2 =	vmul.u32 $0x5, v2  }
0x580: {  	v13 =	vld.idx.msk [tilespmem:v13+s23+$0x0], $0xffff;
	v0 =	vadd.s32 v52, v0  }
0x581: {  	v1 =	vmul.u32 $0x5, v1;
	v12 =	vld.idx.msk [tilespmem:v12+s23+$0x0], $0xffff;
	v2 =	vadd.s32 v37, v2  }
0x582: {  	v15 =	vor.u32 v17, v58;
	v58 =	vor.u32 v25, v9;
	v9 =	vor.u32 v18, v9;
	v11 =	vld.idx.msk [tilespmem:v11+s23+$0x0], $0xffff  }
0x583: {  	v10 =	vld.idx.msk [tilespmem:v10+s23+$0x0], $0xffff;
	v5 =	vmul.u32 $0x5, v5;
	v1 =	vadd.s32 v54, v1;
	v54 =	vmul.u32 $0x5, v59  }
0x584: {  	v61 =	vmul.u32 $0x5, v61;
	v59 =	vmul.u32 $0x5, v62;
	v16 =	vld.idx.msk [tilespmem:v16+s23+$0x0], $0xffff  }
0x585: {  	v6 =	vmul.u32 $0x5, v6;
	v5 =	vadd.s32 v55, v5;
	v51 =	vadd.s32 v51, v54;
	v54 =	vld.idx.msk [tilespmem:v0+s3+$0x0], $0xffff  }
0x586: {  	v8 =	vmul.u32 $0x5, v8;
	v15 =	vand.u32 $0x380, v15;
	v35 =	vadd.s32 v35, v59;
	v0 =	vld.idx.msk [tilespmem:v2+s3+$0x0], $0xffff  }
0x587: {  	v15 =	vor.u32 v15, v57;
	v6 =	vadd.s32 v47, v6;
	v58 =	vld.idx.msk [tilespmem:v58+s23+$0x0], $0xffff  }
0x588: {  	v53 =	vadd.s32 v53, v61;
	v61 =	vmul.u32 $0x5, v63;
	v8 =	vadd.s32 v44, v8;
	v9 =	vld.idx.msk [tilespmem:v9+s23+$0x0], $0xffff  }
0x589: {  	v15 =	vor.u32 v22, v15;
	v14 =	vmul.u32 $0x5, v14;
	v1 =	vld.idx.msk [tilespmem:v1+s3+$0x0], $0xffff  }
0x58a: {  	v63 =	vmul.u32 $0x5, v60;
	v50 =	vadd.s32 v50, v61;
	v5 =	vld.idx.msk [tilespmem:v5+s3+$0x0], $0xffff  }
0x58b: {  	v3 =	vmul.u32 $0x5, v3;
	v14 =	vadd.s32 v38, v14;
	[tilespmem:$0x1FBE0] =	vst v0;
	v0 =	vld.idx.msk [tilespmem:v35+s3+$0x0], $0xffff  }
0x58c: {  	v49 =	vadd.s32 v49, v63;
	v6 =	vld.idx.msk [tilespmem:v6+s3+$0x0], $0xffff  }
0x58d: {  	v3 =	vadd.s32 v45, v3;
	v12 =	vmul.u32 $0x5, v12;
	v8 =	vld.idx.msk [tilespmem:v8+s3+$0x0], $0xffff  }
0x58e: {  	v13 =	vmul.u32 $0x5, v13;
	v15 =	vld.idx.msk [tilespmem:v15+s23+$0x0], $0xffff  }
0x58f: {  	v11 =	vmul.u32 $0x5, v11;
	v12 =	vadd.s32 v28, v12;
	v60 =	vld.idx.msk [tilespmem:v50+s3+$0x0], $0xffff  }
0x590: {  	v13 =	vadd.s32 v36, v13;
	v28 =	vmul.u32 $0x5, v29;
	[tilespmem:$0x1FBF0] =	vst v0;
	v0 =	vld.idx.msk [tilespmem:v14+s3+$0x0], $0xffff  }
0x591: {  	v10 =	vmul.u32 $0x5, v10;
	v11 =	vadd.s32 v27, v11;
	v63 =	vld.idx.msk [tilespmem:v49+s3+$0x0], $0xffff  }
0x592: {  	v3 =	vld.idx.msk [tilespmem:v3+s3+$0x0], $0xffff;
	v26 =	vadd.s32 v26, v28  }
0x593: {  	v10 =	vadd.s32 v39, v10;
	v27 =	vmul.u32 $0x5, v56;
	[tilespmem:$0x1FB90] =	vst v1;
	v1 =	vmul.u32 $0x5, v7;
	v7 =	vld.idx.msk [tilespmem:v53+s3+$0x0], $0xffff  }
0x594: {  	v16 =	vmul.u32 $0x5, v16;
	v12 =	vld.idx.msk [tilespmem:v12+s3+$0x0], $0xffff  }
0x595: {  	v27 =	vadd.s32 v42, v27;
	v61 =	vmul.u32 $0x5, v58;
	[tilespmem:$0x1FBC0] =	vst v0;
	v0 =	vld.idx.msk [tilespmem:v13+s3+$0x0], $0xffff  }
0x596: {  	v9 =	vmul.u32 $0x5, v9;
	v16 =	vadd.s32 v40, v16;
	v11 =	vld.idx.msk [tilespmem:v11+s3+$0x0], $0xffff;
	v15 =	vmul.u32 $0x5, v15  }
0x597: {  	v33 =	vadd.s32 v33, v61;
	v59 =	vld.idx.msk [tilespmem:v26+s3+$0x0], $0xffff  }
0x598: {  	v9 =	vadd.s32 v43, v9;
	v2 =	vadd.s32 v41, v15;
	v15 =	vld.idx.msk [tilespmem:v10+s3+$0x0], $0xffff  }
0x599: {  	v1 =	vadd.s32 v48, v1;
	[tilespmem:$0x1FBA0] =	vst v7;
	v7 =	vmul.u32 $0x5, v4;
	v4 =	vld.idx.msk [tilespmem:v51+s3+$0x0], $0xffff  }
0x59a: {  	[tilespmem:$0x1FBD0] =	vst v0;
	v0 =	vld.idx.msk [tilespmem:v27+s3+$0x0], $0xffff  }
0x59b: {  	v16 =	vld.idx.msk [tilespmem:v16+s3+$0x0], $0xffff;
	v7 =	vadd.s32 v46, v7  }
0x59c: {  	v56 =	vld.idx.msk [tilespmem:v33+s3+$0x0], $0xffff  }
0x59d: {  	v14 =	vld.idx.msk [tilespmem:v9+s3+$0x0], $0xffff  }
0x59e: {  	v1 =	vld.idx.msk [tilespmem:v1+s3+$0x0], $0xffff;
	[tilespmem:$0x1FBB0] =	vst v4  }
0x59f: {  	v8 =	vadd.f32 v8, v34;
	v13 =	vld.idx.msk [tilespmem:v2+s3+$0x0], $0xffff;
	[tilespmem:$0x1FC00] =	vst v0  }
0x5a0: {  	v7 =	vld.idx.msk [tilespmem:v7+s3+$0x0], $0xffff;
	_ =	swait.ge [sflag:s30], $0x4000  }
0x5a1: {  	v3 =	vadd.f32 v3, v8;
	[sflag:s30] =	ssyncset.done $0x0  }
0x5a2: {  	[sflag:s30] =	ssyncadd.s32 $0xFFFFC000  }
0x5a3: {  	v3 =	vadd.f32 v5, v3;
	_ =	swait.ge [sflag:s31], $0x3200  }
0x5a4: {  	v0 =	vld [tilespmem:$0x1FF00]  }
0x5a5: {  	v3 =	vadd.f32 v13, v3;
	v4 =	vld [tilespmem:$0x1FF10]  }
0x5a6: {  	v31 =	vadd.f32 v1, v31;
	[sflag:s31] =	ssyncset.done $0x0;
	v1 =	vld [tilespmem:$0x1FF40]  }
0x5a7: {  	s1 =	simm.s32 $0xB340;
	v14 =	vadd.f32 v14, v3;
	v3 =	vld [tilespmem:$0x1FBC0];
	[sflag:s31] =	ssyncadd.s32 $0xFFFFCE00  }
0x5a8: {  	v35 =	vld [tilespmem:s1+$0x90]  }
0x5a9: {  	s0 =	simm.s32 $0x0;
	v28 =	vld [tilespmem:s1+$0xA0]  }
0x5aa: {  	v9 =	vmov s0;
	v26 =	vld [tilespmem:s1+$0xB0]  }
0x5ab: {  	v62 =	vshll.u32 v9, $0x8;
	v58 =	vshll.u32 v9, $0x7;
	v38 =	vld [tilespmem:s1+$0x50]  }
0x5ac: {  	v57 =	vand.u32 $0x3800, v62;
	v9 =	vand.u32 $0x300, v58;
	v37 =	vld [tilespmem:s1+$0x60]  }
0x5ad: {  	v2 =	vor.u32 v9, v57;
	v27 =	vld [tilespmem:s1+$0x70]  }
0x5ae: {  	v6 =	vadd.f32 v6, v32;
	v32 =	vor.u32 v4, v2;
	v4 =	vld [tilespmem:$0x1FF60]  }
0x5af: {  	v29 =	vld [tilespmem:s1+$0x80]  }
0x5b0: {  	v39 =	vld [tilespmem:s1+$0x10]  }
0x5b1: {  	v36 =	vld [tilespmem:s1+$0x20]  }
0x5b2: {  	v33 =	vld [tilespmem:s1+$0x30]  }
0x5b3: {  	v8 =	vor.u32 v4, v2;
	v4 =	vld [tilespmem:$0x1FF80]  }
0x5b4: {  	v53 =	vld [tilespmem:s1+$0xFFFFFFD0]  }
0x5b5: {  	v52 =	vld [tilespmem:s1+$0xFFFFFFE0]  }
0x5b6: {  	v9 =	vor.u32 v0, v2;
	v0 =	vld [tilespmem:$0x1FF30]  }
0x5b7: {  	v50 =	vld [tilespmem:s1+$0xFFFFFFF0]  }
0x5b8: {  	v34 =	vor.u32 v4, v2;
	v4 =	vld [tilespmem:$0x1FF70]  }
0x5b9: {  	v40 =	vld [tilespmem:s1+$0x0]  }
0x5ba: {  	v51 =	vld [tilespmem:s1+$0xFFFFFF90]  }
0x5bb: {  	v61 =	vor.u32 v0, v2;
	v0 =	vld [tilespmem:$0x1FF50]  }
0x5bc: {  	v49 =	vld [tilespmem:s1+$0xFFFFFFA0]  }
0x5bd: {  	v6 =	vadd.f32 v54, v6;
	v54 =	vor.u32 v4, v2;
	v4 =	vld [tilespmem:$0x1FF90]  }
0x5be: {  	v48 =	vld [tilespmem:s1+$0xFFFFFFB0]  }
0x5bf: {  	v47 =	vld [tilespmem:s1+$0xFFFFFF50]  }
0x5c0: {  	v46 =	vld [tilespmem:s1+$0xFFFFFF60];
	v62 =	vor.u32 v0, v2  }
0x5c1: {  	v44 =	vld [tilespmem:s1+$0xFFFFFF70]  }
0x5c2: {  	v10 =	vor.u32 v4, v2;
	v4 =	vld [tilespmem:$0x1FFA0]  }
0x5c3: {  	v43 =	vld [tilespmem:s1+$0xFFFFFF80]  }
0x5c4: {  	v45 =	vld [tilespmem:s1+$0xFFFFFF40]  }
0x5c5: {  	v31 =	vadd.f32 v60, v31;
	v60 =	vld.idx.msk [tilespmem:v62+s25+$0x0], $0xffff  }
0x5c6: {  	v7 =	vadd.f32 v7, v30;
	v30 =	vor.u32 v1, v2;
	v62 =	vld.idx.msk [tilespmem:v32+s25+$0x0], $0xffff  }
0x5c7: {  	s4 =	sand.u32 $0x3FF0, s0;
	v32 =	vor.u32 v4, v2;
	v4 =	vld [tilespmem:$0x1FB90]  }
0x5c8: {  	v41 =	vld [tilespmem:s4+$0xB400]  }
0x5c9: {  	v42 =	vld [tilespmem:s4+$0xB380]  }
0x5ca: {  	v0 =	vld [tilespmem:$0x1FF20]  }
0x5cb: {  	v7 =	vadd.f32 v63, v7;
	v63 =	vld.idx.msk [tilespmem:v30+s25+$0x0], $0xffff  }
0x5cc: {  	s6 =	simm.s32 $0x1;
	v30 =	vadd.f32 v4, v6;
	v6 =	vld [tilespmem:$0x1FBB0]  }
0x5cd: {  	v5 =	vmov s6;
	v1 =	vld.idx.msk [tilespmem:v9+s25+$0x0], $0xffff  }
0x5ce: {  	v9 =	vshll.u32 v5, $0x8;
	v4 =	vlaneseq.u32;
	v13 =	vadd.f32 v15, v30;
	v30 =	vld [tilespmem:$0x1FFD0]  }
0x5cf: {  	v5 =	vshll.u32 v5, $0x7;
	v0 =	vor.u32 v0, v2;
	v4 =	vor.u32 v4, v2;
	v2 =	vld [tilespmem:$0x1FBA0]  }
0x5d0: {  	v55 =	vld [tilespmem:s4+$0xB300];
	v9 =	vand.u32 $0x3800, v9;
	v5 =	vand.u32 $0x380, v5  }
0x5d1: {  	v9 =	vor.u32 v5, v9;
	v5 =	vld.idx.msk [tilespmem:v8+s25+$0x0], $0xffff;
	v8 =	vadd.f32 v6, v7  }
0x5d2: {  	v61 =	vld.idx.msk [tilespmem:v61+s25+$0x0], $0xffff  }
0x5d3: {  	v8 =	vadd.f32 v56, v8;
	v56 =	vor.u32 v30, v9;
	v30 =	vld [tilespmem:$0x1FBD0]  }
0x5d4: {  	v15 =	vld [tilespmem:$0x1FFB0];
	v2 =	vadd.f32 v2, v31  }
0x5d5: {  	v7 =	vld [tilespmem:$0x1FFF0]  }
0x5d6: {  	v16 =	vadd.f32 v16, v2;
	v2 =	vld.idx.msk [tilespmem:v10+s25+$0x0], $0xffff;
	v12 =	vadd.f32 v12, v8  }
0x5d7: {  	v8 =	vld.idx.msk [tilespmem:v4+s25+$0x0], $0xffff  }
0x5d8: {  	v16 =	vadd.f32 v30, v16;
	v30 =	vadd.f32 v59, v12;
	v12 =	vld [tilespmem:$0x1FC00]  }
0x5d9: {  	v4 =	vld [tilespmem:$0x1FBE0]  }
0x5da: {  	v10 =	vld [tilespmem:$0x1FFC0]  }
0x5db: {  	v11 =	vadd.f32 v11, v14;
	v13 =	vadd.f32 v3, v13;
	v3 =	vld.idx.msk [tilespmem:v32+s25+$0x0], $0xffff  }
0x5dc: {  	v6 =	vld.idx.msk [tilespmem:v34+s25+$0x0], $0xffff;
	v15 =	vor.u32 v15, v9  }
0x5dd: {  	v34 =	vadd.f32 v12, v11;
	v11 =	vld [tilespmem:$0x1FFE0]  }
0x5de: {  	v31 =	vor.u32 v7, v9;
	v32 =	vadd.f32 v4, v13;
	v13 =	vld [tilespmem:$0x1FBF0]  }
0x5df: {  	v0 =	vld.idx.msk [tilespmem:v0+s25+$0x0], $0xffff;
	v10 =	vor.u32 v10, v9  }
0x5e0: {  	v7 =	vld.idx.msk [tilespmem:v54+s25+$0x0], $0xffff  }
0x5e1: {  	v59 =	vld.idx.msk [tilespmem:v15+s25+$0x0], $0xffff  }
0x5e2: {  	v56 =	vld.idx.msk [tilespmem:v56+s25+$0x0], $0xffff;
	v14 =	vor.u32 v11, v9  }
0x5e3: {  	v4 =	vld.idx.msk [tilespmem:v31+s25+$0x0], $0xffff;
	v31 =	vadd.f32 v13, v16;
	v13 =	vor.u32 v20, v9  }
0x5e4: {  	s4 =	simm.s32 $0x2;
	v12 =	vor.u32 v21, v9;
	v54 =	vld.idx.msk [tilespmem:v10+s25+$0x0], $0xffff;
	v10 =	vor.u32 v24, v9;
	v11 =	vor.u32 v19, v9  }
.LBB2_16:
0x5e5: {  	_ =	sdelay $0x1  }
0x5e6: {  	v15 =	vor.u32 v17, v58;
	v16 =	vor.u32 v23, v9;
	v14 =	vld.idx.msk [tilespmem:v14+s25+$0x0], $0xffff  }
0x5e7: {  	v58 =	vor.u32 v25, v9;
	v13 =	vld.idx.msk [tilespmem:v13+s25+$0x0], $0xffff;
	v15 =	vand.u32 $0x380, v15  }
0x5e8: {  	v1 =	vmul.u32 $0x5, v1;
	v9 =	vor.u32 v18, v9;
	v12 =	vld.idx.msk [tilespmem:v12+s25+$0x0], $0xffff;
	v15 =	vor.u32 v15, v57  }
0x5e9: {  	v61 =	vmul.u32 $0x5, v61;
	v11 =	vld.idx.msk [tilespmem:v11+s25+$0x0], $0xffff;
	v15 =	vor.u32 v22, v15  }
0x5ea: {  	v60 =	vmul.u32 $0x5, v60;
	v10 =	vld.idx.msk [tilespmem:v10+s25+$0x0], $0xffff;
	v1 =	vadd.s32 v53, v1  }
0x5eb: {  	v0 =	vmul.u32 $0x5, v0;
	v52 =	vadd.s32 v52, v61;
	v16 =	vld.idx.msk [tilespmem:v16+s25+$0x0], $0xffff  }
0x5ec: {  	v63 =	vmul.u32 $0x5, v63;
	v61 =	vmul.u32 $0x5, v62;
	v50 =	vadd.s32 v50, v60;
	v62 =	vld.idx.msk [tilespmem:v58+s25+$0x0], $0xffff  }
0x5ed: {  	v6 =	vmul.u32 $0x5, v6;
	v0 =	vadd.s32 v51, v0;
	v9 =	vld.idx.msk [tilespmem:v9+s25+$0x0], $0xffff  }
0x5ee: {  	v7 =	vmul.u32 $0x5, v7;
	v5 =	vmul.u32 $0x5, v5;
	v48 =	vadd.s32 v48, v63;
	v15 =	vld.idx.msk [tilespmem:v15+s25+$0x0], $0xffff  }
0x5ef: {  	v2 =	vmul.u32 $0x5, v2;
	v6 =	vadd.s32 v47, v6;
	v1 =	vld.idx.msk [tilespmem:v1+s3+$0x0], $0xffff  }
0x5f0: {  	v7 =	vadd.s32 v46, v7;
	v5 =	vadd.s32 v55, v5;
	v55 =	vld.idx.msk [tilespmem:v52+s3+$0x0], $0xffff  }
0x5f1: {  	v2 =	vadd.s32 v44, v2;
	v57 =	vld.idx.msk [tilespmem:v50+s3+$0x0], $0xffff  }
0x5f2: {  	v3 =	vmul.u32 $0x5, v3;
	v49 =	vadd.s32 v49, v61;
	v0 =	vld.idx.msk [tilespmem:v0+s3+$0x0], $0xffff  }
0x5f3: {  	v8 =	vmul.u32 $0x5, v8;
	v60 =	vld.idx.msk [tilespmem:v48+s3+$0x0], $0xffff  }
0x5f4: {  	v4 =	vmul.u32 $0x5, v4;
	v3 =	vadd.s32 v43, v3;
	v6 =	vld.idx.msk [tilespmem:v6+s3+$0x0], $0xffff  }
0x5f5: {  	v8 =	vadd.s32 v45, v8;
	v61 =	vmul.u32 $0x5, v59;
	v7 =	vld.idx.msk [tilespmem:v7+s3+$0x0], $0xffff  }
0x5f6: {  	v10 =	vmul.u32 $0x5, v10;
	v4 =	vadd.s32 v35, v4;
	v2 =	vld.idx.msk [tilespmem:v2+s3+$0x0], $0xffff  }
0x5f7: {  	v28 =	vadd.s32 v28, v61;
	v16 =	vmul.u32 $0x5, v16;
	v58 =	vld.idx.msk [tilespmem:v49+s3+$0x0], $0xffff  }
0x5f8: {  	v14 =	vmul.u32 $0x5, v14;
	v10 =	vadd.s32 v39, v10;
	v5 =	vld.idx.msk [tilespmem:v5+s3+$0x0], $0xffff  }
0x5f9: {  	v13 =	vmul.u32 $0x5, v13;
	v3 =	vld.idx.msk [tilespmem:v3+s3+$0x0], $0xffff;
	v16 =	vadd.s32 v36, v16  }
0x5fa: {  	v14 =	vadd.s32 v38, v14;
	v62 =	vmul.u32 $0x5, v62;
	v8 =	vld.idx.msk [tilespmem:v8+s3+$0x0], $0xffff  }
0x5fb: {  	v12 =	vmul.u32 $0x5, v12;
	v13 =	vadd.s32 v37, v13;
	v4 =	vld.idx.msk [tilespmem:v4+s3+$0x0], $0xffff;
	v15 =	vmul.u32 $0x5, v15  }
0x5fc: {  	v11 =	vmul.u32 $0x5, v11;
	v63 =	vld.idx.msk [tilespmem:v28+s3+$0x0], $0xffff;
	v28 =	vadd.s32 v33, v62;
	v6 =	vadd.f32 v6, v32  }
0x5fd: {  	v9 =	vmul.u32 $0x5, v9;
	v10 =	vld.idx.msk [tilespmem:v10+s3+$0x0], $0xffff;
	v7 =	vadd.f32 v7, v31;
	v15 =	vadd.s32 v40, v15  }
0x5fe: {  	v12 =	vadd.s32 v27, v12;
	v27 =	vmul.u32 $0x5, v54;
	v0 =	vadd.f32 v0, v6;
	v16 =	vld.idx.msk [tilespmem:v16+s3+$0x0], $0xffff  }
0x5ff: {  	v11 =	vadd.s32 v29, v11;
	v14 =	vld.idx.msk [tilespmem:v14+s3+$0x0], $0xffff;
	v9 =	vadd.s32 v42, v9;
	v6 =	vadd.f32 v58, v7  }
0x600: {  	v29 =	vmul.u32 $0x5, v56;
	v26 =	vadd.s32 v26, v27;
	v13 =	vld.idx.msk [tilespmem:v13+s3+$0x0], $0xffff;
	v0 =	vadd.f32 v1, v0  }
0x601: {  	v8 =	vadd.f32 v8, v34;
	v27 =	vld.idx.msk [tilespmem:v28+s3+$0x0], $0xffff;
	v1 =	vadd.f32 v55, v6  }
0x602: {  	v2 =	vadd.f32 v2, v30;
	v28 =	vadd.s32 v41, v29;
	v15 =	vld.idx.msk [tilespmem:v15+s3+$0x0], $0xffff;
	v0 =	vadd.f32 v10, v0  }
0x603: {  	v7 =	vld.idx.msk [tilespmem:v12+s3+$0x0], $0xffff;
	v3 =	vadd.f32 v3, v8;
	v1 =	vadd.f32 v16, v1  }
0x604: {  	v2 =	vadd.f32 v60, v2;
	v8 =	vld.idx.msk [tilespmem:v9+s3+$0x0], $0xffff;
	v0 =	vadd.f32 v14, v0  }
0x605: {  	v6 =	vld.idx.msk [tilespmem:v26+s3+$0x0], $0xffff;
	v3 =	vadd.f32 v5, v3;
	v1 =	vadd.f32 v13, v1  }
0x606: {  	v2 =	vadd.f32 v57, v2;
	v5 =	vld.idx.msk [tilespmem:v11+s3+$0x0], $0xffff;
	v32 =	vadd.f32 v4, v0;
	v0 =	vmov s4  }
0x607: {  	v9 =	vld.idx.msk [tilespmem:v28+s3+$0x0], $0xffff;
	v3 =	vadd.f32 v15, v3;
	v31 =	vadd.f32 v63, v1;
	v1 =	vshll.u32 v0, $0x8  }
0x608: {  	v2 =	vadd.f32 v27, v2;
	v57 =	vand.u32 $0x3800, v1;
	v1 =	vld [tilespmem:$0x1FF30]  }
0x609: {  	v3 =	vadd.f32 v8, v3  }
0x60a: {  	v2 =	vadd.f32 v7, v2;
	v58 =	vshll.u32 v0, $0x7  }
0x60b: {  	v0 =	vand.u32 $0x300, v58;
	v3 =	vadd.f32 v5, v3  }
0x60c: {  	v30 =	vadd.f32 v6, v2;
	v2 =	vor.u32 v0, v57  }
0x60d: {  	s1 =	sadd.s32 $0x190, s1;
	v34 =	vadd.f32 v9, v3;
	v3 =	vor.u32 v1, v2;
	v1 =	vld [tilespmem:$0x1FF50]  }
0x60e: {  	v53 =	vld [tilespmem:s1+$0xFFFFFFD0]  }
0x60f: {  	v51 =	vld [tilespmem:s1+$0xFFFFFF90]  }
0x610: {  	v47 =	vld [tilespmem:s1+$0xFFFFFF50]  }
0x611: {  	v46 =	vld [tilespmem:s1+$0xFFFFFF60]  }
0x612: {  	v4 =	vor.u32 v1, v2;
	v1 =	vld [tilespmem:$0x1FF20]  }
0x613: {  	v44 =	vld [tilespmem:s1+$0xFFFFFF70]  }
0x614: {  	v35 =	vld [tilespmem:s1+$0x90]  }
0x615: {  	v43 =	vld [tilespmem:s1+$0xFFFFFF80]  }
0x616: {  	v0 =	vld [tilespmem:$0x1FF00]  }
0x617: {  	v5 =	vor.u32 v1, v2;
	v1 =	vld [tilespmem:$0x1FF10]  }
0x618: {  	v45 =	vld [tilespmem:s1+$0xFFFFFF40]  }
0x619: {  	v38 =	vld [tilespmem:s1+$0x50]  }
0x61a: {  	v37 =	vld [tilespmem:s1+$0x60]  }
0x61b: {  	v39 =	vld [tilespmem:s1+$0x10]  }
0x61c: {  	v0 =	vor.u32 v0, v2;
	v6 =	vor.u32 v1, v2;
	v1 =	vld [tilespmem:$0x1FF40]  }
0x61d: {  	v52 =	vld [tilespmem:s1+$0xFFFFFFE0]  }
0x61e: {  	v50 =	vld [tilespmem:s1+$0xFFFFFFF0]  }
0x61f: {  	v48 =	vld [tilespmem:s1+$0xFFFFFFB0]  }
0x620: {  	v49 =	vld [tilespmem:s1+$0xFFFFFFA0]  }
0x621: {  	v7 =	vor.u32 v1, v2;
	v1 =	vld.idx.msk [tilespmem:v0+s25+$0x0], $0xffff  }
0x622: {  	s0 =	sadd.s32 $0x190, s0;
	v0 =	vld [tilespmem:$0x1FF60]  }
0x623: {  	s6 =	sand.u32 $0x3FF0, s0;
	v36 =	vld [tilespmem:s1+$0x20]  }
0x624: {  	v42 =	vld [tilespmem:s6+$0xB380]  }
0x625: {  	v33 =	vld [tilespmem:s1+$0x30]  }
0x626: {  	v40 =	vld [tilespmem:s1+$0x0]  }
0x627: {  	v8 =	vor.u32 v0, v2;
	v0 =	vld [tilespmem:$0x1FF80]  }
0x628: {  	v26 =	vld [tilespmem:s1+$0xB0]  }
0x629: {  	v29 =	vld [tilespmem:s1+$0x80]  }
0x62a: {  	v9 =	vld [tilespmem:$0x1FF90]  }
0x62b: {  	v61 =	vld.idx.msk [tilespmem:v3+s25+$0x0], $0xffff  }
0x62c: {  	v3 =	vor.u32 v0, v2;
	v0 =	vld [tilespmem:$0x1FF70]  }
0x62d: {  	v41 =	vld [tilespmem:s6+$0xB400]  }
0x62e: {  	v55 =	vld [tilespmem:s6+$0xB300]  }
0x62f: {  	v10 =	vor.u32 v9, v2;
	v9 =	vld [tilespmem:$0x1FFA0]  }
0x630: {  	s6 =	sadd.s32 $0x1, s4;
	v60 =	vld.idx.msk [tilespmem:v4+s25+$0x0], $0xffff  }
0x631: {  	v4 =	vor.u32 v0, v2;
	v0 =	vld.idx.msk [tilespmem:v5+s25+$0x0], $0xffff;
	v5 =	vmov s6  }
0x632: {  	v62 =	vld.idx.msk [tilespmem:v6+s25+$0x0], $0xffff;
	v6 =	vshll.u32 v5, $0x8;
	v5 =	vshll.u32 v5, $0x7  }
0x633: {  	v63 =	vld.idx.msk [tilespmem:v7+s25+$0x0], $0xffff;
	v7 =	vand.u32 $0x380, v5;
	v5 =	vlaneseq.u32  }
0x634: {  	v11 =	vor.u32 v9, v2;
	v12 =	vor.u32 v5, v2;
	v2 =	vld [tilespmem:$0x1FFF0]  }
0x635: {  	v28 =	vld [tilespmem:s1+$0xA0];
	v6 =	vand.u32 $0x3800, v6  }
0x636: {  	v9 =	vor.u32 v7, v6;
	v7 =	vld.idx.msk [tilespmem:v4+s25+$0x0], $0xffff  }
0x637: {  	v4 =	vld [tilespmem:$0x1FFD0]  }
0x638: {  	v6 =	vld.idx.msk [tilespmem:v3+s25+$0x0], $0xffff  }
0x639: {  	v15 =	vor.u32 v2, v9;
	v2 =	vld [tilespmem:$0x1FFB0]  }
0x63a: {  	v3 =	vld [tilespmem:$0x1FFC0]  }
0x63b: {  	v27 =	vld [tilespmem:s1+$0x70]  }
0x63c: {  	v56 =	vor.u32 v4, v9;
	v4 =	vld [tilespmem:$0x1FFE0]  }
0x63d: {  	v5 =	vld.idx.msk [tilespmem:v8+s25+$0x0], $0xffff  }
0x63e: {  	v8 =	vld.idx.msk [tilespmem:v12+s25+$0x0], $0xffff;
	v16 =	vor.u32 v2, v9  }
0x63f: {  	p0 =	sne.s32 s4, $0x3E;
	v2 =	vld.idx.msk [tilespmem:v10+s25+$0x0], $0xffff;
	v10 =	vor.u32 v3, v9  }
.Ltmp7:
0x640: {  	v3 =	vld.idx.msk [tilespmem:v11+s25+$0x0], $0xffff;
	(pc) =	sbr.rel @p0 .LBB2_16-.Ltmp7, $4  }
0x641: {  	v14 =	vor.u32 v4, v9;
	v4 =	vld.idx.msk [tilespmem:v15+s25+$0x0], $0xffff  }
0x642: {  	v56 =	vld.idx.msk [tilespmem:v56+s25+$0x0], $0xffff  }
0x643: {  	v13 =	vor.u32 v20, v9;
	v59 =	vld.idx.msk [tilespmem:v16+s25+$0x0], $0xffff  }
0x644: {  	s4 =	sadd.s32 $0x2, s4;
	v12 =	vor.u32 v21, v9;
	v11 =	vor.u32 v19, v9;
	v54 =	vld.idx.msk [tilespmem:v10+s25+$0x0], $0xffff;
	v10 =	vor.u32 v24, v9  }
0x645: {  	_ =	sdelay $0x3  }
0x646: {  	v15 =	vor.u32 v17, v58;
	v16 =	vor.u32 v23, v9;
	v14 =	vld.idx.msk [tilespmem:v14+s25+$0x0], $0xffff  }
0x647: {  	v58 =	vor.u32 v25, v9;
	v13 =	vld.idx.msk [tilespmem:v13+s25+$0x0], $0xffff;
	v1 =	vmul.u32 $0x5, v1;
	v9 =	vor.u32 v18, v9  }
0x648: {  	v12 =	vld.idx.msk [tilespmem:v12+s25+$0x0], $0xffff;
	v0 =	vmul.u32 $0x5, v0;
	v5 =	vmul.u32 $0x5, v5;
	v15 =	vand.u32 $0x380, v15  }
0x649: {  	v11 =	vld.idx.msk [tilespmem:v11+s25+$0x0], $0xffff;
	v6 =	vmul.u32 $0x5, v6;
	v15 =	vor.u32 v15, v57;
	v1 =	vadd.s32 v53, v1  }
0x64a: {  	v10 =	vld.idx.msk [tilespmem:v10+s25+$0x0], $0xffff;
	v57 =	vmul.u32 $0x5, v61;
	v61 =	vmul.u32 $0x5, v60;
	v0 =	vadd.s32 v51, v0  }
0x64b: {  	v5 =	vadd.s32 v55, v5;
	v16 =	vld.idx.msk [tilespmem:v16+s25+$0x0], $0xffff  }
0x64c: {  	v7 =	vmul.u32 $0x5, v7;
	v6 =	vadd.s32 v47, v6;
	v50 =	vadd.s32 v50, v61;
	v61 =	vld.idx.msk [tilespmem:v58+s25+$0x0], $0xffff  }
0x64d: {  	v8 =	vmul.u32 $0x5, v8;
	v15 =	vor.u32 v22, v15;
	v9 =	vld.idx.msk [tilespmem:v9+s25+$0x0], $0xffff  }
0x64e: {  	v2 =	vmul.u32 $0x5, v2;
	v7 =	vadd.s32 v46, v7;
	v1 =	vld.idx.msk [tilespmem:v1+s3+$0x0], $0xffff  }
0x64f: {  	v3 =	vmul.u32 $0x5, v3;
	v8 =	vadd.s32 v45, v8;
	v0 =	vld.idx.msk [tilespmem:v0+s3+$0x0], $0xffff  }
0x650: {  	v4 =	vmul.u32 $0x5, v4;
	v2 =	vadd.s32 v44, v2;
	v5 =	vld.idx.msk [tilespmem:v5+s3+$0x0], $0xffff  }
0x651: {  	v3 =	vadd.s32 v43, v3;
	v6 =	vld.idx.msk [tilespmem:v6+s3+$0x0], $0xffff  }
0x652: {  	v4 =	vadd.s32 v35, v4;
	v15 =	vld.idx.msk [tilespmem:v15+s25+$0x0], $0xffff  }
0x653: {  	v60 =	vmul.u32 $0x5, v62;
	v52 =	vadd.s32 v52, v57;
	v7 =	vld.idx.msk [tilespmem:v7+s3+$0x0], $0xffff  }
0x654: {  	v62 =	vmul.u32 $0x5, v63;
	v8 =	vld.idx.msk [tilespmem:v8+s3+$0x0], $0xffff  }
0x655: {  	v49 =	vadd.s32 v49, v60;
	v14 =	vmul.u32 $0x5, v14;
	v2 =	vld.idx.msk [tilespmem:v2+s3+$0x0], $0xffff  }
0x656: {  	v48 =	vadd.s32 v48, v62;
	v13 =	vmul.u32 $0x5, v13;
	v3 =	vld.idx.msk [tilespmem:v3+s3+$0x0], $0xffff  }
0x657: {  	v14 =	vadd.s32 v38, v14;
	v4 =	vld.idx.msk [tilespmem:v4+s3+$0x0], $0xffff;
	v15 =	vmul.u32 $0x5, v15  }
0x658: {  	v10 =	vmul.u32 $0x5, v10;
	v13 =	vadd.s32 v37, v13;
	v63 =	vld.idx.msk [tilespmem:v52+s3+$0x0], $0xffff  }
0x659: {  	v55 =	vld.idx.msk [tilespmem:v50+s3+$0x0], $0xffff;
	v9 =	vmul.u32 $0x5, v9;
	v15 =	vadd.s32 v40, v15  }
0x65a: {  	v11 =	vmul.u32 $0x5, v11;
	v10 =	vadd.s32 v39, v10;
	v57 =	vld.idx.msk [tilespmem:v49+s3+$0x0], $0xffff  }
0x65b: {  	v58 =	vld.idx.msk [tilespmem:v48+s3+$0x0], $0xffff;
	v16 =	vmul.u32 $0x5, v16;
	v9 =	vadd.s32 v42, v9  }
0x65c: {  	v12 =	vmul.u32 $0x5, v12;
	v11 =	vadd.s32 v29, v11;
	v60 =	vmul.u32 $0x5, v61;
	v14 =	vld.idx.msk [tilespmem:v14+s3+$0x0], $0xffff  }
0x65d: {  	v29 =	vmul.u32 $0x5, v56;
	v16 =	vadd.s32 v36, v16;
	v13 =	vld.idx.msk [tilespmem:v13+s3+$0x0], $0xffff;
	v8 =	vadd.f32 v8, v34  }
0x65e: {  	v12 =	vadd.s32 v27, v12;
	v33 =	vadd.s32 v33, v60;
	v6 =	vadd.f32 v6, v32;
	v15 =	vld.idx.msk [tilespmem:v15+s3+$0x0], $0xffff  }
0x65f: {  	v29 =	vadd.s32 v41, v29;
	v61 =	vmul.u32 $0x5, v59;
	v10 =	vld.idx.msk [tilespmem:v10+s3+$0x0], $0xffff;
	v3 =	vadd.f32 v3, v8  }
0x660: {  	v27 =	vmul.u32 $0x5, v54;
	v7 =	vadd.f32 v7, v31;
	v0 =	vadd.f32 v0, v6;
	v9 =	vld.idx.msk [tilespmem:v9+s3+$0x0], $0xffff  }
0x661: {  	v2 =	vadd.f32 v2, v30;
	v8 =	vadd.s32 v28, v61;
	v6 =	vld.idx.msk [tilespmem:v11+s3+$0x0], $0xffff;
	v3 =	vadd.f32 v5, v3  }
0x662: {  	v5 =	vadd.f32 v57, v7;
	v0 =	vadd.f32 v1, v0;
	v16 =	vld.idx.msk [tilespmem:v16+s3+$0x0], $0xffff  }
0x663: {  	v2 =	vadd.f32 v58, v2;
	v7 =	vadd.s32 v26, v27;
	v11 =	vld.idx.msk [tilespmem:v33+s3+$0x0], $0xffff;
	v62 =	vadd.f32 v15, v3  }
0x664: {  	v0 =	vadd.f32 v10, v0;
	v3 =	vadd.f32 v63, v5;
	v5 =	vld.idx.msk [tilespmem:v29+s3+$0x0], $0xffff  }
0x665: {  	v12 =	vld.idx.msk [tilespmem:v12+s3+$0x0], $0xffff;
	v1 =	vadd.f32 v9, v62  }
0x666: {  	v2 =	vadd.f32 v55, v2;
	v8 =	vld.idx.msk [tilespmem:v8+s3+$0x0], $0xffff;
	v0 =	vadd.f32 v14, v0  }
0x667: {  	v3 =	vadd.f32 v16, v3;
	v1 =	vadd.f32 v6, v1  }
0x668: {  	v2 =	vadd.f32 v11, v2;
	v0 =	vadd.f32 v4, v0;
	v6 =	vld.idx.msk [tilespmem:v7+s3+$0x0], $0xffff  }
0x669: {  	v3 =	vadd.f32 v13, v3;
	v1 =	vadd.f32 v5, v1  }
0x66a: {  	v2 =	vadd.f32 v12, v2  }
0x66b: {  	v3 =	vadd.f32 v8, v3;
	v0 =	vadd.f32 v0, v1;
	_ =	sdelay $0x1  }
0x66c: {  	v63 =	vadd.f32 v6, v2;
	v0 =	vadd.f32 v3, v0;
	_ =	sdelay $0x1  }
0x66d: {  	v0 =	vadd.f32 v63, v0;
	_ =	sdelay $0x1  }
0x66e: {  	s0 =	simm.s32 $0xE480;
	[tilespmem:$0xE480] =	vst v0  }
0x66f: {  	[hbm4b:s20+s3] =	stream.linear.scatter [tilespmem:s0], [sflag:$0x5], $0x10, $0x38;
	[tilespmem:$0xE500] =	vst v63  }
0x670: {  	_ =	swait.ge [sflag:s22], $0x10  }
0x671: {  	v12 =	vld [tilespmem:$0x1FF80]  }
0x672: {  	v13 =	vld [tilespmem:$0x1FF70]  }
0x673: {  	v14 =	vld [tilespmem:$0x1FF90]  }
0x674: {  	v15 =	vld [tilespmem:$0x1FFA0]  }
0x675: {  	v6 =	vld [tilespmem:$0x1FF20]  }
0x676: {  	v7 =	vld [tilespmem:$0x1FF10]  }
0x677: {  	v9 =	vld [tilespmem:$0x1FF40]  }
0x678: {  	v11 =	vld [tilespmem:$0x1FF60]  }
0x679: {  	v5 =	vld [tilespmem:$0x1FF00]  }
0x67a: {  	s2 =	sadd.s32 $0x1, s2;
	v8 =	vld [tilespmem:$0x1FF30]  }
0x67b: {  	p0 =	sne.s32 s2, s21;
	v10 =	vld [tilespmem:$0x1FF50]  }
.Ltmp8:
0x67c: {  	v16 =	vld [tilespmem:$0x1FFE0];
	(pc) =	sbr.rel @p0 .LBB2_1-.Ltmp8, $4  }
0x67d: {  	v17 =	vld [tilespmem:$0x1FFF0]  }
0x67e: {  	v29 =	vld [tilespmem:$0x1FFB0]  }
0x67f: {  	[sflag:s22] =	ssyncset.done $0x0;
	v30 =	vld [tilespmem:$0x1FFC0]  }
0x680: {  	v31 =	vld [tilespmem:$0x1FFD0];
	[sflag:s22] =	ssyncadd.s32 $0xFFFFFFF0  }
0x681: {  	_ =	sfence.sel $0x180000  }
0x682: {  	[bflag:$0x0] =	sbarrier.arrive $0xFFFF  }
0x683: {  	_ =	strace $0x90000047  }
0x684: {  	s0 =	stileid.u32;
	[bflag:$0x2] =	sbarrier.arrive $0xFFFF  }
0x685: {  	p0 =	sne.s32 s0, $0x0;
	s0 =	rddreg [dreg:$0x3]  }
0x686: {  	s0 =	sadd.s32 @!p0 $0x100000, s0  }
0x687: {  	[sflag:s0] =	ssyncadd.tile.s32 @!p0 $0x1;
	_ =	shalt  }
.Lfunc_end2:
_tile_overlayer_lowered:
.L_overlay_start_2:
0x688: {  	(tag) =	ssettag $0x2  }
0x689: {  	s0 =	rddreg [dreg:$0x0];
	s2 =	stileid.u32  }
0x68a: {  	s1 =	rddreg [dreg:$0x1];
	p0 =	sne.s32 s2, $0x0  }
0x68b: {  	s3 =	rddreg [dreg:$0x2];
	[bflag:$0x3] =	sbarrier.arrive $0xFFFF;
	s2 =	simm.s32 @!p0 $0x1C05  }
0x68c: {  	[timem:s3], [sflag:s2] =	dma.local @!p0 [hbm:s0], s1  }
0x68d: {  	s0 =	simm.s32 @!p0 $0x5  }
0x68e: {  	_ =	swait.ge @!p0 [sflag:s0], s1  }
0x68f: {  	s1 =	ssub.s32 @!p0 $0x0, s1;
	[sflag:s0] =	ssyncset.done @!p0 $0x0  }
0x690: {  	[sflag:s0] =	ssyncadd.s32 @!p0 s1  }
0x691: {  	[bflag:$0x3] =	sbarrier.arrive $0xFFFF  }
0x692: {  	_ =	shalt  }

</sc_bundles>
